<compile_context>
chip_gen: v7x
topology: tpu7x:2x2x1
jax: 0.10.2.dev20260603
libtpu: 0.0.44.dev20260713+nightly
codegen_flags: <defaults>
</compile_context>

<pallas_src>
import jax
import jax.numpy as jnp
from jax import lax
from jax.experimental import pallas as pl
from jax.experimental.pallas import tpu as pltpu
from jax.experimental.pallas import tpu_sc as plsc

NCLS, NREG, NEXC = 1000, 100, 100
B = 16384
EPAD, PPAD = 104, 1024
TBL = NREG * EPAD * PPAD

NC, NS, L = 2, 16, 16
NW = NC * NS
BPW = B // NW
CHUNK = 128
NCHUNK = BPW // CHUNK


def _body(p_hbm, r_hbm, e_hbm, el_hbm, eh_hbm,
          ss_hbm, dl_hbm, wl_hbm, wh_hbm,
          score_hbm, d_hbm, wlo_hbm, who_hbm, eho_hbm,
          base_hbm, conc_hbm, res_hbm,
          p_v, r_v, e_v, el_v, ehx_v, idx_v,
          ss_v, dl_v, wl_v, wh_v,
          d_b, eh_b, base_b, conc_b, res_b,
          sem):
    wid = lax.axis_index("s") * NC + lax.axis_index("c")
    base = wid * BPW

    pltpu.sync_copy(p_hbm.at[pl.ds(base, BPW)], p_v)
    pltpu.sync_copy(r_hbm.at[pl.ds(base, BPW)], r_v)
    pltpu.sync_copy(e_hbm.at[pl.ds(base, BPW)], e_v)
    pltpu.sync_copy(el_hbm.at[pl.ds(base, BPW)], el_v)
    pltpu.sync_copy(eh_hbm.at[pl.ds(base, BPW)], ehx_v)

    for i in range(BPW // L):
        sl = pl.ds(i * L, L)
        r = r_v[sl]
        e = e_v[sl]
        p = p_v[sl]
        flat = (r * (EPAD * PPAD) + (e >> 3) * 8192 + (p >> 7) * 1024
                + (e & 7) * 128 + (p & 127))
        idx_v[i // (CHUNK // L), pl.ds((i % (CHUNK // L)) * L, L)] = flat

    copies = []
    for c in range(NCHUNK):
        dsl = pl.ds(c * CHUNK, CHUNK)
        copies.append(pltpu.async_copy(ss_hbm.at[idx_v.at[c]], ss_v.at[dsl], sem))
        copies.append(pltpu.async_copy(dl_hbm.at[idx_v.at[c]], dl_v.at[dsl], sem))
        copies.append(pltpu.async_copy(wl_hbm.at[idx_v.at[c]], wl_v.at[dsl], sem))
        copies.append(pltpu.async_copy(wh_hbm.at[idx_v.at[c]], wh_v.at[dsl], sem))
    for cp in copies:
        cp.wait()

    for i in range(BPW // L):
        sl = pl.ds(i * L, L)
        score = ss_v[sl]
        d = jnp.minimum(jnp.maximum(dl_v[sl], -2.0), 2.0)
        wl = wl_v[sl]
        wh = wh_v[sl]
        el = el_v[sl]
        e2x = jnp.exp(ehx_v[sl] * 2.0)
        eh = 1.0 - 2.0 / (e2x + 1.0)
        base_t = score + d
        conc_t = wl * el + wh * eh
        res = base_t * conc_t
        d_b[sl] = d
        eh_b[sl] = eh
        base_b[sl] = base_t
        conc_b[sl] = conc_t
        res_b[sl] = res

    out_sl = pl.ds(base, BPW)
    pltpu.sync_copy(ss_v, score_hbm.at[out_sl])
    pltpu.sync_copy(d_b, d_hbm.at[out_sl])
    pltpu.sync_copy(wl_v, wlo_hbm.at[out_sl])
    pltpu.sync_copy(wh_v, who_hbm.at[out_sl])
    pltpu.sync_copy(eh_b, eho_hbm.at[out_sl])
    pltpu.sync_copy(base_b, base_hbm.at[out_sl])
    pltpu.sync_copy(conc_b, conc_hbm.at[out_sl])
    pltpu.sync_copy(res_b, res_hbm.at[out_sl])


@jax.jit
def _run(p_idx, r_idx, e_idx, e_low_norm, e_high_norm, ss, dl, wl, wh):
    f32 = jnp.float32
    out = jax.ShapeDtypeStruct((B,), f32)
    call = pl.kernel(
        _body,
        mesh=plsc.VectorSubcoreMesh(core_axis_name="c", subcore_axis_name="s"),
        out_type=[out] * 8,
        scratch_types=[
            pltpu.VMEM((BPW,), jnp.int32),
            pltpu.VMEM((BPW,), jnp.int32),
            pltpu.VMEM((BPW,), jnp.int32),
            pltpu.VMEM((BPW,), f32),
            pltpu.VMEM((BPW,), f32),
            pltpu.VMEM((NCHUNK, CHUNK), jnp.int32),
            pltpu.VMEM((BPW,), f32),
            pltpu.VMEM((BPW,), f32),
            pltpu.VMEM((BPW,), f32),
            pltpu.VMEM((BPW,), f32),
            pltpu.VMEM((BPW,), f32),
            pltpu.VMEM((BPW,), f32),
            pltpu.VMEM((BPW,), f32),
            pltpu.VMEM((BPW,), f32),
            pltpu.VMEM((BPW,), f32),
            pltpu.SemaphoreType.DMA,
        ],
    )
    def flat(x):
        tp = jnp.pad(
            jnp.transpose(x, (1, 2, 0)),
            ((0, 0), (0, EPAD - NEXC), (0, PPAD - NCLS)),
        )
        t5 = tp.reshape(NREG, EPAD // 8, 8, PPAD // 128, 128)
        return jnp.transpose(t5, (0, 1, 3, 2, 4)).reshape(TBL)
    return call(p_idx, r_idx, e_idx, e_low_norm, e_high_norm,
                flat(ss), flat(dl), flat(wl), flat(wh))


def kernel(p_idx, r_idx, e_idx, e_low_norm, e_high_norm,
           static_scores, delta, w_L, w_H):
    score, d, wl, wh, eh, base_t, conc_t, res = _run(
        p_idx, r_idx, e_idx, e_low_norm, e_high_norm,
        static_scores, delta, w_L, w_H)
    el = e_low_norm.reshape(-1)
    return (res[:, None], score, d, wl, wh, el, eh, base_t, conc_t, res)

# --- scband reference (transcript-rebuilt; emitter-appended) ---
"""Pipeline reference for scband-learnable-physics-prior-69621419868353 (READ-ONLY COPY).

The authoritative reference and input builder live on the scoring server;
editing this copy changes nothing except your own understanding.
"""

import jax, jax.numpy as jnp
import numpy as np

N_CLASSES, N_REGIMES, N_EXC = 1000, 100, 100
B = 16384

def setup_inputs(seed: int = 0) -> dict:
    key = jax.random.key(seed)
    ks = jax.random.split(key, 9)
    p_idx = jax.random.randint(ks[0], (B,), 0, N_CLASSES, dtype=jnp.int32)
    r_idx = jax.random.randint(ks[1], (B,), 0, N_REGIMES, dtype=jnp.int32)
    e_idx = jax.random.randint(ks[2], (B,), 0, N_EXC, dtype=jnp.int32)
    e_low_norm = jax.random.uniform(ks[3], (B,), dtype=jnp.float32)
    e_high_norm = jax.random.normal(ks[4], (B,), dtype=jnp.float32)
    static_scores = jax.random.normal(ks[5], (N_CLASSES, N_REGIMES, N_EXC), dtype=jnp.float32)
    delta = 0.1 * jax.random.normal(ks[6], (N_CLASSES, N_REGIMES, N_EXC), dtype=jnp.float32)
    w_L = 0.5 * jnp.ones((N_CLASSES, N_REGIMES, N_EXC), dtype=jnp.float32) + 0.01 * jax.random.normal(ks[7], (N_CLASSES, N_REGIMES, N_EXC), dtype=jnp.float32)
    w_H = 1.0 * jnp.ones((N_CLASSES, N_REGIMES, N_EXC), dtype=jnp.float32) + 0.01 * jax.random.normal(ks[8], (N_CLASSES, N_REGIMES, N_EXC), dtype=jnp.float32)
    return {"p_idx": p_idx, "r_idx": r_idx, "e_idx": e_idx,
            "e_low_norm": e_low_norm, "e_high_norm": e_high_norm,
            "static_scores": static_scores, "delta": delta, "w_L": w_L, "w_H": w_H}

def reference(p_idx, r_idx, e_idx, e_low_norm, e_high_norm, static_scores, delta, w_L, w_H):
    # gather from 3D tables via advanced indexing (maps to gather)
    score = static_scores[p_idx, r_idx, e_idx]
    d = jnp.clip(delta[p_idx, r_idx, e_idx], -2.0, 2.0)
    wl = w_L[p_idx, r_idx, e_idx]
    wh = w_H[p_idx, r_idx, e_idx]
    el = e_low_norm.reshape(-1)
    eh = jnp.tanh(e_high_norm.reshape(-1))
    base_term = score + d
    conc_term = wl * el + wh * eh
    result = base_term * conc_term
    # (result.unsqueeze(1), details) -> return all detail arrays as a flat tuple
    return (result[:, None], score, d, wl, wh, el, eh, base_term, conc_term, result)

if __name__ == "__main__":
    import jax
    _d = setup_inputs()
    print(jax.jit(kernel)(*tuple(_d.values())))

</pallas_src>

<mosaic_0001>
#map = affine_map<(d0, d1) -> (0)>
module attributes {stable_mosaic.version = 14 : i64} {
  func.func @_body(%arg0: i32, %arg1: i32, %arg2: memref<16384xi32, #tpu.memory_space<hbm>>, %arg3: memref<16384xi32, #tpu.memory_space<hbm>>, %arg4: memref<16384xi32, #tpu.memory_space<hbm>>, %arg5: memref<16384xf32, #tpu.memory_space<hbm>>, %arg6: memref<16384xf32, #tpu.memory_space<hbm>>, %arg7: memref<10649600xf32, #tpu.memory_space<hbm>>, %arg8: memref<10649600xf32, #tpu.memory_space<hbm>>, %arg9: memref<10649600xf32, #tpu.memory_space<hbm>>, %arg10: memref<10649600xf32, #tpu.memory_space<hbm>>, %arg11: memref<16384xf32, #tpu.memory_space<hbm>>, %arg12: memref<16384xf32, #tpu.memory_space<hbm>>, %arg13: memref<16384xf32, #tpu.memory_space<hbm>>, %arg14: memref<16384xf32, #tpu.memory_space<hbm>>, %arg15: memref<16384xf32, #tpu.memory_space<hbm>>, %arg16: memref<16384xf32, #tpu.memory_space<hbm>>, %arg17: memref<16384xf32, #tpu.memory_space<hbm>>, %arg18: memref<16384xf32, #tpu.memory_space<hbm>>, %arg19: memref<512xi32, #tpu.memory_space<vmem>>, %arg20: memref<512xi32, #tpu.memory_space<vmem>>, %arg21: memref<512xi32, #tpu.memory_space<vmem>>, %arg22: memref<512xf32, #tpu.memory_space<vmem>>, %arg23: memref<512xf32, #tpu.memory_space<vmem>>, %arg24: memref<4x128xi32, #tpu.memory_space<vmem>>, %arg25: memref<512xf32, #tpu.memory_space<vmem>>, %arg26: memref<512xf32, #tpu.memory_space<vmem>>, %arg27: memref<512xf32, #tpu.memory_space<vmem>>, %arg28: memref<512xf32, #tpu.memory_space<vmem>>, %arg29: memref<512xf32, #tpu.memory_space<vmem>>, %arg30: memref<512xf32, #tpu.memory_space<vmem>>, %arg31: memref<512xf32, #tpu.memory_space<vmem>>, %arg32: memref<512xf32, #tpu.memory_space<vmem>>, %arg33: memref<512xf32, #tpu.memory_space<vmem>>, %arg34: memref<!tpu.dma_semaphore, #tpu.memory_space<semaphore_mem>>) attributes {dimension_semantics = [#tpu.dimension_semantics<core_parallel>, #tpu.dimension_semantics<subcore_parallel>], iteration_bounds = array<i64: 2, 16>, scalar_prefetch = 0 : i64, scratch_operands = 16 : i64, tpu.core_type = #tpu.core_type<sc_vector_subcore>, window_params = [{transform_indices = #map}, {transform_indices = #map}, {transform_indices = #map}, {transform_indices = #map}, {transform_indices = #map}, {transform_indices = #map}, {transform_indices = #map}, {transform_indices = #map}, {transform_indices = #map}, {transform_indices = #map}, {transform_indices = #map}, {transform_indices = #map}, {transform_indices = #map}, {transform_indices = #map}, {transform_indices = #map}, {transform_indices = #map}, {transform_indices = #map}]} {
    %mul3A = arith.constant 2 : i32
    %mul3A_0 = arith.muli %arg1, %mul3A : i32
    %add3A = arith.addi %mul3A_0, %arg0 : i32
    %mul3A_1 = arith.constant 512 : i32
    %mul3A_2 = arith.muli %add3A, %mul3A_1 : i32
    "tpu.region"() ({
      %run_scoped3A = tpu.sem_alloc : memref<!tpu.dma_semaphore, #tpu.memory_space<semaphore_mem>>
      %dma_start3A_3608 = tpu.memref_slice %arg2[%mul3A_2] : memref<16384xi32, #tpu.memory_space<hbm>> -> memref<512xi32, #tpu.memory_space<hbm>>
      %dma_start3A_3609 = tpu.memref_slice %arg2[%mul3A_2] : memref<16384xi32, #tpu.memory_space<hbm>> -> memref<512xi32, #tpu.memory_space<hbm>>
      tpu.enqueue_dma source(%dma_start3A_3609 : memref<512xi32, #tpu.memory_space<hbm>>) target(%arg19 : memref<512xi32, #tpu.memory_space<vmem>>) target_semaphore(%run_scoped3A : memref<!tpu.dma_semaphore, #tpu.memory_space<semaphore_mem>>)
      %dma_wait3A_3610 = tpu.memref_slice %arg2[%mul3A_2] : memref<16384xi32, #tpu.memory_space<hbm>> -> memref<512xi32, #tpu.memory_space<hbm>>
      %dma_wait3A_3611 = tpu.memref_slice %arg2[%mul3A_2] : memref<16384xi32, #tpu.memory_space<hbm>> -> memref<512xi32, #tpu.memory_space<hbm>>
      tpu.wait_dma2 semaphore(%run_scoped3A : memref<!tpu.dma_semaphore, #tpu.memory_space<semaphore_mem>>) src(%dma_wait3A_3611 : memref<512xi32, #tpu.memory_space<hbm>>) dst(%arg19 : memref<512xi32, #tpu.memory_space<vmem>>)
      tpu.yield
    }) : () -> ()
    "tpu.region"() ({
      %run_scoped3A = tpu.sem_alloc : memref<!tpu.dma_semaphore, #tpu.memory_space<semaphore_mem>>
      %dma_start3A_3608 = tpu.memref_slice %arg3[%mul3A_2] : memref<16384xi32, #tpu.memory_space<hbm>> -> memref<512xi32, #tpu.memory_space<hbm>>
      %dma_start3A_3609 = tpu.memref_slice %arg3[%mul3A_2] : memref<16384xi32, #tpu.memory_space<hbm>> -> memref<512xi32, #tpu.memory_space<hbm>>
      tpu.enqueue_dma source(%dma_start3A_3609 : memref<512xi32, #tpu.memory_space<hbm>>) target(%arg20 : memref<512xi32, #tpu.memory_space<vmem>>) target_semaphore(%run_scoped3A : memref<!tpu.dma_semaphore, #tpu.memory_space<semaphore_mem>>)
      %dma_wait3A_3610 = tpu.memref_slice %arg3[%mul3A_2] : memref<16384xi32, #tpu.memory_space<hbm>> -> memref<512xi32, #tpu.memory_space<hbm>>
      %dma_wait3A_3611 = tpu.memref_slice %arg3[%mul3A_2] : memref<16384xi32, #tpu.memory_space<hbm>> -> memref<512xi32, #tpu.memory_space<hbm>>
      tpu.wait_dma2 semaphore(%run_scoped3A : memref<!tpu.dma_semaphore, #tpu.memory_space<semaphore_mem>>) src(%dma_wait3A_3611 : memref<512xi32, #tpu.memory_space<hbm>>) dst(%arg20 : memref<512xi32, #tpu.memory_space<vmem>>)
      tpu.yield
    }) : () -> ()
    "tpu.region"() ({
      %run_scoped3A = tpu.sem_alloc : memref<!tpu.dma_semaphore, #tpu.memory_space<semaphore_mem>>
      %dma_start3A_3608 = tpu.memref_slice %arg4[%mul3A_2] : memref<16384xi32, #tpu.memory_space<hbm>> -> memref<512xi32, #tpu.memory_space<hbm>>
      %dma_start3A_3609 = tpu.memref_slice %arg4[%mul3A_2] : memref<16384xi32, #tpu.memory_space<hbm>> -> memref<512xi32, #tpu.memory_space<hbm>>
      tpu.enqueue_dma source(%dma_start3A_3609 : memref<512xi32, #tpu.memory_space<hbm>>) target(%arg21 : memref<512xi32, #tpu.memory_space<vmem>>) target_semaphore(%run_scoped3A : memref<!tpu.dma_semaphore, #tpu.memory_space<semaphore_mem>>)
      %dma_wait3A_3610 = tpu.memref_slice %arg4[%mul3A_2] : memref<16384xi32, #tpu.memory_space<hbm>> -> memref<512xi32, #tpu.memory_space<hbm>>
      %dma_wait3A_3611 = tpu.memref_slice %arg4[%mul3A_2] : memref<16384xi32, #tpu.memory_space<hbm>> -> memref<512xi32, #tpu.memory_space<hbm>>
      tpu.wait_dma2 semaphore(%run_scoped3A : memref<!tpu.dma_semaphore, #tpu.memory_space<semaphore_mem>>) src(%dma_wait3A_3611 : memref<512xi32, #tpu.memory_space<hbm>>) dst(%arg21 : memref<512xi32, #tpu.memory_space<vmem>>)
      tpu.yield
    }) : () -> ()
    "tpu.region"() ({
      %run_scoped3A = tpu.sem_alloc : memref<!tpu.dma_semaphore, #tpu.memory_space<semaphore_mem>>
      %dma_start3A_3608 = tpu.memref_slice %arg5[%mul3A_2] : memref<16384xf32, #tpu.memory_space<hbm>> -> memref<512xf32, #tpu.memory_space<hbm>>
      %dma_start3A_3609 = tpu.memref_slice %arg5[%mul3A_2] : memref<16384xf32, #tpu.memory_space<hbm>> -> memref<512xf32, #tpu.memory_space<hbm>>
      tpu.enqueue_dma source(%dma_start3A_3609 : memref<512xf32, #tpu.memory_space<hbm>>) target(%arg22 : memref<512xf32, #tpu.memory_space<vmem>>) target_semaphore(%run_scoped3A : memref<!tpu.dma_semaphore, #tpu.memory_space<semaphore_mem>>)
      %dma_wait3A_3610 = tpu.memref_slice %arg5[%mul3A_2] : memref<16384xf32, #tpu.memory_space<hbm>> -> memref<512xf32, #tpu.memory_space<hbm>>
      %dma_wait3A_3611 = tpu.memref_slice %arg5[%mul3A_2] : memref<16384xf32, #tpu.memory_space<hbm>> -> memref<512xf32, #tpu.memory_space<hbm>>
      tpu.wait_dma2 semaphore(%run_scoped3A : memref<!tpu.dma_semaphore, #tpu.memory_space<semaphore_mem>>) src(%dma_wait3A_3611 : memref<512xf32, #tpu.memory_space<hbm>>) dst(%arg22 : memref<512xf32, #tpu.memory_space<vmem>>)
      tpu.yield
    }) : () -> ()
    "tpu.region"() ({
      %run_scoped3A = tpu.sem_alloc : memref<!tpu.dma_semaphore, #tpu.memory_space<semaphore_mem>>
      %dma_start3A_3608 = tpu.memref_slice %arg6[%mul3A_2] : memref<16384xf32, #tpu.memory_space<hbm>> -> memref<512xf32, #tpu.memory_space<hbm>>
      %dma_start3A_3609 = tpu.memref_slice %arg6[%mul3A_2] : memref<16384xf32, #tpu.memory_space<hbm>> -> memref<512xf32, #tpu.memory_space<hbm>>
      tpu.enqueue_dma source(%dma_start3A_3609 : memref<512xf32, #tpu.memory_space<hbm>>) target(%arg23 : memref<512xf32, #tpu.memory_space<vmem>>) target_semaphore(%run_scoped3A : memref<!tpu.dma_semaphore, #tpu.memory_space<semaphore_mem>>)
      %dma_wait3A_3610 = tpu.memref_slice %arg6[%mul3A_2] : memref<16384xf32, #tpu.memory_space<hbm>> -> memref<512xf32, #tpu.memory_space<hbm>>
      %dma_wait3A_3611 = tpu.memref_slice %arg6[%mul3A_2] : memref<16384xf32, #tpu.memory_space<hbm>> -> memref<512xf32, #tpu.memory_space<hbm>>
      tpu.wait_dma2 semaphore(%run_scoped3A : memref<!tpu.dma_semaphore, #tpu.memory_space<semaphore_mem>>) src(%dma_wait3A_3611 : memref<512xf32, #tpu.memory_space<hbm>>) dst(%arg23 : memref<512xf32, #tpu.memory_space<vmem>>)
      tpu.yield
    }) : () -> ()
    %get3A = arith.constant 0 : index
    %get3A_3 = tpu.vector_load %arg20[%get3A] {strides = array<i32>} : memref<512xi32, #tpu.memory_space<vmem>>, vector<16xi32>,
    %get3A_4 = vector.shape_cast %get3A_3 : vector<16xi32> to vector<16xi32>
    %get3A_5 = arith.constant 0 : index
    %get3A_6 = tpu.vector_load %arg21[%get3A_5] {strides = array<i32>} : memref<512xi32, #tpu.memory_space<vmem>>, vector<16xi32>,
    %get3A_7 = vector.shape_cast %get3A_6 : vector<16xi32> to vector<16xi32>
    %get3A_8 = arith.constant 0 : index
    %get3A_9 = tpu.vector_load %arg19[%get3A_8] {strides = array<i32>} : memref<512xi32, #tpu.memory_space<vmem>>, vector<16xi32>,
    %get3A_10 = vector.shape_cast %get3A_9 : vector<16xi32> to vector<16xi32>
    %mul3A_11 = arith.constant 106496 : i32
    %mul3A_12 = vector.broadcast %mul3A_11 : i32 to vector<16xi32>
    %mul3A_13 = arith.muli %get3A_4, %mul3A_12 : vector<16xi32>
    %shift_right_arithmetic3A = arith.constant 3 : i32
    %shift_right_arithmetic3A_14 = vector.broadcast %shift_right_arithmetic3A : i32 to vector<16xi32>
    %shift_right_arithmetic3A_15 = arith.shrsi %get3A_7, %shift_right_arithmetic3A_14 : vector<16xi32>
    %mul3A_16 = arith.constant 8192 : i32
    %mul3A_17 = vector.broadcast %mul3A_16 : i32 to vector<16xi32>
    %mul3A_18 = arith.muli %shift_right_arithmetic3A_15, %mul3A_17 : vector<16xi32>
    %add3A_19 = arith.addi %mul3A_13, %mul3A_18 : vector<16xi32>
    %shift_right_arithmetic3A_20 = arith.constant 7 : i32
    %shift_right_arithmetic3A_21 = vector.broadcast %shift_right_arithmetic3A_20 : i32 to vector<16xi32>
    %shift_right_arithmetic3A_22 = arith.shrsi %get3A_10, %shift_right_arithmetic3A_21 : vector<16xi32>
    %mul3A_23 = arith.constant 1024 : i32
    %mul3A_24 = vector.broadcast %mul3A_23 : i32 to vector<16xi32>
    %mul3A_25 = arith.muli %shift_right_arithmetic3A_22, %mul3A_24 : vector<16xi32>
    %add3A_26 = arith.addi %add3A_19, %mul3A_25 : vector<16xi32>
    %and3A = arith.constant 7 : i32
    %and3A_27 = vector.broadcast %and3A : i32 to vector<16xi32>
    %and3A_28 = arith.andi %get3A_7, %and3A_27 : vector<16xi32>
    %mul3A_29 = arith.constant 128 : i32
    %mul3A_30 = vector.broadcast %mul3A_29 : i32 to vector<16xi32>
    %mul3A_31 = arith.muli %and3A_28, %mul3A_30 : vector<16xi32>
    %add3A_32 = arith.addi %add3A_26, %mul3A_31 : vector<16xi32>
    %and3A_33 = arith.constant 127 : i32
    %and3A_34 = vector.broadcast %and3A_33 : i32 to vector<16xi32>
    %and3A_35 = arith.andi %get3A_10, %and3A_34 : vector<16xi32>
    %add3A_36 = arith.addi %add3A_32, %and3A_35 : vector<16xi32>
    %swap3A = arith.constant 0 : i32
    %swap3A_37 = arith.index_cast %swap3A : i32 to index
    %swap3A_38 = arith.constant 0 : index
    %swap3A_39 = tpu.vector_load %arg24[%swap3A_37, %swap3A_38] {strides = array<i32>} : memref<4x128xi32, #tpu.memory_space<vmem>>, vector<1x16xi32>,
    %swap3A_40 = vector.shape_cast %swap3A_39 : vector<1x16xi32> to vector<16xi32>
    %swap3A_41 = vector.shape_cast %add3A_36 : vector<16xi32> to vector<1x16xi32>
    tpu.vector_store %arg24[%swap3A_37, %swap3A_38], %swap3A_41 {strides = array<i32>} : memref<4x128xi32, #tpu.memory_space<vmem>>, vector<1x16xi32>,
    %get3A_42 = arith.constant 16 : index
    %get3A_43 = tpu.vector_load %arg20[%get3A_42] {strides = array<i32>} : memref<512xi32, #tpu.memory_space<vmem>>, vector<16xi32>,
    %get3A_44 = vector.shape_cast %get3A_43 : vector<16xi32> to vector<16xi32>
    %get3A_45 = arith.constant 16 : index
    %get3A_46 = tpu.vector_load %arg21[%get3A_45] {strides = array<i32>} : memref<512xi32, #tpu.memory_space<vmem>>, vector<16xi32>,
    %get3A_47 = vector.shape_cast %get3A_46 : vector<16xi32> to vector<16xi32>
    %get3A_48 = arith.constant 16 : index
    %get3A_49 = tpu.vector_load %arg19[%get3A_48] {strides = array<i32>} : memref<512xi32, #tpu.memory_space<vmem>>, vector<16xi32>,
    %get3A_50 = vector.shape_cast %get3A_49 : vector<16xi32> to vector<16xi32>
    %mul3A_51 = arith.constant 106496 : i32
    %mul3A_52 = vector.broadcast %mul3A_51 : i32 to vector<16xi32>
    %mul3A_53 = arith.muli %get3A_44, %mul3A_52 : vector<16xi32>
    %shift_right_arithmetic3A_54 = arith.constant 3 : i32
    %shift_right_arithmetic3A_55 = vector.broadcast %shift_right_arithmetic3A_54 : i32 to vector<16xi32>
    %shift_right_arithmetic3A_56 = arith.shrsi %get3A_47, %shift_right_arithmetic3A_55 : vector<16xi32>
    %mul3A_57 = arith.constant 8192 : i32
    %mul3A_58 = vector.broadcast %mul3A_57 : i32 to vector<16xi32>
    %mul3A_59 = arith.muli %shift_right_arithmetic3A_56, %mul3A_58 : vector<16xi32>
    %add3A_60 = arith.addi %mul3A_53, %mul3A_59 : vector<16xi32>
    %shift_right_arithmetic3A_61 = arith.constant 7 : i32
    %shift_right_arithmetic3A_62 = vector.broadcast %shift_right_arithmetic3A_61 : i32 to vector<16xi32>
    %shift_right_arithmetic3A_63 = arith.shrsi %get3A_50, %shift_right_arithmetic3A_62 : vector<16xi32>
    %mul3A_64 = arith.constant 1024 : i32
    %mul3A_65 = vector.broadcast %mul3A_64 : i32 to vector<16xi32>
    %mul3A_66 = arith.muli %shift_right_arithmetic3A_63, %mul3A_65 : vector<16xi32>
    %add3A_67 = arith.addi %add3A_60, %mul3A_66 : vector<16xi32>
    %and3A_68 = arith.constant 7 : i32
    %and3A_69 = vector.broadcast %and3A_68 : i32 to vector<16xi32>
    %and3A_70 = arith.andi %get3A_47, %and3A_69 : vector<16xi32>
    %mul3A_71 = arith.constant 128 : i32
    %mul3A_72 = vector.broadcast %mul3A_71 : i32 to vector<16xi32>
    %mul3A_73 = arith.muli %and3A_70, %mul3A_72 : vector<16xi32>
    %add3A_74 = arith.addi %add3A_67, %mul3A_73 : vector<16xi32>
    %and3A_75 = arith.constant 127 : i32
    %and3A_76 = vector.broadcast %and3A_75 : i32 to vector<16xi32>
    %and3A_77 = arith.andi %get3A_50, %and3A_76 : vector<16xi32>
    %add3A_78 = arith.addi %add3A_74, %and3A_77 : vector<16xi32>
    %swap3A_79 = arith.constant 0 : i32
    %swap3A_80 = arith.index_cast %swap3A_79 : i32 to index
    %swap3A_81 = arith.constant 16 : index
    %swap3A_82 = tpu.vector_load %arg24[%swap3A_80, %swap3A_81] {strides = array<i32>} : memref<4x128xi32, #tpu.memory_space<vmem>>, vector<1x16xi32>,
    %swap3A_83 = vector.shape_cast %swap3A_82 : vector<1x16xi32> to vector<16xi32>
    %swap3A_84 = vector.shape_cast %add3A_78 : vector<16xi32> to vector<1x16xi32>
    tpu.vector_store %arg24[%swap3A_80, %swap3A_81], %swap3A_84 {strides = array<i32>} : memref<4x128xi32, #tpu.memory_space<vmem>>, vector<1x16xi32>,
    %get3A_85 = arith.constant 32 : index
    %get3A_86 = tpu.vector_load %arg20[%get3A_85] {strides = array<i32>} : memref<512xi32, #tpu.memory_space<vmem>>, vector<16xi32>,
    %get3A_87 = vector.shape_cast %get3A_86 : vector<16xi32> to vector<16xi32>
    %get3A_88 = arith.constant 32 : index
    %get3A_89 = tpu.vector_load %arg21[%get3A_88] {strides = array<i32>} : memref<512xi32, #tpu.memory_space<vmem>>, vector<16xi32>,
    %get3A_90 = vector.shape_cast %get3A_89 : vector<16xi32> to vector<16xi32>
    %get3A_91 = arith.constant 32 : index
    %get3A_92 = tpu.vector_load %arg19[%get3A_91] {strides = array<i32>} : memref<512xi32, #tpu.memory_space<vmem>>, vector<16xi32>,
    %get3A_93 = vector.shape_cast %get3A_92 : vector<16xi32> to vector<16xi32>
    %mul3A_94 = arith.constant 106496 : i32
    %mul3A_95 = vector.broadcast %mul3A_94 : i32 to vector<16xi32>
    %mul3A_96 = arith.muli %get3A_87, %mul3A_95 : vector<16xi32>
    %shift_right_arithmetic3A_97 = arith.constant 3 : i32
    %shift_right_arithmetic3A_98 = vector.broadcast %shift_right_arithmetic3A_97 : i32 to vector<16xi32>
    %shift_right_arithmetic3A_99 = arith.shrsi %get3A_90, %shift_right_arithmetic3A_98 : vector<16xi32>
    %mul3A_100 = arith.constant 8192 : i32
    %mul3A_101 = vector.broadcast %mul3A_100 : i32 to vector<16xi32>
    %mul3A_102 = arith.muli %shift_right_arithmetic3A_99, %mul3A_101 : vector<16xi32>
    %add3A_103 = arith.addi %mul3A_96, %mul3A_102 : vector<16xi32>
    %shift_right_arithmetic3A_104 = arith.constant 7 : i32
    %shift_right_arithmetic3A_105 = vector.broadcast %shift_right_arithmetic3A_104 : i32 to vector<16xi32>
    %shift_right_arithmetic3A_106 = arith.shrsi %get3A_93, %shift_right_arithmetic3A_105 : vector<16xi32>
    %mul3A_107 = arith.constant 1024 : i32
    %mul3A_108 = vector.broadcast %mul3A_107 : i32 to vector<16xi32>
    %mul3A_109 = arith.muli %shift_right_arithmetic3A_106, %mul3A_108 : vector<16xi32>
    %add3A_110 = arith.addi %add3A_103, %mul3A_109 : vector<16xi32>
    %and3A_111 = arith.constant 7 : i32
    %and3A_112 = vector.broadcast %and3A_111 : i32 to vector<16xi32>
    %and3A_113 = arith.andi %get3A_90, %and3A_112 : vector<16xi32>
    %mul3A_114 = arith.constant 128 : i32
    %mul3A_115 = vector.broadcast %mul3A_114 : i32 to vector<16xi32>
    %mul3A_116 = arith.muli %and3A_113, %mul3A_115 : vector<16xi32>
    %add3A_117 = arith.addi %add3A_110, %mul3A_116 : vector<16xi32>
    %and3A_118 = arith.constant 127 : i32
    %and3A_119 = vector.broadcast %and3A_118 : i32 to vector<16xi32>
    %and3A_120 = arith.andi %get3A_93, %and3A_119 : vector<16xi32>
    %add3A_121 = arith.addi %add3A_117, %and3A_120 : vector<16xi32>
    %swap3A_122 = arith.constant 0 : i32
    %swap3A_123 = arith.index_cast %swap3A_122 : i32 to index
    %swap3A_124 = arith.constant 32 : index
    %swap3A_125 = tpu.vector_load %arg24[%swap3A_123, %swap3A_124] {strides = array<i32>} : memref<4x128xi32, #tpu.memory_space<vmem>>, vector<1x16xi32>,
    %swap3A_126 = vector.shape_cast %swap3A_125 : vector<1x16xi32> to vector<16xi32>
    %swap3A_127 = vector.shape_cast %add3A_121 : vector<16xi32> to vector<1x16xi32>
    tpu.vector_store %arg24[%swap3A_123, %swap3A_124], %swap3A_127 {strides = array<i32>} : memref<4x128xi32, #tpu.memory_space<vmem>>, vector<1x16xi32>,
    %get3A_128 = arith.constant 48 : index
    %get3A_129 = tpu.vector_load %arg20[%get3A_128] {strides = array<i32>} : memref<512xi32, #tpu.memory_space<vmem>>, vector<16xi32>,
    %get3A_130 = vector.shape_cast %get3A_129 : vector<16xi32> to vector<16xi32>
    %get3A_131 = arith.constant 48 : index
    %get3A_132 = tpu.vector_load %arg21[%get3A_131] {strides = array<i32>} : memref<512xi32, #tpu.memory_space<vmem>>, vector<16xi32>,
    %get3A_133 = vector.shape_cast %get3A_132 : vector<16xi32> to vector<16xi32>
    %get3A_134 = arith.constant 48 : index
    %get3A_135 = tpu.vector_load %arg19[%get3A_134] {strides = array<i32>} : memref<512xi32, #tpu.memory_space<vmem>>, vector<16xi32>,
    %get3A_136 = vector.shape_cast %get3A_135 : vector<16xi32> to vector<16xi32>
    %mul3A_137 = arith.constant 106496 : i32
    %mul3A_138 = vector.broadcast %mul3A_137 : i32 to vector<16xi32>
    %mul3A_139 = arith.muli %get3A_130, %mul3A_138 : vector<16xi32>
    %shift_right_arithmetic3A_140 = arith.constant 3 : i32
    %shift_right_arithmetic3A_141 = vector.broadcast %shift_right_arithmetic3A_140 : i32 to vector<16xi32>
    %shift_right_arithmetic3A_142 = arith.shrsi %get3A_133, %shift_right_arithmetic3A_141 : vector<16xi32>
    %mul3A_143 = arith.constant 8192 : i32
    %mul3A_144 = vector.broadcast %mul3A_143 : i32 to vector<16xi32>
    %mul3A_145 = arith.muli %shift_right_arithmetic3A_142, %mul3A_144 : vector<16xi32>
    %add3A_146 = arith.addi %mul3A_139, %mul3A_145 : vector<16xi32>
    %shift_right_arithmetic3A_147 = arith.constant 7 : i32
    %shift_right_arithmetic3A_148 = vector.broadcast %shift_right_arithmetic3A_147 : i32 to vector<16xi32>
    %shift_right_arithmetic3A_149 = arith.shrsi %get3A_136, %shift_right_arithmetic3A_148 : vector<16xi32>
    %mul3A_150 = arith.constant 1024 : i32
    %mul3A_151 = vector.broadcast %mul3A_150 : i32 to vector<16xi32>
    %mul3A_152 = arith.muli %shift_right_arithmetic3A_149, %mul3A_151 : vector<16xi32>
    %add3A_153 = arith.addi %add3A_146, %mul3A_152 : vector<16xi32>
    %and3A_154 = arith.constant 7 : i32
    %and3A_155 = vector.broadcast %and3A_154 : i32 to vector<16xi32>
    %and3A_156 = arith.andi %get3A_133, %and3A_155 : vector<16xi32>
    %mul3A_157 = arith.constant 128 : i32
    %mul3A_158 = vector.broadcast %mul3A_157 : i32 to vector<16xi32>
    %mul3A_159 = arith.muli %and3A_156, %mul3A_158 : vector<16xi32>
    %add3A_160 = arith.addi %add3A_153, %mul3A_159 : vector<16xi32>
    %and3A_161 = arith.constant 127 : i32
    %and3A_162 = vector.broadcast %and3A_161 : i32 to vector<16xi32>
    %and3A_163 = arith.andi %get3A_136, %and3A_162 : vector<16xi32>
    %add3A_164 = arith.addi %add3A_160, %and3A_163 : vector<16xi32>
    %swap3A_165 = arith.constant 0 : i32
    %swap3A_166 = arith.index_cast %swap3A_165 : i32 to index
    %swap3A_167 = arith.constant 48 : index
    %swap3A_168 = tpu.vector_load %arg24[%swap3A_166, %swap3A_167] {strides = array<i32>} : memref<4x128xi32, #tpu.memory_space<vmem>>, vector<1x16xi32>,
    %swap3A_169 = vector.shape_cast %swap3A_168 : vector<1x16xi32> to vector<16xi32>
    %swap3A_170 = vector.shape_cast %add3A_164 : vector<16xi32> to vector<1x16xi32>
    tpu.vector_store %arg24[%swap3A_166, %swap3A_167], %swap3A_170 {strides = array<i32>} : memref<4x128xi32, #tpu.memory_space<vmem>>, vector<1x16xi32>,
    %get3A_171 = arith.constant 64 : index
    %get3A_172 = tpu.vector_load %arg20[%get3A_171] {strides = array<i32>} : memref<512xi32, #tpu.memory_space<vmem>>, vector<16xi32>,
    %get3A_173 = vector.shape_cast %get3A_172 : vector<16xi32> to vector<16xi32>
    %get3A_174 = arith.constant 64 : index
    %get3A_175 = tpu.vector_load %arg21[%get3A_174] {strides = array<i32>} : memref<512xi32, #tpu.memory_space<vmem>>, vector<16xi32>,
    %get3A_176 = vector.shape_cast %get3A_175 : vector<16xi32> to vector<16xi32>
    %get3A_177 = arith.constant 64 : index
    %get3A_178 = tpu.vector_load %arg19[%get3A_177] {strides = array<i32>} : memref<512xi32, #tpu.memory_space<vmem>>, vector<16xi32>,
    %get3A_179 = vector.shape_cast %get3A_178 : vector<16xi32> to vector<16xi32>
    %mul3A_180 = arith.constant 106496 : i32
    %mul3A_181 = vector.broadcast %mul3A_180 : i32 to vector<16xi32>
    %mul3A_182 = arith.muli %get3A_173, %mul3A_181 : vector<16xi32>
    %shift_right_arithmetic3A_183 = arith.constant 3 : i32
    %shift_right_arithmetic3A_184 = vector.broadcast %shift_right_arithmetic3A_183 : i32 to vector<16xi32>
    %shift_right_arithmetic3A_185 = arith.shrsi %get3A_176, %shift_right_arithmetic3A_184 : vector<16xi32>
    %mul3A_186 = arith.constant 8192 : i32
    %mul3A_187 = vector.broadcast %mul3A_186 : i32 to vector<16xi32>
    %mul3A_188 = arith.muli %shift_right_arithmetic3A_185, %mul3A_187 : vector<16xi32>
    %add3A_189 = arith.addi %mul3A_182, %mul3A_188 : vector<16xi32>
    %shift_right_arithmetic3A_190 = arith.constant 7 : i32
    %shift_right_arithmetic3A_191 = vector.broadcast %shift_right_arithmetic3A_190 : i32 to vector<16xi32>
    %shift_right_arithmetic3A_192 = arith.shrsi %get3A_179, %shift_right_arithmetic3A_191 : vector<16xi32>
    %mul3A_193 = arith.constant 1024 : i32
    %mul3A_194 = vector.broadcast %mul3A_193 : i32 to vector<16xi32>
    %mul3A_195 = arith.muli %shift_right_arithmetic3A_192, %mul3A_194 : vector<16xi32>
    %add3A_196 = arith.addi %add3A_189, %mul3A_195 : vector<16xi32>
    %and3A_197 = arith.constant 7 : i32
    %and3A_198 = vector.broadcast %and3A_197 : i32 to vector<16xi32>
    %and3A_199 = arith.andi %get3A_176, %and3A_198 : vector<16xi32>
    %mul3A_200 = arith.constant 128 : i32
    %mul3A_201 = vector.broadcast %mul3A_200 : i32 to vector<16xi32>
    %mul3A_202 = arith.muli %and3A_199, %mul3A_201 : vector<16xi32>
    %add3A_203 = arith.addi %add3A_196, %mul3A_202 : vector<16xi32>
    %and3A_204 = arith.constant 127 : i32
    %and3A_205 = vector.broadcast %and3A_204 : i32 to vector<16xi32>
    %and3A_206 = arith.andi %get3A_179, %and3A_205 : vector<16xi32>
    %add3A_207 = arith.addi %add3A_203, %and3A_206 : vector<16xi32>
    %swap3A_208 = arith.constant 0 : i32
    %swap3A_209 = arith.index_cast %swap3A_208 : i32 to index
    %swap3A_210 = arith.constant 64 : index
    %swap3A_211 = tpu.vector_load %arg24[%swap3A_209, %swap3A_210] {strides = array<i32>} : memref<4x128xi32, #tpu.memory_space<vmem>>, vector<1x16xi32>,
    %swap3A_212 = vector.shape_cast %swap3A_211 : vector<1x16xi32> to vector<16xi32>
    %swap3A_213 = vector.shape_cast %add3A_207 : vector<16xi32> to vector<1x16xi32>
    tpu.vector_store %arg24[%swap3A_209, %swap3A_210], %swap3A_213 {strides = array<i32>} : memref<4x128xi32, #tpu.memory_space<vmem>>, vector<1x16xi32>,
    %get3A_214 = arith.constant 80 : index
    %get3A_215 = tpu.vector_load %arg20[%get3A_214] {strides = array<i32>} : memref<512xi32, #tpu.memory_space<vmem>>, vector<16xi32>,
    %get3A_216 = vector.shape_cast %get3A_215 : vector<16xi32> to vector<16xi32>
    %get3A_217 = arith.constant 80 : index
    %get3A_218 = tpu.vector_load %arg21[%get3A_217] {strides = array<i32>} : memref<512xi32, #tpu.memory_space<vmem>>, vector<16xi32>,
    %get3A_219 = vector.shape_cast %get3A_218 : vector<16xi32> to vector<16xi32>
    %get3A_220 = arith.constant 80 : index
    %get3A_221 = tpu.vector_load %arg19[%get3A_220] {strides = array<i32>} : memref<512xi32, #tpu.memory_space<vmem>>, vector<16xi32>,
    %get3A_222 = vector.shape_cast %get3A_221 : vector<16xi32> to vector<16xi32>
    %mul3A_223 = arith.constant 106496 : i32
    %mul3A_224 = vector.broadcast %mul3A_223 : i32 to vector<16xi32>
    %mul3A_225 = arith.muli %get3A_216, %mul3A_224 : vector<16xi32>
    %shift_right_arithmetic3A_226 = arith.constant 3 : i32
    %shift_right_arithmetic3A_227 = vector.broadcast %shift_right_arithmetic3A_226 : i32 to vector<16xi32>
    %shift_right_arithmetic3A_228 = arith.shrsi %get3A_219, %shift_right_arithmetic3A_227 : vector<16xi32>
    %mul3A_229 = arith.constant 8192 : i32
    %mul3A_230 = vector.broadcast %mul3A_229 : i32 to vector<16xi32>
    %mul3A_231 = arith.muli %shift_right_arithmetic3A_228, %mul3A_230 : vector<16xi32>
    %add3A_232 = arith.addi %mul3A_225, %mul3A_231 : vector<16xi32>
    %shift_right_arithmetic3A_233 = arith.constant 7 : i32
    %shift_right_arithmetic3A_234 = vector.broadcast %shift_right_arithmetic3A_233 : i32 to vector<16xi32>
    %shift_right_arithmetic3A_235 = arith.shrsi %get3A_222, %shift_right_arithmetic3A_234 : vector<16xi32>
    %mul3A_236 = arith.constant 1024 : i32
    %mul3A_237 = vector.broadcast %mul3A_236 : i32 to vector<16xi32>
    %mul3A_238 = arith.muli %shift_right_arithmetic3A_235, %mul3A_237 : vector<16xi32>
    %add3A_239 = arith.addi %add3A_232, %mul3A_238 : vector<16xi32>
    %and3A_240 = arith.constant 7 : i32
    %and3A_241 = vector.broadcast %and3A_240 : i32 to vector<16xi32>
    %and3A_242 = arith.andi %get3A_219, %and3A_241 : vector<16xi32>
    %mul3A_243 = arith.constant 128 : i32
    %mul3A_244 = vector.broadcast %mul3A_243 : i32 to vector<16xi32>
    %mul3A_245 = arith.muli %and3A_242, %mul3A_244 : vector<16xi32>
    %add3A_246 = arith.addi %add3A_239, %mul3A_245 : vector<16xi32>
    %and3A_247 = arith.constant 127 : i32
    %and3A_248 = vector.broadcast %and3A_247 : i32 to vector<16xi32>
    %and3A_249 = arith.andi %get3A_222, %and3A_248 : vector<16xi32>
    %add3A_250 = arith.addi %add3A_246, %and3A_249 : vector<16xi32>
    %swap3A_251 = arith.constant 0 : i32
    %swap3A_252 = arith.index_cast %swap3A_251 : i32 to index
    %swap3A_253 = arith.constant 80 : index
    %swap3A_254 = tpu.vector_load %arg24[%swap3A_252, %swap3A_253] {strides = array<i32>} : memref<4x128xi32, #tpu.memory_space<vmem>>, vector<1x16xi32>,
    %swap3A_255 = vector.shape_cast %swap3A_254 : vector<1x16xi32> to vector<16xi32>
    %swap3A_256 = vector.shape_cast %add3A_250 : vector<16xi32> to vector<1x16xi32>
    tpu.vector_store %arg24[%swap3A_252, %swap3A_253], %swap3A_256 {strides = array<i32>} : memref<4x128xi32, #tpu.memory_space<vmem>>, vector<1x16xi32>,
    %get3A_257 = arith.constant 96 : index
    %get3A_258 = tpu.vector_load %arg20[%get3A_257] {strides = array<i32>} : memref<512xi32, #tpu.memory_space<vmem>>, vector<16xi32>,
    %get3A_259 = vector.shape_cast %get3A_258 : vector<16xi32> to vector<16xi32>
    %get3A_260 = arith.constant 96 : index
    %get3A_261 = tpu.vector_load %arg21[%get3A_260] {strides = array<i32>} : memref<512xi32, #tpu.memory_space<vmem>>, vector<16xi32>,
    %get3A_262 = vector.shape_cast %get3A_261 : vector<16xi32> to vector<16xi32>
    %get3A_263 = arith.constant 96 : index
    %get3A_264 = tpu.vector_load %arg19[%get3A_263] {strides = array<i32>} : memref<512xi32, #tpu.memory_space<vmem>>, vector<16xi32>,
    %get3A_265 = vector.shape_cast %get3A_264 : vector<16xi32> to vector<16xi32>
    %mul3A_266 = arith.constant 106496 : i32
    %mul3A_267 = vector.broadcast %mul3A_266 : i32 to vector<16xi32>
    %mul3A_268 = arith.muli %get3A_259, %mul3A_267 : vector<16xi32>
    %shift_right_arithmetic3A_269 = arith.constant 3 : i32
    %shift_right_arithmetic3A_270 = vector.broadcast %shift_right_arithmetic3A_269 : i32 to vector<16xi32>
    %shift_right_arithmetic3A_271 = arith.shrsi %get3A_262, %shift_right_arithmetic3A_270 : vector<16xi32>
    %mul3A_272 = arith.constant 8192 : i32
    %mul3A_273 = vector.broadcast %mul3A_272 : i32 to vector<16xi32>
    %mul3A_274 = arith.muli %shift_right_arithmetic3A_271, %mul3A_273 : vector<16xi32>
    %add3A_275 = arith.addi %mul3A_268, %mul3A_274 : vector<16xi32>
    %shift_right_arithmetic3A_276 = arith.constant 7 : i32
    %shift_right_arithmetic3A_277 = vector.broadcast %shift_right_arithmetic3A_276 : i32 to vector<16xi32>
    %shift_right_arithmetic3A_278 = arith.shrsi %get3A_265, %shift_right_arithmetic3A_277 : vector<16xi32>
    %mul3A_279 = arith.constant 1024 : i32
    %mul3A_280 = vector.broadcast %mul3A_279 : i32 to vector<16xi32>
    %mul3A_281 = arith.muli %shift_right_arithmetic3A_278, %mul3A_280 : vector<16xi32>
    %add3A_282 = arith.addi %add3A_275, %mul3A_281 : vector<16xi32>
    %and3A_283 = arith.constant 7 : i32
    %and3A_284 = vector.broadcast %and3A_283 : i32 to vector<16xi32>
    %and3A_285 = arith.andi %get3A_262, %and3A_284 : vector<16xi32>
    %mul3A_286 = arith.constant 128 : i32
    %mul3A_287 = vector.broadcast %mul3A_286 : i32 to vector<16xi32>
    %mul3A_288 = arith.muli %and3A_285, %mul3A_287 : vector<16xi32>
    %add3A_289 = arith.addi %add3A_282, %mul3A_288 : vector<16xi32>
    %and3A_290 = arith.constant 127 : i32
    %and3A_291 = vector.broadcast %and3A_290 : i32 to vector<16xi32>
    %and3A_292 = arith.andi %get3A_265, %and3A_291 : vector<16xi32>
    %add3A_293 = arith.addi %add3A_289, %and3A_292 : vector<16xi32>
    %swap3A_294 = arith.constant 0 : i32
    %swap3A_295 = arith.index_cast %swap3A_294 : i32 to index
    %swap3A_296 = arith.constant 96 : index
    %swap3A_297 = tpu.vector_load %arg24[%swap3A_295, %swap3A_296] {strides = array<i32>} : memref<4x128xi32, #tpu.memory_space<vmem>>, vector<1x16xi32>,
    %swap3A_298 = vector.shape_cast %swap3A_297 : vector<1x16xi32> to vector<16xi32>
    %swap3A_299 = vector.shape_cast %add3A_293 : vector<16xi32> to vector<1x16xi32>
    tpu.vector_store %arg24[%swap3A_295, %swap3A_296], %swap3A_299 {strides = array<i32>} : memref<4x128xi32, #tpu.memory_space<vmem>>, vector<1x16xi32>,
    %get3A_300 = arith.constant 112 : index
    %get3A_301 = tpu.vector_load %arg20[%get3A_300] {strides = array<i32>} : memref<512xi32, #tpu.memory_space<vmem>>, vector<16xi32>,
    %get3A_302 = vector.shape_cast %get3A_301 : vector<16xi32> to vector<16xi32>
    %get3A_303 = arith.constant 112 : index
    %get3A_304 = tpu.vector_load %arg21[%get3A_303] {strides = array<i32>} : memref<512xi32, #tpu.memory_space<vmem>>, vector<16xi32>,
    %get3A_305 = vector.shape_cast %get3A_304 : vector<16xi32> to vector<16xi32>
    %get3A_306 = arith.constant 112 : index
    %get3A_307 = tpu.vector_load %arg19[%get3A_306] {strides = array<i32>} : memref<512xi32, #tpu.memory_space<vmem>>, vector<16xi32>,
    %get3A_308 = vector.shape_cast %get3A_307 : vector<16xi32> to vector<16xi32>
    %mul3A_309 = arith.constant 106496 : i32
    %mul3A_310 = vector.broadcast %mul3A_309 : i32 to vector<16xi32>
    %mul3A_311 = arith.muli %get3A_302, %mul3A_310 : vector<16xi32>
    %shift_right_arithmetic3A_312 = arith.constant 3 : i32
    %shift_right_arithmetic3A_313 = vector.broadcast %shift_right_arithmetic3A_312 : i32 to vector<16xi32>
    %shift_right_arithmetic3A_314 = arith.shrsi %get3A_305, %shift_right_arithmetic3A_313 : vector<16xi32>
    %mul3A_315 = arith.constant 8192 : i32
    %mul3A_316 = vector.broadcast %mul3A_315 : i32 to vector<16xi32>
    %mul3A_317 = arith.muli %shift_right_arithmetic3A_314, %mul3A_316 : vector<16xi32>
    %add3A_318 = arith.addi %mul3A_311, %mul3A_317 : vector<16xi32>
    %shift_right_arithmetic3A_319 = arith.constant 7 : i32
    %shift_right_arithmetic3A_320 = vector.broadcast %shift_right_arithmetic3A_319 : i32 to vector<16xi32>
    %shift_right_arithmetic3A_321 = arith.shrsi %get3A_308, %shift_right_arithmetic3A_320 : vector<16xi32>
    %mul3A_322 = arith.constant 1024 : i32
    %mul3A_323 = vector.broadcast %mul3A_322 : i32 to vector<16xi32>
    %mul3A_324 = arith.muli %shift_right_arithmetic3A_321, %mul3A_323 : vector<16xi32>
    %add3A_325 = arith.addi %add3A_318, %mul3A_324 : vector<16xi32>
    %and3A_326 = arith.constant 7 : i32
    %and3A_327 = vector.broadcast %and3A_326 : i32 to vector<16xi32>
    %and3A_328 = arith.andi %get3A_305, %and3A_327 : vector<16xi32>
    %mul3A_329 = arith.constant 128 : i32
    %mul3A_330 = vector.broadcast %mul3A_329 : i32 to vector<16xi32>
    %mul3A_331 = arith.muli %and3A_328, %mul3A_330 : vector<16xi32>
    %add3A_332 = arith.addi %add3A_325, %mul3A_331 : vector<16xi32>
    %and3A_333 = arith.constant 127 : i32
    %and3A_334 = vector.broadcast %and3A_333 : i32 to vector<16xi32>
    %and3A_335 = arith.andi %get3A_308, %and3A_334 : vector<16xi32>
    %add3A_336 = arith.addi %add3A_332, %and3A_335 : vector<16xi32>
    %swap3A_337 = arith.constant 0 : i32
    %swap3A_338 = arith.index_cast %swap3A_337 : i32 to index
    %swap3A_339 = arith.constant 112 : index
    %swap3A_340 = tpu.vector_load %arg24[%swap3A_338, %swap3A_339] {strides = array<i32>} : memref<4x128xi32, #tpu.memory_space<vmem>>, vector<1x16xi32>,
    %swap3A_341 = vector.shape_cast %swap3A_340 : vector<1x16xi32> to vector<16xi32>
    %swap3A_342 = vector.shape_cast %add3A_336 : vector<16xi32> to vector<1x16xi32>
    tpu.vector_store %arg24[%swap3A_338, %swap3A_339], %swap3A_342 {strides = array<i32>} : memref<4x128xi32, #tpu.memory_space<vmem>>, vector<1x16xi32>,
    %get3A_343 = arith.constant 128 : index
    %get3A_344 = tpu.vector_load %arg20[%get3A_343] {strides = array<i32>} : memref<512xi32, #tpu.memory_space<vmem>>, vector<16xi32>,
    %get3A_345 = vector.shape_cast %get3A_344 : vector<16xi32> to vector<16xi32>
    %get3A_346 = arith.constant 128 : index
    %get3A_347 = tpu.vector_load %arg21[%get3A_346] {strides = array<i32>} : memref<512xi32, #tpu.memory_space<vmem>>, vector<16xi32>,
    %get3A_348 = vector.shape_cast %get3A_347 : vector<16xi32> to vector<16xi32>
    %get3A_349 = arith.constant 128 : index
    %get3A_350 = tpu.vector_load %arg19[%get3A_349] {strides = array<i32>} : memref<512xi32, #tpu.memory_space<vmem>>, vector<16xi32>,
    %get3A_351 = vector.shape_cast %get3A_350 : vector<16xi32> to vector<16xi32>
    %mul3A_352 = arith.constant 106496 : i32
    %mul3A_353 = vector.broadcast %mul3A_352 : i32 to vector<16xi32>
    %mul3A_354 = arith.muli %get3A_345, %mul3A_353 : vector<16xi32>
    %shift_right_arithmetic3A_355 = arith.constant 3 : i32
    %shift_right_arithmetic3A_356 = vector.broadcast %shift_right_arithmetic3A_355 : i32 to vector<16xi32>
    %shift_right_arithmetic3A_357 = arith.shrsi %get3A_348, %shift_right_arithmetic3A_356 : vector<16xi32>
    %mul3A_358 = arith.constant 8192 : i32
    %mul3A_359 = vector.broadcast %mul3A_358 : i32 to vector<16xi32>
    %mul3A_360 = arith.muli %shift_right_arithmetic3A_357, %mul3A_359 : vector<16xi32>
    %add3A_361 = arith.addi %mul3A_354, %mul3A_360 : vector<16xi32>
    %shift_right_arithmetic3A_362 = arith.constant 7 : i32
    %shift_right_arithmetic3A_363 = vector.broadcast %shift_right_arithmetic3A_362 : i32 to vector<16xi32>
    %shift_right_arithmetic3A_364 = arith.shrsi %get3A_351, %shift_right_arithmetic3A_363 : vector<16xi32>
    %mul3A_365 = arith.constant 1024 : i32
    %mul3A_366 = vector.broadcast %mul3A_365 : i32 to vector<16xi32>
    %mul3A_367 = arith.muli %shift_right_arithmetic3A_364, %mul3A_366 : vector<16xi32>
    %add3A_368 = arith.addi %add3A_361, %mul3A_367 : vector<16xi32>
    %and3A_369 = arith.constant 7 : i32
    %and3A_370 = vector.broadcast %and3A_369 : i32 to vector<16xi32>
    %and3A_371 = arith.andi %get3A_348, %and3A_370 : vector<16xi32>
    %mul3A_372 = arith.constant 128 : i32
    %mul3A_373 = vector.broadcast %mul3A_372 : i32 to vector<16xi32>
    %mul3A_374 = arith.muli %and3A_371, %mul3A_373 : vector<16xi32>
    %add3A_375 = arith.addi %add3A_368, %mul3A_374 : vector<16xi32>
    %and3A_376 = arith.constant 127 : i32
    %and3A_377 = vector.broadcast %and3A_376 : i32 to vector<16xi32>
    %and3A_378 = arith.andi %get3A_351, %and3A_377 : vector<16xi32>
    %add3A_379 = arith.addi %add3A_375, %and3A_378 : vector<16xi32>
    %swap3A_380 = arith.constant 1 : i32
    %swap3A_381 = arith.index_cast %swap3A_380 : i32 to index
    %swap3A_382 = arith.constant 0 : index
    %swap3A_383 = tpu.vector_load %arg24[%swap3A_381, %swap3A_382] {strides = array<i32>} : memref<4x128xi32, #tpu.memory_space<vmem>>, vector<1x16xi32>,
    %swap3A_384 = vector.shape_cast %swap3A_383 : vector<1x16xi32> to vector<16xi32>
    %swap3A_385 = vector.shape_cast %add3A_379 : vector<16xi32> to vector<1x16xi32>
    tpu.vector_store %arg24[%swap3A_381, %swap3A_382], %swap3A_385 {strides = array<i32>} : memref<4x128xi32, #tpu.memory_space<vmem>>, vector<1x16xi32>,
    %get3A_386 = arith.constant 144 : index
    %get3A_387 = tpu.vector_load %arg20[%get3A_386] {strides = array<i32>} : memref<512xi32, #tpu.memory_space<vmem>>, vector<16xi32>,
    %get3A_388 = vector.shape_cast %get3A_387 : vector<16xi32> to vector<16xi32>
    %get3A_389 = arith.constant 144 : index
    %get3A_390 = tpu.vector_load %arg21[%get3A_389] {strides = array<i32>} : memref<512xi32, #tpu.memory_space<vmem>>, vector<16xi32>,
    %get3A_391 = vector.shape_cast %get3A_390 : vector<16xi32> to vector<16xi32>
    %get3A_392 = arith.constant 144 : index
    %get3A_393 = tpu.vector_load %arg19[%get3A_392] {strides = array<i32>} : memref<512xi32, #tpu.memory_space<vmem>>, vector<16xi32>,
    %get3A_394 = vector.shape_cast %get3A_393 : vector<16xi32> to vector<16xi32>
    %mul3A_395 = arith.constant 106496 : i32
    %mul3A_396 = vector.broadcast %mul3A_395 : i32 to vector<16xi32>
    %mul3A_397 = arith.muli %get3A_388, %mul3A_396 : vector<16xi32>
    %shift_right_arithmetic3A_398 = arith.constant 3 : i32
    %shift_right_arithmetic3A_399 = vector.broadcast %shift_right_arithmetic3A_398 : i32 to vector<16xi32>
    %shift_right_arithmetic3A_400 = arith.shrsi %get3A_391, %shift_right_arithmetic3A_399 : vector<16xi32>
    %mul3A_401 = arith.constant 8192 : i32
    %mul3A_402 = vector.broadcast %mul3A_401 : i32 to vector<16xi32>
    %mul3A_403 = arith.muli %shift_right_arithmetic3A_400, %mul3A_402 : vector<16xi32>
    %add3A_404 = arith.addi %mul3A_397, %mul3A_403 : vector<16xi32>
    %shift_right_arithmetic3A_405 = arith.constant 7 : i32
    %shift_right_arithmetic3A_406 = vector.broadcast %shift_right_arithmetic3A_405 : i32 to vector<16xi32>
    %shift_right_arithmetic3A_407 = arith.shrsi %get3A_394, %shift_right_arithmetic3A_406 : vector<16xi32>
    %mul3A_408 = arith.constant 1024 : i32
    %mul3A_409 = vector.broadcast %mul3A_408 : i32 to vector<16xi32>
    %mul3A_410 = arith.muli %shift_right_arithmetic3A_407, %mul3A_409 : vector<16xi32>
    %add3A_411 = arith.addi %add3A_404, %mul3A_410 : vector<16xi32>
    %and3A_412 = arith.constant 7 : i32
    %and3A_413 = vector.broadcast %and3A_412 : i32 to vector<16xi32>
    %and3A_414 = arith.andi %get3A_391, %and3A_413 : vector<16xi32>
    %mul3A_415 = arith.constant 128 : i32
    %mul3A_416 = vector.broadcast %mul3A_415 : i32 to vector<16xi32>
    %mul3A_417 = arith.muli %and3A_414, %mul3A_416 : vector<16xi32>
    %add3A_418 = arith.addi %add3A_411, %mul3A_417 : vector<16xi32>
    %and3A_419 = arith.constant 127 : i32
    %and3A_420 = vector.broadcast %and3A_419 : i32 to vector<16xi32>
    %and3A_421 = arith.andi %get3A_394, %and3A_420 : vector<16xi32>
    %add3A_422 = arith.addi %add3A_418, %and3A_421 : vector<16xi32>
    %swap3A_423 = arith.constant 1 : i32
    %swap3A_424 = arith.index_cast %swap3A_423 : i32 to index
    %swap3A_425 = arith.constant 16 : index
    %swap3A_426 = tpu.vector_load %arg24[%swap3A_424, %swap3A_425] {strides = array<i32>} : memref<4x128xi32, #tpu.memory_space<vmem>>, vector<1x16xi32>,
    %swap3A_427 = vector.shape_cast %swap3A_426 : vector<1x16xi32> to vector<16xi32>
    %swap3A_428 = vector.shape_cast %add3A_422 : vector<16xi32> to vector<1x16xi32>
    tpu.vector_store %arg24[%swap3A_424, %swap3A_425], %swap3A_428 {strides = array<i32>} : memref<4x128xi32, #tpu.memory_space<vmem>>, vector<1x16xi32>,
    %get3A_429 = arith.constant 160 : index
    %get3A_430 = tpu.vector_load %arg20[%get3A_429] {strides = array<i32>} : memref<512xi32, #tpu.memory_space<vmem>>, vector<16xi32>,
    %get3A_431 = vector.shape_cast %get3A_430 : vector<16xi32> to vector<16xi32>
    %get3A_432 = arith.constant 160 : index
    %get3A_433 = tpu.vector_load %arg21[%get3A_432] {strides = array<i32>} : memref<512xi32, #tpu.memory_space<vmem>>, vector<16xi32>,
    %get3A_434 = vector.shape_cast %get3A_433 : vector<16xi32> to vector<16xi32>
    %get3A_435 = arith.constant 160 : index
    %get3A_436 = tpu.vector_load %arg19[%get3A_435] {strides = array<i32>} : memref<512xi32, #tpu.memory_space<vmem>>, vector<16xi32>,
    %get3A_437 = vector.shape_cast %get3A_436 : vector<16xi32> to vector<16xi32>
    %mul3A_438 = arith.constant 106496 : i32
    %mul3A_439 = vector.broadcast %mul3A_438 : i32 to vector<16xi32>
    %mul3A_440 = arith.muli %get3A_431, %mul3A_439 : vector<16xi32>
    %shift_right_arithmetic3A_441 = arith.constant 3 : i32
    %shift_right_arithmetic3A_442 = vector.broadcast %shift_right_arithmetic3A_441 : i32 to vector<16xi32>
    %shift_right_arithmetic3A_443 = arith.shrsi %get3A_434, %shift_right_arithmetic3A_442 : vector<16xi32>
    %mul3A_444 = arith.constant 8192 : i32
    %mul3A_445 = vector.broadcast %mul3A_444 : i32 to vector<16xi32>
    %mul3A_446 = arith.muli %shift_right_arithmetic3A_443, %mul3A_445 : vector<16xi32>
    %add3A_447 = arith.addi %mul3A_440, %mul3A_446 : vector<16xi32>
    %shift_right_arithmetic3A_448 = arith.constant 7 : i32
    %shift_right_arithmetic3A_449 = vector.broadcast %shift_right_arithmetic3A_448 : i32 to vector<16xi32>
    %shift_right_arithmetic3A_450 = arith.shrsi %get3A_437, %shift_right_arithmetic3A_449 : vector<16xi32>
    %mul3A_451 = arith.constant 1024 : i32
    %mul3A_452 = vector.broadcast %mul3A_451 : i32 to vector<16xi32>
    %mul3A_453 = arith.muli %shift_right_arithmetic3A_450, %mul3A_452 : vector<16xi32>
    %add3A_454 = arith.addi %add3A_447, %mul3A_453 : vector<16xi32>
    %and3A_455 = arith.constant 7 : i32
    %and3A_456 = vector.broadcast %and3A_455 : i32 to vector<16xi32>
    %and3A_457 = arith.andi %get3A_434, %and3A_456 : vector<16xi32>
    %mul3A_458 = arith.constant 128 : i32
    %mul3A_459 = vector.broadcast %mul3A_458 : i32 to vector<16xi32>
    %mul3A_460 = arith.muli %and3A_457, %mul3A_459 : vector<16xi32>
    %add3A_461 = arith.addi %add3A_454, %mul3A_460 : vector<16xi32>
    %and3A_462 = arith.constant 127 : i32
    %and3A_463 = vector.broadcast %and3A_462 : i32 to vector<16xi32>
    %and3A_464 = arith.andi %get3A_437, %and3A_463 : vector<16xi32>
    %add3A_465 = arith.addi %add3A_461, %and3A_464 : vector<16xi32>
    %swap3A_466 = arith.constant 1 : i32
    %swap3A_467 = arith.index_cast %swap3A_466 : i32 to index
    %swap3A_468 = arith.constant 32 : index
    %swap3A_469 = tpu.vector_load %arg24[%swap3A_467, %swap3A_468] {strides = array<i32>} : memref<4x128xi32, #tpu.memory_space<vmem>>, vector<1x16xi32>,
    %swap3A_470 = vector.shape_cast %swap3A_469 : vector<1x16xi32> to vector<16xi32>
    %swap3A_471 = vector.shape_cast %add3A_465 : vector<16xi32> to vector<1x16xi32>
    tpu.vector_store %arg24[%swap3A_467, %swap3A_468], %swap3A_471 {strides = array<i32>} : memref<4x128xi32, #tpu.memory_space<vmem>>, vector<1x16xi32>,
    %get3A_472 = arith.constant 176 : index
    %get3A_473 = tpu.vector_load %arg20[%get3A_472] {strides = array<i32>} : memref<512xi32, #tpu.memory_space<vmem>>, vector<16xi32>,
    %get3A_474 = vector.shape_cast %get3A_473 : vector<16xi32> to vector<16xi32>
    %get3A_475 = arith.constant 176 : index
    %get3A_476 = tpu.vector_load %arg21[%get3A_475] {strides = array<i32>} : memref<512xi32, #tpu.memory_space<vmem>>, vector<16xi32>,
    %get3A_477 = vector.shape_cast %get3A_476 : vector<16xi32> to vector<16xi32>
    %get3A_478 = arith.constant 176 : index
    %get3A_479 = tpu.vector_load %arg19[%get3A_478] {strides = array<i32>} : memref<512xi32, #tpu.memory_space<vmem>>, vector<16xi32>,
    %get3A_480 = vector.shape_cast %get3A_479 : vector<16xi32> to vector<16xi32>
    %mul3A_481 = arith.constant 106496 : i32
    %mul3A_482 = vector.broadcast %mul3A_481 : i32 to vector<16xi32>
    %mul3A_483 = arith.muli %get3A_474, %mul3A_482 : vector<16xi32>
    %shift_right_arithmetic3A_484 = arith.constant 3 : i32
    %shift_right_arithmetic3A_485 = vector.broadcast %shift_right_arithmetic3A_484 : i32 to vector<16xi32>
    %shift_right_arithmetic3A_486 = arith.shrsi %get3A_477, %shift_right_arithmetic3A_485 : vector<16xi32>
    %mul3A_487 = arith.constant 8192 : i32
    %mul3A_488 = vector.broadcast %mul3A_487 : i32 to vector<16xi32>
    %mul3A_489 = arith.muli %shift_right_arithmetic3A_486, %mul3A_488 : vector<16xi32>
    %add3A_490 = arith.addi %mul3A_483, %mul3A_489 : vector<16xi32>
    %shift_right_arithmetic3A_491 = arith.constant 7 : i32
    %shift_right_arithmetic3A_492 = vector.broadcast %shift_right_arithmetic3A_491 : i32 to vector<16xi32>
    %shift_right_arithmetic3A_493 = arith.shrsi %get3A_480, %shift_right_arithmetic3A_492 : vector<16xi32>
    %mul3A_494 = arith.constant 1024 : i32
    %mul3A_495 = vector.broadcast %mul3A_494 : i32 to vector<16xi32>
    %mul3A_496 = arith.muli %shift_right_arithmetic3A_493, %mul3A_495 : vector<16xi32>
    %add3A_497 = arith.addi %add3A_490, %mul3A_496 : vector<16xi32>
    %and3A_498 = arith.constant 7 : i32
    %and3A_499 = vector.broadcast %and3A_498 : i32 to vector<16xi32>
    %and3A_500 = arith.andi %get3A_477, %and3A_499 : vector<16xi32>
    %mul3A_501 = arith.constant 128 : i32
    %mul3A_502 = vector.broadcast %mul3A_501 : i32 to vector<16xi32>
    %mul3A_503 = arith.muli %and3A_500, %mul3A_502 : vector<16xi32>
    %add3A_504 = arith.addi %add3A_497, %mul3A_503 : vector<16xi32>
    %and3A_505 = arith.constant 127 : i32
    %and3A_506 = vector.broadcast %and3A_505 : i32 to vector<16xi32>
    %and3A_507 = arith.andi %get3A_480, %and3A_506 : vector<16xi32>
    %add3A_508 = arith.addi %add3A_504, %and3A_507 : vector<16xi32>
    %swap3A_509 = arith.constant 1 : i32
    %swap3A_510 = arith.index_cast %swap3A_509 : i32 to index
    %swap3A_511 = arith.constant 48 : index
    %swap3A_512 = tpu.vector_load %arg24[%swap3A_510, %swap3A_511] {strides = array<i32>} : memref<4x128xi32, #tpu.memory_space<vmem>>, vector<1x16xi32>,
    %swap3A_513 = vector.shape_cast %swap3A_512 : vector<1x16xi32> to vector<16xi32>
    %swap3A_514 = vector.shape_cast %add3A_508 : vector<16xi32> to vector<1x16xi32>
    tpu.vector_store %arg24[%swap3A_510, %swap3A_511], %swap3A_514 {strides = array<i32>} : memref<4x128xi32, #tpu.memory_space<vmem>>, vector<1x16xi32>,
    %get3A_515 = arith.constant 192 : index
    %get3A_516 = tpu.vector_load %arg20[%get3A_515] {strides = array<i32>} : memref<512xi32, #tpu.memory_space<vmem>>, vector<16xi32>,
    %get3A_517 = vector.shape_cast %get3A_516 : vector<16xi32> to vector<16xi32>
    %get3A_518 = arith.constant 192 : index
    %get3A_519 = tpu.vector_load %arg21[%get3A_518] {strides = array<i32>} : memref<512xi32, #tpu.memory_space<vmem>>, vector<16xi32>,
    %get3A_520 = vector.shape_cast %get3A_519 : vector<16xi32> to vector<16xi32>
    %get3A_521 = arith.constant 192 : index
    %get3A_522 = tpu.vector_load %arg19[%get3A_521] {strides = array<i32>} : memref<512xi32, #tpu.memory_space<vmem>>, vector<16xi32>,
    %get3A_523 = vector.shape_cast %get3A_522 : vector<16xi32> to vector<16xi32>
    %mul3A_524 = arith.constant 106496 : i32
    %mul3A_525 = vector.broadcast %mul3A_524 : i32 to vector<16xi32>
    %mul3A_526 = arith.muli %get3A_517, %mul3A_525 : vector<16xi32>
    %shift_right_arithmetic3A_527 = arith.constant 3 : i32
    %shift_right_arithmetic3A_528 = vector.broadcast %shift_right_arithmetic3A_527 : i32 to vector<16xi32>
    %shift_right_arithmetic3A_529 = arith.shrsi %get3A_520, %shift_right_arithmetic3A_528 : vector<16xi32>
    %mul3A_530 = arith.constant 8192 : i32
    %mul3A_531 = vector.broadcast %mul3A_530 : i32 to vector<16xi32>
    %mul3A_532 = arith.muli %shift_right_arithmetic3A_529, %mul3A_531 : vector<16xi32>
    %add3A_533 = arith.addi %mul3A_526, %mul3A_532 : vector<16xi32>
    %shift_right_arithmetic3A_534 = arith.constant 7 : i32
    %shift_right_arithmetic3A_535 = vector.broadcast %shift_right_arithmetic3A_534 : i32 to vector<16xi32>
    %shift_right_arithmetic3A_536 = arith.shrsi %get3A_523, %shift_right_arithmetic3A_535 : vector<16xi32>
    %mul3A_537 = arith.constant 1024 : i32
    %mul3A_538 = vector.broadcast %mul3A_537 : i32 to vector<16xi32>
    %mul3A_539 = arith.muli %shift_right_arithmetic3A_536, %mul3A_538 : vector<16xi32>
    %add3A_540 = arith.addi %add3A_533, %mul3A_539 : vector<16xi32>
    %and3A_541 = arith.constant 7 : i32
    %and3A_542 = vector.broadcast %and3A_541 : i32 to vector<16xi32>
    %and3A_543 = arith.andi %get3A_520, %and3A_542 : vector<16xi32>
    %mul3A_544 = arith.constant 128 : i32
    %mul3A_545 = vector.broadcast %mul3A_544 : i32 to vector<16xi32>
    %mul3A_546 = arith.muli %and3A_543, %mul3A_545 : vector<16xi32>
    %add3A_547 = arith.addi %add3A_540, %mul3A_546 : vector<16xi32>
    %and3A_548 = arith.constant 127 : i32
    %and3A_549 = vector.broadcast %and3A_548 : i32 to vector<16xi32>
    %and3A_550 = arith.andi %get3A_523, %and3A_549 : vector<16xi32>
    %add3A_551 = arith.addi %add3A_547, %and3A_550 : vector<16xi32>
    %swap3A_552 = arith.constant 1 : i32
    %swap3A_553 = arith.index_cast %swap3A_552 : i32 to index
    %swap3A_554 = arith.constant 64 : index
    %swap3A_555 = tpu.vector_load %arg24[%swap3A_553, %swap3A_554] {strides = array<i32>} : memref<4x128xi32, #tpu.memory_space<vmem>>, vector<1x16xi32>,
    %swap3A_556 = vector.shape_cast %swap3A_555 : vector<1x16xi32> to vector<16xi32>
    %swap3A_557 = vector.shape_cast %add3A_551 : vector<16xi32> to vector<1x16xi32>
    tpu.vector_store %arg24[%swap3A_553, %swap3A_554], %swap3A_557 {strides = array<i32>} : memref<4x128xi32, #tpu.memory_space<vmem>>, vector<1x16xi32>,
    %get3A_558 = arith.constant 208 : index
    %get3A_559 = tpu.vector_load %arg20[%get3A_558] {strides = array<i32>} : memref<512xi32, #tpu.memory_space<vmem>>, vector<16xi32>,
    %get3A_560 = vector.shape_cast %get3A_559 : vector<16xi32> to vector<16xi32>
    %get3A_561 = arith.constant 208 : index
    %get3A_562 = tpu.vector_load %arg21[%get3A_561] {strides = array<i32>} : memref<512xi32, #tpu.memory_space<vmem>>, vector<16xi32>,
    %get3A_563 = vector.shape_cast %get3A_562 : vector<16xi32> to vector<16xi32>
    %get3A_564 = arith.constant 208 : index
    %get3A_565 = tpu.vector_load %arg19[%get3A_564] {strides = array<i32>} : memref<512xi32, #tpu.memory_space<vmem>>, vector<16xi32>,
    %get3A_566 = vector.shape_cast %get3A_565 : vector<16xi32> to vector<16xi32>
    %mul3A_567 = arith.constant 106496 : i32
    %mul3A_568 = vector.broadcast %mul3A_567 : i32 to vector<16xi32>
    %mul3A_569 = arith.muli %get3A_560, %mul3A_568 : vector<16xi32>
    %shift_right_arithmetic3A_570 = arith.constant 3 : i32
    %shift_right_arithmetic3A_571 = vector.broadcast %shift_right_arithmetic3A_570 : i32 to vector<16xi32>
    %shift_right_arithmetic3A_572 = arith.shrsi %get3A_563, %shift_right_arithmetic3A_571 : vector<16xi32>
    %mul3A_573 = arith.constant 8192 : i32
    %mul3A_574 = vector.broadcast %mul3A_573 : i32 to vector<16xi32>
    %mul3A_575 = arith.muli %shift_right_arithmetic3A_572, %mul3A_574 : vector<16xi32>
    %add3A_576 = arith.addi %mul3A_569, %mul3A_575 : vector<16xi32>
    %shift_right_arithmetic3A_577 = arith.constant 7 : i32
    %shift_right_arithmetic3A_578 = vector.broadcast %shift_right_arithmetic3A_577 : i32 to vector<16xi32>
    %shift_right_arithmetic3A_579 = arith.shrsi %get3A_566, %shift_right_arithmetic3A_578 : vector<16xi32>
    %mul3A_580 = arith.constant 1024 : i32
    %mul3A_581 = vector.broadcast %mul3A_580 : i32 to vector<16xi32>
    %mul3A_582 = arith.muli %shift_right_arithmetic3A_579, %mul3A_581 : vector<16xi32>
    %add3A_583 = arith.addi %add3A_576, %mul3A_582 : vector<16xi32>
    %and3A_584 = arith.constant 7 : i32
    %and3A_585 = vector.broadcast %and3A_584 : i32 to vector<16xi32>
    %and3A_586 = arith.andi %get3A_563, %and3A_585 : vector<16xi32>
    %mul3A_587 = arith.constant 128 : i32
    %mul3A_588 = vector.broadcast %mul3A_587 : i32 to vector<16xi32>
    %mul3A_589 = arith.muli %and3A_586, %mul3A_588 : vector<16xi32>
    %add3A_590 = arith.addi %add3A_583, %mul3A_589 : vector<16xi32>
    %and3A_591 = arith.constant 127 : i32
    %and3A_592 = vector.broadcast %and3A_591 : i32 to vector<16xi32>
    %and3A_593 = arith.andi %get3A_566, %and3A_592 : vector<16xi32>
    %add3A_594 = arith.addi %add3A_590, %and3A_593 : vector<16xi32>
    %swap3A_595 = arith.constant 1 : i32
    %swap3A_596 = arith.index_cast %swap3A_595 : i32 to index
    %swap3A_597 = arith.constant 80 : index
    %swap3A_598 = tpu.vector_load %arg24[%swap3A_596, %swap3A_597] {strides = array<i32>} : memref<4x128xi32, #tpu.memory_space<vmem>>, vector<1x16xi32>,
    %swap3A_599 = vector.shape_cast %swap3A_598 : vector<1x16xi32> to vector<16xi32>
    %swap3A_600 = vector.shape_cast %add3A_594 : vector<16xi32> to vector<1x16xi32>
    tpu.vector_store %arg24[%swap3A_596, %swap3A_597], %swap3A_600 {strides = array<i32>} : memref<4x128xi32, #tpu.memory_space<vmem>>, vector<1x16xi32>,
    %get3A_601 = arith.constant 224 : index
    %get3A_602 = tpu.vector_load %arg20[%get3A_601] {strides = array<i32>} : memref<512xi32, #tpu.memory_space<vmem>>, vector<16xi32>,
    %get3A_603 = vector.shape_cast %get3A_602 : vector<16xi32> to vector<16xi32>
    %get3A_604 = arith.constant 224 : index
    %get3A_605 = tpu.vector_load %arg21[%get3A_604] {strides = array<i32>} : memref<512xi32, #tpu.memory_space<vmem>>, vector<16xi32>,
    %get3A_606 = vector.shape_cast %get3A_605 : vector<16xi32> to vector<16xi32>
    %get3A_607 = arith.constant 224 : index
    %get3A_608 = tpu.vector_load %arg19[%get3A_607] {strides = array<i32>} : memref<512xi32, #tpu.memory_space<vmem>>, vector<16xi32>,
    %get3A_609 = vector.shape_cast %get3A_608 : vector<16xi32> to vector<16xi32>
    %mul3A_610 = arith.constant 106496 : i32
    %mul3A_611 = vector.broadcast %mul3A_610 : i32 to vector<16xi32>
    %mul3A_612 = arith.muli %get3A_603, %mul3A_611 : vector<16xi32>
    %shift_right_arithmetic3A_613 = arith.constant 3 : i32
    %shift_right_arithmetic3A_614 = vector.broadcast %shift_right_arithmetic3A_613 : i32 to vector<16xi32>
    %shift_right_arithmetic3A_615 = arith.shrsi %get3A_606, %shift_right_arithmetic3A_614 : vector<16xi32>
    %mul3A_616 = arith.constant 8192 : i32
    %mul3A_617 = vector.broadcast %mul3A_616 : i32 to vector<16xi32>
    %mul3A_618 = arith.muli %shift_right_arithmetic3A_615, %mul3A_617 : vector<16xi32>
    %add3A_619 = arith.addi %mul3A_612, %mul3A_618 : vector<16xi32>
    %shift_right_arithmetic3A_620 = arith.constant 7 : i32
    %shift_right_arithmetic3A_621 = vector.broadcast %shift_right_arithmetic3A_620 : i32 to vector<16xi32>
    %shift_right_arithmetic3A_622 = arith.shrsi %get3A_609, %shift_right_arithmetic3A_621 : vector<16xi32>
    %mul3A_623 = arith.constant 1024 : i32
    %mul3A_624 = vector.broadcast %mul3A_623 : i32 to vector<16xi32>
    %mul3A_625 = arith.muli %shift_right_arithmetic3A_622, %mul3A_624 : vector<16xi32>
    %add3A_626 = arith.addi %add3A_619, %mul3A_625 : vector<16xi32>
    %and3A_627 = arith.constant 7 : i32
    %and3A_628 = vector.broadcast %and3A_627 : i32 to vector<16xi32>
    %and3A_629 = arith.andi %get3A_606, %and3A_628 : vector<16xi32>
    %mul3A_630 = arith.constant 128 : i32
    %mul3A_631 = vector.broadcast %mul3A_630 : i32 to vector<16xi32>
    %mul3A_632 = arith.muli %and3A_629, %mul3A_631 : vector<16xi32>
    %add3A_633 = arith.addi %add3A_626, %mul3A_632 : vector<16xi32>
    %and3A_634 = arith.constant 127 : i32
    %and3A_635 = vector.broadcast %and3A_634 : i32 to vector<16xi32>
    %and3A_636 = arith.andi %get3A_609, %and3A_635 : vector<16xi32>
    %add3A_637 = arith.addi %add3A_633, %and3A_636 : vector<16xi32>
    %swap3A_638 = arith.constant 1 : i32
    %swap3A_639 = arith.index_cast %swap3A_638 : i32 to index
    %swap3A_640 = arith.constant 96 : index
    %swap3A_641 = tpu.vector_load %arg24[%swap3A_639, %swap3A_640] {strides = array<i32>} : memref<4x128xi32, #tpu.memory_space<vmem>>, vector<1x16xi32>,
    %swap3A_642 = vector.shape_cast %swap3A_641 : vector<1x16xi32> to vector<16xi32>
    %swap3A_643 = vector.shape_cast %add3A_637 : vector<16xi32> to vector<1x16xi32>
    tpu.vector_store %arg24[%swap3A_639, %swap3A_640], %swap3A_643 {strides = array<i32>} : memref<4x128xi32, #tpu.memory_space<vmem>>, vector<1x16xi32>,
    %get3A_644 = arith.constant 240 : index
    %get3A_645 = tpu.vector_load %arg20[%get3A_644] {strides = array<i32>} : memref<512xi32, #tpu.memory_space<vmem>>, vector<16xi32>,
    %get3A_646 = vector.shape_cast %get3A_645 : vector<16xi32> to vector<16xi32>
    %get3A_647 = arith.constant 240 : index
    %get3A_648 = tpu.vector_load %arg21[%get3A_647] {strides = array<i32>} : memref<512xi32, #tpu.memory_space<vmem>>, vector<16xi32>,
    %get3A_649 = vector.shape_cast %get3A_648 : vector<16xi32> to vector<16xi32>
    %get3A_650 = arith.constant 240 : index
    %get3A_651 = tpu.vector_load %arg19[%get3A_650] {strides = array<i32>} : memref<512xi32, #tpu.memory_space<vmem>>, vector<16xi32>,
    %get3A_652 = vector.shape_cast %get3A_651 : vector<16xi32> to vector<16xi32>
    %mul3A_653 = arith.constant 106496 : i32
    %mul3A_654 = vector.broadcast %mul3A_653 : i32 to vector<16xi32>
    %mul3A_655 = arith.muli %get3A_646, %mul3A_654 : vector<16xi32>
    %shift_right_arithmetic3A_656 = arith.constant 3 : i32
    %shift_right_arithmetic3A_657 = vector.broadcast %shift_right_arithmetic3A_656 : i32 to vector<16xi32>
    %shift_right_arithmetic3A_658 = arith.shrsi %get3A_649, %shift_right_arithmetic3A_657 : vector<16xi32>
    %mul3A_659 = arith.constant 8192 : i32
    %mul3A_660 = vector.broadcast %mul3A_659 : i32 to vector<16xi32>
    %mul3A_661 = arith.muli %shift_right_arithmetic3A_658, %mul3A_660 : vector<16xi32>
    %add3A_662 = arith.addi %mul3A_655, %mul3A_661 : vector<16xi32>
    %shift_right_arithmetic3A_663 = arith.constant 7 : i32
    %shift_right_arithmetic3A_664 = vector.broadcast %shift_right_arithmetic3A_663 : i32 to vector<16xi32>
    %shift_right_arithmetic3A_665 = arith.shrsi %get3A_652, %shift_right_arithmetic3A_664 : vector<16xi32>
    %mul3A_666 = arith.constant 1024 : i32
    %mul3A_667 = vector.broadcast %mul3A_666 : i32 to vector<16xi32>
    %mul3A_668 = arith.muli %shift_right_arithmetic3A_665, %mul3A_667 : vector<16xi32>
    %add3A_669 = arith.addi %add3A_662, %mul3A_668 : vector<16xi32>
    %and3A_670 = arith.constant 7 : i32
    %and3A_671 = vector.broadcast %and3A_670 : i32 to vector<16xi32>
    %and3A_672 = arith.andi %get3A_649, %and3A_671 : vector<16xi32>
    %mul3A_673 = arith.constant 128 : i32
    %mul3A_674 = vector.broadcast %mul3A_673 : i32 to vector<16xi32>
    %mul3A_675 = arith.muli %and3A_672, %mul3A_674 : vector<16xi32>
    %add3A_676 = arith.addi %add3A_669, %mul3A_675 : vector<16xi32>
    %and3A_677 = arith.constant 127 : i32
    %and3A_678 = vector.broadcast %and3A_677 : i32 to vector<16xi32>
    %and3A_679 = arith.andi %get3A_652, %and3A_678 : vector<16xi32>
    %add3A_680 = arith.addi %add3A_676, %and3A_679 : vector<16xi32>
    %swap3A_681 = arith.constant 1 : i32
    %swap3A_682 = arith.index_cast %swap3A_681 : i32 to index
    %swap3A_683 = arith.constant 112 : index
    %swap3A_684 = tpu.vector_load %arg24[%swap3A_682, %swap3A_683] {strides = array<i32>} : memref<4x128xi32, #tpu.memory_space<vmem>>, vector<1x16xi32>,
    %swap3A_685 = vector.shape_cast %swap3A_684 : vector<1x16xi32> to vector<16xi32>
    %swap3A_686 = vector.shape_cast %add3A_680 : vector<16xi32> to vector<1x16xi32>
    tpu.vector_store %arg24[%swap3A_682, %swap3A_683], %swap3A_686 {strides = array<i32>} : memref<4x128xi32, #tpu.memory_space<vmem>>, vector<1x16xi32>,
    %get3A_687 = arith.constant 256 : index
    %get3A_688 = tpu.vector_load %arg20[%get3A_687] {strides = array<i32>} : memref<512xi32, #tpu.memory_space<vmem>>, vector<16xi32>,
    %get3A_689 = vector.shape_cast %get3A_688 : vector<16xi32> to vector<16xi32>
    %get3A_690 = arith.constant 256 : index
    %get3A_691 = tpu.vector_load %arg21[%get3A_690] {strides = array<i32>} : memref<512xi32, #tpu.memory_space<vmem>>, vector<16xi32>,
    %get3A_692 = vector.shape_cast %get3A_691 : vector<16xi32> to vector<16xi32>
    %get3A_693 = arith.constant 256 : index
    %get3A_694 = tpu.vector_load %arg19[%get3A_693] {strides = array<i32>} : memref<512xi32, #tpu.memory_space<vmem>>, vector<16xi32>,
    %get3A_695 = vector.shape_cast %get3A_694 : vector<16xi32> to vector<16xi32>
    %mul3A_696 = arith.constant 106496 : i32
    %mul3A_697 = vector.broadcast %mul3A_696 : i32 to vector<16xi32>
    %mul3A_698 = arith.muli %get3A_689, %mul3A_697 : vector<16xi32>
    %shift_right_arithmetic3A_699 = arith.constant 3 : i32
    %shift_right_arithmetic3A_700 = vector.broadcast %shift_right_arithmetic3A_699 : i32 to vector<16xi32>
    %shift_right_arithmetic3A_701 = arith.shrsi %get3A_692, %shift_right_arithmetic3A_700 : vector<16xi32>
    %mul3A_702 = arith.constant 8192 : i32
    %mul3A_703 = vector.broadcast %mul3A_702 : i32 to vector<16xi32>
    %mul3A_704 = arith.muli %shift_right_arithmetic3A_701, %mul3A_703 : vector<16xi32>
    %add3A_705 = arith.addi %mul3A_698, %mul3A_704 : vector<16xi32>
    %shift_right_arithmetic3A_706 = arith.constant 7 : i32
    %shift_right_arithmetic3A_707 = vector.broadcast %shift_right_arithmetic3A_706 : i32 to vector<16xi32>
    %shift_right_arithmetic3A_708 = arith.shrsi %get3A_695, %shift_right_arithmetic3A_707 : vector<16xi32>
    %mul3A_709 = arith.constant 1024 : i32
    %mul3A_710 = vector.broadcast %mul3A_709 : i32 to vector<16xi32>
    %mul3A_711 = arith.muli %shift_right_arithmetic3A_708, %mul3A_710 : vector<16xi32>
    %add3A_712 = arith.addi %add3A_705, %mul3A_711 : vector<16xi32>
    %and3A_713 = arith.constant 7 : i32
    %and3A_714 = vector.broadcast %and3A_713 : i32 to vector<16xi32>
    %and3A_715 = arith.andi %get3A_692, %and3A_714 : vector<16xi32>
    %mul3A_716 = arith.constant 128 : i32
    %mul3A_717 = vector.broadcast %mul3A_716 : i32 to vector<16xi32>
    %mul3A_718 = arith.muli %and3A_715, %mul3A_717 : vector<16xi32>
    %add3A_719 = arith.addi %add3A_712, %mul3A_718 : vector<16xi32>
    %and3A_720 = arith.constant 127 : i32
    %and3A_721 = vector.broadcast %and3A_720 : i32 to vector<16xi32>
    %and3A_722 = arith.andi %get3A_695, %and3A_721 : vector<16xi32>
    %add3A_723 = arith.addi %add3A_719, %and3A_722 : vector<16xi32>
    %swap3A_724 = arith.constant 2 : i32
    %swap3A_725 = arith.index_cast %swap3A_724 : i32 to index
    %swap3A_726 = arith.constant 0 : index
    %swap3A_727 = tpu.vector_load %arg24[%swap3A_725, %swap3A_726] {strides = array<i32>} : memref<4x128xi32, #tpu.memory_space<vmem>>, vector<1x16xi32>,
    %swap3A_728 = vector.shape_cast %swap3A_727 : vector<1x16xi32> to vector<16xi32>
    %swap3A_729 = vector.shape_cast %add3A_723 : vector<16xi32> to vector<1x16xi32>
    tpu.vector_store %arg24[%swap3A_725, %swap3A_726], %swap3A_729 {strides = array<i32>} : memref<4x128xi32, #tpu.memory_space<vmem>>, vector<1x16xi32>,
    %get3A_730 = arith.constant 272 : index
    %get3A_731 = tpu.vector_load %arg20[%get3A_730] {strides = array<i32>} : memref<512xi32, #tpu.memory_space<vmem>>, vector<16xi32>,
    %get3A_732 = vector.shape_cast %get3A_731 : vector<16xi32> to vector<16xi32>
    %get3A_733 = arith.constant 272 : index
    %get3A_734 = tpu.vector_load %arg21[%get3A_733] {strides = array<i32>} : memref<512xi32, #tpu.memory_space<vmem>>, vector<16xi32>,
    %get3A_735 = vector.shape_cast %get3A_734 : vector<16xi32> to vector<16xi32>
    %get3A_736 = arith.constant 272 : index
    %get3A_737 = tpu.vector_load %arg19[%get3A_736] {strides = array<i32>} : memref<512xi32, #tpu.memory_space<vmem>>, vector<16xi32>,
    %get3A_738 = vector.shape_cast %get3A_737 : vector<16xi32> to vector<16xi32>
    %mul3A_739 = arith.constant 106496 : i32
    %mul3A_740 = vector.broadcast %mul3A_739 : i32 to vector<16xi32>
    %mul3A_741 = arith.muli %get3A_732, %mul3A_740 : vector<16xi32>
    %shift_right_arithmetic3A_742 = arith.constant 3 : i32
    %shift_right_arithmetic3A_743 = vector.broadcast %shift_right_arithmetic3A_742 : i32 to vector<16xi32>
    %shift_right_arithmetic3A_744 = arith.shrsi %get3A_735, %shift_right_arithmetic3A_743 : vector<16xi32>
    %mul3A_745 = arith.constant 8192 : i32
    %mul3A_746 = vector.broadcast %mul3A_745 : i32 to vector<16xi32>
    %mul3A_747 = arith.muli %shift_right_arithmetic3A_744, %mul3A_746 : vector<16xi32>
    %add3A_748 = arith.addi %mul3A_741, %mul3A_747 : vector<16xi32>
    %shift_right_arithmetic3A_749 = arith.constant 7 : i32
    %shift_right_arithmetic3A_750 = vector.broadcast %shift_right_arithmetic3A_749 : i32 to vector<16xi32>
    %shift_right_arithmetic3A_751 = arith.shrsi %get3A_738, %shift_right_arithmetic3A_750 : vector<16xi32>
    %mul3A_752 = arith.constant 1024 : i32
    %mul3A_753 = vector.broadcast %mul3A_752 : i32 to vector<16xi32>
    %mul3A_754 = arith.muli %shift_right_arithmetic3A_751, %mul3A_753 : vector<16xi32>
    %add3A_755 = arith.addi %add3A_748, %mul3A_754 : vector<16xi32>
    %and3A_756 = arith.constant 7 : i32
    %and3A_757 = vector.broadcast %and3A_756 : i32 to vector<16xi32>
    %and3A_758 = arith.andi %get3A_735, %and3A_757 : vector<16xi32>
    %mul3A_759 = arith.constant 128 : i32
    %mul3A_760 = vector.broadcast %mul3A_759 : i32 to vector<16xi32>
    %mul3A_761 = arith.muli %and3A_758, %mul3A_760 : vector<16xi32>
    %add3A_762 = arith.addi %add3A_755, %mul3A_761 : vector<16xi32>
    %and3A_763 = arith.constant 127 : i32
    %and3A_764 = vector.broadcast %and3A_763 : i32 to vector<16xi32>
    %and3A_765 = arith.andi %get3A_738, %and3A_764 : vector<16xi32>
    %add3A_766 = arith.addi %add3A_762, %and3A_765 : vector<16xi32>
    %swap3A_767 = arith.constant 2 : i32
    %swap3A_768 = arith.index_cast %swap3A_767 : i32 to index
    %swap3A_769 = arith.constant 16 : index
    %swap3A_770 = tpu.vector_load %arg24[%swap3A_768, %swap3A_769] {strides = array<i32>} : memref<4x128xi32, #tpu.memory_space<vmem>>, vector<1x16xi32>,
    %swap3A_771 = vector.shape_cast %swap3A_770 : vector<1x16xi32> to vector<16xi32>
    %swap3A_772 = vector.shape_cast %add3A_766 : vector<16xi32> to vector<1x16xi32>
    tpu.vector_store %arg24[%swap3A_768, %swap3A_769], %swap3A_772 {strides = array<i32>} : memref<4x128xi32, #tpu.memory_space<vmem>>, vector<1x16xi32>,
    %get3A_773 = arith.constant 288 : index
    %get3A_774 = tpu.vector_load %arg20[%get3A_773] {strides = array<i32>} : memref<512xi32, #tpu.memory_space<vmem>>, vector<16xi32>,
    %get3A_775 = vector.shape_cast %get3A_774 : vector<16xi32> to vector<16xi32>
    %get3A_776 = arith.constant 288 : index
    %get3A_777 = tpu.vector_load %arg21[%get3A_776] {strides = array<i32>} : memref<512xi32, #tpu.memory_space<vmem>>, vector<16xi32>,
    %get3A_778 = vector.shape_cast %get3A_777 : vector<16xi32> to vector<16xi32>
    %get3A_779 = arith.constant 288 : index
    %get3A_780 = tpu.vector_load %arg19[%get3A_779] {strides = array<i32>} : memref<512xi32, #tpu.memory_space<vmem>>, vector<16xi32>,
    %get3A_781 = vector.shape_cast %get3A_780 : vector<16xi32> to vector<16xi32>
    %mul3A_782 = arith.constant 106496 : i32
    %mul3A_783 = vector.broadcast %mul3A_782 : i32 to vector<16xi32>
    %mul3A_784 = arith.muli %get3A_775, %mul3A_783 : vector<16xi32>
    %shift_right_arithmetic3A_785 = arith.constant 3 : i32
    %shift_right_arithmetic3A_786 = vector.broadcast %shift_right_arithmetic3A_785 : i32 to vector<16xi32>
    %shift_right_arithmetic3A_787 = arith.shrsi %get3A_778, %shift_right_arithmetic3A_786 : vector<16xi32>
    %mul3A_788 = arith.constant 8192 : i32
    %mul3A_789 = vector.broadcast %mul3A_788 : i32 to vector<16xi32>
    %mul3A_790 = arith.muli %shift_right_arithmetic3A_787, %mul3A_789 : vector<16xi32>
    %add3A_791 = arith.addi %mul3A_784, %mul3A_790 : vector<16xi32>
    %shift_right_arithmetic3A_792 = arith.constant 7 : i32
    %shift_right_arithmetic3A_793 = vector.broadcast %shift_right_arithmetic3A_792 : i32 to vector<16xi32>
    %shift_right_arithmetic3A_794 = arith.shrsi %get3A_781, %shift_right_arithmetic3A_793 : vector<16xi32>
    %mul3A_795 = arith.constant 1024 : i32
    %mul3A_796 = vector.broadcast %mul3A_795 : i32 to vector<16xi32>
    %mul3A_797 = arith.muli %shift_right_arithmetic3A_794, %mul3A_796 : vector<16xi32>
    %add3A_798 = arith.addi %add3A_791, %mul3A_797 : vector<16xi32>
    %and3A_799 = arith.constant 7 : i32
    %and3A_800 = vector.broadcast %and3A_799 : i32 to vector<16xi32>
    %and3A_801 = arith.andi %get3A_778, %and3A_800 : vector<16xi32>
    %mul3A_802 = arith.constant 128 : i32
    %mul3A_803 = vector.broadcast %mul3A_802 : i32 to vector<16xi32>
    %mul3A_804 = arith.muli %and3A_801, %mul3A_803 : vector<16xi32>
    %add3A_805 = arith.addi %add3A_798, %mul3A_804 : vector<16xi32>
    %and3A_806 = arith.constant 127 : i32
    %and3A_807 = vector.broadcast %and3A_806 : i32 to vector<16xi32>
    %and3A_808 = arith.andi %get3A_781, %and3A_807 : vector<16xi32>
    %add3A_809 = arith.addi %add3A_805, %and3A_808 : vector<16xi32>
    %swap3A_810 = arith.constant 2 : i32
    %swap3A_811 = arith.index_cast %swap3A_810 : i32 to index
    %swap3A_812 = arith.constant 32 : index
    %swap3A_813 = tpu.vector_load %arg24[%swap3A_811, %swap3A_812] {strides = array<i32>} : memref<4x128xi32, #tpu.memory_space<vmem>>, vector<1x16xi32>,
    %swap3A_814 = vector.shape_cast %swap3A_813 : vector<1x16xi32> to vector<16xi32>
    %swap3A_815 = vector.shape_cast %add3A_809 : vector<16xi32> to vector<1x16xi32>
    tpu.vector_store %arg24[%swap3A_811, %swap3A_812], %swap3A_815 {strides = array<i32>} : memref<4x128xi32, #tpu.memory_space<vmem>>, vector<1x16xi32>,
    %get3A_816 = arith.constant 304 : index
    %get3A_817 = tpu.vector_load %arg20[%get3A_816] {strides = array<i32>} : memref<512xi32, #tpu.memory_space<vmem>>, vector<16xi32>,
    %get3A_818 = vector.shape_cast %get3A_817 : vector<16xi32> to vector<16xi32>
    %get3A_819 = arith.constant 304 : index
    %get3A_820 = tpu.vector_load %arg21[%get3A_819] {strides = array<i32>} : memref<512xi32, #tpu.memory_space<vmem>>, vector<16xi32>,
    %get3A_821 = vector.shape_cast %get3A_820 : vector<16xi32> to vector<16xi32>
    %get3A_822 = arith.constant 304 : index
    %get3A_823 = tpu.vector_load %arg19[%get3A_822] {strides = array<i32>} : memref<512xi32, #tpu.memory_space<vmem>>, vector<16xi32>,
    %get3A_824 = vector.shape_cast %get3A_823 : vector<16xi32> to vector<16xi32>
    %mul3A_825 = arith.constant 106496 : i32
    %mul3A_826 = vector.broadcast %mul3A_825 : i32 to vector<16xi32>
    %mul3A_827 = arith.muli %get3A_818, %mul3A_826 : vector<16xi32>
    %shift_right_arithmetic3A_828 = arith.constant 3 : i32
    %shift_right_arithmetic3A_829 = vector.broadcast %shift_right_arithmetic3A_828 : i32 to vector<16xi32>
    %shift_right_arithmetic3A_830 = arith.shrsi %get3A_821, %shift_right_arithmetic3A_829 : vector<16xi32>
    %mul3A_831 = arith.constant 8192 : i32
    %mul3A_832 = vector.broadcast %mul3A_831 : i32 to vector<16xi32>
    %mul3A_833 = arith.muli %shift_right_arithmetic3A_830, %mul3A_832 : vector<16xi32>
    %add3A_834 = arith.addi %mul3A_827, %mul3A_833 : vector<16xi32>
    %shift_right_arithmetic3A_835 = arith.constant 7 : i32
    %shift_right_arithmetic3A_836 = vector.broadcast %shift_right_arithmetic3A_835 : i32 to vector<16xi32>
    %shift_right_arithmetic3A_837 = arith.shrsi %get3A_824, %shift_right_arithmetic3A_836 : vector<16xi32>
    %mul3A_838 = arith.constant 1024 : i32
    %mul3A_839 = vector.broadcast %mul3A_838 : i32 to vector<16xi32>
    %mul3A_840 = arith.muli %shift_right_arithmetic3A_837, %mul3A_839 : vector<16xi32>
    %add3A_841 = arith.addi %add3A_834, %mul3A_840 : vector<16xi32>
    %and3A_842 = arith.constant 7 : i32
    %and3A_843 = vector.broadcast %and3A_842 : i32 to vector<16xi32>
    %and3A_844 = arith.andi %get3A_821, %and3A_843 : vector<16xi32>
    %mul3A_845 = arith.constant 128 : i32
    %mul3A_846 = vector.broadcast %mul3A_845 : i32 to vector<16xi32>
    %mul3A_847 = arith.muli %and3A_844, %mul3A_846 : vector<16xi32>
    %add3A_848 = arith.addi %add3A_841, %mul3A_847 : vector<16xi32>
    %and3A_849 = arith.constant 127 : i32
    %and3A_850 = vector.broadcast %and3A_849 : i32 to vector<16xi32>
    %and3A_851 = arith.andi %get3A_824, %and3A_850 : vector<16xi32>
    %add3A_852 = arith.addi %add3A_848, %and3A_851 : vector<16xi32>
    %swap3A_853 = arith.constant 2 : i32
    %swap3A_854 = arith.index_cast %swap3A_853 : i32 to index
    %swap3A_855 = arith.constant 48 : index
    %swap3A_856 = tpu.vector_load %arg24[%swap3A_854, %swap3A_855] {strides = array<i32>} : memref<4x128xi32, #tpu.memory_space<vmem>>, vector<1x16xi32>,
    %swap3A_857 = vector.shape_cast %swap3A_856 : vector<1x16xi32> to vector<16xi32>
    %swap3A_858 = vector.shape_cast %add3A_852 : vector<16xi32> to vector<1x16xi32>
    tpu.vector_store %arg24[%swap3A_854, %swap3A_855], %swap3A_858 {strides = array<i32>} : memref<4x128xi32, #tpu.memory_space<vmem>>, vector<1x16xi32>,
    %get3A_859 = arith.constant 320 : index
    %get3A_860 = tpu.vector_load %arg20[%get3A_859] {strides = array<i32>} : memref<512xi32, #tpu.memory_space<vmem>>, vector<16xi32>,
    %get3A_861 = vector.shape_cast %get3A_860 : vector<16xi32> to vector<16xi32>
    %get3A_862 = arith.constant 320 : index
    %get3A_863 = tpu.vector_load %arg21[%get3A_862] {strides = array<i32>} : memref<512xi32, #tpu.memory_space<vmem>>, vector<16xi32>,
    %get3A_864 = vector.shape_cast %get3A_863 : vector<16xi32> to vector<16xi32>
    %get3A_865 = arith.constant 320 : index
    %get3A_866 = tpu.vector_load %arg19[%get3A_865] {strides = array<i32>} : memref<512xi32, #tpu.memory_space<vmem>>, vector<16xi32>,
    %get3A_867 = vector.shape_cast %get3A_866 : vector<16xi32> to vector<16xi32>
    %mul3A_868 = arith.constant 106496 : i32
    %mul3A_869 = vector.broadcast %mul3A_868 : i32 to vector<16xi32>
    %mul3A_870 = arith.muli %get3A_861, %mul3A_869 : vector<16xi32>
    %shift_right_arithmetic3A_871 = arith.constant 3 : i32
    %shift_right_arithmetic3A_872 = vector.broadcast %shift_right_arithmetic3A_871 : i32 to vector<16xi32>
    %shift_right_arithmetic3A_873 = arith.shrsi %get3A_864, %shift_right_arithmetic3A_872 : vector<16xi32>
    %mul3A_874 = arith.constant 8192 : i32
    %mul3A_875 = vector.broadcast %mul3A_874 : i32 to vector<16xi32>
    %mul3A_876 = arith.muli %shift_right_arithmetic3A_873, %mul3A_875 : vector<16xi32>
    %add3A_877 = arith.addi %mul3A_870, %mul3A_876 : vector<16xi32>
    %shift_right_arithmetic3A_878 = arith.constant 7 : i32
    %shift_right_arithmetic3A_879 = vector.broadcast %shift_right_arithmetic3A_878 : i32 to vector<16xi32>
    %shift_right_arithmetic3A_880 = arith.shrsi %get3A_867, %shift_right_arithmetic3A_879 : vector<16xi32>
    %mul3A_881 = arith.constant 1024 : i32
    %mul3A_882 = vector.broadcast %mul3A_881 : i32 to vector<16xi32>
    %mul3A_883 = arith.muli %shift_right_arithmetic3A_880, %mul3A_882 : vector<16xi32>
    %add3A_884 = arith.addi %add3A_877, %mul3A_883 : vector<16xi32>
    %and3A_885 = arith.constant 7 : i32
    %and3A_886 = vector.broadcast %and3A_885 : i32 to vector<16xi32>
    %and3A_887 = arith.andi %get3A_864, %and3A_886 : vector<16xi32>
    %mul3A_888 = arith.constant 128 : i32
    %mul3A_889 = vector.broadcast %mul3A_888 : i32 to vector<16xi32>
    %mul3A_890 = arith.muli %and3A_887, %mul3A_889 : vector<16xi32>
    %add3A_891 = arith.addi %add3A_884, %mul3A_890 : vector<16xi32>
    %and3A_892 = arith.constant 127 : i32
    %and3A_893 = vector.broadcast %and3A_892 : i32 to vector<16xi32>
    %and3A_894 = arith.andi %get3A_867, %and3A_893 : vector<16xi32>
    %add3A_895 = arith.addi %add3A_891, %and3A_894 : vector<16xi32>
    %swap3A_896 = arith.constant 2 : i32
    %swap3A_897 = arith.index_cast %swap3A_896 : i32 to index
    %swap3A_898 = arith.constant 64 : index
    %swap3A_899 = tpu.vector_load %arg24[%swap3A_897, %swap3A_898] {strides = array<i32>} : memref<4x128xi32, #tpu.memory_space<vmem>>, vector<1x16xi32>,
    %swap3A_900 = vector.shape_cast %swap3A_899 : vector<1x16xi32> to vector<16xi32>
    %swap3A_901 = vector.shape_cast %add3A_895 : vector<16xi32> to vector<1x16xi32>
    tpu.vector_store %arg24[%swap3A_897, %swap3A_898], %swap3A_901 {strides = array<i32>} : memref<4x128xi32, #tpu.memory_space<vmem>>, vector<1x16xi32>,
    %get3A_902 = arith.constant 336 : index
    %get3A_903 = tpu.vector_load %arg20[%get3A_902] {strides = array<i32>} : memref<512xi32, #tpu.memory_space<vmem>>, vector<16xi32>,
    %get3A_904 = vector.shape_cast %get3A_903 : vector<16xi32> to vector<16xi32>
    %get3A_905 = arith.constant 336 : index
    %get3A_906 = tpu.vector_load %arg21[%get3A_905] {strides = array<i32>} : memref<512xi32, #tpu.memory_space<vmem>>, vector<16xi32>,
    %get3A_907 = vector.shape_cast %get3A_906 : vector<16xi32> to vector<16xi32>
    %get3A_908 = arith.constant 336 : index
    %get3A_909 = tpu.vector_load %arg19[%get3A_908] {strides = array<i32>} : memref<512xi32, #tpu.memory_space<vmem>>, vector<16xi32>,
    %get3A_910 = vector.shape_cast %get3A_909 : vector<16xi32> to vector<16xi32>
    %mul3A_911 = arith.constant 106496 : i32
    %mul3A_912 = vector.broadcast %mul3A_911 : i32 to vector<16xi32>
    %mul3A_913 = arith.muli %get3A_904, %mul3A_912 : vector<16xi32>
    %shift_right_arithmetic3A_914 = arith.constant 3 : i32
    %shift_right_arithmetic3A_915 = vector.broadcast %shift_right_arithmetic3A_914 : i32 to vector<16xi32>
    %shift_right_arithmetic3A_916 = arith.shrsi %get3A_907, %shift_right_arithmetic3A_915 : vector<16xi32>
    %mul3A_917 = arith.constant 8192 : i32
    %mul3A_918 = vector.broadcast %mul3A_917 : i32 to vector<16xi32>
    %mul3A_919 = arith.muli %shift_right_arithmetic3A_916, %mul3A_918 : vector<16xi32>
    %add3A_920 = arith.addi %mul3A_913, %mul3A_919 : vector<16xi32>
    %shift_right_arithmetic3A_921 = arith.constant 7 : i32
    %shift_right_arithmetic3A_922 = vector.broadcast %shift_right_arithmetic3A_921 : i32 to vector<16xi32>
    %shift_right_arithmetic3A_923 = arith.shrsi %get3A_910, %shift_right_arithmetic3A_922 : vector<16xi32>
    %mul3A_924 = arith.constant 1024 : i32
    %mul3A_925 = vector.broadcast %mul3A_924 : i32 to vector<16xi32>
    %mul3A_926 = arith.muli %shift_right_arithmetic3A_923, %mul3A_925 : vector<16xi32>
    %add3A_927 = arith.addi %add3A_920, %mul3A_926 : vector<16xi32>
    %and3A_928 = arith.constant 7 : i32
    %and3A_929 = vector.broadcast %and3A_928 : i32 to vector<16xi32>
    %and3A_930 = arith.andi %get3A_907, %and3A_929 : vector<16xi32>
    %mul3A_931 = arith.constant 128 : i32
    %mul3A_932 = vector.broadcast %mul3A_931 : i32 to vector<16xi32>
    %mul3A_933 = arith.muli %and3A_930, %mul3A_932 : vector<16xi32>
    %add3A_934 = arith.addi %add3A_927, %mul3A_933 : vector<16xi32>
    %and3A_935 = arith.constant 127 : i32
    %and3A_936 = vector.broadcast %and3A_935 : i32 to vector<16xi32>
    %and3A_937 = arith.andi %get3A_910, %and3A_936 : vector<16xi32>
    %add3A_938 = arith.addi %add3A_934, %and3A_937 : vector<16xi32>
    %swap3A_939 = arith.constant 2 : i32
    %swap3A_940 = arith.index_cast %swap3A_939 : i32 to index
    %swap3A_941 = arith.constant 80 : index
    %swap3A_942 = tpu.vector_load %arg24[%swap3A_940, %swap3A_941] {strides = array<i32>} : memref<4x128xi32, #tpu.memory_space<vmem>>, vector<1x16xi32>,
    %swap3A_943 = vector.shape_cast %swap3A_942 : vector<1x16xi32> to vector<16xi32>
    %swap3A_944 = vector.shape_cast %add3A_938 : vector<16xi32> to vector<1x16xi32>
    tpu.vector_store %arg24[%swap3A_940, %swap3A_941], %swap3A_944 {strides = array<i32>} : memref<4x128xi32, #tpu.memory_space<vmem>>, vector<1x16xi32>,
    %get3A_945 = arith.constant 352 : index
    %get3A_946 = tpu.vector_load %arg20[%get3A_945] {strides = array<i32>} : memref<512xi32, #tpu.memory_space<vmem>>, vector<16xi32>,
    %get3A_947 = vector.shape_cast %get3A_946 : vector<16xi32> to vector<16xi32>
    %get3A_948 = arith.constant 352 : index
    %get3A_949 = tpu.vector_load %arg21[%get3A_948] {strides = array<i32>} : memref<512xi32, #tpu.memory_space<vmem>>, vector<16xi32>,
    %get3A_950 = vector.shape_cast %get3A_949 : vector<16xi32> to vector<16xi32>
    %get3A_951 = arith.constant 352 : index
    %get3A_952 = tpu.vector_load %arg19[%get3A_951] {strides = array<i32>} : memref<512xi32, #tpu.memory_space<vmem>>, vector<16xi32>,
    %get3A_953 = vector.shape_cast %get3A_952 : vector<16xi32> to vector<16xi32>
    %mul3A_954 = arith.constant 106496 : i32
    %mul3A_955 = vector.broadcast %mul3A_954 : i32 to vector<16xi32>
    %mul3A_956 = arith.muli %get3A_947, %mul3A_955 : vector<16xi32>
    %shift_right_arithmetic3A_957 = arith.constant 3 : i32
    %shift_right_arithmetic3A_958 = vector.broadcast %shift_right_arithmetic3A_957 : i32 to vector<16xi32>
    %shift_right_arithmetic3A_959 = arith.shrsi %get3A_950, %shift_right_arithmetic3A_958 : vector<16xi32>
    %mul3A_960 = arith.constant 8192 : i32
    %mul3A_961 = vector.broadcast %mul3A_960 : i32 to vector<16xi32>
    %mul3A_962 = arith.muli %shift_right_arithmetic3A_959, %mul3A_961 : vector<16xi32>
    %add3A_963 = arith.addi %mul3A_956, %mul3A_962 : vector<16xi32>
    %shift_right_arithmetic3A_964 = arith.constant 7 : i32
    %shift_right_arithmetic3A_965 = vector.broadcast %shift_right_arithmetic3A_964 : i32 to vector<16xi32>
    %shift_right_arithmetic3A_966 = arith.shrsi %get3A_953, %shift_right_arithmetic3A_965 : vector<16xi32>
    %mul3A_967 = arith.constant 1024 : i32
    %mul3A_968 = vector.broadcast %mul3A_967 : i32 to vector<16xi32>
    %mul3A_969 = arith.muli %shift_right_arithmetic3A_966, %mul3A_968 : vector<16xi32>
    %add3A_970 = arith.addi %add3A_963, %mul3A_969 : vector<16xi32>
    %and3A_971 = arith.constant 7 : i32
    %and3A_972 = vector.broadcast %and3A_971 : i32 to vector<16xi32>
    %and3A_973 = arith.andi %get3A_950, %and3A_972 : vector<16xi32>
    %mul3A_974 = arith.constant 128 : i32
    %mul3A_975 = vector.broadcast %mul3A_974 : i32 to vector<16xi32>
    %mul3A_976 = arith.muli %and3A_973, %mul3A_975 : vector<16xi32>
    %add3A_977 = arith.addi %add3A_970, %mul3A_976 : vector<16xi32>
    %and3A_978 = arith.constant 127 : i32
    %and3A_979 = vector.broadcast %and3A_978 : i32 to vector<16xi32>
    %and3A_980 = arith.andi %get3A_953, %and3A_979 : vector<16xi32>
    %add3A_981 = arith.addi %add3A_977, %and3A_980 : vector<16xi32>
    %swap3A_982 = arith.constant 2 : i32
    %swap3A_983 = arith.index_cast %swap3A_982 : i32 to index
    %swap3A_984 = arith.constant 96 : index
    %swap3A_985 = tpu.vector_load %arg24[%swap3A_983, %swap3A_984] {strides = array<i32>} : memref<4x128xi32, #tpu.memory_space<vmem>>, vector<1x16xi32>,
    %swap3A_986 = vector.shape_cast %swap3A_985 : vector<1x16xi32> to vector<16xi32>
    %swap3A_987 = vector.shape_cast %add3A_981 : vector<16xi32> to vector<1x16xi32>
    tpu.vector_store %arg24[%swap3A_983, %swap3A_984], %swap3A_987 {strides = array<i32>} : memref<4x128xi32, #tpu.memory_space<vmem>>, vector<1x16xi32>,
    %get3A_988 = arith.constant 368 : index
    %get3A_989 = tpu.vector_load %arg20[%get3A_988] {strides = array<i32>} : memref<512xi32, #tpu.memory_space<vmem>>, vector<16xi32>,
    %get3A_990 = vector.shape_cast %get3A_989 : vector<16xi32> to vector<16xi32>
    %get3A_991 = arith.constant 368 : index
    %get3A_992 = tpu.vector_load %arg21[%get3A_991] {strides = array<i32>} : memref<512xi32, #tpu.memory_space<vmem>>, vector<16xi32>,
    %get3A_993 = vector.shape_cast %get3A_992 : vector<16xi32> to vector<16xi32>
    %get3A_994 = arith.constant 368 : index
    %get3A_995 = tpu.vector_load %arg19[%get3A_994] {strides = array<i32>} : memref<512xi32, #tpu.memory_space<vmem>>, vector<16xi32>,
    %get3A_996 = vector.shape_cast %get3A_995 : vector<16xi32> to vector<16xi32>
    %mul3A_997 = arith.constant 106496 : i32
    %mul3A_998 = vector.broadcast %mul3A_997 : i32 to vector<16xi32>
    %mul3A_999 = arith.muli %get3A_990, %mul3A_998 : vector<16xi32>
    %shift_right_arithmetic3A_1000 = arith.constant 3 : i32
    %shift_right_arithmetic3A_1001 = vector.broadcast %shift_right_arithmetic3A_1000 : i32 to vector<16xi32>
    %shift_right_arithmetic3A_1002 = arith.shrsi %get3A_993, %shift_right_arithmetic3A_1001 : vector<16xi32>
    %mul3A_1003 = arith.constant 8192 : i32
    %mul3A_1004 = vector.broadcast %mul3A_1003 : i32 to vector<16xi32>
    %mul3A_1005 = arith.muli %shift_right_arithmetic3A_1002, %mul3A_1004 : vector<16xi32>
    %add3A_1006 = arith.addi %mul3A_999, %mul3A_1005 : vector<16xi32>
    %shift_right_arithmetic3A_1007 = arith.constant 7 : i32
    %shift_right_arithmetic3A_1008 = vector.broadcast %shift_right_arithmetic3A_1007 : i32 to vector<16xi32>
    %shift_right_arithmetic3A_1009 = arith.shrsi %get3A_996, %shift_right_arithmetic3A_1008 : vector<16xi32>
    %mul3A_1010 = arith.constant 1024 : i32
    %mul3A_1011 = vector.broadcast %mul3A_1010 : i32 to vector<16xi32>
    %mul3A_1012 = arith.muli %shift_right_arithmetic3A_1009, %mul3A_1011 : vector<16xi32>
    %add3A_1013 = arith.addi %add3A_1006, %mul3A_1012 : vector<16xi32>
    %and3A_1014 = arith.constant 7 : i32
    %and3A_1015 = vector.broadcast %and3A_1014 : i32 to vector<16xi32>
    %and3A_1016 = arith.andi %get3A_993, %and3A_1015 : vector<16xi32>
    %mul3A_1017 = arith.constant 128 : i32
    %mul3A_1018 = vector.broadcast %mul3A_1017 : i32 to vector<16xi32>
    %mul3A_1019 = arith.muli %and3A_1016, %mul3A_1018 : vector<16xi32>
    %add3A_1020 = arith.addi %add3A_1013, %mul3A_1019 : vector<16xi32>
    %and3A_1021 = arith.constant 127 : i32
    %and3A_1022 = vector.broadcast %and3A_1021 : i32 to vector<16xi32>
    %and3A_1023 = arith.andi %get3A_996, %and3A_1022 : vector<16xi32>
    %add3A_1024 = arith.addi %add3A_1020, %and3A_1023 : vector<16xi32>
    %swap3A_1025 = arith.constant 2 : i32
    %swap3A_1026 = arith.index_cast %swap3A_1025 : i32 to index
    %swap3A_1027 = arith.constant 112 : index
    %swap3A_1028 = tpu.vector_load %arg24[%swap3A_1026, %swap3A_1027] {strides = array<i32>} : memref<4x128xi32, #tpu.memory_space<vmem>>, vector<1x16xi32>,
    %swap3A_1029 = vector.shape_cast %swap3A_1028 : vector<1x16xi32> to vector<16xi32>
    %swap3A_1030 = vector.shape_cast %add3A_1024 : vector<16xi32> to vector<1x16xi32>
    tpu.vector_store %arg24[%swap3A_1026, %swap3A_1027], %swap3A_1030 {strides = array<i32>} : memref<4x128xi32, #tpu.memory_space<vmem>>, vector<1x16xi32>,
    %get3A_1031 = arith.constant 384 : index
    %get3A_1032 = tpu.vector_load %arg20[%get3A_1031] {strides = array<i32>} : memref<512xi32, #tpu.memory_space<vmem>>, vector<16xi32>,
    %get3A_1033 = vector.shape_cast %get3A_1032 : vector<16xi32> to vector<16xi32>
    %get3A_1034 = arith.constant 384 : index
    %get3A_1035 = tpu.vector_load %arg21[%get3A_1034] {strides = array<i32>} : memref<512xi32, #tpu.memory_space<vmem>>, vector<16xi32>,
    %get3A_1036 = vector.shape_cast %get3A_1035 : vector<16xi32> to vector<16xi32>
    %get3A_1037 = arith.constant 384 : index
    %get3A_1038 = tpu.vector_load %arg19[%get3A_1037] {strides = array<i32>} : memref<512xi32, #tpu.memory_space<vmem>>, vector<16xi32>,
    %get3A_1039 = vector.shape_cast %get3A_1038 : vector<16xi32> to vector<16xi32>
    %mul3A_1040 = arith.constant 106496 : i32
    %mul3A_1041 = vector.broadcast %mul3A_1040 : i32 to vector<16xi32>
    %mul3A_1042 = arith.muli %get3A_1033, %mul3A_1041 : vector<16xi32>
    %shift_right_arithmetic3A_1043 = arith.constant 3 : i32
    %shift_right_arithmetic3A_1044 = vector.broadcast %shift_right_arithmetic3A_1043 : i32 to vector<16xi32>
    %shift_right_arithmetic3A_1045 = arith.shrsi %get3A_1036, %shift_right_arithmetic3A_1044 : vector<16xi32>
    %mul3A_1046 = arith.constant 8192 : i32
    %mul3A_1047 = vector.broadcast %mul3A_1046 : i32 to vector<16xi32>
    %mul3A_1048 = arith.muli %shift_right_arithmetic3A_1045, %mul3A_1047 : vector<16xi32>
    %add3A_1049 = arith.addi %mul3A_1042, %mul3A_1048 : vector<16xi32>
    %shift_right_arithmetic3A_1050 = arith.constant 7 : i32
    %shift_right_arithmetic3A_1051 = vector.broadcast %shift_right_arithmetic3A_1050 : i32 to vector<16xi32>
    %shift_right_arithmetic3A_1052 = arith.shrsi %get3A_1039, %shift_right_arithmetic3A_1051 : vector<16xi32>
    %mul3A_1053 = arith.constant 1024 : i32
    %mul3A_1054 = vector.broadcast %mul3A_1053 : i32 to vector<16xi32>
    %mul3A_1055 = arith.muli %shift_right_arithmetic3A_1052, %mul3A_1054 : vector<16xi32>
    %add3A_1056 = arith.addi %add3A_1049, %mul3A_1055 : vector<16xi32>
    %and3A_1057 = arith.constant 7 : i32
    %and3A_1058 = vector.broadcast %and3A_1057 : i32 to vector<16xi32>
    %and3A_1059 = arith.andi %get3A_1036, %and3A_1058 : vector<16xi32>
    %mul3A_1060 = arith.constant 128 : i32
    %mul3A_1061 = vector.broadcast %mul3A_1060 : i32 to vector<16xi32>
    %mul3A_1062 = arith.muli %and3A_1059, %mul3A_1061 : vector<16xi32>
    %add3A_1063 = arith.addi %add3A_1056, %mul3A_1062 : vector<16xi32>
    %and3A_1064 = arith.constant 127 : i32
    %and3A_1065 = vector.broadcast %and3A_1064 : i32 to vector<16xi32>
    %and3A_1066 = arith.andi %get3A_1039, %and3A_1065 : vector<16xi32>
    %add3A_1067 = arith.addi %add3A_1063, %and3A_1066 : vector<16xi32>
    %swap3A_1068 = arith.constant 3 : i32
    %swap3A_1069 = arith.index_cast %swap3A_1068 : i32 to index
    %swap3A_1070 = arith.constant 0 : index
    %swap3A_1071 = tpu.vector_load %arg24[%swap3A_1069, %swap3A_1070] {strides = array<i32>} : memref<4x128xi32, #tpu.memory_space<vmem>>, vector<1x16xi32>,
    %swap3A_1072 = vector.shape_cast %swap3A_1071 : vector<1x16xi32> to vector<16xi32>
    %swap3A_1073 = vector.shape_cast %add3A_1067 : vector<16xi32> to vector<1x16xi32>
    tpu.vector_store %arg24[%swap3A_1069, %swap3A_1070], %swap3A_1073 {strides = array<i32>} : memref<4x128xi32, #tpu.memory_space<vmem>>, vector<1x16xi32>,
    %get3A_1074 = arith.constant 400 : index
    %get3A_1075 = tpu.vector_load %arg20[%get3A_1074] {strides = array<i32>} : memref<512xi32, #tpu.memory_space<vmem>>, vector<16xi32>,
    %get3A_1076 = vector.shape_cast %get3A_1075 : vector<16xi32> to vector<16xi32>
    %get3A_1077 = arith.constant 400 : index
    %get3A_1078 = tpu.vector_load %arg21[%get3A_1077] {strides = array<i32>} : memref<512xi32, #tpu.memory_space<vmem>>, vector<16xi32>,
    %get3A_1079 = vector.shape_cast %get3A_1078 : vector<16xi32> to vector<16xi32>
    %get3A_1080 = arith.constant 400 : index
    %get3A_1081 = tpu.vector_load %arg19[%get3A_1080] {strides = array<i32>} : memref<512xi32, #tpu.memory_space<vmem>>, vector<16xi32>,
    %get3A_1082 = vector.shape_cast %get3A_1081 : vector<16xi32> to vector<16xi32>
    %mul3A_1083 = arith.constant 106496 : i32
    %mul3A_1084 = vector.broadcast %mul3A_1083 : i32 to vector<16xi32>
    %mul3A_1085 = arith.muli %get3A_1076, %mul3A_1084 : vector<16xi32>
    %shift_right_arithmetic3A_1086 = arith.constant 3 : i32
    %shift_right_arithmetic3A_1087 = vector.broadcast %shift_right_arithmetic3A_1086 : i32 to vector<16xi32>
    %shift_right_arithmetic3A_1088 = arith.shrsi %get3A_1079, %shift_right_arithmetic3A_1087 : vector<16xi32>
    %mul3A_1089 = arith.constant 8192 : i32
    %mul3A_1090 = vector.broadcast %mul3A_1089 : i32 to vector<16xi32>
    %mul3A_1091 = arith.muli %shift_right_arithmetic3A_1088, %mul3A_1090 : vector<16xi32>
    %add3A_1092 = arith.addi %mul3A_1085, %mul3A_1091 : vector<16xi32>
    %shift_right_arithmetic3A_1093 = arith.constant 7 : i32
    %shift_right_arithmetic3A_1094 = vector.broadcast %shift_right_arithmetic3A_1093 : i32 to vector<16xi32>
    %shift_right_arithmetic3A_1095 = arith.shrsi %get3A_1082, %shift_right_arithmetic3A_1094 : vector<16xi32>
    %mul3A_1096 = arith.constant 1024 : i32
    %mul3A_1097 = vector.broadcast %mul3A_1096 : i32 to vector<16xi32>
    %mul3A_1098 = arith.muli %shift_right_arithmetic3A_1095, %mul3A_1097 : vector<16xi32>
    %add3A_1099 = arith.addi %add3A_1092, %mul3A_1098 : vector<16xi32>
    %and3A_1100 = arith.constant 7 : i32
    %and3A_1101 = vector.broadcast %and3A_1100 : i32 to vector<16xi32>
    %and3A_1102 = arith.andi %get3A_1079, %and3A_1101 : vector<16xi32>
    %mul3A_1103 = arith.constant 128 : i32
    %mul3A_1104 = vector.broadcast %mul3A_1103 : i32 to vector<16xi32>
    %mul3A_1105 = arith.muli %and3A_1102, %mul3A_1104 : vector<16xi32>
    %add3A_1106 = arith.addi %add3A_1099, %mul3A_1105 : vector<16xi32>
    %and3A_1107 = arith.constant 127 : i32
    %and3A_1108 = vector.broadcast %and3A_1107 : i32 to vector<16xi32>
    %and3A_1109 = arith.andi %get3A_1082, %and3A_1108 : vector<16xi32>
    %add3A_1110 = arith.addi %add3A_1106, %and3A_1109 : vector<16xi32>
    %swap3A_1111 = arith.constant 3 : i32
    %swap3A_1112 = arith.index_cast %swap3A_1111 : i32 to index
    %swap3A_1113 = arith.constant 16 : index
    %swap3A_1114 = tpu.vector_load %arg24[%swap3A_1112, %swap3A_1113] {strides = array<i32>} : memref<4x128xi32, #tpu.memory_space<vmem>>, vector<1x16xi32>,
    %swap3A_1115 = vector.shape_cast %swap3A_1114 : vector<1x16xi32> to vector<16xi32>
    %swap3A_1116 = vector.shape_cast %add3A_1110 : vector<16xi32> to vector<1x16xi32>
    tpu.vector_store %arg24[%swap3A_1112, %swap3A_1113], %swap3A_1116 {strides = array<i32>} : memref<4x128xi32, #tpu.memory_space<vmem>>, vector<1x16xi32>,
    %get3A_1117 = arith.constant 416 : index
    %get3A_1118 = tpu.vector_load %arg20[%get3A_1117] {strides = array<i32>} : memref<512xi32, #tpu.memory_space<vmem>>, vector<16xi32>,
    %get3A_1119 = vector.shape_cast %get3A_1118 : vector<16xi32> to vector<16xi32>
    %get3A_1120 = arith.constant 416 : index
    %get3A_1121 = tpu.vector_load %arg21[%get3A_1120] {strides = array<i32>} : memref<512xi32, #tpu.memory_space<vmem>>, vector<16xi32>,
    %get3A_1122 = vector.shape_cast %get3A_1121 : vector<16xi32> to vector<16xi32>
    %get3A_1123 = arith.constant 416 : index
    %get3A_1124 = tpu.vector_load %arg19[%get3A_1123] {strides = array<i32>} : memref<512xi32, #tpu.memory_space<vmem>>, vector<16xi32>,
    %get3A_1125 = vector.shape_cast %get3A_1124 : vector<16xi32> to vector<16xi32>
    %mul3A_1126 = arith.constant 106496 : i32
    %mul3A_1127 = vector.broadcast %mul3A_1126 : i32 to vector<16xi32>
    %mul3A_1128 = arith.muli %get3A_1119, %mul3A_1127 : vector<16xi32>
    %shift_right_arithmetic3A_1129 = arith.constant 3 : i32
    %shift_right_arithmetic3A_1130 = vector.broadcast %shift_right_arithmetic3A_1129 : i32 to vector<16xi32>
    %shift_right_arithmetic3A_1131 = arith.shrsi %get3A_1122, %shift_right_arithmetic3A_1130 : vector<16xi32>
    %mul3A_1132 = arith.constant 8192 : i32
    %mul3A_1133 = vector.broadcast %mul3A_1132 : i32 to vector<16xi32>
    %mul3A_1134 = arith.muli %shift_right_arithmetic3A_1131, %mul3A_1133 : vector<16xi32>
    %add3A_1135 = arith.addi %mul3A_1128, %mul3A_1134 : vector<16xi32>
    %shift_right_arithmetic3A_1136 = arith.constant 7 : i32
    %shift_right_arithmetic3A_1137 = vector.broadcast %shift_right_arithmetic3A_1136 : i32 to vector<16xi32>
    %shift_right_arithmetic3A_1138 = arith.shrsi %get3A_1125, %shift_right_arithmetic3A_1137 : vector<16xi32>
    %mul3A_1139 = arith.constant 1024 : i32
    %mul3A_1140 = vector.broadcast %mul3A_1139 : i32 to vector<16xi32>
    %mul3A_1141 = arith.muli %shift_right_arithmetic3A_1138, %mul3A_1140 : vector<16xi32>
    %add3A_1142 = arith.addi %add3A_1135, %mul3A_1141 : vector<16xi32>
    %and3A_1143 = arith.constant 7 : i32
    %and3A_1144 = vector.broadcast %and3A_1143 : i32 to vector<16xi32>
    %and3A_1145 = arith.andi %get3A_1122, %and3A_1144 : vector<16xi32>
    %mul3A_1146 = arith.constant 128 : i32
    %mul3A_1147 = vector.broadcast %mul3A_1146 : i32 to vector<16xi32>
    %mul3A_1148 = arith.muli %and3A_1145, %mul3A_1147 : vector<16xi32>
    %add3A_1149 = arith.addi %add3A_1142, %mul3A_1148 : vector<16xi32>
    %and3A_1150 = arith.constant 127 : i32
    %and3A_1151 = vector.broadcast %and3A_1150 : i32 to vector<16xi32>
    %and3A_1152 = arith.andi %get3A_1125, %and3A_1151 : vector<16xi32>
    %add3A_1153 = arith.addi %add3A_1149, %and3A_1152 : vector<16xi32>
    %swap3A_1154 = arith.constant 3 : i32
    %swap3A_1155 = arith.index_cast %swap3A_1154 : i32 to index
    %swap3A_1156 = arith.constant 32 : index
    %swap3A_1157 = tpu.vector_load %arg24[%swap3A_1155, %swap3A_1156] {strides = array<i32>} : memref<4x128xi32, #tpu.memory_space<vmem>>, vector<1x16xi32>,
    %swap3A_1158 = vector.shape_cast %swap3A_1157 : vector<1x16xi32> to vector<16xi32>
    %swap3A_1159 = vector.shape_cast %add3A_1153 : vector<16xi32> to vector<1x16xi32>
    tpu.vector_store %arg24[%swap3A_1155, %swap3A_1156], %swap3A_1159 {strides = array<i32>} : memref<4x128xi32, #tpu.memory_space<vmem>>, vector<1x16xi32>,
    %get3A_1160 = arith.constant 432 : index
    %get3A_1161 = tpu.vector_load %arg20[%get3A_1160] {strides = array<i32>} : memref<512xi32, #tpu.memory_space<vmem>>, vector<16xi32>,
    %get3A_1162 = vector.shape_cast %get3A_1161 : vector<16xi32> to vector<16xi32>
    %get3A_1163 = arith.constant 432 : index
    %get3A_1164 = tpu.vector_load %arg21[%get3A_1163] {strides = array<i32>} : memref<512xi32, #tpu.memory_space<vmem>>, vector<16xi32>,
    %get3A_1165 = vector.shape_cast %get3A_1164 : vector<16xi32> to vector<16xi32>
    %get3A_1166 = arith.constant 432 : index
    %get3A_1167 = tpu.vector_load %arg19[%get3A_1166] {strides = array<i32>} : memref<512xi32, #tpu.memory_space<vmem>>, vector<16xi32>,
    %get3A_1168 = vector.shape_cast %get3A_1167 : vector<16xi32> to vector<16xi32>
    %mul3A_1169 = arith.constant 106496 : i32
    %mul3A_1170 = vector.broadcast %mul3A_1169 : i32 to vector<16xi32>
    %mul3A_1171 = arith.muli %get3A_1162, %mul3A_1170 : vector<16xi32>
    %shift_right_arithmetic3A_1172 = arith.constant 3 : i32
    %shift_right_arithmetic3A_1173 = vector.broadcast %shift_right_arithmetic3A_1172 : i32 to vector<16xi32>
    %shift_right_arithmetic3A_1174 = arith.shrsi %get3A_1165, %shift_right_arithmetic3A_1173 : vector<16xi32>
    %mul3A_1175 = arith.constant 8192 : i32
    %mul3A_1176 = vector.broadcast %mul3A_1175 : i32 to vector<16xi32>
    %mul3A_1177 = arith.muli %shift_right_arithmetic3A_1174, %mul3A_1176 : vector<16xi32>
    %add3A_1178 = arith.addi %mul3A_1171, %mul3A_1177 : vector<16xi32>
    %shift_right_arithmetic3A_1179 = arith.constant 7 : i32
    %shift_right_arithmetic3A_1180 = vector.broadcast %shift_right_arithmetic3A_1179 : i32 to vector<16xi32>
    %shift_right_arithmetic3A_1181 = arith.shrsi %get3A_1168, %shift_right_arithmetic3A_1180 : vector<16xi32>
    %mul3A_1182 = arith.constant 1024 : i32
    %mul3A_1183 = vector.broadcast %mul3A_1182 : i32 to vector<16xi32>
    %mul3A_1184 = arith.muli %shift_right_arithmetic3A_1181, %mul3A_1183 : vector<16xi32>
    %add3A_1185 = arith.addi %add3A_1178, %mul3A_1184 : vector<16xi32>
    %and3A_1186 = arith.constant 7 : i32
    %and3A_1187 = vector.broadcast %and3A_1186 : i32 to vector<16xi32>
    %and3A_1188 = arith.andi %get3A_1165, %and3A_1187 : vector<16xi32>
    %mul3A_1189 = arith.constant 128 : i32
    %mul3A_1190 = vector.broadcast %mul3A_1189 : i32 to vector<16xi32>
    %mul3A_1191 = arith.muli %and3A_1188, %mul3A_1190 : vector<16xi32>
    %add3A_1192 = arith.addi %add3A_1185, %mul3A_1191 : vector<16xi32>
    %and3A_1193 = arith.constant 127 : i32
    %and3A_1194 = vector.broadcast %and3A_1193 : i32 to vector<16xi32>
    %and3A_1195 = arith.andi %get3A_1168, %and3A_1194 : vector<16xi32>
    %add3A_1196 = arith.addi %add3A_1192, %and3A_1195 : vector<16xi32>
    %swap3A_1197 = arith.constant 3 : i32
    %swap3A_1198 = arith.index_cast %swap3A_1197 : i32 to index
    %swap3A_1199 = arith.constant 48 : index
    %swap3A_1200 = tpu.vector_load %arg24[%swap3A_1198, %swap3A_1199] {strides = array<i32>} : memref<4x128xi32, #tpu.memory_space<vmem>>, vector<1x16xi32>,
    %swap3A_1201 = vector.shape_cast %swap3A_1200 : vector<1x16xi32> to vector<16xi32>
    %swap3A_1202 = vector.shape_cast %add3A_1196 : vector<16xi32> to vector<1x16xi32>
    tpu.vector_store %arg24[%swap3A_1198, %swap3A_1199], %swap3A_1202 {strides = array<i32>} : memref<4x128xi32, #tpu.memory_space<vmem>>, vector<1x16xi32>,
    %get3A_1203 = arith.constant 448 : index
    %get3A_1204 = tpu.vector_load %arg20[%get3A_1203] {strides = array<i32>} : memref<512xi32, #tpu.memory_space<vmem>>, vector<16xi32>,
    %get3A_1205 = vector.shape_cast %get3A_1204 : vector<16xi32> to vector<16xi32>
    %get3A_1206 = arith.constant 448 : index
    %get3A_1207 = tpu.vector_load %arg21[%get3A_1206] {strides = array<i32>} : memref<512xi32, #tpu.memory_space<vmem>>, vector<16xi32>,
    %get3A_1208 = vector.shape_cast %get3A_1207 : vector<16xi32> to vector<16xi32>
    %get3A_1209 = arith.constant 448 : index
    %get3A_1210 = tpu.vector_load %arg19[%get3A_1209] {strides = array<i32>} : memref<512xi32, #tpu.memory_space<vmem>>, vector<16xi32>,
    %get3A_1211 = vector.shape_cast %get3A_1210 : vector<16xi32> to vector<16xi32>
    %mul3A_1212 = arith.constant 106496 : i32
    %mul3A_1213 = vector.broadcast %mul3A_1212 : i32 to vector<16xi32>
    %mul3A_1214 = arith.muli %get3A_1205, %mul3A_1213 : vector<16xi32>
    %shift_right_arithmetic3A_1215 = arith.constant 3 : i32
    %shift_right_arithmetic3A_1216 = vector.broadcast %shift_right_arithmetic3A_1215 : i32 to vector<16xi32>
    %shift_right_arithmetic3A_1217 = arith.shrsi %get3A_1208, %shift_right_arithmetic3A_1216 : vector<16xi32>
    %mul3A_1218 = arith.constant 8192 : i32
    %mul3A_1219 = vector.broadcast %mul3A_1218 : i32 to vector<16xi32>
    %mul3A_1220 = arith.muli %shift_right_arithmetic3A_1217, %mul3A_1219 : vector<16xi32>
    %add3A_1221 = arith.addi %mul3A_1214, %mul3A_1220 : vector<16xi32>
    %shift_right_arithmetic3A_1222 = arith.constant 7 : i32
    %shift_right_arithmetic3A_1223 = vector.broadcast %shift_right_arithmetic3A_1222 : i32 to vector<16xi32>
    %shift_right_arithmetic3A_1224 = arith.shrsi %get3A_1211, %shift_right_arithmetic3A_1223 : vector<16xi32>
    %mul3A_1225 = arith.constant 1024 : i32
    %mul3A_1226 = vector.broadcast %mul3A_1225 : i32 to vector<16xi32>
    %mul3A_1227 = arith.muli %shift_right_arithmetic3A_1224, %mul3A_1226 : vector<16xi32>
    %add3A_1228 = arith.addi %add3A_1221, %mul3A_1227 : vector<16xi32>
    %and3A_1229 = arith.constant 7 : i32
    %and3A_1230 = vector.broadcast %and3A_1229 : i32 to vector<16xi32>
    %and3A_1231 = arith.andi %get3A_1208, %and3A_1230 : vector<16xi32>
    %mul3A_1232 = arith.constant 128 : i32
    %mul3A_1233 = vector.broadcast %mul3A_1232 : i32 to vector<16xi32>
    %mul3A_1234 = arith.muli %and3A_1231, %mul3A_1233 : vector<16xi32>
    %add3A_1235 = arith.addi %add3A_1228, %mul3A_1234 : vector<16xi32>
    %and3A_1236 = arith.constant 127 : i32
    %and3A_1237 = vector.broadcast %and3A_1236 : i32 to vector<16xi32>
    %and3A_1238 = arith.andi %get3A_1211, %and3A_1237 : vector<16xi32>
    %add3A_1239 = arith.addi %add3A_1235, %and3A_1238 : vector<16xi32>
    %swap3A_1240 = arith.constant 3 : i32
    %swap3A_1241 = arith.index_cast %swap3A_1240 : i32 to index
    %swap3A_1242 = arith.constant 64 : index
    %swap3A_1243 = tpu.vector_load %arg24[%swap3A_1241, %swap3A_1242] {strides = array<i32>} : memref<4x128xi32, #tpu.memory_space<vmem>>, vector<1x16xi32>,
    %swap3A_1244 = vector.shape_cast %swap3A_1243 : vector<1x16xi32> to vector<16xi32>
    %swap3A_1245 = vector.shape_cast %add3A_1239 : vector<16xi32> to vector<1x16xi32>
    tpu.vector_store %arg24[%swap3A_1241, %swap3A_1242], %swap3A_1245 {strides = array<i32>} : memref<4x128xi32, #tpu.memory_space<vmem>>, vector<1x16xi32>,
    %get3A_1246 = arith.constant 464 : index
    %get3A_1247 = tpu.vector_load %arg20[%get3A_1246] {strides = array<i32>} : memref<512xi32, #tpu.memory_space<vmem>>, vector<16xi32>,
    %get3A_1248 = vector.shape_cast %get3A_1247 : vector<16xi32> to vector<16xi32>
    %get3A_1249 = arith.constant 464 : index
    %get3A_1250 = tpu.vector_load %arg21[%get3A_1249] {strides = array<i32>} : memref<512xi32, #tpu.memory_space<vmem>>, vector<16xi32>,
    %get3A_1251 = vector.shape_cast %get3A_1250 : vector<16xi32> to vector<16xi32>
    %get3A_1252 = arith.constant 464 : index
    %get3A_1253 = tpu.vector_load %arg19[%get3A_1252] {strides = array<i32>} : memref<512xi32, #tpu.memory_space<vmem>>, vector<16xi32>,
    %get3A_1254 = vector.shape_cast %get3A_1253 : vector<16xi32> to vector<16xi32>
    %mul3A_1255 = arith.constant 106496 : i32
    %mul3A_1256 = vector.broadcast %mul3A_1255 : i32 to vector<16xi32>
    %mul3A_1257 = arith.muli %get3A_1248, %mul3A_1256 : vector<16xi32>
    %shift_right_arithmetic3A_1258 = arith.constant 3 : i32
    %shift_right_arithmetic3A_1259 = vector.broadcast %shift_right_arithmetic3A_1258 : i32 to vector<16xi32>
    %shift_right_arithmetic3A_1260 = arith.shrsi %get3A_1251, %shift_right_arithmetic3A_1259 : vector<16xi32>
    %mul3A_1261 = arith.constant 8192 : i32
    %mul3A_1262 = vector.broadcast %mul3A_1261 : i32 to vector<16xi32>
    %mul3A_1263 = arith.muli %shift_right_arithmetic3A_1260, %mul3A_1262 : vector<16xi32>
    %add3A_1264 = arith.addi %mul3A_1257, %mul3A_1263 : vector<16xi32>
    %shift_right_arithmetic3A_1265 = arith.constant 7 : i32
    %shift_right_arithmetic3A_1266 = vector.broadcast %shift_right_arithmetic3A_1265 : i32 to vector<16xi32>
    %shift_right_arithmetic3A_1267 = arith.shrsi %get3A_1254, %shift_right_arithmetic3A_1266 : vector<16xi32>
    %mul3A_1268 = arith.constant 1024 : i32
    %mul3A_1269 = vector.broadcast %mul3A_1268 : i32 to vector<16xi32>
    %mul3A_1270 = arith.muli %shift_right_arithmetic3A_1267, %mul3A_1269 : vector<16xi32>
    %add3A_1271 = arith.addi %add3A_1264, %mul3A_1270 : vector<16xi32>
    %and3A_1272 = arith.constant 7 : i32
    %and3A_1273 = vector.broadcast %and3A_1272 : i32 to vector<16xi32>
    %and3A_1274 = arith.andi %get3A_1251, %and3A_1273 : vector<16xi32>
    %mul3A_1275 = arith.constant 128 : i32
    %mul3A_1276 = vector.broadcast %mul3A_1275 : i32 to vector<16xi32>
    %mul3A_1277 = arith.muli %and3A_1274, %mul3A_1276 : vector<16xi32>
    %add3A_1278 = arith.addi %add3A_1271, %mul3A_1277 : vector<16xi32>
    %and3A_1279 = arith.constant 127 : i32
    %and3A_1280 = vector.broadcast %and3A_1279 : i32 to vector<16xi32>
    %and3A_1281 = arith.andi %get3A_1254, %and3A_1280 : vector<16xi32>
    %add3A_1282 = arith.addi %add3A_1278, %and3A_1281 : vector<16xi32>
    %swap3A_1283 = arith.constant 3 : i32
    %swap3A_1284 = arith.index_cast %swap3A_1283 : i32 to index
    %swap3A_1285 = arith.constant 80 : index
    %swap3A_1286 = tpu.vector_load %arg24[%swap3A_1284, %swap3A_1285] {strides = array<i32>} : memref<4x128xi32, #tpu.memory_space<vmem>>, vector<1x16xi32>,
    %swap3A_1287 = vector.shape_cast %swap3A_1286 : vector<1x16xi32> to vector<16xi32>
    %swap3A_1288 = vector.shape_cast %add3A_1282 : vector<16xi32> to vector<1x16xi32>
    tpu.vector_store %arg24[%swap3A_1284, %swap3A_1285], %swap3A_1288 {strides = array<i32>} : memref<4x128xi32, #tpu.memory_space<vmem>>, vector<1x16xi32>,
    %get3A_1289 = arith.constant 480 : index
    %get3A_1290 = tpu.vector_load %arg20[%get3A_1289] {strides = array<i32>} : memref<512xi32, #tpu.memory_space<vmem>>, vector<16xi32>,
    %get3A_1291 = vector.shape_cast %get3A_1290 : vector<16xi32> to vector<16xi32>
    %get3A_1292 = arith.constant 480 : index
    %get3A_1293 = tpu.vector_load %arg21[%get3A_1292] {strides = array<i32>} : memref<512xi32, #tpu.memory_space<vmem>>, vector<16xi32>,
    %get3A_1294 = vector.shape_cast %get3A_1293 : vector<16xi32> to vector<16xi32>
    %get3A_1295 = arith.constant 480 : index
    %get3A_1296 = tpu.vector_load %arg19[%get3A_1295] {strides = array<i32>} : memref<512xi32, #tpu.memory_space<vmem>>, vector<16xi32>,
    %get3A_1297 = vector.shape_cast %get3A_1296 : vector<16xi32> to vector<16xi32>
    %mul3A_1298 = arith.constant 106496 : i32
    %mul3A_1299 = vector.broadcast %mul3A_1298 : i32 to vector<16xi32>
    %mul3A_1300 = arith.muli %get3A_1291, %mul3A_1299 : vector<16xi32>
    %shift_right_arithmetic3A_1301 = arith.constant 3 : i32
    %shift_right_arithmetic3A_1302 = vector.broadcast %shift_right_arithmetic3A_1301 : i32 to vector<16xi32>
    %shift_right_arithmetic3A_1303 = arith.shrsi %get3A_1294, %shift_right_arithmetic3A_1302 : vector<16xi32>
    %mul3A_1304 = arith.constant 8192 : i32
    %mul3A_1305 = vector.broadcast %mul3A_1304 : i32 to vector<16xi32>
    %mul3A_1306 = arith.muli %shift_right_arithmetic3A_1303, %mul3A_1305 : vector<16xi32>
    %add3A_1307 = arith.addi %mul3A_1300, %mul3A_1306 : vector<16xi32>
    %shift_right_arithmetic3A_1308 = arith.constant 7 : i32
    %shift_right_arithmetic3A_1309 = vector.broadcast %shift_right_arithmetic3A_1308 : i32 to vector<16xi32>
    %shift_right_arithmetic3A_1310 = arith.shrsi %get3A_1297, %shift_right_arithmetic3A_1309 : vector<16xi32>
    %mul3A_1311 = arith.constant 1024 : i32
    %mul3A_1312 = vector.broadcast %mul3A_1311 : i32 to vector<16xi32>
    %mul3A_1313 = arith.muli %shift_right_arithmetic3A_1310, %mul3A_1312 : vector<16xi32>
    %add3A_1314 = arith.addi %add3A_1307, %mul3A_1313 : vector<16xi32>
    %and3A_1315 = arith.constant 7 : i32
    %and3A_1316 = vector.broadcast %and3A_1315 : i32 to vector<16xi32>
    %and3A_1317 = arith.andi %get3A_1294, %and3A_1316 : vector<16xi32>
    %mul3A_1318 = arith.constant 128 : i32
    %mul3A_1319 = vector.broadcast %mul3A_1318 : i32 to vector<16xi32>
    %mul3A_1320 = arith.muli %and3A_1317, %mul3A_1319 : vector<16xi32>
    %add3A_1321 = arith.addi %add3A_1314, %mul3A_1320 : vector<16xi32>
    %and3A_1322 = arith.constant 127 : i32
    %and3A_1323 = vector.broadcast %and3A_1322 : i32 to vector<16xi32>
    %and3A_1324 = arith.andi %get3A_1297, %and3A_1323 : vector<16xi32>
    %add3A_1325 = arith.addi %add3A_1321, %and3A_1324 : vector<16xi32>
    %swap3A_1326 = arith.constant 3 : i32
    %swap3A_1327 = arith.index_cast %swap3A_1326 : i32 to index
    %swap3A_1328 = arith.constant 96 : index
    %swap3A_1329 = tpu.vector_load %arg24[%swap3A_1327, %swap3A_1328] {strides = array<i32>} : memref<4x128xi32, #tpu.memory_space<vmem>>, vector<1x16xi32>,
    %swap3A_1330 = vector.shape_cast %swap3A_1329 : vector<1x16xi32> to vector<16xi32>
    %swap3A_1331 = vector.shape_cast %add3A_1325 : vector<16xi32> to vector<1x16xi32>
    tpu.vector_store %arg24[%swap3A_1327, %swap3A_1328], %swap3A_1331 {strides = array<i32>} : memref<4x128xi32, #tpu.memory_space<vmem>>, vector<1x16xi32>,
    %get3A_1332 = arith.constant 496 : index
    %get3A_1333 = tpu.vector_load %arg20[%get3A_1332] {strides = array<i32>} : memref<512xi32, #tpu.memory_space<vmem>>, vector<16xi32>,
    %get3A_1334 = vector.shape_cast %get3A_1333 : vector<16xi32> to vector<16xi32>
    %get3A_1335 = arith.constant 496 : index
    %get3A_1336 = tpu.vector_load %arg21[%get3A_1335] {strides = array<i32>} : memref<512xi32, #tpu.memory_space<vmem>>, vector<16xi32>,
    %get3A_1337 = vector.shape_cast %get3A_1336 : vector<16xi32> to vector<16xi32>
    %get3A_1338 = arith.constant 496 : index
    %get3A_1339 = tpu.vector_load %arg19[%get3A_1338] {strides = array<i32>} : memref<512xi32, #tpu.memory_space<vmem>>, vector<16xi32>,
    %get3A_1340 = vector.shape_cast %get3A_1339 : vector<16xi32> to vector<16xi32>
    %mul3A_1341 = arith.constant 106496 : i32
    %mul3A_1342 = vector.broadcast %mul3A_1341 : i32 to vector<16xi32>
    %mul3A_1343 = arith.muli %get3A_1334, %mul3A_1342 : vector<16xi32>
    %shift_right_arithmetic3A_1344 = arith.constant 3 : i32
    %shift_right_arithmetic3A_1345 = vector.broadcast %shift_right_arithmetic3A_1344 : i32 to vector<16xi32>
    %shift_right_arithmetic3A_1346 = arith.shrsi %get3A_1337, %shift_right_arithmetic3A_1345 : vector<16xi32>
    %mul3A_1347 = arith.constant 8192 : i32
    %mul3A_1348 = vector.broadcast %mul3A_1347 : i32 to vector<16xi32>
    %mul3A_1349 = arith.muli %shift_right_arithmetic3A_1346, %mul3A_1348 : vector<16xi32>
    %add3A_1350 = arith.addi %mul3A_1343, %mul3A_1349 : vector<16xi32>
    %shift_right_arithmetic3A_1351 = arith.constant 7 : i32
    %shift_right_arithmetic3A_1352 = vector.broadcast %shift_right_arithmetic3A_1351 : i32 to vector<16xi32>
    %shift_right_arithmetic3A_1353 = arith.shrsi %get3A_1340, %shift_right_arithmetic3A_1352 : vector<16xi32>
    %mul3A_1354 = arith.constant 1024 : i32
    %mul3A_1355 = vector.broadcast %mul3A_1354 : i32 to vector<16xi32>
    %mul3A_1356 = arith.muli %shift_right_arithmetic3A_1353, %mul3A_1355 : vector<16xi32>
    %add3A_1357 = arith.addi %add3A_1350, %mul3A_1356 : vector<16xi32>
    %and3A_1358 = arith.constant 7 : i32
    %and3A_1359 = vector.broadcast %and3A_1358 : i32 to vector<16xi32>
    %and3A_1360 = arith.andi %get3A_1337, %and3A_1359 : vector<16xi32>
    %mul3A_1361 = arith.constant 128 : i32
    %mul3A_1362 = vector.broadcast %mul3A_1361 : i32 to vector<16xi32>
    %mul3A_1363 = arith.muli %and3A_1360, %mul3A_1362 : vector<16xi32>
    %add3A_1364 = arith.addi %add3A_1357, %mul3A_1363 : vector<16xi32>
    %and3A_1365 = arith.constant 127 : i32
    %and3A_1366 = vector.broadcast %and3A_1365 : i32 to vector<16xi32>
    %and3A_1367 = arith.andi %get3A_1340, %and3A_1366 : vector<16xi32>
    %add3A_1368 = arith.addi %add3A_1364, %and3A_1367 : vector<16xi32>
    %swap3A_1369 = arith.constant 3 : i32
    %swap3A_1370 = arith.index_cast %swap3A_1369 : i32 to index
    %swap3A_1371 = arith.constant 112 : index
    %swap3A_1372 = tpu.vector_load %arg24[%swap3A_1370, %swap3A_1371] {strides = array<i32>} : memref<4x128xi32, #tpu.memory_space<vmem>>, vector<1x16xi32>,
    %swap3A_1373 = vector.shape_cast %swap3A_1372 : vector<1x16xi32> to vector<16xi32>
    %swap3A_1374 = vector.shape_cast %add3A_1368 : vector<16xi32> to vector<1x16xi32>
    tpu.vector_store %arg24[%swap3A_1370, %swap3A_1371], %swap3A_1374 {strides = array<i32>} : memref<4x128xi32, #tpu.memory_space<vmem>>, vector<1x16xi32>,
    %dma_start3A = arith.constant 0 : i32
    %dma_start3A_1375 = arith.constant 0 : i32
    %dma_start3A_1376 = tpu.memref_slice %arg25[%dma_start3A_1375] : memref<512xf32, #tpu.memory_space<vmem>> -> memref<128xf32, #tpu.memory_space<vmem>>
    %dma_start3A_1377 = arith.constant 0 : i32
    %dma_start3A_1378 = tpu.memref_slice %arg24[%dma_start3A, %dma_start3A_1377] : memref<4x128xi32, #tpu.memory_space<vmem>> -> memref<1x128xi32, #tpu.memory_space<vmem>>
    %dma_start3A_1379 = tpu.memref_squeeze %dma_start3A_1378 : memref<1x128xi32, #tpu.memory_space<vmem>> -> memref<128xi32, #tpu.memory_space<vmem>>
    %dma_start3A_1380 = arith.constant 0 : i32
    %dma_start3A_1381 = tpu.memref_slice %arg7[%dma_start3A_1380] : memref<10649600xf32, #tpu.memory_space<hbm>> -> memref<10649600xf32, #tpu.memory_space<hbm>>
    tpu.enqueue_indirect_dma source(%dma_start3A_1381 : memref<10649600xf32, #tpu.memory_space<hbm>>) target(%dma_start3A_1376 : memref<128xf32, #tpu.memory_space<vmem>>) offsets(%dma_start3A_1379 : memref<128xi32, #tpu.memory_space<vmem>>) semaphore(%arg34 : memref<!tpu.dma_semaphore, #tpu.memory_space<semaphore_mem>>)
    %dma_start3A_1382 = arith.constant 0 : i32
    %dma_start3A_1383 = arith.constant 0 : i32
    %dma_start3A_1384 = tpu.memref_slice %arg26[%dma_start3A_1383] : memref<512xf32, #tpu.memory_space<vmem>> -> memref<128xf32, #tpu.memory_space<vmem>>
    %dma_start3A_1385 = arith.constant 0 : i32
    %dma_start3A_1386 = tpu.memref_slice %arg24[%dma_start3A_1382, %dma_start3A_1385] : memref<4x128xi32, #tpu.memory_space<vmem>> -> memref<1x128xi32, #tpu.memory_space<vmem>>
    %dma_start3A_1387 = tpu.memref_squeeze %dma_start3A_1386 : memref<1x128xi32, #tpu.memory_space<vmem>> -> memref<128xi32, #tpu.memory_space<vmem>>
    %dma_start3A_1388 = arith.constant 0 : i32
    %dma_start3A_1389 = tpu.memref_slice %arg8[%dma_start3A_1388] : memref<10649600xf32, #tpu.memory_space<hbm>> -> memref<10649600xf32, #tpu.memory_space<hbm>>
    tpu.enqueue_indirect_dma source(%dma_start3A_1389 : memref<10649600xf32, #tpu.memory_space<hbm>>) target(%dma_start3A_1384 : memref<128xf32, #tpu.memory_space<vmem>>) offsets(%dma_start3A_1387 : memref<128xi32, #tpu.memory_space<vmem>>) semaphore(%arg34 : memref<!tpu.dma_semaphore, #tpu.memory_space<semaphore_mem>>)
    %dma_start3A_1390 = arith.constant 0 : i32
    %dma_start3A_1391 = arith.constant 0 : i32
    %dma_start3A_1392 = tpu.memref_slice %arg27[%dma_start3A_1391] : memref<512xf32, #tpu.memory_space<vmem>> -> memref<128xf32, #tpu.memory_space<vmem>>
    %dma_start3A_1393 = arith.constant 0 : i32
    %dma_start3A_1394 = tpu.memref_slice %arg24[%dma_start3A_1390, %dma_start3A_1393] : memref<4x128xi32, #tpu.memory_space<vmem>> -> memref<1x128xi32, #tpu.memory_space<vmem>>
    %dma_start3A_1395 = tpu.memref_squeeze %dma_start3A_1394 : memref<1x128xi32, #tpu.memory_space<vmem>> -> memref<128xi32, #tpu.memory_space<vmem>>
    %dma_start3A_1396 = arith.constant 0 : i32
    %dma_start3A_1397 = tpu.memref_slice %arg9[%dma_start3A_1396] : memref<10649600xf32, #tpu.memory_space<hbm>> -> memref<10649600xf32, #tpu.memory_space<hbm>>
    tpu.enqueue_indirect_dma source(%dma_start3A_1397 : memref<10649600xf32, #tpu.memory_space<hbm>>) target(%dma_start3A_1392 : memref<128xf32, #tpu.memory_space<vmem>>) offsets(%dma_start3A_1395 : memref<128xi32, #tpu.memory_space<vmem>>) semaphore(%arg34 : memref<!tpu.dma_semaphore, #tpu.memory_space<semaphore_mem>>)
    %dma_start3A_1398 = arith.constant 0 : i32
    %dma_start3A_1399 = arith.constant 0 : i32
    %dma_start3A_1400 = tpu.memref_slice %arg28[%dma_start3A_1399] : memref<512xf32, #tpu.memory_space<vmem>> -> memref<128xf32, #tpu.memory_space<vmem>>
    %dma_start3A_1401 = arith.constant 0 : i32
    %dma_start3A_1402 = tpu.memref_slice %arg24[%dma_start3A_1398, %dma_start3A_1401] : memref<4x128xi32, #tpu.memory_space<vmem>> -> memref<1x128xi32, #tpu.memory_space<vmem>>
    %dma_start3A_1403 = tpu.memref_squeeze %dma_start3A_1402 : memref<1x128xi32, #tpu.memory_space<vmem>> -> memref<128xi32, #tpu.memory_space<vmem>>
    %dma_start3A_1404 = arith.constant 0 : i32
    %dma_start3A_1405 = tpu.memref_slice %arg10[%dma_start3A_1404] : memref<10649600xf32, #tpu.memory_space<hbm>> -> memref<10649600xf32, #tpu.memory_space<hbm>>
    tpu.enqueue_indirect_dma source(%dma_start3A_1405 : memref<10649600xf32, #tpu.memory_space<hbm>>) target(%dma_start3A_1400 : memref<128xf32, #tpu.memory_space<vmem>>) offsets(%dma_start3A_1403 : memref<128xi32, #tpu.memory_space<vmem>>) semaphore(%arg34 : memref<!tpu.dma_semaphore, #tpu.memory_space<semaphore_mem>>)
    %dma_start3A_1406 = arith.constant 1 : i32
    %dma_start3A_1407 = arith.constant 128 : i32
    %dma_start3A_1408 = tpu.memref_slice %arg25[%dma_start3A_1407] : memref<512xf32, #tpu.memory_space<vmem>> -> memref<128xf32, #tpu.memory_space<vmem>>
    %dma_start3A_1409 = arith.constant 0 : i32
    %dma_start3A_1410 = tpu.memref_slice %arg24[%dma_start3A_1406, %dma_start3A_1409] : memref<4x128xi32, #tpu.memory_space<vmem>> -> memref<1x128xi32, #tpu.memory_space<vmem>>
    %dma_start3A_1411 = tpu.memref_squeeze %dma_start3A_1410 : memref<1x128xi32, #tpu.memory_space<vmem>> -> memref<128xi32, #tpu.memory_space<vmem>>
    %dma_start3A_1412 = arith.constant 0 : i32
    %dma_start3A_1413 = tpu.memref_slice %arg7[%dma_start3A_1412] : memref<10649600xf32, #tpu.memory_space<hbm>> -> memref<10649600xf32, #tpu.memory_space<hbm>>
    tpu.enqueue_indirect_dma source(%dma_start3A_1413 : memref<10649600xf32, #tpu.memory_space<hbm>>) target(%dma_start3A_1408 : memref<128xf32, #tpu.memory_space<vmem>>) offsets(%dma_start3A_1411 : memref<128xi32, #tpu.memory_space<vmem>>) semaphore(%arg34 : memref<!tpu.dma_semaphore, #tpu.memory_space<semaphore_mem>>)
    %dma_start3A_1414 = arith.constant 1 : i32
    %dma_start3A_1415 = arith.constant 128 : i32
    %dma_start3A_1416 = tpu.memref_slice %arg26[%dma_start3A_1415] : memref<512xf32, #tpu.memory_space<vmem>> -> memref<128xf32, #tpu.memory_space<vmem>>
    %dma_start3A_1417 = arith.constant 0 : i32
    %dma_start3A_1418 = tpu.memref_slice %arg24[%dma_start3A_1414, %dma_start3A_1417] : memref<4x128xi32, #tpu.memory_space<vmem>> -> memref<1x128xi32, #tpu.memory_space<vmem>>
    %dma_start3A_1419 = tpu.memref_squeeze %dma_start3A_1418 : memref<1x128xi32, #tpu.memory_space<vmem>> -> memref<128xi32, #tpu.memory_space<vmem>>
    %dma_start3A_1420 = arith.constant 0 : i32
    %dma_start3A_1421 = tpu.memref_slice %arg8[%dma_start3A_1420] : memref<10649600xf32, #tpu.memory_space<hbm>> -> memref<10649600xf32, #tpu.memory_space<hbm>>
    tpu.enqueue_indirect_dma source(%dma_start3A_1421 : memref<10649600xf32, #tpu.memory_space<hbm>>) target(%dma_start3A_1416 : memref<128xf32, #tpu.memory_space<vmem>>) offsets(%dma_start3A_1419 : memref<128xi32, #tpu.memory_space<vmem>>) semaphore(%arg34 : memref<!tpu.dma_semaphore, #tpu.memory_space<semaphore_mem>>)
    %dma_start3A_1422 = arith.constant 1 : i32
    %dma_start3A_1423 = arith.constant 128 : i32
    %dma_start3A_1424 = tpu.memref_slice %arg27[%dma_start3A_1423] : memref<512xf32, #tpu.memory_space<vmem>> -> memref<128xf32, #tpu.memory_space<vmem>>
    %dma_start3A_1425 = arith.constant 0 : i32
    %dma_start3A_1426 = tpu.memref_slice %arg24[%dma_start3A_1422, %dma_start3A_1425] : memref<4x128xi32, #tpu.memory_space<vmem>> -> memref<1x128xi32, #tpu.memory_space<vmem>>
    %dma_start3A_1427 = tpu.memref_squeeze %dma_start3A_1426 : memref<1x128xi32, #tpu.memory_space<vmem>> -> memref<128xi32, #tpu.memory_space<vmem>>
    %dma_start3A_1428 = arith.constant 0 : i32
    %dma_start3A_1429 = tpu.memref_slice %arg9[%dma_start3A_1428] : memref<10649600xf32, #tpu.memory_space<hbm>> -> memref<10649600xf32, #tpu.memory_space<hbm>>
    tpu.enqueue_indirect_dma source(%dma_start3A_1429 : memref<10649600xf32, #tpu.memory_space<hbm>>) target(%dma_start3A_1424 : memref<128xf32, #tpu.memory_space<vmem>>) offsets(%dma_start3A_1427 : memref<128xi32, #tpu.memory_space<vmem>>) semaphore(%arg34 : memref<!tpu.dma_semaphore, #tpu.memory_space<semaphore_mem>>)
    %dma_start3A_1430 = arith.constant 1 : i32
    %dma_start3A_1431 = arith.constant 128 : i32
    %dma_start3A_1432 = tpu.memref_slice %arg28[%dma_start3A_1431] : memref<512xf32, #tpu.memory_space<vmem>> -> memref<128xf32, #tpu.memory_space<vmem>>
    %dma_start3A_1433 = arith.constant 0 : i32
    %dma_start3A_1434 = tpu.memref_slice %arg24[%dma_start3A_1430, %dma_start3A_1433] : memref<4x128xi32, #tpu.memory_space<vmem>> -> memref<1x128xi32, #tpu.memory_space<vmem>>
    %dma_start3A_1435 = tpu.memref_squeeze %dma_start3A_1434 : memref<1x128xi32, #tpu.memory_space<vmem>> -> memref<128xi32, #tpu.memory_space<vmem>>
    %dma_start3A_1436 = arith.constant 0 : i32
    %dma_start3A_1437 = tpu.memref_slice %arg10[%dma_start3A_1436] : memref<10649600xf32, #tpu.memory_space<hbm>> -> memref<10649600xf32, #tpu.memory_space<hbm>>
    tpu.enqueue_indirect_dma source(%dma_start3A_1437 : memref<10649600xf32, #tpu.memory_space<hbm>>) target(%dma_start3A_1432 : memref<128xf32, #tpu.memory_space<vmem>>) offsets(%dma_start3A_1435 : memref<128xi32, #tpu.memory_space<vmem>>) semaphore(%arg34 : memref<!tpu.dma_semaphore, #tpu.memory_space<semaphore_mem>>)
    %dma_start3A_1438 = arith.constant 2 : i32
    %dma_start3A_1439 = arith.constant 256 : i32
    %dma_start3A_1440 = tpu.memref_slice %arg25[%dma_start3A_1439] : memref<512xf32, #tpu.memory_space<vmem>> -> memref<128xf32, #tpu.memory_space<vmem>>
    %dma_start3A_1441 = arith.constant 0 : i32
    %dma_start3A_1442 = tpu.memref_slice %arg24[%dma_start3A_1438, %dma_start3A_1441] : memref<4x128xi32, #tpu.memory_space<vmem>> -> memref<1x128xi32, #tpu.memory_space<vmem>>
    %dma_start3A_1443 = tpu.memref_squeeze %dma_start3A_1442 : memref<1x128xi32, #tpu.memory_space<vmem>> -> memref<128xi32, #tpu.memory_space<vmem>>
    %dma_start3A_1444 = arith.constant 0 : i32
    %dma_start3A_1445 = tpu.memref_slice %arg7[%dma_start3A_1444] : memref<10649600xf32, #tpu.memory_space<hbm>> -> memref<10649600xf32, #tpu.memory_space<hbm>>
    tpu.enqueue_indirect_dma source(%dma_start3A_1445 : memref<10649600xf32, #tpu.memory_space<hbm>>) target(%dma_start3A_1440 : memref<128xf32, #tpu.memory_space<vmem>>) offsets(%dma_start3A_1443 : memref<128xi32, #tpu.memory_space<vmem>>) semaphore(%arg34 : memref<!tpu.dma_semaphore, #tpu.memory_space<semaphore_mem>>)
    %dma_start3A_1446 = arith.constant 2 : i32
    %dma_start3A_1447 = arith.constant 256 : i32
    %dma_start3A_1448 = tpu.memref_slice %arg26[%dma_start3A_1447] : memref<512xf32, #tpu.memory_space<vmem>> -> memref<128xf32, #tpu.memory_space<vmem>>
    %dma_start3A_1449 = arith.constant 0 : i32
    %dma_start3A_1450 = tpu.memref_slice %arg24[%dma_start3A_1446, %dma_start3A_1449] : memref<4x128xi32, #tpu.memory_space<vmem>> -> memref<1x128xi32, #tpu.memory_space<vmem>>
    %dma_start3A_1451 = tpu.memref_squeeze %dma_start3A_1450 : memref<1x128xi32, #tpu.memory_space<vmem>> -> memref<128xi32, #tpu.memory_space<vmem>>
    %dma_start3A_1452 = arith.constant 0 : i32
    %dma_start3A_1453 = tpu.memref_slice %arg8[%dma_start3A_1452] : memref<10649600xf32, #tpu.memory_space<hbm>> -> memref<10649600xf32, #tpu.memory_space<hbm>>
    tpu.enqueue_indirect_dma source(%dma_start3A_1453 : memref<10649600xf32, #tpu.memory_space<hbm>>) target(%dma_start3A_1448 : memref<128xf32, #tpu.memory_space<vmem>>) offsets(%dma_start3A_1451 : memref<128xi32, #tpu.memory_space<vmem>>) semaphore(%arg34 : memref<!tpu.dma_semaphore, #tpu.memory_space<semaphore_mem>>)
    %dma_start3A_1454 = arith.constant 2 : i32
    %dma_start3A_1455 = arith.constant 256 : i32
    %dma_start3A_1456 = tpu.memref_slice %arg27[%dma_start3A_1455] : memref<512xf32, #tpu.memory_space<vmem>> -> memref<128xf32, #tpu.memory_space<vmem>>
    %dma_start3A_1457 = arith.constant 0 : i32
    %dma_start3A_1458 = tpu.memref_slice %arg24[%dma_start3A_1454, %dma_start3A_1457] : memref<4x128xi32, #tpu.memory_space<vmem>> -> memref<1x128xi32, #tpu.memory_space<vmem>>
    %dma_start3A_1459 = tpu.memref_squeeze %dma_start3A_1458 : memref<1x128xi32, #tpu.memory_space<vmem>> -> memref<128xi32, #tpu.memory_space<vmem>>
    %dma_start3A_1460 = arith.constant 0 : i32
    %dma_start3A_1461 = tpu.memref_slice %arg9[%dma_start3A_1460] : memref<10649600xf32, #tpu.memory_space<hbm>> -> memref<10649600xf32, #tpu.memory_space<hbm>>
    tpu.enqueue_indirect_dma source(%dma_start3A_1461 : memref<10649600xf32, #tpu.memory_space<hbm>>) target(%dma_start3A_1456 : memref<128xf32, #tpu.memory_space<vmem>>) offsets(%dma_start3A_1459 : memref<128xi32, #tpu.memory_space<vmem>>) semaphore(%arg34 : memref<!tpu.dma_semaphore, #tpu.memory_space<semaphore_mem>>)
    %dma_start3A_1462 = arith.constant 2 : i32
    %dma_start3A_1463 = arith.constant 256 : i32
    %dma_start3A_1464 = tpu.memref_slice %arg28[%dma_start3A_1463] : memref<512xf32, #tpu.memory_space<vmem>> -> memref<128xf32, #tpu.memory_space<vmem>>
    %dma_start3A_1465 = arith.constant 0 : i32
    %dma_start3A_1466 = tpu.memref_slice %arg24[%dma_start3A_1462, %dma_start3A_1465] : memref<4x128xi32, #tpu.memory_space<vmem>> -> memref<1x128xi32, #tpu.memory_space<vmem>>
    %dma_start3A_1467 = tpu.memref_squeeze %dma_start3A_1466 : memref<1x128xi32, #tpu.memory_space<vmem>> -> memref<128xi32, #tpu.memory_space<vmem>>
    %dma_start3A_1468 = arith.constant 0 : i32
    %dma_start3A_1469 = tpu.memref_slice %arg10[%dma_start3A_1468] : memref<10649600xf32, #tpu.memory_space<hbm>> -> memref<10649600xf32, #tpu.memory_space<hbm>>
    tpu.enqueue_indirect_dma source(%dma_start3A_1469 : memref<10649600xf32, #tpu.memory_space<hbm>>) target(%dma_start3A_1464 : memref<128xf32, #tpu.memory_space<vmem>>) offsets(%dma_start3A_1467 : memref<128xi32, #tpu.memory_space<vmem>>) semaphore(%arg34 : memref<!tpu.dma_semaphore, #tpu.memory_space<semaphore_mem>>)
    %dma_start3A_1470 = arith.constant 3 : i32
    %dma_start3A_1471 = arith.constant 384 : i32
    %dma_start3A_1472 = tpu.memref_slice %arg25[%dma_start3A_1471] : memref<512xf32, #tpu.memory_space<vmem>> -> memref<128xf32, #tpu.memory_space<vmem>>
    %dma_start3A_1473 = arith.constant 0 : i32
    %dma_start3A_1474 = tpu.memref_slice %arg24[%dma_start3A_1470, %dma_start3A_1473] : memref<4x128xi32, #tpu.memory_space<vmem>> -> memref<1x128xi32, #tpu.memory_space<vmem>>
    %dma_start3A_1475 = tpu.memref_squeeze %dma_start3A_1474 : memref<1x128xi32, #tpu.memory_space<vmem>> -> memref<128xi32, #tpu.memory_space<vmem>>
    %dma_start3A_1476 = arith.constant 0 : i32
    %dma_start3A_1477 = tpu.memref_slice %arg7[%dma_start3A_1476] : memref<10649600xf32, #tpu.memory_space<hbm>> -> memref<10649600xf32, #tpu.memory_space<hbm>>
    tpu.enqueue_indirect_dma source(%dma_start3A_1477 : memref<10649600xf32, #tpu.memory_space<hbm>>) target(%dma_start3A_1472 : memref<128xf32, #tpu.memory_space<vmem>>) offsets(%dma_start3A_1475 : memref<128xi32, #tpu.memory_space<vmem>>) semaphore(%arg34 : memref<!tpu.dma_semaphore, #tpu.memory_space<semaphore_mem>>)
    %dma_start3A_1478 = arith.constant 3 : i32
    %dma_start3A_1479 = arith.constant 384 : i32
    %dma_start3A_1480 = tpu.memref_slice %arg26[%dma_start3A_1479] : memref<512xf32, #tpu.memory_space<vmem>> -> memref<128xf32, #tpu.memory_space<vmem>>
    %dma_start3A_1481 = arith.constant 0 : i32
    %dma_start3A_1482 = tpu.memref_slice %arg24[%dma_start3A_1478, %dma_start3A_1481] : memref<4x128xi32, #tpu.memory_space<vmem>> -> memref<1x128xi32, #tpu.memory_space<vmem>>
    %dma_start3A_1483 = tpu.memref_squeeze %dma_start3A_1482 : memref<1x128xi32, #tpu.memory_space<vmem>> -> memref<128xi32, #tpu.memory_space<vmem>>
    %dma_start3A_1484 = arith.constant 0 : i32
    %dma_start3A_1485 = tpu.memref_slice %arg8[%dma_start3A_1484] : memref<10649600xf32, #tpu.memory_space<hbm>> -> memref<10649600xf32, #tpu.memory_space<hbm>>
    tpu.enqueue_indirect_dma source(%dma_start3A_1485 : memref<10649600xf32, #tpu.memory_space<hbm>>) target(%dma_start3A_1480 : memref<128xf32, #tpu.memory_space<vmem>>) offsets(%dma_start3A_1483 : memref<128xi32, #tpu.memory_space<vmem>>) semaphore(%arg34 : memref<!tpu.dma_semaphore, #tpu.memory_space<semaphore_mem>>)
    %dma_start3A_1486 = arith.constant 3 : i32
    %dma_start3A_1487 = arith.constant 384 : i32
    %dma_start3A_1488 = tpu.memref_slice %arg27[%dma_start3A_1487] : memref<512xf32, #tpu.memory_space<vmem>> -> memref<128xf32, #tpu.memory_space<vmem>>
    %dma_start3A_1489 = arith.constant 0 : i32
    %dma_start3A_1490 = tpu.memref_slice %arg24[%dma_start3A_1486, %dma_start3A_1489] : memref<4x128xi32, #tpu.memory_space<vmem>> -> memref<1x128xi32, #tpu.memory_space<vmem>>
    %dma_start3A_1491 = tpu.memref_squeeze %dma_start3A_1490 : memref<1x128xi32, #tpu.memory_space<vmem>> -> memref<128xi32, #tpu.memory_space<vmem>>
    %dma_start3A_1492 = arith.constant 0 : i32
    %dma_start3A_1493 = tpu.memref_slice %arg9[%dma_start3A_1492] : memref<10649600xf32, #tpu.memory_space<hbm>> -> memref<10649600xf32, #tpu.memory_space<hbm>>
    tpu.enqueue_indirect_dma source(%dma_start3A_1493 : memref<10649600xf32, #tpu.memory_space<hbm>>) target(%dma_start3A_1488 : memref<128xf32, #tpu.memory_space<vmem>>) offsets(%dma_start3A_1491 : memref<128xi32, #tpu.memory_space<vmem>>) semaphore(%arg34 : memref<!tpu.dma_semaphore, #tpu.memory_space<semaphore_mem>>)
    %dma_start3A_1494 = arith.constant 3 : i32
    %dma_start3A_1495 = arith.constant 384 : i32
    %dma_start3A_1496 = tpu.memref_slice %arg28[%dma_start3A_1495] : memref<512xf32, #tpu.memory_space<vmem>> -> memref<128xf32, #tpu.memory_space<vmem>>
    %dma_start3A_1497 = arith.constant 0 : i32
    %dma_start3A_1498 = tpu.memref_slice %arg24[%dma_start3A_1494, %dma_start3A_1497] : memref<4x128xi32, #tpu.memory_space<vmem>> -> memref<1x128xi32, #tpu.memory_space<vmem>>
    %dma_start3A_1499 = tpu.memref_squeeze %dma_start3A_1498 : memref<1x128xi32, #tpu.memory_space<vmem>> -> memref<128xi32, #tpu.memory_space<vmem>>
    %dma_start3A_1500 = arith.constant 0 : i32
    %dma_start3A_1501 = tpu.memref_slice %arg10[%dma_start3A_1500] : memref<10649600xf32, #tpu.memory_space<hbm>> -> memref<10649600xf32, #tpu.memory_space<hbm>>
    tpu.enqueue_indirect_dma source(%dma_start3A_1501 : memref<10649600xf32, #tpu.memory_space<hbm>>) target(%dma_start3A_1496 : memref<128xf32, #tpu.memory_space<vmem>>) offsets(%dma_start3A_1499 : memref<128xi32, #tpu.memory_space<vmem>>) semaphore(%arg34 : memref<!tpu.dma_semaphore, #tpu.memory_space<semaphore_mem>>)
    %dma_wait3A = arith.constant 0 : i32
    %dma_wait3A_1502 = arith.constant 0 : i32
    %dma_wait3A_1503 = tpu.memref_slice %arg25[%dma_wait3A_1502] : memref<512xf32, #tpu.memory_space<vmem>> -> memref<128xf32, #tpu.memory_space<vmem>>
    %dma_wait3A_1504 = arith.constant 0 : i32
    %dma_wait3A_1505 = tpu.memref_slice %arg24[%dma_wait3A, %dma_wait3A_1504] : memref<4x128xi32, #tpu.memory_space<vmem>> -> memref<1x128xi32, #tpu.memory_space<vmem>>
    %dma_wait3A_1506 = tpu.memref_squeeze %dma_wait3A_1505 : memref<1x128xi32, #tpu.memory_space<vmem>> -> memref<128xi32, #tpu.memory_space<vmem>>
    %dma_wait3A_1507 = arith.constant 0 : i32
    %dma_wait3A_1508 = tpu.memref_slice %arg7[%dma_wait3A_1507] : memref<10649600xf32, #tpu.memory_space<hbm>> -> memref<10649600xf32, #tpu.memory_space<hbm>>
    tpu.wait_indirect_dma semaphore(%arg34 : memref<!tpu.dma_semaphore, #tpu.memory_space<semaphore_mem>>) src(%dma_wait3A_1508 : memref<10649600xf32, #tpu.memory_space<hbm>>) dst(%dma_wait3A_1503 : memref<128xf32, #tpu.memory_space<vmem>>)
    %dma_wait3A_1509 = arith.constant 0 : i32
    %dma_wait3A_1510 = arith.constant 0 : i32
    %dma_wait3A_1511 = tpu.memref_slice %arg26[%dma_wait3A_1510] : memref<512xf32, #tpu.memory_space<vmem>> -> memref<128xf32, #tpu.memory_space<vmem>>
    %dma_wait3A_1512 = arith.constant 0 : i32
    %dma_wait3A_1513 = tpu.memref_slice %arg24[%dma_wait3A_1509, %dma_wait3A_1512] : memref<4x128xi32, #tpu.memory_space<vmem>> -> memref<1x128xi32, #tpu.memory_space<vmem>>
    %dma_wait3A_1514 = tpu.memref_squeeze %dma_wait3A_1513 : memref<1x128xi32, #tpu.memory_space<vmem>> -> memref<128xi32, #tpu.memory_space<vmem>>
    %dma_wait3A_1515 = arith.constant 0 : i32
    %dma_wait3A_1516 = tpu.memref_slice %arg8[%dma_wait3A_1515] : memref<10649600xf32, #tpu.memory_space<hbm>> -> memref<10649600xf32, #tpu.memory_space<hbm>>
    tpu.wait_indirect_dma semaphore(%arg34 : memref<!tpu.dma_semaphore, #tpu.memory_space<semaphore_mem>>) src(%dma_wait3A_1516 : memref<10649600xf32, #tpu.memory_space<hbm>>) dst(%dma_wait3A_1511 : memref<128xf32, #tpu.memory_space<vmem>>)
    %dma_wait3A_1517 = arith.constant 0 : i32
    %dma_wait3A_1518 = arith.constant 0 : i32
    %dma_wait3A_1519 = tpu.memref_slice %arg27[%dma_wait3A_1518] : memref<512xf32, #tpu.memory_space<vmem>> -> memref<128xf32, #tpu.memory_space<vmem>>
    %dma_wait3A_1520 = arith.constant 0 : i32
    %dma_wait3A_1521 = tpu.memref_slice %arg24[%dma_wait3A_1517, %dma_wait3A_1520] : memref<4x128xi32, #tpu.memory_space<vmem>> -> memref<1x128xi32, #tpu.memory_space<vmem>>
    %dma_wait3A_1522 = tpu.memref_squeeze %dma_wait3A_1521 : memref<1x128xi32, #tpu.memory_space<vmem>> -> memref<128xi32, #tpu.memory_space<vmem>>
    %dma_wait3A_1523 = arith.constant 0 : i32
    %dma_wait3A_1524 = tpu.memref_slice %arg9[%dma_wait3A_1523] : memref<10649600xf32, #tpu.memory_space<hbm>> -> memref<10649600xf32, #tpu.memory_space<hbm>>
    tpu.wait_indirect_dma semaphore(%arg34 : memref<!tpu.dma_semaphore, #tpu.memory_space<semaphore_mem>>) src(%dma_wait3A_1524 : memref<10649600xf32, #tpu.memory_space<hbm>>) dst(%dma_wait3A_1519 : memref<128xf32, #tpu.memory_space<vmem>>)
    %dma_wait3A_1525 = arith.constant 0 : i32
    %dma_wait3A_1526 = arith.constant 0 : i32
    %dma_wait3A_1527 = tpu.memref_slice %arg28[%dma_wait3A_1526] : memref<512xf32, #tpu.memory_space<vmem>> -> memref<128xf32, #tpu.memory_space<vmem>>
    %dma_wait3A_1528 = arith.constant 0 : i32
    %dma_wait3A_1529 = tpu.memref_slice %arg24[%dma_wait3A_1525, %dma_wait3A_1528] : memref<4x128xi32, #tpu.memory_space<vmem>> -> memref<1x128xi32, #tpu.memory_space<vmem>>
    %dma_wait3A_1530 = tpu.memref_squeeze %dma_wait3A_1529 : memref<1x128xi32, #tpu.memory_space<vmem>> -> memref<128xi32, #tpu.memory_space<vmem>>
    %dma_wait3A_1531 = arith.constant 0 : i32
    %dma_wait3A_1532 = tpu.memref_slice %arg10[%dma_wait3A_1531] : memref<10649600xf32, #tpu.memory_space<hbm>> -> memref<10649600xf32, #tpu.memory_space<hbm>>
    tpu.wait_indirect_dma semaphore(%arg34 : memref<!tpu.dma_semaphore, #tpu.memory_space<semaphore_mem>>) src(%dma_wait3A_1532 : memref<10649600xf32, #tpu.memory_space<hbm>>) dst(%dma_wait3A_1527 : memref<128xf32, #tpu.memory_space<vmem>>)
    %dma_wait3A_1533 = arith.constant 1 : i32
    %dma_wait3A_1534 = arith.constant 128 : i32
    %dma_wait3A_1535 = tpu.memref_slice %arg25[%dma_wait3A_1534] : memref<512xf32, #tpu.memory_space<vmem>> -> memref<128xf32, #tpu.memory_space<vmem>>
    %dma_wait3A_1536 = arith.constant 0 : i32
    %dma_wait3A_1537 = tpu.memref_slice %arg24[%dma_wait3A_1533, %dma_wait3A_1536] : memref<4x128xi32, #tpu.memory_space<vmem>> -> memref<1x128xi32, #tpu.memory_space<vmem>>
    %dma_wait3A_1538 = tpu.memref_squeeze %dma_wait3A_1537 : memref<1x128xi32, #tpu.memory_space<vmem>> -> memref<128xi32, #tpu.memory_space<vmem>>
    %dma_wait3A_1539 = arith.constant 0 : i32
    %dma_wait3A_1540 = tpu.memref_slice %arg7[%dma_wait3A_1539] : memref<10649600xf32, #tpu.memory_space<hbm>> -> memref<10649600xf32, #tpu.memory_space<hbm>>
    tpu.wait_indirect_dma semaphore(%arg34 : memref<!tpu.dma_semaphore, #tpu.memory_space<semaphore_mem>>) src(%dma_wait3A_1540 : memref<10649600xf32, #tpu.memory_space<hbm>>) dst(%dma_wait3A_1535 : memref<128xf32, #tpu.memory_space<vmem>>)
    %dma_wait3A_1541 = arith.constant 1 : i32
    %dma_wait3A_1542 = arith.constant 128 : i32
    %dma_wait3A_1543 = tpu.memref_slice %arg26[%dma_wait3A_1542] : memref<512xf32, #tpu.memory_space<vmem>> -> memref<128xf32, #tpu.memory_space<vmem>>
    %dma_wait3A_1544 = arith.constant 0 : i32
    %dma_wait3A_1545 = tpu.memref_slice %arg24[%dma_wait3A_1541, %dma_wait3A_1544] : memref<4x128xi32, #tpu.memory_space<vmem>> -> memref<1x128xi32, #tpu.memory_space<vmem>>
    %dma_wait3A_1546 = tpu.memref_squeeze %dma_wait3A_1545 : memref<1x128xi32, #tpu.memory_space<vmem>> -> memref<128xi32, #tpu.memory_space<vmem>>
    %dma_wait3A_1547 = arith.constant 0 : i32
    %dma_wait3A_1548 = tpu.memref_slice %arg8[%dma_wait3A_1547] : memref<10649600xf32, #tpu.memory_space<hbm>> -> memref<10649600xf32, #tpu.memory_space<hbm>>
    tpu.wait_indirect_dma semaphore(%arg34 : memref<!tpu.dma_semaphore, #tpu.memory_space<semaphore_mem>>) src(%dma_wait3A_1548 : memref<10649600xf32, #tpu.memory_space<hbm>>) dst(%dma_wait3A_1543 : memref<128xf32, #tpu.memory_space<vmem>>)
    %dma_wait3A_1549 = arith.constant 1 : i32
    %dma_wait3A_1550 = arith.constant 128 : i32
    %dma_wait3A_1551 = tpu.memref_slice %arg27[%dma_wait3A_1550] : memref<512xf32, #tpu.memory_space<vmem>> -> memref<128xf32, #tpu.memory_space<vmem>>
    %dma_wait3A_1552 = arith.constant 0 : i32
    %dma_wait3A_1553 = tpu.memref_slice %arg24[%dma_wait3A_1549, %dma_wait3A_1552] : memref<4x128xi32, #tpu.memory_space<vmem>> -> memref<1x128xi32, #tpu.memory_space<vmem>>
    %dma_wait3A_1554 = tpu.memref_squeeze %dma_wait3A_1553 : memref<1x128xi32, #tpu.memory_space<vmem>> -> memref<128xi32, #tpu.memory_space<vmem>>
    %dma_wait3A_1555 = arith.constant 0 : i32
    %dma_wait3A_1556 = tpu.memref_slice %arg9[%dma_wait3A_1555] : memref<10649600xf32, #tpu.memory_space<hbm>> -> memref<10649600xf32, #tpu.memory_space<hbm>>
    tpu.wait_indirect_dma semaphore(%arg34 : memref<!tpu.dma_semaphore, #tpu.memory_space<semaphore_mem>>) src(%dma_wait3A_1556 : memref<10649600xf32, #tpu.memory_space<hbm>>) dst(%dma_wait3A_1551 : memref<128xf32, #tpu.memory_space<vmem>>)
    %dma_wait3A_1557 = arith.constant 1 : i32
    %dma_wait3A_1558 = arith.constant 128 : i32
    %dma_wait3A_1559 = tpu.memref_slice %arg28[%dma_wait3A_1558] : memref<512xf32, #tpu.memory_space<vmem>> -> memref<128xf32, #tpu.memory_space<vmem>>
    %dma_wait3A_1560 = arith.constant 0 : i32
    %dma_wait3A_1561 = tpu.memref_slice %arg24[%dma_wait3A_1557, %dma_wait3A_1560] : memref<4x128xi32, #tpu.memory_space<vmem>> -> memref<1x128xi32, #tpu.memory_space<vmem>>
    %dma_wait3A_1562 = tpu.memref_squeeze %dma_wait3A_1561 : memref<1x128xi32, #tpu.memory_space<vmem>> -> memref<128xi32, #tpu.memory_space<vmem>>
    %dma_wait3A_1563 = arith.constant 0 : i32
    %dma_wait3A_1564 = tpu.memref_slice %arg10[%dma_wait3A_1563] : memref<10649600xf32, #tpu.memory_space<hbm>> -> memref<10649600xf32, #tpu.memory_space<hbm>>
    tpu.wait_indirect_dma semaphore(%arg34 : memref<!tpu.dma_semaphore, #tpu.memory_space<semaphore_mem>>) src(%dma_wait3A_1564 : memref<10649600xf32, #tpu.memory_space<hbm>>) dst(%dma_wait3A_1559 : memref<128xf32, #tpu.memory_space<vmem>>)
    %dma_wait3A_1565 = arith.constant 2 : i32
    %dma_wait3A_1566 = arith.constant 256 : i32
    %dma_wait3A_1567 = tpu.memref_slice %arg25[%dma_wait3A_1566] : memref<512xf32, #tpu.memory_space<vmem>> -> memref<128xf32, #tpu.memory_space<vmem>>
    %dma_wait3A_1568 = arith.constant 0 : i32
    %dma_wait3A_1569 = tpu.memref_slice %arg24[%dma_wait3A_1565, %dma_wait3A_1568] : memref<4x128xi32, #tpu.memory_space<vmem>> -> memref<1x128xi32, #tpu.memory_space<vmem>>
    %dma_wait3A_1570 = tpu.memref_squeeze %dma_wait3A_1569 : memref<1x128xi32, #tpu.memory_space<vmem>> -> memref<128xi32, #tpu.memory_space<vmem>>
    %dma_wait3A_1571 = arith.constant 0 : i32
    %dma_wait3A_1572 = tpu.memref_slice %arg7[%dma_wait3A_1571] : memref<10649600xf32, #tpu.memory_space<hbm>> -> memref<10649600xf32, #tpu.memory_space<hbm>>
    tpu.wait_indirect_dma semaphore(%arg34 : memref<!tpu.dma_semaphore, #tpu.memory_space<semaphore_mem>>) src(%dma_wait3A_1572 : memref<10649600xf32, #tpu.memory_space<hbm>>) dst(%dma_wait3A_1567 : memref<128xf32, #tpu.memory_space<vmem>>)
    %dma_wait3A_1573 = arith.constant 2 : i32
    %dma_wait3A_1574 = arith.constant 256 : i32
    %dma_wait3A_1575 = tpu.memref_slice %arg26[%dma_wait3A_1574] : memref<512xf32, #tpu.memory_space<vmem>> -> memref<128xf32, #tpu.memory_space<vmem>>
    %dma_wait3A_1576 = arith.constant 0 : i32
    %dma_wait3A_1577 = tpu.memref_slice %arg24[%dma_wait3A_1573, %dma_wait3A_1576] : memref<4x128xi32, #tpu.memory_space<vmem>> -> memref<1x128xi32, #tpu.memory_space<vmem>>
    %dma_wait3A_1578 = tpu.memref_squeeze %dma_wait3A_1577 : memref<1x128xi32, #tpu.memory_space<vmem>> -> memref<128xi32, #tpu.memory_space<vmem>>
    %dma_wait3A_1579 = arith.constant 0 : i32
    %dma_wait3A_1580 = tpu.memref_slice %arg8[%dma_wait3A_1579] : memref<10649600xf32, #tpu.memory_space<hbm>> -> memref<10649600xf32, #tpu.memory_space<hbm>>
    tpu.wait_indirect_dma semaphore(%arg34 : memref<!tpu.dma_semaphore, #tpu.memory_space<semaphore_mem>>) src(%dma_wait3A_1580 : memref<10649600xf32, #tpu.memory_space<hbm>>) dst(%dma_wait3A_1575 : memref<128xf32, #tpu.memory_space<vmem>>)
    %dma_wait3A_1581 = arith.constant 2 : i32
    %dma_wait3A_1582 = arith.constant 256 : i32
    %dma_wait3A_1583 = tpu.memref_slice %arg27[%dma_wait3A_1582] : memref<512xf32, #tpu.memory_space<vmem>> -> memref<128xf32, #tpu.memory_space<vmem>>
    %dma_wait3A_1584 = arith.constant 0 : i32
    %dma_wait3A_1585 = tpu.memref_slice %arg24[%dma_wait3A_1581, %dma_wait3A_1584] : memref<4x128xi32, #tpu.memory_space<vmem>> -> memref<1x128xi32, #tpu.memory_space<vmem>>
    %dma_wait3A_1586 = tpu.memref_squeeze %dma_wait3A_1585 : memref<1x128xi32, #tpu.memory_space<vmem>> -> memref<128xi32, #tpu.memory_space<vmem>>
    %dma_wait3A_1587 = arith.constant 0 : i32
    %dma_wait3A_1588 = tpu.memref_slice %arg9[%dma_wait3A_1587] : memref<10649600xf32, #tpu.memory_space<hbm>> -> memref<10649600xf32, #tpu.memory_space<hbm>>
    tpu.wait_indirect_dma semaphore(%arg34 : memref<!tpu.dma_semaphore, #tpu.memory_space<semaphore_mem>>) src(%dma_wait3A_1588 : memref<10649600xf32, #tpu.memory_space<hbm>>) dst(%dma_wait3A_1583 : memref<128xf32, #tpu.memory_space<vmem>>)
    %dma_wait3A_1589 = arith.constant 2 : i32
    %dma_wait3A_1590 = arith.constant 256 : i32
    %dma_wait3A_1591 = tpu.memref_slice %arg28[%dma_wait3A_1590] : memref<512xf32, #tpu.memory_space<vmem>> -> memref<128xf32, #tpu.memory_space<vmem>>
    %dma_wait3A_1592 = arith.constant 0 : i32
    %dma_wait3A_1593 = tpu.memref_slice %arg24[%dma_wait3A_1589, %dma_wait3A_1592] : memref<4x128xi32, #tpu.memory_space<vmem>> -> memref<1x128xi32, #tpu.memory_space<vmem>>
    %dma_wait3A_1594 = tpu.memref_squeeze %dma_wait3A_1593 : memref<1x128xi32, #tpu.memory_space<vmem>> -> memref<128xi32, #tpu.memory_space<vmem>>
    %dma_wait3A_1595 = arith.constant 0 : i32
    %dma_wait3A_1596 = tpu.memref_slice %arg10[%dma_wait3A_1595] : memref<10649600xf32, #tpu.memory_space<hbm>> -> memref<10649600xf32, #tpu.memory_space<hbm>>
    tpu.wait_indirect_dma semaphore(%arg34 : memref<!tpu.dma_semaphore, #tpu.memory_space<semaphore_mem>>) src(%dma_wait3A_1596 : memref<10649600xf32, #tpu.memory_space<hbm>>) dst(%dma_wait3A_1591 : memref<128xf32, #tpu.memory_space<vmem>>)
    %dma_wait3A_1597 = arith.constant 3 : i32
    %dma_wait3A_1598 = arith.constant 384 : i32
    %dma_wait3A_1599 = tpu.memref_slice %arg25[%dma_wait3A_1598] : memref<512xf32, #tpu.memory_space<vmem>> -> memref<128xf32, #tpu.memory_space<vmem>>
    %dma_wait3A_1600 = arith.constant 0 : i32
    %dma_wait3A_1601 = tpu.memref_slice %arg24[%dma_wait3A_1597, %dma_wait3A_1600] : memref<4x128xi32, #tpu.memory_space<vmem>> -> memref<1x128xi32, #tpu.memory_space<vmem>>
    %dma_wait3A_1602 = tpu.memref_squeeze %dma_wait3A_1601 : memref<1x128xi32, #tpu.memory_space<vmem>> -> memref<128xi32, #tpu.memory_space<vmem>>
    %dma_wait3A_1603 = arith.constant 0 : i32
    %dma_wait3A_1604 = tpu.memref_slice %arg7[%dma_wait3A_1603] : memref<10649600xf32, #tpu.memory_space<hbm>> -> memref<10649600xf32, #tpu.memory_space<hbm>>
    tpu.wait_indirect_dma semaphore(%arg34 : memref<!tpu.dma_semaphore, #tpu.memory_space<semaphore_mem>>) src(%dma_wait3A_1604 : memref<10649600xf32, #tpu.memory_space<hbm>>) dst(%dma_wait3A_1599 : memref<128xf32, #tpu.memory_space<vmem>>)
    %dma_wait3A_1605 = arith.constant 3 : i32
    %dma_wait3A_1606 = arith.constant 384 : i32
    %dma_wait3A_1607 = tpu.memref_slice %arg26[%dma_wait3A_1606] : memref<512xf32, #tpu.memory_space<vmem>> -> memref<128xf32, #tpu.memory_space<vmem>>
    %dma_wait3A_1608 = arith.constant 0 : i32
    %dma_wait3A_1609 = tpu.memref_slice %arg24[%dma_wait3A_1605, %dma_wait3A_1608] : memref<4x128xi32, #tpu.memory_space<vmem>> -> memref<1x128xi32, #tpu.memory_space<vmem>>
    %dma_wait3A_1610 = tpu.memref_squeeze %dma_wait3A_1609 : memref<1x128xi32, #tpu.memory_space<vmem>> -> memref<128xi32, #tpu.memory_space<vmem>>
    %dma_wait3A_1611 = arith.constant 0 : i32
    %dma_wait3A_1612 = tpu.memref_slice %arg8[%dma_wait3A_1611] : memref<10649600xf32, #tpu.memory_space<hbm>> -> memref<10649600xf32, #tpu.memory_space<hbm>>
    tpu.wait_indirect_dma semaphore(%arg34 : memref<!tpu.dma_semaphore, #tpu.memory_space<semaphore_mem>>) src(%dma_wait3A_1612 : memref<10649600xf32, #tpu.memory_space<hbm>>) dst(%dma_wait3A_1607 : memref<128xf32, #tpu.memory_space<vmem>>)
    %dma_wait3A_1613 = arith.constant 3 : i32
    %dma_wait3A_1614 = arith.constant 384 : i32
    %dma_wait3A_1615 = tpu.memref_slice %arg27[%dma_wait3A_1614] : memref<512xf32, #tpu.memory_space<vmem>> -> memref<128xf32, #tpu.memory_space<vmem>>
    %dma_wait3A_1616 = arith.constant 0 : i32
    %dma_wait3A_1617 = tpu.memref_slice %arg24[%dma_wait3A_1613, %dma_wait3A_1616] : memref<4x128xi32, #tpu.memory_space<vmem>> -> memref<1x128xi32, #tpu.memory_space<vmem>>
    %dma_wait3A_1618 = tpu.memref_squeeze %dma_wait3A_1617 : memref<1x128xi32, #tpu.memory_space<vmem>> -> memref<128xi32, #tpu.memory_space<vmem>>
    %dma_wait3A_1619 = arith.constant 0 : i32
    %dma_wait3A_1620 = tpu.memref_slice %arg9[%dma_wait3A_1619] : memref<10649600xf32, #tpu.memory_space<hbm>> -> memref<10649600xf32, #tpu.memory_space<hbm>>
    tpu.wait_indirect_dma semaphore(%arg34 : memref<!tpu.dma_semaphore, #tpu.memory_space<semaphore_mem>>) src(%dma_wait3A_1620 : memref<10649600xf32, #tpu.memory_space<hbm>>) dst(%dma_wait3A_1615 : memref<128xf32, #tpu.memory_space<vmem>>)
    %dma_wait3A_1621 = arith.constant 3 : i32
    %dma_wait3A_1622 = arith.constant 384 : i32
    %dma_wait3A_1623 = tpu.memref_slice %arg28[%dma_wait3A_1622] : memref<512xf32, #tpu.memory_space<vmem>> -> memref<128xf32, #tpu.memory_space<vmem>>
    %dma_wait3A_1624 = arith.constant 0 : i32
    %dma_wait3A_1625 = tpu.memref_slice %arg24[%dma_wait3A_1621, %dma_wait3A_1624] : memref<4x128xi32, #tpu.memory_space<vmem>> -> memref<1x128xi32, #tpu.memory_space<vmem>>
    %dma_wait3A_1626 = tpu.memref_squeeze %dma_wait3A_1625 : memref<1x128xi32, #tpu.memory_space<vmem>> -> memref<128xi32, #tpu.memory_space<vmem>>
    %dma_wait3A_1627 = arith.constant 0 : i32
    %dma_wait3A_1628 = tpu.memref_slice %arg10[%dma_wait3A_1627] : memref<10649600xf32, #tpu.memory_space<hbm>> -> memref<10649600xf32, #tpu.memory_space<hbm>>
    tpu.wait_indirect_dma semaphore(%arg34 : memref<!tpu.dma_semaphore, #tpu.memory_space<semaphore_mem>>) src(%dma_wait3A_1628 : memref<10649600xf32, #tpu.memory_space<hbm>>) dst(%dma_wait3A_1623 : memref<128xf32, #tpu.memory_space<vmem>>)
    %get3A_1629 = arith.constant 0 : index
    %get3A_1630 = tpu.vector_load %arg25[%get3A_1629] {strides = array<i32>} : memref<512xf32, #tpu.memory_space<vmem>>, vector<16xf32>,
    %get3A_1631 = vector.shape_cast %get3A_1630 : vector<16xf32> to vector<16xf32>
    %get3A_1632 = arith.constant 0 : index
    %get3A_1633 = tpu.vector_load %arg26[%get3A_1632] {strides = array<i32>} : memref<512xf32, #tpu.memory_space<vmem>>, vector<16xf32>,
    %get3A_1634 = vector.shape_cast %get3A_1633 : vector<16xf32> to vector<16xf32>
    %max3A = arith.constant -2.000000e+00 : f32
    %max3A_1635 = vector.broadcast %max3A : f32 to vector<16xf32>
    %max3A_1636 = arith.maximumf %get3A_1634, %max3A_1635 : vector<16xf32>
    %min3A = arith.constant 2.000000e+00 : f32
    %min3A_1637 = vector.broadcast %min3A : f32 to vector<16xf32>
    %min3A_1638 = arith.minimumf %max3A_1636, %min3A_1637 : vector<16xf32>
    %get3A_1639 = arith.constant 0 : index
    %get3A_1640 = tpu.vector_load %arg27[%get3A_1639] {strides = array<i32>} : memref<512xf32, #tpu.memory_space<vmem>>, vector<16xf32>,
    %get3A_1641 = vector.shape_cast %get3A_1640 : vector<16xf32> to vector<16xf32>
    %get3A_1642 = arith.constant 0 : index
    %get3A_1643 = tpu.vector_load %arg28[%get3A_1642] {strides = array<i32>} : memref<512xf32, #tpu.memory_space<vmem>>, vector<16xf32>,
    %get3A_1644 = vector.shape_cast %get3A_1643 : vector<16xf32> to vector<16xf32>
    %get3A_1645 = arith.constant 0 : index
    %get3A_1646 = tpu.vector_load %arg22[%get3A_1645] {strides = array<i32>} : memref<512xf32, #tpu.memory_space<vmem>>, vector<16xf32>,
    %get3A_1647 = vector.shape_cast %get3A_1646 : vector<16xf32> to vector<16xf32>
    %get3A_1648 = arith.constant 0 : index
    %get3A_1649 = tpu.vector_load %arg23[%get3A_1648] {strides = array<i32>} : memref<512xf32, #tpu.memory_space<vmem>>, vector<16xf32>,
    %get3A_1650 = vector.shape_cast %get3A_1649 : vector<16xf32> to vector<16xf32>
    %mul3A_1651 = arith.constant 2.000000e+00 : f32
    %mul3A_1652 = vector.broadcast %mul3A_1651 : f32 to vector<16xf32>
    %mul3A_1653 = arith.mulf %get3A_1650, %mul3A_1652 : vector<16xf32>
    %exp3A = math.exp %mul3A_1653 : vector<16xf32>
    %add3A_1654 = arith.constant 1.000000e+00 : f32
    %add3A_1655 = vector.broadcast %add3A_1654 : f32 to vector<16xf32>
    %add3A_1656 = arith.addf %exp3A, %add3A_1655 : vector<16xf32>
    %div3A = arith.constant 2.000000e+00 : f32
    %div3A_1657 = vector.broadcast %div3A : f32 to vector<16xf32>
    %div3A_1658 = arith.divf %div3A_1657, %add3A_1656 : vector<16xf32>
    %sub3A = arith.constant 1.000000e+00 : f32
    %sub3A_1659 = vector.broadcast %sub3A : f32 to vector<16xf32>
    %sub3A_1660 = arith.subf %sub3A_1659, %div3A_1658 : vector<16xf32>
    %add3A_1661 = arith.addf %get3A_1631, %min3A_1638 : vector<16xf32>
    %mul3A_1662 = arith.mulf %get3A_1641, %get3A_1647 : vector<16xf32>
    %mul3A_1663 = arith.mulf %get3A_1644, %sub3A_1660 : vector<16xf32>
    %add3A_1664 = arith.addf %mul3A_1662, %mul3A_1663 : vector<16xf32>
    %mul3A_1665 = arith.mulf %add3A_1661, %add3A_1664 : vector<16xf32>
    %swap3A_1666 = arith.constant 0 : index
    %swap3A_1667 = tpu.vector_load %arg29[%swap3A_1666] {strides = array<i32>} : memref<512xf32, #tpu.memory_space<vmem>>, vector<16xf32>,
    %swap3A_1668 = vector.shape_cast %swap3A_1667 : vector<16xf32> to vector<16xf32>
    %swap3A_1669 = vector.shape_cast %min3A_1638 : vector<16xf32> to vector<16xf32>
    tpu.vector_store %arg29[%swap3A_1666], %swap3A_1669 {strides = array<i32>} : memref<512xf32, #tpu.memory_space<vmem>>, vector<16xf32>,
    %swap3A_1670 = arith.constant 0 : index
    %swap3A_1671 = tpu.vector_load %arg30[%swap3A_1670] {strides = array<i32>} : memref<512xf32, #tpu.memory_space<vmem>>, vector<16xf32>,
    %swap3A_1672 = vector.shape_cast %swap3A_1671 : vector<16xf32> to vector<16xf32>
    %swap3A_1673 = vector.shape_cast %sub3A_1660 : vector<16xf32> to vector<16xf32>
    tpu.vector_store %arg30[%swap3A_1670], %swap3A_1673 {strides = array<i32>} : memref<512xf32, #tpu.memory_space<vmem>>, vector<16xf32>,
    %swap3A_1674 = arith.constant 0 : index
    %swap3A_1675 = tpu.vector_load %arg31[%swap3A_1674] {strides = array<i32>} : memref<512xf32, #tpu.memory_space<vmem>>, vector<16xf32>,
    %swap3A_1676 = vector.shape_cast %swap3A_1675 : vector<16xf32> to vector<16xf32>
    %swap3A_1677 = vector.shape_cast %add3A_1661 : vector<16xf32> to vector<16xf32>
    tpu.vector_store %arg31[%swap3A_1674], %swap3A_1677 {strides = array<i32>} : memref<512xf32, #tpu.memory_space<vmem>>, vector<16xf32>,
    %swap3A_1678 = arith.constant 0 : index
    %swap3A_1679 = tpu.vector_load %arg32[%swap3A_1678] {strides = array<i32>} : memref<512xf32, #tpu.memory_space<vmem>>, vector<16xf32>,
    %swap3A_1680 = vector.shape_cast %swap3A_1679 : vector<16xf32> to vector<16xf32>
    %swap3A_1681 = vector.shape_cast %add3A_1664 : vector<16xf32> to vector<16xf32>
    tpu.vector_store %arg32[%swap3A_1678], %swap3A_1681 {strides = array<i32>} : memref<512xf32, #tpu.memory_space<vmem>>, vector<16xf32>,
    %swap3A_1682 = arith.constant 0 : index
    %swap3A_1683 = tpu.vector_load %arg33[%swap3A_1682] {strides = array<i32>} : memref<512xf32, #tpu.memory_space<vmem>>, vector<16xf32>,
    %swap3A_1684 = vector.shape_cast %swap3A_1683 : vector<16xf32> to vector<16xf32>
    %swap3A_1685 = vector.shape_cast %mul3A_1665 : vector<16xf32> to vector<16xf32>
    tpu.vector_store %arg33[%swap3A_1682], %swap3A_1685 {strides = array<i32>} : memref<512xf32, #tpu.memory_space<vmem>>, vector<16xf32>,
    %get3A_1686 = arith.constant 16 : index
    %get3A_1687 = tpu.vector_load %arg25[%get3A_1686] {strides = array<i32>} : memref<512xf32, #tpu.memory_space<vmem>>, vector<16xf32>,
    %get3A_1688 = vector.shape_cast %get3A_1687 : vector<16xf32> to vector<16xf32>
    %get3A_1689 = arith.constant 16 : index
    %get3A_1690 = tpu.vector_load %arg26[%get3A_1689] {strides = array<i32>} : memref<512xf32, #tpu.memory_space<vmem>>, vector<16xf32>,
    %get3A_1691 = vector.shape_cast %get3A_1690 : vector<16xf32> to vector<16xf32>
    %max3A_1692 = arith.constant -2.000000e+00 : f32
    %max3A_1693 = vector.broadcast %max3A_1692 : f32 to vector<16xf32>
    %max3A_1694 = arith.maximumf %get3A_1691, %max3A_1693 : vector<16xf32>
    %min3A_1695 = arith.constant 2.000000e+00 : f32
    %min3A_1696 = vector.broadcast %min3A_1695 : f32 to vector<16xf32>
    %min3A_1697 = arith.minimumf %max3A_1694, %min3A_1696 : vector<16xf32>
    %get3A_1698 = arith.constant 16 : index
    %get3A_1699 = tpu.vector_load %arg27[%get3A_1698] {strides = array<i32>} : memref<512xf32, #tpu.memory_space<vmem>>, vector<16xf32>,
    %get3A_1700 = vector.shape_cast %get3A_1699 : vector<16xf32> to vector<16xf32>
    %get3A_1701 = arith.constant 16 : index
    %get3A_1702 = tpu.vector_load %arg28[%get3A_1701] {strides = array<i32>} : memref<512xf32, #tpu.memory_space<vmem>>, vector<16xf32>,
    %get3A_1703 = vector.shape_cast %get3A_1702 : vector<16xf32> to vector<16xf32>
    %get3A_1704 = arith.constant 16 : index
    %get3A_1705 = tpu.vector_load %arg22[%get3A_1704] {strides = array<i32>} : memref<512xf32, #tpu.memory_space<vmem>>, vector<16xf32>,
    %get3A_1706 = vector.shape_cast %get3A_1705 : vector<16xf32> to vector<16xf32>
    %get3A_1707 = arith.constant 16 : index
    %get3A_1708 = tpu.vector_load %arg23[%get3A_1707] {strides = array<i32>} : memref<512xf32, #tpu.memory_space<vmem>>, vector<16xf32>,
    %get3A_1709 = vector.shape_cast %get3A_1708 : vector<16xf32> to vector<16xf32>
    %mul3A_1710 = arith.constant 2.000000e+00 : f32
    %mul3A_1711 = vector.broadcast %mul3A_1710 : f32 to vector<16xf32>
    %mul3A_1712 = arith.mulf %get3A_1709, %mul3A_1711 : vector<16xf32>
    %exp3A_1713 = math.exp %mul3A_1712 : vector<16xf32>
    %add3A_1714 = arith.constant 1.000000e+00 : f32
    %add3A_1715 = vector.broadcast %add3A_1714 : f32 to vector<16xf32>
    %add3A_1716 = arith.addf %exp3A_1713, %add3A_1715 : vector<16xf32>
    %div3A_1717 = arith.constant 2.000000e+00 : f32
    %div3A_1718 = vector.broadcast %div3A_1717 : f32 to vector<16xf32>
    %div3A_1719 = arith.divf %div3A_1718, %add3A_1716 : vector<16xf32>
    %sub3A_1720 = arith.constant 1.000000e+00 : f32
    %sub3A_1721 = vector.broadcast %sub3A_1720 : f32 to vector<16xf32>
    %sub3A_1722 = arith.subf %sub3A_1721, %div3A_1719 : vector<16xf32>
    %add3A_1723 = arith.addf %get3A_1688, %min3A_1697 : vector<16xf32>
    %mul3A_1724 = arith.mulf %get3A_1700, %get3A_1706 : vector<16xf32>
    %mul3A_1725 = arith.mulf %get3A_1703, %sub3A_1722 : vector<16xf32>
    %add3A_1726 = arith.addf %mul3A_1724, %mul3A_1725 : vector<16xf32>
    %mul3A_1727 = arith.mulf %add3A_1723, %add3A_1726 : vector<16xf32>
    %swap3A_1728 = arith.constant 16 : index
    %swap3A_1729 = tpu.vector_load %arg29[%swap3A_1728] {strides = array<i32>} : memref<512xf32, #tpu.memory_space<vmem>>, vector<16xf32>,
    %swap3A_1730 = vector.shape_cast %swap3A_1729 : vector<16xf32> to vector<16xf32>
    %swap3A_1731 = vector.shape_cast %min3A_1697 : vector<16xf32> to vector<16xf32>
    tpu.vector_store %arg29[%swap3A_1728], %swap3A_1731 {strides = array<i32>} : memref<512xf32, #tpu.memory_space<vmem>>, vector<16xf32>,
    %swap3A_1732 = arith.constant 16 : index
    %swap3A_1733 = tpu.vector_load %arg30[%swap3A_1732] {strides = array<i32>} : memref<512xf32, #tpu.memory_space<vmem>>, vector<16xf32>,
    %swap3A_1734 = vector.shape_cast %swap3A_1733 : vector<16xf32> to vector<16xf32>
    %swap3A_1735 = vector.shape_cast %sub3A_1722 : vector<16xf32> to vector<16xf32>
    tpu.vector_store %arg30[%swap3A_1732], %swap3A_1735 {strides = array<i32>} : memref<512xf32, #tpu.memory_space<vmem>>, vector<16xf32>,
    %swap3A_1736 = arith.constant 16 : index
    %swap3A_1737 = tpu.vector_load %arg31[%swap3A_1736] {strides = array<i32>} : memref<512xf32, #tpu.memory_space<vmem>>, vector<16xf32>,
    %swap3A_1738 = vector.shape_cast %swap3A_1737 : vector<16xf32> to vector<16xf32>
    %swap3A_1739 = vector.shape_cast %add3A_1723 : vector<16xf32> to vector<16xf32>
    tpu.vector_store %arg31[%swap3A_1736], %swap3A_1739 {strides = array<i32>} : memref<512xf32, #tpu.memory_space<vmem>>, vector<16xf32>,
    %swap3A_1740 = arith.constant 16 : index
    %swap3A_1741 = tpu.vector_load %arg32[%swap3A_1740] {strides = array<i32>} : memref<512xf32, #tpu.memory_space<vmem>>, vector<16xf32>,
    %swap3A_1742 = vector.shape_cast %swap3A_1741 : vector<16xf32> to vector<16xf32>
    %swap3A_1743 = vector.shape_cast %add3A_1726 : vector<16xf32> to vector<16xf32>
    tpu.vector_store %arg32[%swap3A_1740], %swap3A_1743 {strides = array<i32>} : memref<512xf32, #tpu.memory_space<vmem>>, vector<16xf32>,
    %swap3A_1744 = arith.constant 16 : index
    %swap3A_1745 = tpu.vector_load %arg33[%swap3A_1744] {strides = array<i32>} : memref<512xf32, #tpu.memory_space<vmem>>, vector<16xf32>,
    %swap3A_1746 = vector.shape_cast %swap3A_1745 : vector<16xf32> to vector<16xf32>
    %swap3A_1747 = vector.shape_cast %mul3A_1727 : vector<16xf32> to vector<16xf32>
    tpu.vector_store %arg33[%swap3A_1744], %swap3A_1747 {strides = array<i32>} : memref<512xf32, #tpu.memory_space<vmem>>, vector<16xf32>,
    %get3A_1748 = arith.constant 32 : index
    %get3A_1749 = tpu.vector_load %arg25[%get3A_1748] {strides = array<i32>} : memref<512xf32, #tpu.memory_space<vmem>>, vector<16xf32>,
    %get3A_1750 = vector.shape_cast %get3A_1749 : vector<16xf32> to vector<16xf32>
    %get3A_1751 = arith.constant 32 : index
    %get3A_1752 = tpu.vector_load %arg26[%get3A_1751] {strides = array<i32>} : memref<512xf32, #tpu.memory_space<vmem>>, vector<16xf32>,
    %get3A_1753 = vector.shape_cast %get3A_1752 : vector<16xf32> to vector<16xf32>
    %max3A_1754 = arith.constant -2.000000e+00 : f32
    %max3A_1755 = vector.broadcast %max3A_1754 : f32 to vector<16xf32>
    %max3A_1756 = arith.maximumf %get3A_1753, %max3A_1755 : vector<16xf32>
    %min3A_1757 = arith.constant 2.000000e+00 : f32
    %min3A_1758 = vector.broadcast %min3A_1757 : f32 to vector<16xf32>
    %min3A_1759 = arith.minimumf %max3A_1756, %min3A_1758 : vector<16xf32>
    %get3A_1760 = arith.constant 32 : index
    %get3A_1761 = tpu.vector_load %arg27[%get3A_1760] {strides = array<i32>} : memref<512xf32, #tpu.memory_space<vmem>>, vector<16xf32>,
    %get3A_1762 = vector.shape_cast %get3A_1761 : vector<16xf32> to vector<16xf32>
    %get3A_1763 = arith.constant 32 : index
    %get3A_1764 = tpu.vector_load %arg28[%get3A_1763] {strides = array<i32>} : memref<512xf32, #tpu.memory_space<vmem>>, vector<16xf32>,
    %get3A_1765 = vector.shape_cast %get3A_1764 : vector<16xf32> to vector<16xf32>
    %get3A_1766 = arith.constant 32 : index
    %get3A_1767 = tpu.vector_load %arg22[%get3A_1766] {strides = array<i32>} : memref<512xf32, #tpu.memory_space<vmem>>, vector<16xf32>,
    %get3A_1768 = vector.shape_cast %get3A_1767 : vector<16xf32> to vector<16xf32>
    %get3A_1769 = arith.constant 32 : index
    %get3A_1770 = tpu.vector_load %arg23[%get3A_1769] {strides = array<i32>} : memref<512xf32, #tpu.memory_space<vmem>>, vector<16xf32>,
    %get3A_1771 = vector.shape_cast %get3A_1770 : vector<16xf32> to vector<16xf32>
    %mul3A_1772 = arith.constant 2.000000e+00 : f32
    %mul3A_1773 = vector.broadcast %mul3A_1772 : f32 to vector<16xf32>
    %mul3A_1774 = arith.mulf %get3A_1771, %mul3A_1773 : vector<16xf32>
    %exp3A_1775 = math.exp %mul3A_1774 : vector<16xf32>
    %add3A_1776 = arith.constant 1.000000e+00 : f32
    %add3A_1777 = vector.broadcast %add3A_1776 : f32 to vector<16xf32>
    %add3A_1778 = arith.addf %exp3A_1775, %add3A_1777 : vector<16xf32>
    %div3A_1779 = arith.constant 2.000000e+00 : f32
    %div3A_1780 = vector.broadcast %div3A_1779 : f32 to vector<16xf32>
    %div3A_1781 = arith.divf %div3A_1780, %add3A_1778 : vector<16xf32>
    %sub3A_1782 = arith.constant 1.000000e+00 : f32
    %sub3A_1783 = vector.broadcast %sub3A_1782 : f32 to vector<16xf32>
    %sub3A_1784 = arith.subf %sub3A_1783, %div3A_1781 : vector<16xf32>
    %add3A_1785 = arith.addf %get3A_1750, %min3A_1759 : vector<16xf32>
    %mul3A_1786 = arith.mulf %get3A_1762, %get3A_1768 : vector<16xf32>
    %mul3A_1787 = arith.mulf %get3A_1765, %sub3A_1784 : vector<16xf32>
    %add3A_1788 = arith.addf %mul3A_1786, %mul3A_1787 : vector<16xf32>
    %mul3A_1789 = arith.mulf %add3A_1785, %add3A_1788 : vector<16xf32>
    %swap3A_1790 = arith.constant 32 : index
    %swap3A_1791 = tpu.vector_load %arg29[%swap3A_1790] {strides = array<i32>} : memref<512xf32, #tpu.memory_space<vmem>>, vector<16xf32>,
    %swap3A_1792 = vector.shape_cast %swap3A_1791 : vector<16xf32> to vector<16xf32>
    %swap3A_1793 = vector.shape_cast %min3A_1759 : vector<16xf32> to vector<16xf32>
    tpu.vector_store %arg29[%swap3A_1790], %swap3A_1793 {strides = array<i32>} : memref<512xf32, #tpu.memory_space<vmem>>, vector<16xf32>,
    %swap3A_1794 = arith.constant 32 : index
    %swap3A_1795 = tpu.vector_load %arg30[%swap3A_1794] {strides = array<i32>} : memref<512xf32, #tpu.memory_space<vmem>>, vector<16xf32>,
    %swap3A_1796 = vector.shape_cast %swap3A_1795 : vector<16xf32> to vector<16xf32>
    %swap3A_1797 = vector.shape_cast %sub3A_1784 : vector<16xf32> to vector<16xf32>
    tpu.vector_store %arg30[%swap3A_1794], %swap3A_1797 {strides = array<i32>} : memref<512xf32, #tpu.memory_space<vmem>>, vector<16xf32>,
    %swap3A_1798 = arith.constant 32 : index
    %swap3A_1799 = tpu.vector_load %arg31[%swap3A_1798] {strides = array<i32>} : memref<512xf32, #tpu.memory_space<vmem>>, vector<16xf32>,
    %swap3A_1800 = vector.shape_cast %swap3A_1799 : vector<16xf32> to vector<16xf32>
    %swap3A_1801 = vector.shape_cast %add3A_1785 : vector<16xf32> to vector<16xf32>
    tpu.vector_store %arg31[%swap3A_1798], %swap3A_1801 {strides = array<i32>} : memref<512xf32, #tpu.memory_space<vmem>>, vector<16xf32>,
    %swap3A_1802 = arith.constant 32 : index
    %swap3A_1803 = tpu.vector_load %arg32[%swap3A_1802] {strides = array<i32>} : memref<512xf32, #tpu.memory_space<vmem>>, vector<16xf32>,
    %swap3A_1804 = vector.shape_cast %swap3A_1803 : vector<16xf32> to vector<16xf32>
    %swap3A_1805 = vector.shape_cast %add3A_1788 : vector<16xf32> to vector<16xf32>
    tpu.vector_store %arg32[%swap3A_1802], %swap3A_1805 {strides = array<i32>} : memref<512xf32, #tpu.memory_space<vmem>>, vector<16xf32>,
    %swap3A_1806 = arith.constant 32 : index
    %swap3A_1807 = tpu.vector_load %arg33[%swap3A_1806] {strides = array<i32>} : memref<512xf32, #tpu.memory_space<vmem>>, vector<16xf32>,
    %swap3A_1808 = vector.shape_cast %swap3A_1807 : vector<16xf32> to vector<16xf32>
    %swap3A_1809 = vector.shape_cast %mul3A_1789 : vector<16xf32> to vector<16xf32>
    tpu.vector_store %arg33[%swap3A_1806], %swap3A_1809 {strides = array<i32>} : memref<512xf32, #tpu.memory_space<vmem>>, vector<16xf32>,
    %get3A_1810 = arith.constant 48 : index
    %get3A_1811 = tpu.vector_load %arg25[%get3A_1810] {strides = array<i32>} : memref<512xf32, #tpu.memory_space<vmem>>, vector<16xf32>,
    %get3A_1812 = vector.shape_cast %get3A_1811 : vector<16xf32> to vector<16xf32>
    %get3A_1813 = arith.constant 48 : index
    %get3A_1814 = tpu.vector_load %arg26[%get3A_1813] {strides = array<i32>} : memref<512xf32, #tpu.memory_space<vmem>>, vector<16xf32>,
    %get3A_1815 = vector.shape_cast %get3A_1814 : vector<16xf32> to vector<16xf32>
    %max3A_1816 = arith.constant -2.000000e+00 : f32
    %max3A_1817 = vector.broadcast %max3A_1816 : f32 to vector<16xf32>
    %max3A_1818 = arith.maximumf %get3A_1815, %max3A_1817 : vector<16xf32>
    %min3A_1819 = arith.constant 2.000000e+00 : f32
    %min3A_1820 = vector.broadcast %min3A_1819 : f32 to vector<16xf32>
    %min3A_1821 = arith.minimumf %max3A_1818, %min3A_1820 : vector<16xf32>
    %get3A_1822 = arith.constant 48 : index
    %get3A_1823 = tpu.vector_load %arg27[%get3A_1822] {strides = array<i32>} : memref<512xf32, #tpu.memory_space<vmem>>, vector<16xf32>,
    %get3A_1824 = vector.shape_cast %get3A_1823 : vector<16xf32> to vector<16xf32>
    %get3A_1825 = arith.constant 48 : index
    %get3A_1826 = tpu.vector_load %arg28[%get3A_1825] {strides = array<i32>} : memref<512xf32, #tpu.memory_space<vmem>>, vector<16xf32>,
    %get3A_1827 = vector.shape_cast %get3A_1826 : vector<16xf32> to vector<16xf32>
    %get3A_1828 = arith.constant 48 : index
    %get3A_1829 = tpu.vector_load %arg22[%get3A_1828] {strides = array<i32>} : memref<512xf32, #tpu.memory_space<vmem>>, vector<16xf32>,
    %get3A_1830 = vector.shape_cast %get3A_1829 : vector<16xf32> to vector<16xf32>
    %get3A_1831 = arith.constant 48 : index
    %get3A_1832 = tpu.vector_load %arg23[%get3A_1831] {strides = array<i32>} : memref<512xf32, #tpu.memory_space<vmem>>, vector<16xf32>,
    %get3A_1833 = vector.shape_cast %get3A_1832 : vector<16xf32> to vector<16xf32>
    %mul3A_1834 = arith.constant 2.000000e+00 : f32
    %mul3A_1835 = vector.broadcast %mul3A_1834 : f32 to vector<16xf32>
    %mul3A_1836 = arith.mulf %get3A_1833, %mul3A_1835 : vector<16xf32>
    %exp3A_1837 = math.exp %mul3A_1836 : vector<16xf32>
    %add3A_1838 = arith.constant 1.000000e+00 : f32
    %add3A_1839 = vector.broadcast %add3A_1838 : f32 to vector<16xf32>
    %add3A_1840 = arith.addf %exp3A_1837, %add3A_1839 : vector<16xf32>
    %div3A_1841 = arith.constant 2.000000e+00 : f32
    %div3A_1842 = vector.broadcast %div3A_1841 : f32 to vector<16xf32>
    %div3A_1843 = arith.divf %div3A_1842, %add3A_1840 : vector<16xf32>
    %sub3A_1844 = arith.constant 1.000000e+00 : f32
    %sub3A_1845 = vector.broadcast %sub3A_1844 : f32 to vector<16xf32>
    %sub3A_1846 = arith.subf %sub3A_1845, %div3A_1843 : vector<16xf32>
    %add3A_1847 = arith.addf %get3A_1812, %min3A_1821 : vector<16xf32>
    %mul3A_1848 = arith.mulf %get3A_1824, %get3A_1830 : vector<16xf32>
    %mul3A_1849 = arith.mulf %get3A_1827, %sub3A_1846 : vector<16xf32>
    %add3A_1850 = arith.addf %mul3A_1848, %mul3A_1849 : vector<16xf32>
    %mul3A_1851 = arith.mulf %add3A_1847, %add3A_1850 : vector<16xf32>
    %swap3A_1852 = arith.constant 48 : index
    %swap3A_1853 = tpu.vector_load %arg29[%swap3A_1852] {strides = array<i32>} : memref<512xf32, #tpu.memory_space<vmem>>, vector<16xf32>,
    %swap3A_1854 = vector.shape_cast %swap3A_1853 : vector<16xf32> to vector<16xf32>
    %swap3A_1855 = vector.shape_cast %min3A_1821 : vector<16xf32> to vector<16xf32>
    tpu.vector_store %arg29[%swap3A_1852], %swap3A_1855 {strides = array<i32>} : memref<512xf32, #tpu.memory_space<vmem>>, vector<16xf32>,
    %swap3A_1856 = arith.constant 48 : index
    %swap3A_1857 = tpu.vector_load %arg30[%swap3A_1856] {strides = array<i32>} : memref<512xf32, #tpu.memory_space<vmem>>, vector<16xf32>,
    %swap3A_1858 = vector.shape_cast %swap3A_1857 : vector<16xf32> to vector<16xf32>
    %swap3A_1859 = vector.shape_cast %sub3A_1846 : vector<16xf32> to vector<16xf32>
    tpu.vector_store %arg30[%swap3A_1856], %swap3A_1859 {strides = array<i32>} : memref<512xf32, #tpu.memory_space<vmem>>, vector<16xf32>,
    %swap3A_1860 = arith.constant 48 : index
    %swap3A_1861 = tpu.vector_load %arg31[%swap3A_1860] {strides = array<i32>} : memref<512xf32, #tpu.memory_space<vmem>>, vector<16xf32>,
    %swap3A_1862 = vector.shape_cast %swap3A_1861 : vector<16xf32> to vector<16xf32>
    %swap3A_1863 = vector.shape_cast %add3A_1847 : vector<16xf32> to vector<16xf32>
    tpu.vector_store %arg31[%swap3A_1860], %swap3A_1863 {strides = array<i32>} : memref<512xf32, #tpu.memory_space<vmem>>, vector<16xf32>,
    %swap3A_1864 = arith.constant 48 : index
    %swap3A_1865 = tpu.vector_load %arg32[%swap3A_1864] {strides = array<i32>} : memref<512xf32, #tpu.memory_space<vmem>>, vector<16xf32>,
    %swap3A_1866 = vector.shape_cast %swap3A_1865 : vector<16xf32> to vector<16xf32>
    %swap3A_1867 = vector.shape_cast %add3A_1850 : vector<16xf32> to vector<16xf32>
    tpu.vector_store %arg32[%swap3A_1864], %swap3A_1867 {strides = array<i32>} : memref<512xf32, #tpu.memory_space<vmem>>, vector<16xf32>,
    %swap3A_1868 = arith.constant 48 : index
    %swap3A_1869 = tpu.vector_load %arg33[%swap3A_1868] {strides = array<i32>} : memref<512xf32, #tpu.memory_space<vmem>>, vector<16xf32>,
    %swap3A_1870 = vector.shape_cast %swap3A_1869 : vector<16xf32> to vector<16xf32>
    %swap3A_1871 = vector.shape_cast %mul3A_1851 : vector<16xf32> to vector<16xf32>
    tpu.vector_store %arg33[%swap3A_1868], %swap3A_1871 {strides = array<i32>} : memref<512xf32, #tpu.memory_space<vmem>>, vector<16xf32>,
    %get3A_1872 = arith.constant 64 : index
    %get3A_1873 = tpu.vector_load %arg25[%get3A_1872] {strides = array<i32>} : memref<512xf32, #tpu.memory_space<vmem>>, vector<16xf32>,
    %get3A_1874 = vector.shape_cast %get3A_1873 : vector<16xf32> to vector<16xf32>
    %get3A_1875 = arith.constant 64 : index
    %get3A_1876 = tpu.vector_load %arg26[%get3A_1875] {strides = array<i32>} : memref<512xf32, #tpu.memory_space<vmem>>, vector<16xf32>,
    %get3A_1877 = vector.shape_cast %get3A_1876 : vector<16xf32> to vector<16xf32>
    %max3A_1878 = arith.constant -2.000000e+00 : f32
    %max3A_1879 = vector.broadcast %max3A_1878 : f32 to vector<16xf32>
    %max3A_1880 = arith.maximumf %get3A_1877, %max3A_1879 : vector<16xf32>
    %min3A_1881 = arith.constant 2.000000e+00 : f32
    %min3A_1882 = vector.broadcast %min3A_1881 : f32 to vector<16xf32>
    %min3A_1883 = arith.minimumf %max3A_1880, %min3A_1882 : vector<16xf32>
    %get3A_1884 = arith.constant 64 : index
    %get3A_1885 = tpu.vector_load %arg27[%get3A_1884] {strides = array<i32>} : memref<512xf32, #tpu.memory_space<vmem>>, vector<16xf32>,
    %get3A_1886 = vector.shape_cast %get3A_1885 : vector<16xf32> to vector<16xf32>
    %get3A_1887 = arith.constant 64 : index
    %get3A_1888 = tpu.vector_load %arg28[%get3A_1887] {strides = array<i32>} : memref<512xf32, #tpu.memory_space<vmem>>, vector<16xf32>,
    %get3A_1889 = vector.shape_cast %get3A_1888 : vector<16xf32> to vector<16xf32>
    %get3A_1890 = arith.constant 64 : index
    %get3A_1891 = tpu.vector_load %arg22[%get3A_1890] {strides = array<i32>} : memref<512xf32, #tpu.memory_space<vmem>>, vector<16xf32>,
    %get3A_1892 = vector.shape_cast %get3A_1891 : vector<16xf32> to vector<16xf32>
    %get3A_1893 = arith.constant 64 : index
    %get3A_1894 = tpu.vector_load %arg23[%get3A_1893] {strides = array<i32>} : memref<512xf32, #tpu.memory_space<vmem>>, vector<16xf32>,
    %get3A_1895 = vector.shape_cast %get3A_1894 : vector<16xf32> to vector<16xf32>
    %mul3A_1896 = arith.constant 2.000000e+00 : f32
    %mul3A_1897 = vector.broadcast %mul3A_1896 : f32 to vector<16xf32>
    %mul3A_1898 = arith.mulf %get3A_1895, %mul3A_1897 : vector<16xf32>
    %exp3A_1899 = math.exp %mul3A_1898 : vector<16xf32>
    %add3A_1900 = arith.constant 1.000000e+00 : f32
    %add3A_1901 = vector.broadcast %add3A_1900 : f32 to vector<16xf32>
    %add3A_1902 = arith.addf %exp3A_1899, %add3A_1901 : vector<16xf32>
    %div3A_1903 = arith.constant 2.000000e+00 : f32
    %div3A_1904 = vector.broadcast %div3A_1903 : f32 to vector<16xf32>
    %div3A_1905 = arith.divf %div3A_1904, %add3A_1902 : vector<16xf32>
    %sub3A_1906 = arith.constant 1.000000e+00 : f32
    %sub3A_1907 = vector.broadcast %sub3A_1906 : f32 to vector<16xf32>
    %sub3A_1908 = arith.subf %sub3A_1907, %div3A_1905 : vector<16xf32>
    %add3A_1909 = arith.addf %get3A_1874, %min3A_1883 : vector<16xf32>
    %mul3A_1910 = arith.mulf %get3A_1886, %get3A_1892 : vector<16xf32>
    %mul3A_1911 = arith.mulf %get3A_1889, %sub3A_1908 : vector<16xf32>
    %add3A_1912 = arith.addf %mul3A_1910, %mul3A_1911 : vector<16xf32>
    %mul3A_1913 = arith.mulf %add3A_1909, %add3A_1912 : vector<16xf32>
    %swap3A_1914 = arith.constant 64 : index
    %swap3A_1915 = tpu.vector_load %arg29[%swap3A_1914] {strides = array<i32>} : memref<512xf32, #tpu.memory_space<vmem>>, vector<16xf32>,
    %swap3A_1916 = vector.shape_cast %swap3A_1915 : vector<16xf32> to vector<16xf32>
    %swap3A_1917 = vector.shape_cast %min3A_1883 : vector<16xf32> to vector<16xf32>
    tpu.vector_store %arg29[%swap3A_1914], %swap3A_1917 {strides = array<i32>} : memref<512xf32, #tpu.memory_space<vmem>>, vector<16xf32>,
    %swap3A_1918 = arith.constant 64 : index
    %swap3A_1919 = tpu.vector_load %arg30[%swap3A_1918] {strides = array<i32>} : memref<512xf32, #tpu.memory_space<vmem>>, vector<16xf32>,
    %swap3A_1920 = vector.shape_cast %swap3A_1919 : vector<16xf32> to vector<16xf32>
    %swap3A_1921 = vector.shape_cast %sub3A_1908 : vector<16xf32> to vector<16xf32>
    tpu.vector_store %arg30[%swap3A_1918], %swap3A_1921 {strides = array<i32>} : memref<512xf32, #tpu.memory_space<vmem>>, vector<16xf32>,
    %swap3A_1922 = arith.constant 64 : index
    %swap3A_1923 = tpu.vector_load %arg31[%swap3A_1922] {strides = array<i32>} : memref<512xf32, #tpu.memory_space<vmem>>, vector<16xf32>,
    %swap3A_1924 = vector.shape_cast %swap3A_1923 : vector<16xf32> to vector<16xf32>
    %swap3A_1925 = vector.shape_cast %add3A_1909 : vector<16xf32> to vector<16xf32>
    tpu.vector_store %arg31[%swap3A_1922], %swap3A_1925 {strides = array<i32>} : memref<512xf32, #tpu.memory_space<vmem>>, vector<16xf32>,
    %swap3A_1926 = arith.constant 64 : index
    %swap3A_1927 = tpu.vector_load %arg32[%swap3A_1926] {strides = array<i32>} : memref<512xf32, #tpu.memory_space<vmem>>, vector<16xf32>,
    %swap3A_1928 = vector.shape_cast %swap3A_1927 : vector<16xf32> to vector<16xf32>
    %swap3A_1929 = vector.shape_cast %add3A_1912 : vector<16xf32> to vector<16xf32>
    tpu.vector_store %arg32[%swap3A_1926], %swap3A_1929 {strides = array<i32>} : memref<512xf32, #tpu.memory_space<vmem>>, vector<16xf32>,
    %swap3A_1930 = arith.constant 64 : index
    %swap3A_1931 = tpu.vector_load %arg33[%swap3A_1930] {strides = array<i32>} : memref<512xf32, #tpu.memory_space<vmem>>, vector<16xf32>,
    %swap3A_1932 = vector.shape_cast %swap3A_1931 : vector<16xf32> to vector<16xf32>
    %swap3A_1933 = vector.shape_cast %mul3A_1913 : vector<16xf32> to vector<16xf32>
    tpu.vector_store %arg33[%swap3A_1930], %swap3A_1933 {strides = array<i32>} : memref<512xf32, #tpu.memory_space<vmem>>, vector<16xf32>,
    %get3A_1934 = arith.constant 80 : index
    %get3A_1935 = tpu.vector_load %arg25[%get3A_1934] {strides = array<i32>} : memref<512xf32, #tpu.memory_space<vmem>>, vector<16xf32>,
    %get3A_1936 = vector.shape_cast %get3A_1935 : vector<16xf32> to vector<16xf32>
    %get3A_1937 = arith.constant 80 : index
    %get3A_1938 = tpu.vector_load %arg26[%get3A_1937] {strides = array<i32>} : memref<512xf32, #tpu.memory_space<vmem>>, vector<16xf32>,
    %get3A_1939 = vector.shape_cast %get3A_1938 : vector<16xf32> to vector<16xf32>
    %max3A_1940 = arith.constant -2.000000e+00 : f32
    %max3A_1941 = vector.broadcast %max3A_1940 : f32 to vector<16xf32>
    %max3A_1942 = arith.maximumf %get3A_1939, %max3A_1941 : vector<16xf32>
    %min3A_1943 = arith.constant 2.000000e+00 : f32
    %min3A_1944 = vector.broadcast %min3A_1943 : f32 to vector<16xf32>
    %min3A_1945 = arith.minimumf %max3A_1942, %min3A_1944 : vector<16xf32>
    %get3A_1946 = arith.constant 80 : index
    %get3A_1947 = tpu.vector_load %arg27[%get3A_1946] {strides = array<i32>} : memref<512xf32, #tpu.memory_space<vmem>>, vector<16xf32>,
    %get3A_1948 = vector.shape_cast %get3A_1947 : vector<16xf32> to vector<16xf32>
    %get3A_1949 = arith.constant 80 : index
    %get3A_1950 = tpu.vector_load %arg28[%get3A_1949] {strides = array<i32>} : memref<512xf32, #tpu.memory_space<vmem>>, vector<16xf32>,
    %get3A_1951 = vector.shape_cast %get3A_1950 : vector<16xf32> to vector<16xf32>
    %get3A_1952 = arith.constant 80 : index
    %get3A_1953 = tpu.vector_load %arg22[%get3A_1952] {strides = array<i32>} : memref<512xf32, #tpu.memory_space<vmem>>, vector<16xf32>,
    %get3A_1954 = vector.shape_cast %get3A_1953 : vector<16xf32> to vector<16xf32>
    %get3A_1955 = arith.constant 80 : index
    %get3A_1956 = tpu.vector_load %arg23[%get3A_1955] {strides = array<i32>} : memref<512xf32, #tpu.memory_space<vmem>>, vector<16xf32>,
    %get3A_1957 = vector.shape_cast %get3A_1956 : vector<16xf32> to vector<16xf32>
    %mul3A_1958 = arith.constant 2.000000e+00 : f32
    %mul3A_1959 = vector.broadcast %mul3A_1958 : f32 to vector<16xf32>
    %mul3A_1960 = arith.mulf %get3A_1957, %mul3A_1959 : vector<16xf32>
    %exp3A_1961 = math.exp %mul3A_1960 : vector<16xf32>
    %add3A_1962 = arith.constant 1.000000e+00 : f32
    %add3A_1963 = vector.broadcast %add3A_1962 : f32 to vector<16xf32>
    %add3A_1964 = arith.addf %exp3A_1961, %add3A_1963 : vector<16xf32>
    %div3A_1965 = arith.constant 2.000000e+00 : f32
    %div3A_1966 = vector.broadcast %div3A_1965 : f32 to vector<16xf32>
    %div3A_1967 = arith.divf %div3A_1966, %add3A_1964 : vector<16xf32>
    %sub3A_1968 = arith.constant 1.000000e+00 : f32
    %sub3A_1969 = vector.broadcast %sub3A_1968 : f32 to vector<16xf32>
    %sub3A_1970 = arith.subf %sub3A_1969, %div3A_1967 : vector<16xf32>
    %add3A_1971 = arith.addf %get3A_1936, %min3A_1945 : vector<16xf32>
    %mul3A_1972 = arith.mulf %get3A_1948, %get3A_1954 : vector<16xf32>
    %mul3A_1973 = arith.mulf %get3A_1951, %sub3A_1970 : vector<16xf32>
    %add3A_1974 = arith.addf %mul3A_1972, %mul3A_1973 : vector<16xf32>
    %mul3A_1975 = arith.mulf %add3A_1971, %add3A_1974 : vector<16xf32>
    %swap3A_1976 = arith.constant 80 : index
    %swap3A_1977 = tpu.vector_load %arg29[%swap3A_1976] {strides = array<i32>} : memref<512xf32, #tpu.memory_space<vmem>>, vector<16xf32>,
    %swap3A_1978 = vector.shape_cast %swap3A_1977 : vector<16xf32> to vector<16xf32>
    %swap3A_1979 = vector.shape_cast %min3A_1945 : vector<16xf32> to vector<16xf32>
    tpu.vector_store %arg29[%swap3A_1976], %swap3A_1979 {strides = array<i32>} : memref<512xf32, #tpu.memory_space<vmem>>, vector<16xf32>,
    %swap3A_1980 = arith.constant 80 : index
    %swap3A_1981 = tpu.vector_load %arg30[%swap3A_1980] {strides = array<i32>} : memref<512xf32, #tpu.memory_space<vmem>>, vector<16xf32>,
    %swap3A_1982 = vector.shape_cast %swap3A_1981 : vector<16xf32> to vector<16xf32>
    %swap3A_1983 = vector.shape_cast %sub3A_1970 : vector<16xf32> to vector<16xf32>
    tpu.vector_store %arg30[%swap3A_1980], %swap3A_1983 {strides = array<i32>} : memref<512xf32, #tpu.memory_space<vmem>>, vector<16xf32>,
    %swap3A_1984 = arith.constant 80 : index
    %swap3A_1985 = tpu.vector_load %arg31[%swap3A_1984] {strides = array<i32>} : memref<512xf32, #tpu.memory_space<vmem>>, vector<16xf32>,
    %swap3A_1986 = vector.shape_cast %swap3A_1985 : vector<16xf32> to vector<16xf32>
    %swap3A_1987 = vector.shape_cast %add3A_1971 : vector<16xf32> to vector<16xf32>
    tpu.vector_store %arg31[%swap3A_1984], %swap3A_1987 {strides = array<i32>} : memref<512xf32, #tpu.memory_space<vmem>>, vector<16xf32>,
    %swap3A_1988 = arith.constant 80 : index
    %swap3A_1989 = tpu.vector_load %arg32[%swap3A_1988] {strides = array<i32>} : memref<512xf32, #tpu.memory_space<vmem>>, vector<16xf32>,
    %swap3A_1990 = vector.shape_cast %swap3A_1989 : vector<16xf32> to vector<16xf32>
    %swap3A_1991 = vector.shape_cast %add3A_1974 : vector<16xf32> to vector<16xf32>
    tpu.vector_store %arg32[%swap3A_1988], %swap3A_1991 {strides = array<i32>} : memref<512xf32, #tpu.memory_space<vmem>>, vector<16xf32>,
    %swap3A_1992 = arith.constant 80 : index
    %swap3A_1993 = tpu.vector_load %arg33[%swap3A_1992] {strides = array<i32>} : memref<512xf32, #tpu.memory_space<vmem>>, vector<16xf32>,
    %swap3A_1994 = vector.shape_cast %swap3A_1993 : vector<16xf32> to vector<16xf32>
    %swap3A_1995 = vector.shape_cast %mul3A_1975 : vector<16xf32> to vector<16xf32>
    tpu.vector_store %arg33[%swap3A_1992], %swap3A_1995 {strides = array<i32>} : memref<512xf32, #tpu.memory_space<vmem>>, vector<16xf32>,
    %get3A_1996 = arith.constant 96 : index
    %get3A_1997 = tpu.vector_load %arg25[%get3A_1996] {strides = array<i32>} : memref<512xf32, #tpu.memory_space<vmem>>, vector<16xf32>,
    %get3A_1998 = vector.shape_cast %get3A_1997 : vector<16xf32> to vector<16xf32>
    %get3A_1999 = arith.constant 96 : index
    %get3A_2000 = tpu.vector_load %arg26[%get3A_1999] {strides = array<i32>} : memref<512xf32, #tpu.memory_space<vmem>>, vector<16xf32>,
    %get3A_2001 = vector.shape_cast %get3A_2000 : vector<16xf32> to vector<16xf32>
    %max3A_2002 = arith.constant -2.000000e+00 : f32
    %max3A_2003 = vector.broadcast %max3A_2002 : f32 to vector<16xf32>
    %max3A_2004 = arith.maximumf %get3A_2001, %max3A_2003 : vector<16xf32>
    %min3A_2005 = arith.constant 2.000000e+00 : f32
    %min3A_2006 = vector.broadcast %min3A_2005 : f32 to vector<16xf32>
    %min3A_2007 = arith.minimumf %max3A_2004, %min3A_2006 : vector<16xf32>
    %get3A_2008 = arith.constant 96 : index
    %get3A_2009 = tpu.vector_load %arg27[%get3A_2008] {strides = array<i32>} : memref<512xf32, #tpu.memory_space<vmem>>, vector<16xf32>,
    %get3A_2010 = vector.shape_cast %get3A_2009 : vector<16xf32> to vector<16xf32>
    %get3A_2011 = arith.constant 96 : index
    %get3A_2012 = tpu.vector_load %arg28[%get3A_2011] {strides = array<i32>} : memref<512xf32, #tpu.memory_space<vmem>>, vector<16xf32>,
    %get3A_2013 = vector.shape_cast %get3A_2012 : vector<16xf32> to vector<16xf32>
    %get3A_2014 = arith.constant 96 : index
    %get3A_2015 = tpu.vector_load %arg22[%get3A_2014] {strides = array<i32>} : memref<512xf32, #tpu.memory_space<vmem>>, vector<16xf32>,
    %get3A_2016 = vector.shape_cast %get3A_2015 : vector<16xf32> to vector<16xf32>
    %get3A_2017 = arith.constant 96 : index
    %get3A_2018 = tpu.vector_load %arg23[%get3A_2017] {strides = array<i32>} : memref<512xf32, #tpu.memory_space<vmem>>, vector<16xf32>,
    %get3A_2019 = vector.shape_cast %get3A_2018 : vector<16xf32> to vector<16xf32>
    %mul3A_2020 = arith.constant 2.000000e+00 : f32
    %mul3A_2021 = vector.broadcast %mul3A_2020 : f32 to vector<16xf32>
    %mul3A_2022 = arith.mulf %get3A_2019, %mul3A_2021 : vector<16xf32>
    %exp3A_2023 = math.exp %mul3A_2022 : vector<16xf32>
    %add3A_2024 = arith.constant 1.000000e+00 : f32
    %add3A_2025 = vector.broadcast %add3A_2024 : f32 to vector<16xf32>
    %add3A_2026 = arith.addf %exp3A_2023, %add3A_2025 : vector<16xf32>
    %div3A_2027 = arith.constant 2.000000e+00 : f32
    %div3A_2028 = vector.broadcast %div3A_2027 : f32 to vector<16xf32>
    %div3A_2029 = arith.divf %div3A_2028, %add3A_2026 : vector<16xf32>
    %sub3A_2030 = arith.constant 1.000000e+00 : f32
    %sub3A_2031 = vector.broadcast %sub3A_2030 : f32 to vector<16xf32>
    %sub3A_2032 = arith.subf %sub3A_2031, %div3A_2029 : vector<16xf32>
    %add3A_2033 = arith.addf %get3A_1998, %min3A_2007 : vector<16xf32>
    %mul3A_2034 = arith.mulf %get3A_2010, %get3A_2016 : vector<16xf32>
    %mul3A_2035 = arith.mulf %get3A_2013, %sub3A_2032 : vector<16xf32>
    %add3A_2036 = arith.addf %mul3A_2034, %mul3A_2035 : vector<16xf32>
    %mul3A_2037 = arith.mulf %add3A_2033, %add3A_2036 : vector<16xf32>
    %swap3A_2038 = arith.constant 96 : index
    %swap3A_2039 = tpu.vector_load %arg29[%swap3A_2038] {strides = array<i32>} : memref<512xf32, #tpu.memory_space<vmem>>, vector<16xf32>,
    %swap3A_2040 = vector.shape_cast %swap3A_2039 : vector<16xf32> to vector<16xf32>
    %swap3A_2041 = vector.shape_cast %min3A_2007 : vector<16xf32> to vector<16xf32>
    tpu.vector_store %arg29[%swap3A_2038], %swap3A_2041 {strides = array<i32>} : memref<512xf32, #tpu.memory_space<vmem>>, vector<16xf32>,
    %swap3A_2042 = arith.constant 96 : index
    %swap3A_2043 = tpu.vector_load %arg30[%swap3A_2042] {strides = array<i32>} : memref<512xf32, #tpu.memory_space<vmem>>, vector<16xf32>,
    %swap3A_2044 = vector.shape_cast %swap3A_2043 : vector<16xf32> to vector<16xf32>
    %swap3A_2045 = vector.shape_cast %sub3A_2032 : vector<16xf32> to vector<16xf32>
    tpu.vector_store %arg30[%swap3A_2042], %swap3A_2045 {strides = array<i32>} : memref<512xf32, #tpu.memory_space<vmem>>, vector<16xf32>,
    %swap3A_2046 = arith.constant 96 : index
    %swap3A_2047 = tpu.vector_load %arg31[%swap3A_2046] {strides = array<i32>} : memref<512xf32, #tpu.memory_space<vmem>>, vector<16xf32>,
    %swap3A_2048 = vector.shape_cast %swap3A_2047 : vector<16xf32> to vector<16xf32>
    %swap3A_2049 = vector.shape_cast %add3A_2033 : vector<16xf32> to vector<16xf32>
    tpu.vector_store %arg31[%swap3A_2046], %swap3A_2049 {strides = array<i32>} : memref<512xf32, #tpu.memory_space<vmem>>, vector<16xf32>,
    %swap3A_2050 = arith.constant 96 : index
    %swap3A_2051 = tpu.vector_load %arg32[%swap3A_2050] {strides = array<i32>} : memref<512xf32, #tpu.memory_space<vmem>>, vector<16xf32>,
    %swap3A_2052 = vector.shape_cast %swap3A_2051 : vector<16xf32> to vector<16xf32>
    %swap3A_2053 = vector.shape_cast %add3A_2036 : vector<16xf32> to vector<16xf32>
    tpu.vector_store %arg32[%swap3A_2050], %swap3A_2053 {strides = array<i32>} : memref<512xf32, #tpu.memory_space<vmem>>, vector<16xf32>,
    %swap3A_2054 = arith.constant 96 : index
    %swap3A_2055 = tpu.vector_load %arg33[%swap3A_2054] {strides = array<i32>} : memref<512xf32, #tpu.memory_space<vmem>>, vector<16xf32>,
    %swap3A_2056 = vector.shape_cast %swap3A_2055 : vector<16xf32> to vector<16xf32>
    %swap3A_2057 = vector.shape_cast %mul3A_2037 : vector<16xf32> to vector<16xf32>
    tpu.vector_store %arg33[%swap3A_2054], %swap3A_2057 {strides = array<i32>} : memref<512xf32, #tpu.memory_space<vmem>>, vector<16xf32>,
    %get3A_2058 = arith.constant 112 : index
    %get3A_2059 = tpu.vector_load %arg25[%get3A_2058] {strides = array<i32>} : memref<512xf32, #tpu.memory_space<vmem>>, vector<16xf32>,
    %get3A_2060 = vector.shape_cast %get3A_2059 : vector<16xf32> to vector<16xf32>
    %get3A_2061 = arith.constant 112 : index
    %get3A_2062 = tpu.vector_load %arg26[%get3A_2061] {strides = array<i32>} : memref<512xf32, #tpu.memory_space<vmem>>, vector<16xf32>,
    %get3A_2063 = vector.shape_cast %get3A_2062 : vector<16xf32> to vector<16xf32>
    %max3A_2064 = arith.constant -2.000000e+00 : f32
    %max3A_2065 = vector.broadcast %max3A_2064 : f32 to vector<16xf32>
    %max3A_2066 = arith.maximumf %get3A_2063, %max3A_2065 : vector<16xf32>
    %min3A_2067 = arith.constant 2.000000e+00 : f32
    %min3A_2068 = vector.broadcast %min3A_2067 : f32 to vector<16xf32>
    %min3A_2069 = arith.minimumf %max3A_2066, %min3A_2068 : vector<16xf32>
    %get3A_2070 = arith.constant 112 : index
    %get3A_2071 = tpu.vector_load %arg27[%get3A_2070] {strides = array<i32>} : memref<512xf32, #tpu.memory_space<vmem>>, vector<16xf32>,
    %get3A_2072 = vector.shape_cast %get3A_2071 : vector<16xf32> to vector<16xf32>
    %get3A_2073 = arith.constant 112 : index
    %get3A_2074 = tpu.vector_load %arg28[%get3A_2073] {strides = array<i32>} : memref<512xf32, #tpu.memory_space<vmem>>, vector<16xf32>,
    %get3A_2075 = vector.shape_cast %get3A_2074 : vector<16xf32> to vector<16xf32>
    %get3A_2076 = arith.constant 112 : index
    %get3A_2077 = tpu.vector_load %arg22[%get3A_2076] {strides = array<i32>} : memref<512xf32, #tpu.memory_space<vmem>>, vector<16xf32>,
    %get3A_2078 = vector.shape_cast %get3A_2077 : vector<16xf32> to vector<16xf32>
    %get3A_2079 = arith.constant 112 : index
    %get3A_2080 = tpu.vector_load %arg23[%get3A_2079] {strides = array<i32>} : memref<512xf32, #tpu.memory_space<vmem>>, vector<16xf32>,
    %get3A_2081 = vector.shape_cast %get3A_2080 : vector<16xf32> to vector<16xf32>
    %mul3A_2082 = arith.constant 2.000000e+00 : f32
    %mul3A_2083 = vector.broadcast %mul3A_2082 : f32 to vector<16xf32>
    %mul3A_2084 = arith.mulf %get3A_2081, %mul3A_2083 : vector<16xf32>
    %exp3A_2085 = math.exp %mul3A_2084 : vector<16xf32>
    %add3A_2086 = arith.constant 1.000000e+00 : f32
    %add3A_2087 = vector.broadcast %add3A_2086 : f32 to vector<16xf32>
    %add3A_2088 = arith.addf %exp3A_2085, %add3A_2087 : vector<16xf32>
    %div3A_2089 = arith.constant 2.000000e+00 : f32
    %div3A_2090 = vector.broadcast %div3A_2089 : f32 to vector<16xf32>
    %div3A_2091 = arith.divf %div3A_2090, %add3A_2088 : vector<16xf32>
    %sub3A_2092 = arith.constant 1.000000e+00 : f32
    %sub3A_2093 = vector.broadcast %sub3A_2092 : f32 to vector<16xf32>
    %sub3A_2094 = arith.subf %sub3A_2093, %div3A_2091 : vector<16xf32>
    %add3A_2095 = arith.addf %get3A_2060, %min3A_2069 : vector<16xf32>
    %mul3A_2096 = arith.mulf %get3A_2072, %get3A_2078 : vector<16xf32>
    %mul3A_2097 = arith.mulf %get3A_2075, %sub3A_2094 : vector<16xf32>
    %add3A_2098 = arith.addf %mul3A_2096, %mul3A_2097 : vector<16xf32>
    %mul3A_2099 = arith.mulf %add3A_2095, %add3A_2098 : vector<16xf32>
    %swap3A_2100 = arith.constant 112 : index
    %swap3A_2101 = tpu.vector_load %arg29[%swap3A_2100] {strides = array<i32>} : memref<512xf32, #tpu.memory_space<vmem>>, vector<16xf32>,
    %swap3A_2102 = vector.shape_cast %swap3A_2101 : vector<16xf32> to vector<16xf32>
    %swap3A_2103 = vector.shape_cast %min3A_2069 : vector<16xf32> to vector<16xf32>
    tpu.vector_store %arg29[%swap3A_2100], %swap3A_2103 {strides = array<i32>} : memref<512xf32, #tpu.memory_space<vmem>>, vector<16xf32>,
    %swap3A_2104 = arith.constant 112 : index
    %swap3A_2105 = tpu.vector_load %arg30[%swap3A_2104] {strides = array<i32>} : memref<512xf32, #tpu.memory_space<vmem>>, vector<16xf32>,
    %swap3A_2106 = vector.shape_cast %swap3A_2105 : vector<16xf32> to vector<16xf32>
    %swap3A_2107 = vector.shape_cast %sub3A_2094 : vector<16xf32> to vector<16xf32>
    tpu.vector_store %arg30[%swap3A_2104], %swap3A_2107 {strides = array<i32>} : memref<512xf32, #tpu.memory_space<vmem>>, vector<16xf32>,
    %swap3A_2108 = arith.constant 112 : index
    %swap3A_2109 = tpu.vector_load %arg31[%swap3A_2108] {strides = array<i32>} : memref<512xf32, #tpu.memory_space<vmem>>, vector<16xf32>,
    %swap3A_2110 = vector.shape_cast %swap3A_2109 : vector<16xf32> to vector<16xf32>
    %swap3A_2111 = vector.shape_cast %add3A_2095 : vector<16xf32> to vector<16xf32>
    tpu.vector_store %arg31[%swap3A_2108], %swap3A_2111 {strides = array<i32>} : memref<512xf32, #tpu.memory_space<vmem>>, vector<16xf32>,
    %swap3A_2112 = arith.constant 112 : index
    %swap3A_2113 = tpu.vector_load %arg32[%swap3A_2112] {strides = array<i32>} : memref<512xf32, #tpu.memory_space<vmem>>, vector<16xf32>,
    %swap3A_2114 = vector.shape_cast %swap3A_2113 : vector<16xf32> to vector<16xf32>
    %swap3A_2115 = vector.shape_cast %add3A_2098 : vector<16xf32> to vector<16xf32>
    tpu.vector_store %arg32[%swap3A_2112], %swap3A_2115 {strides = array<i32>} : memref<512xf32, #tpu.memory_space<vmem>>, vector<16xf32>,
    %swap3A_2116 = arith.constant 112 : index
    %swap3A_2117 = tpu.vector_load %arg33[%swap3A_2116] {strides = array<i32>} : memref<512xf32, #tpu.memory_space<vmem>>, vector<16xf32>,
    %swap3A_2118 = vector.shape_cast %swap3A_2117 : vector<16xf32> to vector<16xf32>
    %swap3A_2119 = vector.shape_cast %mul3A_2099 : vector<16xf32> to vector<16xf32>
    tpu.vector_store %arg33[%swap3A_2116], %swap3A_2119 {strides = array<i32>} : memref<512xf32, #tpu.memory_space<vmem>>, vector<16xf32>,
    %get3A_2120 = arith.constant 128 : index
    %get3A_2121 = tpu.vector_load %arg25[%get3A_2120] {strides = array<i32>} : memref<512xf32, #tpu.memory_space<vmem>>, vector<16xf32>,
    %get3A_2122 = vector.shape_cast %get3A_2121 : vector<16xf32> to vector<16xf32>
    %get3A_2123 = arith.constant 128 : index
    %get3A_2124 = tpu.vector_load %arg26[%get3A_2123] {strides = array<i32>} : memref<512xf32, #tpu.memory_space<vmem>>, vector<16xf32>,
    %get3A_2125 = vector.shape_cast %get3A_2124 : vector<16xf32> to vector<16xf32>
    %max3A_2126 = arith.constant -2.000000e+00 : f32
    %max3A_2127 = vector.broadcast %max3A_2126 : f32 to vector<16xf32>
    %max3A_2128 = arith.maximumf %get3A_2125, %max3A_2127 : vector<16xf32>
    %min3A_2129 = arith.constant 2.000000e+00 : f32
    %min3A_2130 = vector.broadcast %min3A_2129 : f32 to vector<16xf32>
    %min3A_2131 = arith.minimumf %max3A_2128, %min3A_2130 : vector<16xf32>
    %get3A_2132 = arith.constant 128 : index
    %get3A_2133 = tpu.vector_load %arg27[%get3A_2132] {strides = array<i32>} : memref<512xf32, #tpu.memory_space<vmem>>, vector<16xf32>,
    %get3A_2134 = vector.shape_cast %get3A_2133 : vector<16xf32> to vector<16xf32>
    %get3A_2135 = arith.constant 128 : index
    %get3A_2136 = tpu.vector_load %arg28[%get3A_2135] {strides = array<i32>} : memref<512xf32, #tpu.memory_space<vmem>>, vector<16xf32>,
    %get3A_2137 = vector.shape_cast %get3A_2136 : vector<16xf32> to vector<16xf32>
    %get3A_2138 = arith.constant 128 : index
    %get3A_2139 = tpu.vector_load %arg22[%get3A_2138] {strides = array<i32>} : memref<512xf32, #tpu.memory_space<vmem>>, vector<16xf32>,
    %get3A_2140 = vector.shape_cast %get3A_2139 : vector<16xf32> to vector<16xf32>
    %get3A_2141 = arith.constant 128 : index
    %get3A_2142 = tpu.vector_load %arg23[%get3A_2141] {strides = array<i32>} : memref<512xf32, #tpu.memory_space<vmem>>, vector<16xf32>,
    %get3A_2143 = vector.shape_cast %get3A_2142 : vector<16xf32> to vector<16xf32>
    %mul3A_2144 = arith.constant 2.000000e+00 : f32
    %mul3A_2145 = vector.broadcast %mul3A_2144 : f32 to vector<16xf32>
    %mul3A_2146 = arith.mulf %get3A_2143, %mul3A_2145 : vector<16xf32>
    %exp3A_2147 = math.exp %mul3A_2146 : vector<16xf32>
    %add3A_2148 = arith.constant 1.000000e+00 : f32
    %add3A_2149 = vector.broadcast %add3A_2148 : f32 to vector<16xf32>
    %add3A_2150 = arith.addf %exp3A_2147, %add3A_2149 : vector<16xf32>
    %div3A_2151 = arith.constant 2.000000e+00 : f32
    %div3A_2152 = vector.broadcast %div3A_2151 : f32 to vector<16xf32>
    %div3A_2153 = arith.divf %div3A_2152, %add3A_2150 : vector<16xf32>
    %sub3A_2154 = arith.constant 1.000000e+00 : f32
    %sub3A_2155 = vector.broadcast %sub3A_2154 : f32 to vector<16xf32>
    %sub3A_2156 = arith.subf %sub3A_2155, %div3A_2153 : vector<16xf32>
    %add3A_2157 = arith.addf %get3A_2122, %min3A_2131 : vector<16xf32>
    %mul3A_2158 = arith.mulf %get3A_2134, %get3A_2140 : vector<16xf32>
    %mul3A_2159 = arith.mulf %get3A_2137, %sub3A_2156 : vector<16xf32>
    %add3A_2160 = arith.addf %mul3A_2158, %mul3A_2159 : vector<16xf32>
    %mul3A_2161 = arith.mulf %add3A_2157, %add3A_2160 : vector<16xf32>
    %swap3A_2162 = arith.constant 128 : index
    %swap3A_2163 = tpu.vector_load %arg29[%swap3A_2162] {strides = array<i32>} : memref<512xf32, #tpu.memory_space<vmem>>, vector<16xf32>,
    %swap3A_2164 = vector.shape_cast %swap3A_2163 : vector<16xf32> to vector<16xf32>
    %swap3A_2165 = vector.shape_cast %min3A_2131 : vector<16xf32> to vector<16xf32>
    tpu.vector_store %arg29[%swap3A_2162], %swap3A_2165 {strides = array<i32>} : memref<512xf32, #tpu.memory_space<vmem>>, vector<16xf32>,
    %swap3A_2166 = arith.constant 128 : index
    %swap3A_2167 = tpu.vector_load %arg30[%swap3A_2166] {strides = array<i32>} : memref<512xf32, #tpu.memory_space<vmem>>, vector<16xf32>,
    %swap3A_2168 = vector.shape_cast %swap3A_2167 : vector<16xf32> to vector<16xf32>
    %swap3A_2169 = vector.shape_cast %sub3A_2156 : vector<16xf32> to vector<16xf32>
    tpu.vector_store %arg30[%swap3A_2166], %swap3A_2169 {strides = array<i32>} : memref<512xf32, #tpu.memory_space<vmem>>, vector<16xf32>,
    %swap3A_2170 = arith.constant 128 : index
    %swap3A_2171 = tpu.vector_load %arg31[%swap3A_2170] {strides = array<i32>} : memref<512xf32, #tpu.memory_space<vmem>>, vector<16xf32>,
    %swap3A_2172 = vector.shape_cast %swap3A_2171 : vector<16xf32> to vector<16xf32>
    %swap3A_2173 = vector.shape_cast %add3A_2157 : vector<16xf32> to vector<16xf32>
    tpu.vector_store %arg31[%swap3A_2170], %swap3A_2173 {strides = array<i32>} : memref<512xf32, #tpu.memory_space<vmem>>, vector<16xf32>,
    %swap3A_2174 = arith.constant 128 : index
    %swap3A_2175 = tpu.vector_load %arg32[%swap3A_2174] {strides = array<i32>} : memref<512xf32, #tpu.memory_space<vmem>>, vector<16xf32>,
    %swap3A_2176 = vector.shape_cast %swap3A_2175 : vector<16xf32> to vector<16xf32>
    %swap3A_2177 = vector.shape_cast %add3A_2160 : vector<16xf32> to vector<16xf32>
    tpu.vector_store %arg32[%swap3A_2174], %swap3A_2177 {strides = array<i32>} : memref<512xf32, #tpu.memory_space<vmem>>, vector<16xf32>,
    %swap3A_2178 = arith.constant 128 : index
    %swap3A_2179 = tpu.vector_load %arg33[%swap3A_2178] {strides = array<i32>} : memref<512xf32, #tpu.memory_space<vmem>>, vector<16xf32>,
    %swap3A_2180 = vector.shape_cast %swap3A_2179 : vector<16xf32> to vector<16xf32>
    %swap3A_2181 = vector.shape_cast %mul3A_2161 : vector<16xf32> to vector<16xf32>
    tpu.vector_store %arg33[%swap3A_2178], %swap3A_2181 {strides = array<i32>} : memref<512xf32, #tpu.memory_space<vmem>>, vector<16xf32>,
    %get3A_2182 = arith.constant 144 : index
    %get3A_2183 = tpu.vector_load %arg25[%get3A_2182] {strides = array<i32>} : memref<512xf32, #tpu.memory_space<vmem>>, vector<16xf32>,
    %get3A_2184 = vector.shape_cast %get3A_2183 : vector<16xf32> to vector<16xf32>
    %get3A_2185 = arith.constant 144 : index
    %get3A_2186 = tpu.vector_load %arg26[%get3A_2185] {strides = array<i32>} : memref<512xf32, #tpu.memory_space<vmem>>, vector<16xf32>,
    %get3A_2187 = vector.shape_cast %get3A_2186 : vector<16xf32> to vector<16xf32>
    %max3A_2188 = arith.constant -2.000000e+00 : f32
    %max3A_2189 = vector.broadcast %max3A_2188 : f32 to vector<16xf32>
    %max3A_2190 = arith.maximumf %get3A_2187, %max3A_2189 : vector<16xf32>
    %min3A_2191 = arith.constant 2.000000e+00 : f32
    %min3A_2192 = vector.broadcast %min3A_2191 : f32 to vector<16xf32>
    %min3A_2193 = arith.minimumf %max3A_2190, %min3A_2192 : vector<16xf32>
    %get3A_2194 = arith.constant 144 : index
    %get3A_2195 = tpu.vector_load %arg27[%get3A_2194] {strides = array<i32>} : memref<512xf32, #tpu.memory_space<vmem>>, vector<16xf32>,
    %get3A_2196 = vector.shape_cast %get3A_2195 : vector<16xf32> to vector<16xf32>
    %get3A_2197 = arith.constant 144 : index
    %get3A_2198 = tpu.vector_load %arg28[%get3A_2197] {strides = array<i32>} : memref<512xf32, #tpu.memory_space<vmem>>, vector<16xf32>,
    %get3A_2199 = vector.shape_cast %get3A_2198 : vector<16xf32> to vector<16xf32>
    %get3A_2200 = arith.constant 144 : index
    %get3A_2201 = tpu.vector_load %arg22[%get3A_2200] {strides = array<i32>} : memref<512xf32, #tpu.memory_space<vmem>>, vector<16xf32>,
    %get3A_2202 = vector.shape_cast %get3A_2201 : vector<16xf32> to vector<16xf32>
    %get3A_2203 = arith.constant 144 : index
    %get3A_2204 = tpu.vector_load %arg23[%get3A_2203] {strides = array<i32>} : memref<512xf32, #tpu.memory_space<vmem>>, vector<16xf32>,
    %get3A_2205 = vector.shape_cast %get3A_2204 : vector<16xf32> to vector<16xf32>
    %mul3A_2206 = arith.constant 2.000000e+00 : f32
    %mul3A_2207 = vector.broadcast %mul3A_2206 : f32 to vector<16xf32>
    %mul3A_2208 = arith.mulf %get3A_2205, %mul3A_2207 : vector<16xf32>
    %exp3A_2209 = math.exp %mul3A_2208 : vector<16xf32>
    %add3A_2210 = arith.constant 1.000000e+00 : f32
    %add3A_2211 = vector.broadcast %add3A_2210 : f32 to vector<16xf32>
    %add3A_2212 = arith.addf %exp3A_2209, %add3A_2211 : vector<16xf32>
    %div3A_2213 = arith.constant 2.000000e+00 : f32
    %div3A_2214 = vector.broadcast %div3A_2213 : f32 to vector<16xf32>
    %div3A_2215 = arith.divf %div3A_2214, %add3A_2212 : vector<16xf32>
    %sub3A_2216 = arith.constant 1.000000e+00 : f32
    %sub3A_2217 = vector.broadcast %sub3A_2216 : f32 to vector<16xf32>
    %sub3A_2218 = arith.subf %sub3A_2217, %div3A_2215 : vector<16xf32>
    %add3A_2219 = arith.addf %get3A_2184, %min3A_2193 : vector<16xf32>
    %mul3A_2220 = arith.mulf %get3A_2196, %get3A_2202 : vector<16xf32>
    %mul3A_2221 = arith.mulf %get3A_2199, %sub3A_2218 : vector<16xf32>
    %add3A_2222 = arith.addf %mul3A_2220, %mul3A_2221 : vector<16xf32>
    %mul3A_2223 = arith.mulf %add3A_2219, %add3A_2222 : vector<16xf32>
    %swap3A_2224 = arith.constant 144 : index
    %swap3A_2225 = tpu.vector_load %arg29[%swap3A_2224] {strides = array<i32>} : memref<512xf32, #tpu.memory_space<vmem>>, vector<16xf32>,
    %swap3A_2226 = vector.shape_cast %swap3A_2225 : vector<16xf32> to vector<16xf32>
    %swap3A_2227 = vector.shape_cast %min3A_2193 : vector<16xf32> to vector<16xf32>
    tpu.vector_store %arg29[%swap3A_2224], %swap3A_2227 {strides = array<i32>} : memref<512xf32, #tpu.memory_space<vmem>>, vector<16xf32>,
    %swap3A_2228 = arith.constant 144 : index
    %swap3A_2229 = tpu.vector_load %arg30[%swap3A_2228] {strides = array<i32>} : memref<512xf32, #tpu.memory_space<vmem>>, vector<16xf32>,
    %swap3A_2230 = vector.shape_cast %swap3A_2229 : vector<16xf32> to vector<16xf32>
    %swap3A_2231 = vector.shape_cast %sub3A_2218 : vector<16xf32> to vector<16xf32>
    tpu.vector_store %arg30[%swap3A_2228], %swap3A_2231 {strides = array<i32>} : memref<512xf32, #tpu.memory_space<vmem>>, vector<16xf32>,
    %swap3A_2232 = arith.constant 144 : index
    %swap3A_2233 = tpu.vector_load %arg31[%swap3A_2232] {strides = array<i32>} : memref<512xf32, #tpu.memory_space<vmem>>, vector<16xf32>,
    %swap3A_2234 = vector.shape_cast %swap3A_2233 : vector<16xf32> to vector<16xf32>
    %swap3A_2235 = vector.shape_cast %add3A_2219 : vector<16xf32> to vector<16xf32>
    tpu.vector_store %arg31[%swap3A_2232], %swap3A_2235 {strides = array<i32>} : memref<512xf32, #tpu.memory_space<vmem>>, vector<16xf32>,
    %swap3A_2236 = arith.constant 144 : index
    %swap3A_2237 = tpu.vector_load %arg32[%swap3A_2236] {strides = array<i32>} : memref<512xf32, #tpu.memory_space<vmem>>, vector<16xf32>,
    %swap3A_2238 = vector.shape_cast %swap3A_2237 : vector<16xf32> to vector<16xf32>
    %swap3A_2239 = vector.shape_cast %add3A_2222 : vector<16xf32> to vector<16xf32>
    tpu.vector_store %arg32[%swap3A_2236], %swap3A_2239 {strides = array<i32>} : memref<512xf32, #tpu.memory_space<vmem>>, vector<16xf32>,
    %swap3A_2240 = arith.constant 144 : index
    %swap3A_2241 = tpu.vector_load %arg33[%swap3A_2240] {strides = array<i32>} : memref<512xf32, #tpu.memory_space<vmem>>, vector<16xf32>,
    %swap3A_2242 = vector.shape_cast %swap3A_2241 : vector<16xf32> to vector<16xf32>
    %swap3A_2243 = vector.shape_cast %mul3A_2223 : vector<16xf32> to vector<16xf32>
    tpu.vector_store %arg33[%swap3A_2240], %swap3A_2243 {strides = array<i32>} : memref<512xf32, #tpu.memory_space<vmem>>, vector<16xf32>,
    %get3A_2244 = arith.constant 160 : index
    %get3A_2245 = tpu.vector_load %arg25[%get3A_2244] {strides = array<i32>} : memref<512xf32, #tpu.memory_space<vmem>>, vector<16xf32>,
    %get3A_2246 = vector.shape_cast %get3A_2245 : vector<16xf32> to vector<16xf32>
    %get3A_2247 = arith.constant 160 : index
    %get3A_2248 = tpu.vector_load %arg26[%get3A_2247] {strides = array<i32>} : memref<512xf32, #tpu.memory_space<vmem>>, vector<16xf32>,
    %get3A_2249 = vector.shape_cast %get3A_2248 : vector<16xf32> to vector<16xf32>
    %max3A_2250 = arith.constant -2.000000e+00 : f32
    %max3A_2251 = vector.broadcast %max3A_2250 : f32 to vector<16xf32>
    %max3A_2252 = arith.maximumf %get3A_2249, %max3A_2251 : vector<16xf32>
    %min3A_2253 = arith.constant 2.000000e+00 : f32
    %min3A_2254 = vector.broadcast %min3A_2253 : f32 to vector<16xf32>
    %min3A_2255 = arith.minimumf %max3A_2252, %min3A_2254 : vector<16xf32>
    %get3A_2256 = arith.constant 160 : index
    %get3A_2257 = tpu.vector_load %arg27[%get3A_2256] {strides = array<i32>} : memref<512xf32, #tpu.memory_space<vmem>>, vector<16xf32>,
    %get3A_2258 = vector.shape_cast %get3A_2257 : vector<16xf32> to vector<16xf32>
    %get3A_2259 = arith.constant 160 : index
    %get3A_2260 = tpu.vector_load %arg28[%get3A_2259] {strides = array<i32>} : memref<512xf32, #tpu.memory_space<vmem>>, vector<16xf32>,
    %get3A_2261 = vector.shape_cast %get3A_2260 : vector<16xf32> to vector<16xf32>
    %get3A_2262 = arith.constant 160 : index
    %get3A_2263 = tpu.vector_load %arg22[%get3A_2262] {strides = array<i32>} : memref<512xf32, #tpu.memory_space<vmem>>, vector<16xf32>,
    %get3A_2264 = vector.shape_cast %get3A_2263 : vector<16xf32> to vector<16xf32>
    %get3A_2265 = arith.constant 160 : index
    %get3A_2266 = tpu.vector_load %arg23[%get3A_2265] {strides = array<i32>} : memref<512xf32, #tpu.memory_space<vmem>>, vector<16xf32>,
    %get3A_2267 = vector.shape_cast %get3A_2266 : vector<16xf32> to vector<16xf32>
    %mul3A_2268 = arith.constant 2.000000e+00 : f32
    %mul3A_2269 = vector.broadcast %mul3A_2268 : f32 to vector<16xf32>
    %mul3A_2270 = arith.mulf %get3A_2267, %mul3A_2269 : vector<16xf32>
    %exp3A_2271 = math.exp %mul3A_2270 : vector<16xf32>
    %add3A_2272 = arith.constant 1.000000e+00 : f32
    %add3A_2273 = vector.broadcast %add3A_2272 : f32 to vector<16xf32>
    %add3A_2274 = arith.addf %exp3A_2271, %add3A_2273 : vector<16xf32>
    %div3A_2275 = arith.constant 2.000000e+00 : f32
    %div3A_2276 = vector.broadcast %div3A_2275 : f32 to vector<16xf32>
    %div3A_2277 = arith.divf %div3A_2276, %add3A_2274 : vector<16xf32>
    %sub3A_2278 = arith.constant 1.000000e+00 : f32
    %sub3A_2279 = vector.broadcast %sub3A_2278 : f32 to vector<16xf32>
    %sub3A_2280 = arith.subf %sub3A_2279, %div3A_2277 : vector<16xf32>
    %add3A_2281 = arith.addf %get3A_2246, %min3A_2255 : vector<16xf32>
    %mul3A_2282 = arith.mulf %get3A_2258, %get3A_2264 : vector<16xf32>
    %mul3A_2283 = arith.mulf %get3A_2261, %sub3A_2280 : vector<16xf32>
    %add3A_2284 = arith.addf %mul3A_2282, %mul3A_2283 : vector<16xf32>
    %mul3A_2285 = arith.mulf %add3A_2281, %add3A_2284 : vector<16xf32>
    %swap3A_2286 = arith.constant 160 : index
    %swap3A_2287 = tpu.vector_load %arg29[%swap3A_2286] {strides = array<i32>} : memref<512xf32, #tpu.memory_space<vmem>>, vector<16xf32>,
    %swap3A_2288 = vector.shape_cast %swap3A_2287 : vector<16xf32> to vector<16xf32>
    %swap3A_2289 = vector.shape_cast %min3A_2255 : vector<16xf32> to vector<16xf32>
    tpu.vector_store %arg29[%swap3A_2286], %swap3A_2289 {strides = array<i32>} : memref<512xf32, #tpu.memory_space<vmem>>, vector<16xf32>,
    %swap3A_2290 = arith.constant 160 : index
    %swap3A_2291 = tpu.vector_load %arg30[%swap3A_2290] {strides = array<i32>} : memref<512xf32, #tpu.memory_space<vmem>>, vector<16xf32>,
    %swap3A_2292 = vector.shape_cast %swap3A_2291 : vector<16xf32> to vector<16xf32>
    %swap3A_2293 = vector.shape_cast %sub3A_2280 : vector<16xf32> to vector<16xf32>
    tpu.vector_store %arg30[%swap3A_2290], %swap3A_2293 {strides = array<i32>} : memref<512xf32, #tpu.memory_space<vmem>>, vector<16xf32>,
    %swap3A_2294 = arith.constant 160 : index
    %swap3A_2295 = tpu.vector_load %arg31[%swap3A_2294] {strides = array<i32>} : memref<512xf32, #tpu.memory_space<vmem>>, vector<16xf32>,
    %swap3A_2296 = vector.shape_cast %swap3A_2295 : vector<16xf32> to vector<16xf32>
    %swap3A_2297 = vector.shape_cast %add3A_2281 : vector<16xf32> to vector<16xf32>
    tpu.vector_store %arg31[%swap3A_2294], %swap3A_2297 {strides = array<i32>} : memref<512xf32, #tpu.memory_space<vmem>>, vector<16xf32>,
    %swap3A_2298 = arith.constant 160 : index
    %swap3A_2299 = tpu.vector_load %arg32[%swap3A_2298] {strides = array<i32>} : memref<512xf32, #tpu.memory_space<vmem>>, vector<16xf32>,
    %swap3A_2300 = vector.shape_cast %swap3A_2299 : vector<16xf32> to vector<16xf32>
    %swap3A_2301 = vector.shape_cast %add3A_2284 : vector<16xf32> to vector<16xf32>
    tpu.vector_store %arg32[%swap3A_2298], %swap3A_2301 {strides = array<i32>} : memref<512xf32, #tpu.memory_space<vmem>>, vector<16xf32>,
    %swap3A_2302 = arith.constant 160 : index
    %swap3A_2303 = tpu.vector_load %arg33[%swap3A_2302] {strides = array<i32>} : memref<512xf32, #tpu.memory_space<vmem>>, vector<16xf32>,
    %swap3A_2304 = vector.shape_cast %swap3A_2303 : vector<16xf32> to vector<16xf32>
    %swap3A_2305 = vector.shape_cast %mul3A_2285 : vector<16xf32> to vector<16xf32>
    tpu.vector_store %arg33[%swap3A_2302], %swap3A_2305 {strides = array<i32>} : memref<512xf32, #tpu.memory_space<vmem>>, vector<16xf32>,
    %get3A_2306 = arith.constant 176 : index
    %get3A_2307 = tpu.vector_load %arg25[%get3A_2306] {strides = array<i32>} : memref<512xf32, #tpu.memory_space<vmem>>, vector<16xf32>,
    %get3A_2308 = vector.shape_cast %get3A_2307 : vector<16xf32> to vector<16xf32>
    %get3A_2309 = arith.constant 176 : index
    %get3A_2310 = tpu.vector_load %arg26[%get3A_2309] {strides = array<i32>} : memref<512xf32, #tpu.memory_space<vmem>>, vector<16xf32>,
    %get3A_2311 = vector.shape_cast %get3A_2310 : vector<16xf32> to vector<16xf32>
    %max3A_2312 = arith.constant -2.000000e+00 : f32
    %max3A_2313 = vector.broadcast %max3A_2312 : f32 to vector<16xf32>
    %max3A_2314 = arith.maximumf %get3A_2311, %max3A_2313 : vector<16xf32>
    %min3A_2315 = arith.constant 2.000000e+00 : f32
    %min3A_2316 = vector.broadcast %min3A_2315 : f32 to vector<16xf32>
    %min3A_2317 = arith.minimumf %max3A_2314, %min3A_2316 : vector<16xf32>
    %get3A_2318 = arith.constant 176 : index
    %get3A_2319 = tpu.vector_load %arg27[%get3A_2318] {strides = array<i32>} : memref<512xf32, #tpu.memory_space<vmem>>, vector<16xf32>,
    %get3A_2320 = vector.shape_cast %get3A_2319 : vector<16xf32> to vector<16xf32>
    %get3A_2321 = arith.constant 176 : index
    %get3A_2322 = tpu.vector_load %arg28[%get3A_2321] {strides = array<i32>} : memref<512xf32, #tpu.memory_space<vmem>>, vector<16xf32>,
    %get3A_2323 = vector.shape_cast %get3A_2322 : vector<16xf32> to vector<16xf32>
    %get3A_2324 = arith.constant 176 : index
    %get3A_2325 = tpu.vector_load %arg22[%get3A_2324] {strides = array<i32>} : memref<512xf32, #tpu.memory_space<vmem>>, vector<16xf32>,
    %get3A_2326 = vector.shape_cast %get3A_2325 : vector<16xf32> to vector<16xf32>
    %get3A_2327 = arith.constant 176 : index
    %get3A_2328 = tpu.vector_load %arg23[%get3A_2327] {strides = array<i32>} : memref<512xf32, #tpu.memory_space<vmem>>, vector<16xf32>,
    %get3A_2329 = vector.shape_cast %get3A_2328 : vector<16xf32> to vector<16xf32>
    %mul3A_2330 = arith.constant 2.000000e+00 : f32
    %mul3A_2331 = vector.broadcast %mul3A_2330 : f32 to vector<16xf32>
    %mul3A_2332 = arith.mulf %get3A_2329, %mul3A_2331 : vector<16xf32>
    %exp3A_2333 = math.exp %mul3A_2332 : vector<16xf32>
    %add3A_2334 = arith.constant 1.000000e+00 : f32
    %add3A_2335 = vector.broadcast %add3A_2334 : f32 to vector<16xf32>
    %add3A_2336 = arith.addf %exp3A_2333, %add3A_2335 : vector<16xf32>
    %div3A_2337 = arith.constant 2.000000e+00 : f32
    %div3A_2338 = vector.broadcast %div3A_2337 : f32 to vector<16xf32>
    %div3A_2339 = arith.divf %div3A_2338, %add3A_2336 : vector<16xf32>
    %sub3A_2340 = arith.constant 1.000000e+00 : f32
    %sub3A_2341 = vector.broadcast %sub3A_2340 : f32 to vector<16xf32>
    %sub3A_2342 = arith.subf %sub3A_2341, %div3A_2339 : vector<16xf32>
    %add3A_2343 = arith.addf %get3A_2308, %min3A_2317 : vector<16xf32>
    %mul3A_2344 = arith.mulf %get3A_2320, %get3A_2326 : vector<16xf32>
    %mul3A_2345 = arith.mulf %get3A_2323, %sub3A_2342 : vector<16xf32>
    %add3A_2346 = arith.addf %mul3A_2344, %mul3A_2345 : vector<16xf32>
    %mul3A_2347 = arith.mulf %add3A_2343, %add3A_2346 : vector<16xf32>
    %swap3A_2348 = arith.constant 176 : index
    %swap3A_2349 = tpu.vector_load %arg29[%swap3A_2348] {strides = array<i32>} : memref<512xf32, #tpu.memory_space<vmem>>, vector<16xf32>,
    %swap3A_2350 = vector.shape_cast %swap3A_2349 : vector<16xf32> to vector<16xf32>
    %swap3A_2351 = vector.shape_cast %min3A_2317 : vector<16xf32> to vector<16xf32>
    tpu.vector_store %arg29[%swap3A_2348], %swap3A_2351 {strides = array<i32>} : memref<512xf32, #tpu.memory_space<vmem>>, vector<16xf32>,
    %swap3A_2352 = arith.constant 176 : index
    %swap3A_2353 = tpu.vector_load %arg30[%swap3A_2352] {strides = array<i32>} : memref<512xf32, #tpu.memory_space<vmem>>, vector<16xf32>,
    %swap3A_2354 = vector.shape_cast %swap3A_2353 : vector<16xf32> to vector<16xf32>
    %swap3A_2355 = vector.shape_cast %sub3A_2342 : vector<16xf32> to vector<16xf32>
    tpu.vector_store %arg30[%swap3A_2352], %swap3A_2355 {strides = array<i32>} : memref<512xf32, #tpu.memory_space<vmem>>, vector<16xf32>,
    %swap3A_2356 = arith.constant 176 : index
    %swap3A_2357 = tpu.vector_load %arg31[%swap3A_2356] {strides = array<i32>} : memref<512xf32, #tpu.memory_space<vmem>>, vector<16xf32>,
    %swap3A_2358 = vector.shape_cast %swap3A_2357 : vector<16xf32> to vector<16xf32>
    %swap3A_2359 = vector.shape_cast %add3A_2343 : vector<16xf32> to vector<16xf32>
    tpu.vector_store %arg31[%swap3A_2356], %swap3A_2359 {strides = array<i32>} : memref<512xf32, #tpu.memory_space<vmem>>, vector<16xf32>,
    %swap3A_2360 = arith.constant 176 : index
    %swap3A_2361 = tpu.vector_load %arg32[%swap3A_2360] {strides = array<i32>} : memref<512xf32, #tpu.memory_space<vmem>>, vector<16xf32>,
    %swap3A_2362 = vector.shape_cast %swap3A_2361 : vector<16xf32> to vector<16xf32>
    %swap3A_2363 = vector.shape_cast %add3A_2346 : vector<16xf32> to vector<16xf32>
    tpu.vector_store %arg32[%swap3A_2360], %swap3A_2363 {strides = array<i32>} : memref<512xf32, #tpu.memory_space<vmem>>, vector<16xf32>,
    %swap3A_2364 = arith.constant 176 : index
    %swap3A_2365 = tpu.vector_load %arg33[%swap3A_2364] {strides = array<i32>} : memref<512xf32, #tpu.memory_space<vmem>>, vector<16xf32>,
    %swap3A_2366 = vector.shape_cast %swap3A_2365 : vector<16xf32> to vector<16xf32>
    %swap3A_2367 = vector.shape_cast %mul3A_2347 : vector<16xf32> to vector<16xf32>
    tpu.vector_store %arg33[%swap3A_2364], %swap3A_2367 {strides = array<i32>} : memref<512xf32, #tpu.memory_space<vmem>>, vector<16xf32>,
    %get3A_2368 = arith.constant 192 : index
    %get3A_2369 = tpu.vector_load %arg25[%get3A_2368] {strides = array<i32>} : memref<512xf32, #tpu.memory_space<vmem>>, vector<16xf32>,
    %get3A_2370 = vector.shape_cast %get3A_2369 : vector<16xf32> to vector<16xf32>
    %get3A_2371 = arith.constant 192 : index
    %get3A_2372 = tpu.vector_load %arg26[%get3A_2371] {strides = array<i32>} : memref<512xf32, #tpu.memory_space<vmem>>, vector<16xf32>,
    %get3A_2373 = vector.shape_cast %get3A_2372 : vector<16xf32> to vector<16xf32>
    %max3A_2374 = arith.constant -2.000000e+00 : f32
    %max3A_2375 = vector.broadcast %max3A_2374 : f32 to vector<16xf32>
    %max3A_2376 = arith.maximumf %get3A_2373, %max3A_2375 : vector<16xf32>
    %min3A_2377 = arith.constant 2.000000e+00 : f32
    %min3A_2378 = vector.broadcast %min3A_2377 : f32 to vector<16xf32>
    %min3A_2379 = arith.minimumf %max3A_2376, %min3A_2378 : vector<16xf32>
    %get3A_2380 = arith.constant 192 : index
    %get3A_2381 = tpu.vector_load %arg27[%get3A_2380] {strides = array<i32>} : memref<512xf32, #tpu.memory_space<vmem>>, vector<16xf32>,
    %get3A_2382 = vector.shape_cast %get3A_2381 : vector<16xf32> to vector<16xf32>
    %get3A_2383 = arith.constant 192 : index
    %get3A_2384 = tpu.vector_load %arg28[%get3A_2383] {strides = array<i32>} : memref<512xf32, #tpu.memory_space<vmem>>, vector<16xf32>,
    %get3A_2385 = vector.shape_cast %get3A_2384 : vector<16xf32> to vector<16xf32>
    %get3A_2386 = arith.constant 192 : index
    %get3A_2387 = tpu.vector_load %arg22[%get3A_2386] {strides = array<i32>} : memref<512xf32, #tpu.memory_space<vmem>>, vector<16xf32>,
    %get3A_2388 = vector.shape_cast %get3A_2387 : vector<16xf32> to vector<16xf32>
    %get3A_2389 = arith.constant 192 : index
    %get3A_2390 = tpu.vector_load %arg23[%get3A_2389] {strides = array<i32>} : memref<512xf32, #tpu.memory_space<vmem>>, vector<16xf32>,
    %get3A_2391 = vector.shape_cast %get3A_2390 : vector<16xf32> to vector<16xf32>
    %mul3A_2392 = arith.constant 2.000000e+00 : f32
    %mul3A_2393 = vector.broadcast %mul3A_2392 : f32 to vector<16xf32>
    %mul3A_2394 = arith.mulf %get3A_2391, %mul3A_2393 : vector<16xf32>
    %exp3A_2395 = math.exp %mul3A_2394 : vector<16xf32>
    %add3A_2396 = arith.constant 1.000000e+00 : f32
    %add3A_2397 = vector.broadcast %add3A_2396 : f32 to vector<16xf32>
    %add3A_2398 = arith.addf %exp3A_2395, %add3A_2397 : vector<16xf32>
    %div3A_2399 = arith.constant 2.000000e+00 : f32
    %div3A_2400 = vector.broadcast %div3A_2399 : f32 to vector<16xf32>
    %div3A_2401 = arith.divf %div3A_2400, %add3A_2398 : vector<16xf32>
    %sub3A_2402 = arith.constant 1.000000e+00 : f32
    %sub3A_2403 = vector.broadcast %sub3A_2402 : f32 to vector<16xf32>
    %sub3A_2404 = arith.subf %sub3A_2403, %div3A_2401 : vector<16xf32>
    %add3A_2405 = arith.addf %get3A_2370, %min3A_2379 : vector<16xf32>
    %mul3A_2406 = arith.mulf %get3A_2382, %get3A_2388 : vector<16xf32>
    %mul3A_2407 = arith.mulf %get3A_2385, %sub3A_2404 : vector<16xf32>
    %add3A_2408 = arith.addf %mul3A_2406, %mul3A_2407 : vector<16xf32>
    %mul3A_2409 = arith.mulf %add3A_2405, %add3A_2408 : vector<16xf32>
    %swap3A_2410 = arith.constant 192 : index
    %swap3A_2411 = tpu.vector_load %arg29[%swap3A_2410] {strides = array<i32>} : memref<512xf32, #tpu.memory_space<vmem>>, vector<16xf32>,
    %swap3A_2412 = vector.shape_cast %swap3A_2411 : vector<16xf32> to vector<16xf32>
    %swap3A_2413 = vector.shape_cast %min3A_2379 : vector<16xf32> to vector<16xf32>
    tpu.vector_store %arg29[%swap3A_2410], %swap3A_2413 {strides = array<i32>} : memref<512xf32, #tpu.memory_space<vmem>>, vector<16xf32>,
    %swap3A_2414 = arith.constant 192 : index
    %swap3A_2415 = tpu.vector_load %arg30[%swap3A_2414] {strides = array<i32>} : memref<512xf32, #tpu.memory_space<vmem>>, vector<16xf32>,
    %swap3A_2416 = vector.shape_cast %swap3A_2415 : vector<16xf32> to vector<16xf32>
    %swap3A_2417 = vector.shape_cast %sub3A_2404 : vector<16xf32> to vector<16xf32>
    tpu.vector_store %arg30[%swap3A_2414], %swap3A_2417 {strides = array<i32>} : memref<512xf32, #tpu.memory_space<vmem>>, vector<16xf32>,
    %swap3A_2418 = arith.constant 192 : index
    %swap3A_2419 = tpu.vector_load %arg31[%swap3A_2418] {strides = array<i32>} : memref<512xf32, #tpu.memory_space<vmem>>, vector<16xf32>,
    %swap3A_2420 = vector.shape_cast %swap3A_2419 : vector<16xf32> to vector<16xf32>
    %swap3A_2421 = vector.shape_cast %add3A_2405 : vector<16xf32> to vector<16xf32>
    tpu.vector_store %arg31[%swap3A_2418], %swap3A_2421 {strides = array<i32>} : memref<512xf32, #tpu.memory_space<vmem>>, vector<16xf32>,
    %swap3A_2422 = arith.constant 192 : index
    %swap3A_2423 = tpu.vector_load %arg32[%swap3A_2422] {strides = array<i32>} : memref<512xf32, #tpu.memory_space<vmem>>, vector<16xf32>,
    %swap3A_2424 = vector.shape_cast %swap3A_2423 : vector<16xf32> to vector<16xf32>
    %swap3A_2425 = vector.shape_cast %add3A_2408 : vector<16xf32> to vector<16xf32>
    tpu.vector_store %arg32[%swap3A_2422], %swap3A_2425 {strides = array<i32>} : memref<512xf32, #tpu.memory_space<vmem>>, vector<16xf32>,
    %swap3A_2426 = arith.constant 192 : index
    %swap3A_2427 = tpu.vector_load %arg33[%swap3A_2426] {strides = array<i32>} : memref<512xf32, #tpu.memory_space<vmem>>, vector<16xf32>,
    %swap3A_2428 = vector.shape_cast %swap3A_2427 : vector<16xf32> to vector<16xf32>
    %swap3A_2429 = vector.shape_cast %mul3A_2409 : vector<16xf32> to vector<16xf32>
    tpu.vector_store %arg33[%swap3A_2426], %swap3A_2429 {strides = array<i32>} : memref<512xf32, #tpu.memory_space<vmem>>, vector<16xf32>,
    %get3A_2430 = arith.constant 208 : index
    %get3A_2431 = tpu.vector_load %arg25[%get3A_2430] {strides = array<i32>} : memref<512xf32, #tpu.memory_space<vmem>>, vector<16xf32>,
    %get3A_2432 = vector.shape_cast %get3A_2431 : vector<16xf32> to vector<16xf32>
    %get3A_2433 = arith.constant 208 : index
    %get3A_2434 = tpu.vector_load %arg26[%get3A_2433] {strides = array<i32>} : memref<512xf32, #tpu.memory_space<vmem>>, vector<16xf32>,
    %get3A_2435 = vector.shape_cast %get3A_2434 : vector<16xf32> to vector<16xf32>
    %max3A_2436 = arith.constant -2.000000e+00 : f32
    %max3A_2437 = vector.broadcast %max3A_2436 : f32 to vector<16xf32>
    %max3A_2438 = arith.maximumf %get3A_2435, %max3A_2437 : vector<16xf32>
    %min3A_2439 = arith.constant 2.000000e+00 : f32
    %min3A_2440 = vector.broadcast %min3A_2439 : f32 to vector<16xf32>
    %min3A_2441 = arith.minimumf %max3A_2438, %min3A_2440 : vector<16xf32>
    %get3A_2442 = arith.constant 208 : index
    %get3A_2443 = tpu.vector_load %arg27[%get3A_2442] {strides = array<i32>} : memref<512xf32, #tpu.memory_space<vmem>>, vector<16xf32>,
    %get3A_2444 = vector.shape_cast %get3A_2443 : vector<16xf32> to vector<16xf32>
    %get3A_2445 = arith.constant 208 : index
    %get3A_2446 = tpu.vector_load %arg28[%get3A_2445] {strides = array<i32>} : memref<512xf32, #tpu.memory_space<vmem>>, vector<16xf32>,
    %get3A_2447 = vector.shape_cast %get3A_2446 : vector<16xf32> to vector<16xf32>
    %get3A_2448 = arith.constant 208 : index
    %get3A_2449 = tpu.vector_load %arg22[%get3A_2448] {strides = array<i32>} : memref<512xf32, #tpu.memory_space<vmem>>, vector<16xf32>,
    %get3A_2450 = vector.shape_cast %get3A_2449 : vector<16xf32> to vector<16xf32>
    %get3A_2451 = arith.constant 208 : index
    %get3A_2452 = tpu.vector_load %arg23[%get3A_2451] {strides = array<i32>} : memref<512xf32, #tpu.memory_space<vmem>>, vector<16xf32>,
    %get3A_2453 = vector.shape_cast %get3A_2452 : vector<16xf32> to vector<16xf32>
    %mul3A_2454 = arith.constant 2.000000e+00 : f32
    %mul3A_2455 = vector.broadcast %mul3A_2454 : f32 to vector<16xf32>
    %mul3A_2456 = arith.mulf %get3A_2453, %mul3A_2455 : vector<16xf32>
    %exp3A_2457 = math.exp %mul3A_2456 : vector<16xf32>
    %add3A_2458 = arith.constant 1.000000e+00 : f32
    %add3A_2459 = vector.broadcast %add3A_2458 : f32 to vector<16xf32>
    %add3A_2460 = arith.addf %exp3A_2457, %add3A_2459 : vector<16xf32>
    %div3A_2461 = arith.constant 2.000000e+00 : f32
    %div3A_2462 = vector.broadcast %div3A_2461 : f32 to vector<16xf32>
    %div3A_2463 = arith.divf %div3A_2462, %add3A_2460 : vector<16xf32>
    %sub3A_2464 = arith.constant 1.000000e+00 : f32
    %sub3A_2465 = vector.broadcast %sub3A_2464 : f32 to vector<16xf32>
    %sub3A_2466 = arith.subf %sub3A_2465, %div3A_2463 : vector<16xf32>
    %add3A_2467 = arith.addf %get3A_2432, %min3A_2441 : vector<16xf32>
    %mul3A_2468 = arith.mulf %get3A_2444, %get3A_2450 : vector<16xf32>
    %mul3A_2469 = arith.mulf %get3A_2447, %sub3A_2466 : vector<16xf32>
    %add3A_2470 = arith.addf %mul3A_2468, %mul3A_2469 : vector<16xf32>
    %mul3A_2471 = arith.mulf %add3A_2467, %add3A_2470 : vector<16xf32>
    %swap3A_2472 = arith.constant 208 : index
    %swap3A_2473 = tpu.vector_load %arg29[%swap3A_2472] {strides = array<i32>} : memref<512xf32, #tpu.memory_space<vmem>>, vector<16xf32>,
    %swap3A_2474 = vector.shape_cast %swap3A_2473 : vector<16xf32> to vector<16xf32>
    %swap3A_2475 = vector.shape_cast %min3A_2441 : vector<16xf32> to vector<16xf32>
    tpu.vector_store %arg29[%swap3A_2472], %swap3A_2475 {strides = array<i32>} : memref<512xf32, #tpu.memory_space<vmem>>, vector<16xf32>,
    %swap3A_2476 = arith.constant 208 : index
    %swap3A_2477 = tpu.vector_load %arg30[%swap3A_2476] {strides = array<i32>} : memref<512xf32, #tpu.memory_space<vmem>>, vector<16xf32>,
    %swap3A_2478 = vector.shape_cast %swap3A_2477 : vector<16xf32> to vector<16xf32>
    %swap3A_2479 = vector.shape_cast %sub3A_2466 : vector<16xf32> to vector<16xf32>
    tpu.vector_store %arg30[%swap3A_2476], %swap3A_2479 {strides = array<i32>} : memref<512xf32, #tpu.memory_space<vmem>>, vector<16xf32>,
    %swap3A_2480 = arith.constant 208 : index
    %swap3A_2481 = tpu.vector_load %arg31[%swap3A_2480] {strides = array<i32>} : memref<512xf32, #tpu.memory_space<vmem>>, vector<16xf32>,
    %swap3A_2482 = vector.shape_cast %swap3A_2481 : vector<16xf32> to vector<16xf32>
    %swap3A_2483 = vector.shape_cast %add3A_2467 : vector<16xf32> to vector<16xf32>
    tpu.vector_store %arg31[%swap3A_2480], %swap3A_2483 {strides = array<i32>} : memref<512xf32, #tpu.memory_space<vmem>>, vector<16xf32>,
    %swap3A_2484 = arith.constant 208 : index
    %swap3A_2485 = tpu.vector_load %arg32[%swap3A_2484] {strides = array<i32>} : memref<512xf32, #tpu.memory_space<vmem>>, vector<16xf32>,
    %swap3A_2486 = vector.shape_cast %swap3A_2485 : vector<16xf32> to vector<16xf32>
    %swap3A_2487 = vector.shape_cast %add3A_2470 : vector<16xf32> to vector<16xf32>
    tpu.vector_store %arg32[%swap3A_2484], %swap3A_2487 {strides = array<i32>} : memref<512xf32, #tpu.memory_space<vmem>>, vector<16xf32>,
    %swap3A_2488 = arith.constant 208 : index
    %swap3A_2489 = tpu.vector_load %arg33[%swap3A_2488] {strides = array<i32>} : memref<512xf32, #tpu.memory_space<vmem>>, vector<16xf32>,
    %swap3A_2490 = vector.shape_cast %swap3A_2489 : vector<16xf32> to vector<16xf32>
    %swap3A_2491 = vector.shape_cast %mul3A_2471 : vector<16xf32> to vector<16xf32>
    tpu.vector_store %arg33[%swap3A_2488], %swap3A_2491 {strides = array<i32>} : memref<512xf32, #tpu.memory_space<vmem>>, vector<16xf32>,
    %get3A_2492 = arith.constant 224 : index
    %get3A_2493 = tpu.vector_load %arg25[%get3A_2492] {strides = array<i32>} : memref<512xf32, #tpu.memory_space<vmem>>, vector<16xf32>,
    %get3A_2494 = vector.shape_cast %get3A_2493 : vector<16xf32> to vector<16xf32>
    %get3A_2495 = arith.constant 224 : index
    %get3A_2496 = tpu.vector_load %arg26[%get3A_2495] {strides = array<i32>} : memref<512xf32, #tpu.memory_space<vmem>>, vector<16xf32>,
    %get3A_2497 = vector.shape_cast %get3A_2496 : vector<16xf32> to vector<16xf32>
    %max3A_2498 = arith.constant -2.000000e+00 : f32
    %max3A_2499 = vector.broadcast %max3A_2498 : f32 to vector<16xf32>
    %max3A_2500 = arith.maximumf %get3A_2497, %max3A_2499 : vector<16xf32>
    %min3A_2501 = arith.constant 2.000000e+00 : f32
    %min3A_2502 = vector.broadcast %min3A_2501 : f32 to vector<16xf32>
    %min3A_2503 = arith.minimumf %max3A_2500, %min3A_2502 : vector<16xf32>
    %get3A_2504 = arith.constant 224 : index
    %get3A_2505 = tpu.vector_load %arg27[%get3A_2504] {strides = array<i32>} : memref<512xf32, #tpu.memory_space<vmem>>, vector<16xf32>,
    %get3A_2506 = vector.shape_cast %get3A_2505 : vector<16xf32> to vector<16xf32>
    %get3A_2507 = arith.constant 224 : index
    %get3A_2508 = tpu.vector_load %arg28[%get3A_2507] {strides = array<i32>} : memref<512xf32, #tpu.memory_space<vmem>>, vector<16xf32>,
    %get3A_2509 = vector.shape_cast %get3A_2508 : vector<16xf32> to vector<16xf32>
    %get3A_2510 = arith.constant 224 : index
    %get3A_2511 = tpu.vector_load %arg22[%get3A_2510] {strides = array<i32>} : memref<512xf32, #tpu.memory_space<vmem>>, vector<16xf32>,
    %get3A_2512 = vector.shape_cast %get3A_2511 : vector<16xf32> to vector<16xf32>
    %get3A_2513 = arith.constant 224 : index
    %get3A_2514 = tpu.vector_load %arg23[%get3A_2513] {strides = array<i32>} : memref<512xf32, #tpu.memory_space<vmem>>, vector<16xf32>,
    %get3A_2515 = vector.shape_cast %get3A_2514 : vector<16xf32> to vector<16xf32>
    %mul3A_2516 = arith.constant 2.000000e+00 : f32
    %mul3A_2517 = vector.broadcast %mul3A_2516 : f32 to vector<16xf32>
    %mul3A_2518 = arith.mulf %get3A_2515, %mul3A_2517 : vector<16xf32>
    %exp3A_2519 = math.exp %mul3A_2518 : vector<16xf32>
    %add3A_2520 = arith.constant 1.000000e+00 : f32
    %add3A_2521 = vector.broadcast %add3A_2520 : f32 to vector<16xf32>
    %add3A_2522 = arith.addf %exp3A_2519, %add3A_2521 : vector<16xf32>
    %div3A_2523 = arith.constant 2.000000e+00 : f32
    %div3A_2524 = vector.broadcast %div3A_2523 : f32 to vector<16xf32>
    %div3A_2525 = arith.divf %div3A_2524, %add3A_2522 : vector<16xf32>
    %sub3A_2526 = arith.constant 1.000000e+00 : f32
    %sub3A_2527 = vector.broadcast %sub3A_2526 : f32 to vector<16xf32>
    %sub3A_2528 = arith.subf %sub3A_2527, %div3A_2525 : vector<16xf32>
    %add3A_2529 = arith.addf %get3A_2494, %min3A_2503 : vector<16xf32>
    %mul3A_2530 = arith.mulf %get3A_2506, %get3A_2512 : vector<16xf32>
    %mul3A_2531 = arith.mulf %get3A_2509, %sub3A_2528 : vector<16xf32>
    %add3A_2532 = arith.addf %mul3A_2530, %mul3A_2531 : vector<16xf32>
    %mul3A_2533 = arith.mulf %add3A_2529, %add3A_2532 : vector<16xf32>
    %swap3A_2534 = arith.constant 224 : index
    %swap3A_2535 = tpu.vector_load %arg29[%swap3A_2534] {strides = array<i32>} : memref<512xf32, #tpu.memory_space<vmem>>, vector<16xf32>,
    %swap3A_2536 = vector.shape_cast %swap3A_2535 : vector<16xf32> to vector<16xf32>
    %swap3A_2537 = vector.shape_cast %min3A_2503 : vector<16xf32> to vector<16xf32>
    tpu.vector_store %arg29[%swap3A_2534], %swap3A_2537 {strides = array<i32>} : memref<512xf32, #tpu.memory_space<vmem>>, vector<16xf32>,
    %swap3A_2538 = arith.constant 224 : index
    %swap3A_2539 = tpu.vector_load %arg30[%swap3A_2538] {strides = array<i32>} : memref<512xf32, #tpu.memory_space<vmem>>, vector<16xf32>,
    %swap3A_2540 = vector.shape_cast %swap3A_2539 : vector<16xf32> to vector<16xf32>
    %swap3A_2541 = vector.shape_cast %sub3A_2528 : vector<16xf32> to vector<16xf32>
    tpu.vector_store %arg30[%swap3A_2538], %swap3A_2541 {strides = array<i32>} : memref<512xf32, #tpu.memory_space<vmem>>, vector<16xf32>,
    %swap3A_2542 = arith.constant 224 : index
    %swap3A_2543 = tpu.vector_load %arg31[%swap3A_2542] {strides = array<i32>} : memref<512xf32, #tpu.memory_space<vmem>>, vector<16xf32>,
    %swap3A_2544 = vector.shape_cast %swap3A_2543 : vector<16xf32> to vector<16xf32>
    %swap3A_2545 = vector.shape_cast %add3A_2529 : vector<16xf32> to vector<16xf32>
    tpu.vector_store %arg31[%swap3A_2542], %swap3A_2545 {strides = array<i32>} : memref<512xf32, #tpu.memory_space<vmem>>, vector<16xf32>,
    %swap3A_2546 = arith.constant 224 : index
    %swap3A_2547 = tpu.vector_load %arg32[%swap3A_2546] {strides = array<i32>} : memref<512xf32, #tpu.memory_space<vmem>>, vector<16xf32>,
    %swap3A_2548 = vector.shape_cast %swap3A_2547 : vector<16xf32> to vector<16xf32>
    %swap3A_2549 = vector.shape_cast %add3A_2532 : vector<16xf32> to vector<16xf32>
    tpu.vector_store %arg32[%swap3A_2546], %swap3A_2549 {strides = array<i32>} : memref<512xf32, #tpu.memory_space<vmem>>, vector<16xf32>,
    %swap3A_2550 = arith.constant 224 : index
    %swap3A_2551 = tpu.vector_load %arg33[%swap3A_2550] {strides = array<i32>} : memref<512xf32, #tpu.memory_space<vmem>>, vector<16xf32>,
    %swap3A_2552 = vector.shape_cast %swap3A_2551 : vector<16xf32> to vector<16xf32>
    %swap3A_2553 = vector.shape_cast %mul3A_2533 : vector<16xf32> to vector<16xf32>
    tpu.vector_store %arg33[%swap3A_2550], %swap3A_2553 {strides = array<i32>} : memref<512xf32, #tpu.memory_space<vmem>>, vector<16xf32>,
    %get3A_2554 = arith.constant 240 : index
    %get3A_2555 = tpu.vector_load %arg25[%get3A_2554] {strides = array<i32>} : memref<512xf32, #tpu.memory_space<vmem>>, vector<16xf32>,
    %get3A_2556 = vector.shape_cast %get3A_2555 : vector<16xf32> to vector<16xf32>
    %get3A_2557 = arith.constant 240 : index
    %get3A_2558 = tpu.vector_load %arg26[%get3A_2557] {strides = array<i32>} : memref<512xf32, #tpu.memory_space<vmem>>, vector<16xf32>,
    %get3A_2559 = vector.shape_cast %get3A_2558 : vector<16xf32> to vector<16xf32>
    %max3A_2560 = arith.constant -2.000000e+00 : f32
    %max3A_2561 = vector.broadcast %max3A_2560 : f32 to vector<16xf32>
    %max3A_2562 = arith.maximumf %get3A_2559, %max3A_2561 : vector<16xf32>
    %min3A_2563 = arith.constant 2.000000e+00 : f32
    %min3A_2564 = vector.broadcast %min3A_2563 : f32 to vector<16xf32>
    %min3A_2565 = arith.minimumf %max3A_2562, %min3A_2564 : vector<16xf32>
    %get3A_2566 = arith.constant 240 : index
    %get3A_2567 = tpu.vector_load %arg27[%get3A_2566] {strides = array<i32>} : memref<512xf32, #tpu.memory_space<vmem>>, vector<16xf32>,
    %get3A_2568 = vector.shape_cast %get3A_2567 : vector<16xf32> to vector<16xf32>
    %get3A_2569 = arith.constant 240 : index
    %get3A_2570 = tpu.vector_load %arg28[%get3A_2569] {strides = array<i32>} : memref<512xf32, #tpu.memory_space<vmem>>, vector<16xf32>,
    %get3A_2571 = vector.shape_cast %get3A_2570 : vector<16xf32> to vector<16xf32>
    %get3A_2572 = arith.constant 240 : index
    %get3A_2573 = tpu.vector_load %arg22[%get3A_2572] {strides = array<i32>} : memref<512xf32, #tpu.memory_space<vmem>>, vector<16xf32>,
    %get3A_2574 = vector.shape_cast %get3A_2573 : vector<16xf32> to vector<16xf32>
    %get3A_2575 = arith.constant 240 : index
    %get3A_2576 = tpu.vector_load %arg23[%get3A_2575] {strides = array<i32>} : memref<512xf32, #tpu.memory_space<vmem>>, vector<16xf32>,
    %get3A_2577 = vector.shape_cast %get3A_2576 : vector<16xf32> to vector<16xf32>
    %mul3A_2578 = arith.constant 2.000000e+00 : f32
    %mul3A_2579 = vector.broadcast %mul3A_2578 : f32 to vector<16xf32>
    %mul3A_2580 = arith.mulf %get3A_2577, %mul3A_2579 : vector<16xf32>
    %exp3A_2581 = math.exp %mul3A_2580 : vector<16xf32>
    %add3A_2582 = arith.constant 1.000000e+00 : f32
    %add3A_2583 = vector.broadcast %add3A_2582 : f32 to vector<16xf32>
    %add3A_2584 = arith.addf %exp3A_2581, %add3A_2583 : vector<16xf32>
    %div3A_2585 = arith.constant 2.000000e+00 : f32
    %div3A_2586 = vector.broadcast %div3A_2585 : f32 to vector<16xf32>
    %div3A_2587 = arith.divf %div3A_2586, %add3A_2584 : vector<16xf32>
    %sub3A_2588 = arith.constant 1.000000e+00 : f32
    %sub3A_2589 = vector.broadcast %sub3A_2588 : f32 to vector<16xf32>
    %sub3A_2590 = arith.subf %sub3A_2589, %div3A_2587 : vector<16xf32>
    %add3A_2591 = arith.addf %get3A_2556, %min3A_2565 : vector<16xf32>
    %mul3A_2592 = arith.mulf %get3A_2568, %get3A_2574 : vector<16xf32>
    %mul3A_2593 = arith.mulf %get3A_2571, %sub3A_2590 : vector<16xf32>
    %add3A_2594 = arith.addf %mul3A_2592, %mul3A_2593 : vector<16xf32>
    %mul3A_2595 = arith.mulf %add3A_2591, %add3A_2594 : vector<16xf32>
    %swap3A_2596 = arith.constant 240 : index
    %swap3A_2597 = tpu.vector_load %arg29[%swap3A_2596] {strides = array<i32>} : memref<512xf32, #tpu.memory_space<vmem>>, vector<16xf32>,
    %swap3A_2598 = vector.shape_cast %swap3A_2597 : vector<16xf32> to vector<16xf32>
    %swap3A_2599 = vector.shape_cast %min3A_2565 : vector<16xf32> to vector<16xf32>
    tpu.vector_store %arg29[%swap3A_2596], %swap3A_2599 {strides = array<i32>} : memref<512xf32, #tpu.memory_space<vmem>>, vector<16xf32>,
    %swap3A_2600 = arith.constant 240 : index
    %swap3A_2601 = tpu.vector_load %arg30[%swap3A_2600] {strides = array<i32>} : memref<512xf32, #tpu.memory_space<vmem>>, vector<16xf32>,
    %swap3A_2602 = vector.shape_cast %swap3A_2601 : vector<16xf32> to vector<16xf32>
    %swap3A_2603 = vector.shape_cast %sub3A_2590 : vector<16xf32> to vector<16xf32>
    tpu.vector_store %arg30[%swap3A_2600], %swap3A_2603 {strides = array<i32>} : memref<512xf32, #tpu.memory_space<vmem>>, vector<16xf32>,
    %swap3A_2604 = arith.constant 240 : index
    %swap3A_2605 = tpu.vector_load %arg31[%swap3A_2604] {strides = array<i32>} : memref<512xf32, #tpu.memory_space<vmem>>, vector<16xf32>,
    %swap3A_2606 = vector.shape_cast %swap3A_2605 : vector<16xf32> to vector<16xf32>
    %swap3A_2607 = vector.shape_cast %add3A_2591 : vector<16xf32> to vector<16xf32>
    tpu.vector_store %arg31[%swap3A_2604], %swap3A_2607 {strides = array<i32>} : memref<512xf32, #tpu.memory_space<vmem>>, vector<16xf32>,
    %swap3A_2608 = arith.constant 240 : index
    %swap3A_2609 = tpu.vector_load %arg32[%swap3A_2608] {strides = array<i32>} : memref<512xf32, #tpu.memory_space<vmem>>, vector<16xf32>,
    %swap3A_2610 = vector.shape_cast %swap3A_2609 : vector<16xf32> to vector<16xf32>
    %swap3A_2611 = vector.shape_cast %add3A_2594 : vector<16xf32> to vector<16xf32>
    tpu.vector_store %arg32[%swap3A_2608], %swap3A_2611 {strides = array<i32>} : memref<512xf32, #tpu.memory_space<vmem>>, vector<16xf32>,
    %swap3A_2612 = arith.constant 240 : index
    %swap3A_2613 = tpu.vector_load %arg33[%swap3A_2612] {strides = array<i32>} : memref<512xf32, #tpu.memory_space<vmem>>, vector<16xf32>,
    %swap3A_2614 = vector.shape_cast %swap3A_2613 : vector<16xf32> to vector<16xf32>
    %swap3A_2615 = vector.shape_cast %mul3A_2595 : vector<16xf32> to vector<16xf32>
    tpu.vector_store %arg33[%swap3A_2612], %swap3A_2615 {strides = array<i32>} : memref<512xf32, #tpu.memory_space<vmem>>, vector<16xf32>,
    %get3A_2616 = arith.constant 256 : index
    %get3A_2617 = tpu.vector_load %arg25[%get3A_2616] {strides = array<i32>} : memref<512xf32, #tpu.memory_space<vmem>>, vector<16xf32>,
    %get3A_2618 = vector.shape_cast %get3A_2617 : vector<16xf32> to vector<16xf32>
    %get3A_2619 = arith.constant 256 : index
    %get3A_2620 = tpu.vector_load %arg26[%get3A_2619] {strides = array<i32>} : memref<512xf32, #tpu.memory_space<vmem>>, vector<16xf32>,
    %get3A_2621 = vector.shape_cast %get3A_2620 : vector<16xf32> to vector<16xf32>
    %max3A_2622 = arith.constant -2.000000e+00 : f32
    %max3A_2623 = vector.broadcast %max3A_2622 : f32 to vector<16xf32>
    %max3A_2624 = arith.maximumf %get3A_2621, %max3A_2623 : vector<16xf32>
    %min3A_2625 = arith.constant 2.000000e+00 : f32
    %min3A_2626 = vector.broadcast %min3A_2625 : f32 to vector<16xf32>
    %min3A_2627 = arith.minimumf %max3A_2624, %min3A_2626 : vector<16xf32>
    %get3A_2628 = arith.constant 256 : index
    %get3A_2629 = tpu.vector_load %arg27[%get3A_2628] {strides = array<i32>} : memref<512xf32, #tpu.memory_space<vmem>>, vector<16xf32>,
    %get3A_2630 = vector.shape_cast %get3A_2629 : vector<16xf32> to vector<16xf32>
    %get3A_2631 = arith.constant 256 : index
    %get3A_2632 = tpu.vector_load %arg28[%get3A_2631] {strides = array<i32>} : memref<512xf32, #tpu.memory_space<vmem>>, vector<16xf32>,
    %get3A_2633 = vector.shape_cast %get3A_2632 : vector<16xf32> to vector<16xf32>
    %get3A_2634 = arith.constant 256 : index
    %get3A_2635 = tpu.vector_load %arg22[%get3A_2634] {strides = array<i32>} : memref<512xf32, #tpu.memory_space<vmem>>, vector<16xf32>,
    %get3A_2636 = vector.shape_cast %get3A_2635 : vector<16xf32> to vector<16xf32>
    %get3A_2637 = arith.constant 256 : index
    %get3A_2638 = tpu.vector_load %arg23[%get3A_2637] {strides = array<i32>} : memref<512xf32, #tpu.memory_space<vmem>>, vector<16xf32>,
    %get3A_2639 = vector.shape_cast %get3A_2638 : vector<16xf32> to vector<16xf32>
    %mul3A_2640 = arith.constant 2.000000e+00 : f32
    %mul3A_2641 = vector.broadcast %mul3A_2640 : f32 to vector<16xf32>
    %mul3A_2642 = arith.mulf %get3A_2639, %mul3A_2641 : vector<16xf32>
    %exp3A_2643 = math.exp %mul3A_2642 : vector<16xf32>
    %add3A_2644 = arith.constant 1.000000e+00 : f32
    %add3A_2645 = vector.broadcast %add3A_2644 : f32 to vector<16xf32>
    %add3A_2646 = arith.addf %exp3A_2643, %add3A_2645 : vector<16xf32>
    %div3A_2647 = arith.constant 2.000000e+00 : f32
    %div3A_2648 = vector.broadcast %div3A_2647 : f32 to vector<16xf32>
    %div3A_2649 = arith.divf %div3A_2648, %add3A_2646 : vector<16xf32>
    %sub3A_2650 = arith.constant 1.000000e+00 : f32
    %sub3A_2651 = vector.broadcast %sub3A_2650 : f32 to vector<16xf32>
    %sub3A_2652 = arith.subf %sub3A_2651, %div3A_2649 : vector<16xf32>
    %add3A_2653 = arith.addf %get3A_2618, %min3A_2627 : vector<16xf32>
    %mul3A_2654 = arith.mulf %get3A_2630, %get3A_2636 : vector<16xf32>
    %mul3A_2655 = arith.mulf %get3A_2633, %sub3A_2652 : vector<16xf32>
    %add3A_2656 = arith.addf %mul3A_2654, %mul3A_2655 : vector<16xf32>
    %mul3A_2657 = arith.mulf %add3A_2653, %add3A_2656 : vector<16xf32>
    %swap3A_2658 = arith.constant 256 : index
    %swap3A_2659 = tpu.vector_load %arg29[%swap3A_2658] {strides = array<i32>} : memref<512xf32, #tpu.memory_space<vmem>>, vector<16xf32>,
    %swap3A_2660 = vector.shape_cast %swap3A_2659 : vector<16xf32> to vector<16xf32>
    %swap3A_2661 = vector.shape_cast %min3A_2627 : vector<16xf32> to vector<16xf32>
    tpu.vector_store %arg29[%swap3A_2658], %swap3A_2661 {strides = array<i32>} : memref<512xf32, #tpu.memory_space<vmem>>, vector<16xf32>,
    %swap3A_2662 = arith.constant 256 : index
    %swap3A_2663 = tpu.vector_load %arg30[%swap3A_2662] {strides = array<i32>} : memref<512xf32, #tpu.memory_space<vmem>>, vector<16xf32>,
    %swap3A_2664 = vector.shape_cast %swap3A_2663 : vector<16xf32> to vector<16xf32>
    %swap3A_2665 = vector.shape_cast %sub3A_2652 : vector<16xf32> to vector<16xf32>
    tpu.vector_store %arg30[%swap3A_2662], %swap3A_2665 {strides = array<i32>} : memref<512xf32, #tpu.memory_space<vmem>>, vector<16xf32>,
    %swap3A_2666 = arith.constant 256 : index
    %swap3A_2667 = tpu.vector_load %arg31[%swap3A_2666] {strides = array<i32>} : memref<512xf32, #tpu.memory_space<vmem>>, vector<16xf32>,
    %swap3A_2668 = vector.shape_cast %swap3A_2667 : vector<16xf32> to vector<16xf32>
    %swap3A_2669 = vector.shape_cast %add3A_2653 : vector<16xf32> to vector<16xf32>
    tpu.vector_store %arg31[%swap3A_2666], %swap3A_2669 {strides = array<i32>} : memref<512xf32, #tpu.memory_space<vmem>>, vector<16xf32>,
    %swap3A_2670 = arith.constant 256 : index
    %swap3A_2671 = tpu.vector_load %arg32[%swap3A_2670] {strides = array<i32>} : memref<512xf32, #tpu.memory_space<vmem>>, vector<16xf32>,
    %swap3A_2672 = vector.shape_cast %swap3A_2671 : vector<16xf32> to vector<16xf32>
    %swap3A_2673 = vector.shape_cast %add3A_2656 : vector<16xf32> to vector<16xf32>
    tpu.vector_store %arg32[%swap3A_2670], %swap3A_2673 {strides = array<i32>} : memref<512xf32, #tpu.memory_space<vmem>>, vector<16xf32>,
    %swap3A_2674 = arith.constant 256 : index
    %swap3A_2675 = tpu.vector_load %arg33[%swap3A_2674] {strides = array<i32>} : memref<512xf32, #tpu.memory_space<vmem>>, vector<16xf32>,
    %swap3A_2676 = vector.shape_cast %swap3A_2675 : vector<16xf32> to vector<16xf32>
    %swap3A_2677 = vector.shape_cast %mul3A_2657 : vector<16xf32> to vector<16xf32>
    tpu.vector_store %arg33[%swap3A_2674], %swap3A_2677 {strides = array<i32>} : memref<512xf32, #tpu.memory_space<vmem>>, vector<16xf32>,
    %get3A_2678 = arith.constant 272 : index
    %get3A_2679 = tpu.vector_load %arg25[%get3A_2678] {strides = array<i32>} : memref<512xf32, #tpu.memory_space<vmem>>, vector<16xf32>,
    %get3A_2680 = vector.shape_cast %get3A_2679 : vector<16xf32> to vector<16xf32>
    %get3A_2681 = arith.constant 272 : index
    %get3A_2682 = tpu.vector_load %arg26[%get3A_2681] {strides = array<i32>} : memref<512xf32, #tpu.memory_space<vmem>>, vector<16xf32>,
    %get3A_2683 = vector.shape_cast %get3A_2682 : vector<16xf32> to vector<16xf32>
    %max3A_2684 = arith.constant -2.000000e+00 : f32
    %max3A_2685 = vector.broadcast %max3A_2684 : f32 to vector<16xf32>
    %max3A_2686 = arith.maximumf %get3A_2683, %max3A_2685 : vector<16xf32>
    %min3A_2687 = arith.constant 2.000000e+00 : f32
    %min3A_2688 = vector.broadcast %min3A_2687 : f32 to vector<16xf32>
    %min3A_2689 = arith.minimumf %max3A_2686, %min3A_2688 : vector<16xf32>
    %get3A_2690 = arith.constant 272 : index
    %get3A_2691 = tpu.vector_load %arg27[%get3A_2690] {strides = array<i32>} : memref<512xf32, #tpu.memory_space<vmem>>, vector<16xf32>,
    %get3A_2692 = vector.shape_cast %get3A_2691 : vector<16xf32> to vector<16xf32>
    %get3A_2693 = arith.constant 272 : index
    %get3A_2694 = tpu.vector_load %arg28[%get3A_2693] {strides = array<i32>} : memref<512xf32, #tpu.memory_space<vmem>>, vector<16xf32>,
    %get3A_2695 = vector.shape_cast %get3A_2694 : vector<16xf32> to vector<16xf32>
    %get3A_2696 = arith.constant 272 : index
    %get3A_2697 = tpu.vector_load %arg22[%get3A_2696] {strides = array<i32>} : memref<512xf32, #tpu.memory_space<vmem>>, vector<16xf32>,
    %get3A_2698 = vector.shape_cast %get3A_2697 : vector<16xf32> to vector<16xf32>
    %get3A_2699 = arith.constant 272 : index
    %get3A_2700 = tpu.vector_load %arg23[%get3A_2699] {strides = array<i32>} : memref<512xf32, #tpu.memory_space<vmem>>, vector<16xf32>,
    %get3A_2701 = vector.shape_cast %get3A_2700 : vector<16xf32> to vector<16xf32>
    %mul3A_2702 = arith.constant 2.000000e+00 : f32
    %mul3A_2703 = vector.broadcast %mul3A_2702 : f32 to vector<16xf32>
    %mul3A_2704 = arith.mulf %get3A_2701, %mul3A_2703 : vector<16xf32>
    %exp3A_2705 = math.exp %mul3A_2704 : vector<16xf32>
    %add3A_2706 = arith.constant 1.000000e+00 : f32
    %add3A_2707 = vector.broadcast %add3A_2706 : f32 to vector<16xf32>
    %add3A_2708 = arith.addf %exp3A_2705, %add3A_2707 : vector<16xf32>
    %div3A_2709 = arith.constant 2.000000e+00 : f32
    %div3A_2710 = vector.broadcast %div3A_2709 : f32 to vector<16xf32>
    %div3A_2711 = arith.divf %div3A_2710, %add3A_2708 : vector<16xf32>
    %sub3A_2712 = arith.constant 1.000000e+00 : f32
    %sub3A_2713 = vector.broadcast %sub3A_2712 : f32 to vector<16xf32>
    %sub3A_2714 = arith.subf %sub3A_2713, %div3A_2711 : vector<16xf32>
    %add3A_2715 = arith.addf %get3A_2680, %min3A_2689 : vector<16xf32>
    %mul3A_2716 = arith.mulf %get3A_2692, %get3A_2698 : vector<16xf32>
    %mul3A_2717 = arith.mulf %get3A_2695, %sub3A_2714 : vector<16xf32>
    %add3A_2718 = arith.addf %mul3A_2716, %mul3A_2717 : vector<16xf32>
    %mul3A_2719 = arith.mulf %add3A_2715, %add3A_2718 : vector<16xf32>
    %swap3A_2720 = arith.constant 272 : index
    %swap3A_2721 = tpu.vector_load %arg29[%swap3A_2720] {strides = array<i32>} : memref<512xf32, #tpu.memory_space<vmem>>, vector<16xf32>,
    %swap3A_2722 = vector.shape_cast %swap3A_2721 : vector<16xf32> to vector<16xf32>
    %swap3A_2723 = vector.shape_cast %min3A_2689 : vector<16xf32> to vector<16xf32>
    tpu.vector_store %arg29[%swap3A_2720], %swap3A_2723 {strides = array<i32>} : memref<512xf32, #tpu.memory_space<vmem>>, vector<16xf32>,
    %swap3A_2724 = arith.constant 272 : index
    %swap3A_2725 = tpu.vector_load %arg30[%swap3A_2724] {strides = array<i32>} : memref<512xf32, #tpu.memory_space<vmem>>, vector<16xf32>,
    %swap3A_2726 = vector.shape_cast %swap3A_2725 : vector<16xf32> to vector<16xf32>
    %swap3A_2727 = vector.shape_cast %sub3A_2714 : vector<16xf32> to vector<16xf32>
    tpu.vector_store %arg30[%swap3A_2724], %swap3A_2727 {strides = array<i32>} : memref<512xf32, #tpu.memory_space<vmem>>, vector<16xf32>,
    %swap3A_2728 = arith.constant 272 : index
    %swap3A_2729 = tpu.vector_load %arg31[%swap3A_2728] {strides = array<i32>} : memref<512xf32, #tpu.memory_space<vmem>>, vector<16xf32>,
    %swap3A_2730 = vector.shape_cast %swap3A_2729 : vector<16xf32> to vector<16xf32>
    %swap3A_2731 = vector.shape_cast %add3A_2715 : vector<16xf32> to vector<16xf32>
    tpu.vector_store %arg31[%swap3A_2728], %swap3A_2731 {strides = array<i32>} : memref<512xf32, #tpu.memory_space<vmem>>, vector<16xf32>,
    %swap3A_2732 = arith.constant 272 : index
    %swap3A_2733 = tpu.vector_load %arg32[%swap3A_2732] {strides = array<i32>} : memref<512xf32, #tpu.memory_space<vmem>>, vector<16xf32>,
    %swap3A_2734 = vector.shape_cast %swap3A_2733 : vector<16xf32> to vector<16xf32>
    %swap3A_2735 = vector.shape_cast %add3A_2718 : vector<16xf32> to vector<16xf32>
    tpu.vector_store %arg32[%swap3A_2732], %swap3A_2735 {strides = array<i32>} : memref<512xf32, #tpu.memory_space<vmem>>, vector<16xf32>,
    %swap3A_2736 = arith.constant 272 : index
    %swap3A_2737 = tpu.vector_load %arg33[%swap3A_2736] {strides = array<i32>} : memref<512xf32, #tpu.memory_space<vmem>>, vector<16xf32>,
    %swap3A_2738 = vector.shape_cast %swap3A_2737 : vector<16xf32> to vector<16xf32>
    %swap3A_2739 = vector.shape_cast %mul3A_2719 : vector<16xf32> to vector<16xf32>
    tpu.vector_store %arg33[%swap3A_2736], %swap3A_2739 {strides = array<i32>} : memref<512xf32, #tpu.memory_space<vmem>>, vector<16xf32>,
    %get3A_2740 = arith.constant 288 : index
    %get3A_2741 = tpu.vector_load %arg25[%get3A_2740] {strides = array<i32>} : memref<512xf32, #tpu.memory_space<vmem>>, vector<16xf32>,
    %get3A_2742 = vector.shape_cast %get3A_2741 : vector<16xf32> to vector<16xf32>
    %get3A_2743 = arith.constant 288 : index
    %get3A_2744 = tpu.vector_load %arg26[%get3A_2743] {strides = array<i32>} : memref<512xf32, #tpu.memory_space<vmem>>, vector<16xf32>,
    %get3A_2745 = vector.shape_cast %get3A_2744 : vector<16xf32> to vector<16xf32>
    %max3A_2746 = arith.constant -2.000000e+00 : f32
    %max3A_2747 = vector.broadcast %max3A_2746 : f32 to vector<16xf32>
    %max3A_2748 = arith.maximumf %get3A_2745, %max3A_2747 : vector<16xf32>
    %min3A_2749 = arith.constant 2.000000e+00 : f32
    %min3A_2750 = vector.broadcast %min3A_2749 : f32 to vector<16xf32>
    %min3A_2751 = arith.minimumf %max3A_2748, %min3A_2750 : vector<16xf32>
    %get3A_2752 = arith.constant 288 : index
    %get3A_2753 = tpu.vector_load %arg27[%get3A_2752] {strides = array<i32>} : memref<512xf32, #tpu.memory_space<vmem>>, vector<16xf32>,
    %get3A_2754 = vector.shape_cast %get3A_2753 : vector<16xf32> to vector<16xf32>
    %get3A_2755 = arith.constant 288 : index
    %get3A_2756 = tpu.vector_load %arg28[%get3A_2755] {strides = array<i32>} : memref<512xf32, #tpu.memory_space<vmem>>, vector<16xf32>,
    %get3A_2757 = vector.shape_cast %get3A_2756 : vector<16xf32> to vector<16xf32>
    %get3A_2758 = arith.constant 288 : index
    %get3A_2759 = tpu.vector_load %arg22[%get3A_2758] {strides = array<i32>} : memref<512xf32, #tpu.memory_space<vmem>>, vector<16xf32>,
    %get3A_2760 = vector.shape_cast %get3A_2759 : vector<16xf32> to vector<16xf32>
    %get3A_2761 = arith.constant 288 : index
    %get3A_2762 = tpu.vector_load %arg23[%get3A_2761] {strides = array<i32>} : memref<512xf32, #tpu.memory_space<vmem>>, vector<16xf32>,
    %get3A_2763 = vector.shape_cast %get3A_2762 : vector<16xf32> to vector<16xf32>
    %mul3A_2764 = arith.constant 2.000000e+00 : f32
    %mul3A_2765 = vector.broadcast %mul3A_2764 : f32 to vector<16xf32>
    %mul3A_2766 = arith.mulf %get3A_2763, %mul3A_2765 : vector<16xf32>
    %exp3A_2767 = math.exp %mul3A_2766 : vector<16xf32>
    %add3A_2768 = arith.constant 1.000000e+00 : f32
    %add3A_2769 = vector.broadcast %add3A_2768 : f32 to vector<16xf32>
    %add3A_2770 = arith.addf %exp3A_2767, %add3A_2769 : vector<16xf32>
    %div3A_2771 = arith.constant 2.000000e+00 : f32
    %div3A_2772 = vector.broadcast %div3A_2771 : f32 to vector<16xf32>
    %div3A_2773 = arith.divf %div3A_2772, %add3A_2770 : vector<16xf32>
    %sub3A_2774 = arith.constant 1.000000e+00 : f32
    %sub3A_2775 = vector.broadcast %sub3A_2774 : f32 to vector<16xf32>
    %sub3A_2776 = arith.subf %sub3A_2775, %div3A_2773 : vector<16xf32>
    %add3A_2777 = arith.addf %get3A_2742, %min3A_2751 : vector<16xf32>
    %mul3A_2778 = arith.mulf %get3A_2754, %get3A_2760 : vector<16xf32>
    %mul3A_2779 = arith.mulf %get3A_2757, %sub3A_2776 : vector<16xf32>
    %add3A_2780 = arith.addf %mul3A_2778, %mul3A_2779 : vector<16xf32>
    %mul3A_2781 = arith.mulf %add3A_2777, %add3A_2780 : vector<16xf32>
    %swap3A_2782 = arith.constant 288 : index
    %swap3A_2783 = tpu.vector_load %arg29[%swap3A_2782] {strides = array<i32>} : memref<512xf32, #tpu.memory_space<vmem>>, vector<16xf32>,
    %swap3A_2784 = vector.shape_cast %swap3A_2783 : vector<16xf32> to vector<16xf32>
    %swap3A_2785 = vector.shape_cast %min3A_2751 : vector<16xf32> to vector<16xf32>
    tpu.vector_store %arg29[%swap3A_2782], %swap3A_2785 {strides = array<i32>} : memref<512xf32, #tpu.memory_space<vmem>>, vector<16xf32>,
    %swap3A_2786 = arith.constant 288 : index
    %swap3A_2787 = tpu.vector_load %arg30[%swap3A_2786] {strides = array<i32>} : memref<512xf32, #tpu.memory_space<vmem>>, vector<16xf32>,
    %swap3A_2788 = vector.shape_cast %swap3A_2787 : vector<16xf32> to vector<16xf32>
    %swap3A_2789 = vector.shape_cast %sub3A_2776 : vector<16xf32> to vector<16xf32>
    tpu.vector_store %arg30[%swap3A_2786], %swap3A_2789 {strides = array<i32>} : memref<512xf32, #tpu.memory_space<vmem>>, vector<16xf32>,
    %swap3A_2790 = arith.constant 288 : index
    %swap3A_2791 = tpu.vector_load %arg31[%swap3A_2790] {strides = array<i32>} : memref<512xf32, #tpu.memory_space<vmem>>, vector<16xf32>,
    %swap3A_2792 = vector.shape_cast %swap3A_2791 : vector<16xf32> to vector<16xf32>
    %swap3A_2793 = vector.shape_cast %add3A_2777 : vector<16xf32> to vector<16xf32>
    tpu.vector_store %arg31[%swap3A_2790], %swap3A_2793 {strides = array<i32>} : memref<512xf32, #tpu.memory_space<vmem>>, vector<16xf32>,
    %swap3A_2794 = arith.constant 288 : index
    %swap3A_2795 = tpu.vector_load %arg32[%swap3A_2794] {strides = array<i32>} : memref<512xf32, #tpu.memory_space<vmem>>, vector<16xf32>,
    %swap3A_2796 = vector.shape_cast %swap3A_2795 : vector<16xf32> to vector<16xf32>
    %swap3A_2797 = vector.shape_cast %add3A_2780 : vector<16xf32> to vector<16xf32>
    tpu.vector_store %arg32[%swap3A_2794], %swap3A_2797 {strides = array<i32>} : memref<512xf32, #tpu.memory_space<vmem>>, vector<16xf32>,
    %swap3A_2798 = arith.constant 288 : index
    %swap3A_2799 = tpu.vector_load %arg33[%swap3A_2798] {strides = array<i32>} : memref<512xf32, #tpu.memory_space<vmem>>, vector<16xf32>,
    %swap3A_2800 = vector.shape_cast %swap3A_2799 : vector<16xf32> to vector<16xf32>
    %swap3A_2801 = vector.shape_cast %mul3A_2781 : vector<16xf32> to vector<16xf32>
    tpu.vector_store %arg33[%swap3A_2798], %swap3A_2801 {strides = array<i32>} : memref<512xf32, #tpu.memory_space<vmem>>, vector<16xf32>,
    %get3A_2802 = arith.constant 304 : index
    %get3A_2803 = tpu.vector_load %arg25[%get3A_2802] {strides = array<i32>} : memref<512xf32, #tpu.memory_space<vmem>>, vector<16xf32>,
    %get3A_2804 = vector.shape_cast %get3A_2803 : vector<16xf32> to vector<16xf32>
    %get3A_2805 = arith.constant 304 : index
    %get3A_2806 = tpu.vector_load %arg26[%get3A_2805] {strides = array<i32>} : memref<512xf32, #tpu.memory_space<vmem>>, vector<16xf32>,
    %get3A_2807 = vector.shape_cast %get3A_2806 : vector<16xf32> to vector<16xf32>
    %max3A_2808 = arith.constant -2.000000e+00 : f32
    %max3A_2809 = vector.broadcast %max3A_2808 : f32 to vector<16xf32>
    %max3A_2810 = arith.maximumf %get3A_2807, %max3A_2809 : vector<16xf32>
    %min3A_2811 = arith.constant 2.000000e+00 : f32
    %min3A_2812 = vector.broadcast %min3A_2811 : f32 to vector<16xf32>
    %min3A_2813 = arith.minimumf %max3A_2810, %min3A_2812 : vector<16xf32>
    %get3A_2814 = arith.constant 304 : index
    %get3A_2815 = tpu.vector_load %arg27[%get3A_2814] {strides = array<i32>} : memref<512xf32, #tpu.memory_space<vmem>>, vector<16xf32>,
    %get3A_2816 = vector.shape_cast %get3A_2815 : vector<16xf32> to vector<16xf32>
    %get3A_2817 = arith.constant 304 : index
    %get3A_2818 = tpu.vector_load %arg28[%get3A_2817] {strides = array<i32>} : memref<512xf32, #tpu.memory_space<vmem>>, vector<16xf32>,
    %get3A_2819 = vector.shape_cast %get3A_2818 : vector<16xf32> to vector<16xf32>
    %get3A_2820 = arith.constant 304 : index
    %get3A_2821 = tpu.vector_load %arg22[%get3A_2820] {strides = array<i32>} : memref<512xf32, #tpu.memory_space<vmem>>, vector<16xf32>,
    %get3A_2822 = vector.shape_cast %get3A_2821 : vector<16xf32> to vector<16xf32>
    %get3A_2823 = arith.constant 304 : index
    %get3A_2824 = tpu.vector_load %arg23[%get3A_2823] {strides = array<i32>} : memref<512xf32, #tpu.memory_space<vmem>>, vector<16xf32>,
    %get3A_2825 = vector.shape_cast %get3A_2824 : vector<16xf32> to vector<16xf32>
    %mul3A_2826 = arith.constant 2.000000e+00 : f32
    %mul3A_2827 = vector.broadcast %mul3A_2826 : f32 to vector<16xf32>
    %mul3A_2828 = arith.mulf %get3A_2825, %mul3A_2827 : vector<16xf32>
    %exp3A_2829 = math.exp %mul3A_2828 : vector<16xf32>
    %add3A_2830 = arith.constant 1.000000e+00 : f32
    %add3A_2831 = vector.broadcast %add3A_2830 : f32 to vector<16xf32>
    %add3A_2832 = arith.addf %exp3A_2829, %add3A_2831 : vector<16xf32>
    %div3A_2833 = arith.constant 2.000000e+00 : f32
    %div3A_2834 = vector.broadcast %div3A_2833 : f32 to vector<16xf32>
    %div3A_2835 = arith.divf %div3A_2834, %add3A_2832 : vector<16xf32>
    %sub3A_2836 = arith.constant 1.000000e+00 : f32
    %sub3A_2837 = vector.broadcast %sub3A_2836 : f32 to vector<16xf32>
    %sub3A_2838 = arith.subf %sub3A_2837, %div3A_2835 : vector<16xf32>
    %add3A_2839 = arith.addf %get3A_2804, %min3A_2813 : vector<16xf32>
    %mul3A_2840 = arith.mulf %get3A_2816, %get3A_2822 : vector<16xf32>
    %mul3A_2841 = arith.mulf %get3A_2819, %sub3A_2838 : vector<16xf32>
    %add3A_2842 = arith.addf %mul3A_2840, %mul3A_2841 : vector<16xf32>
    %mul3A_2843 = arith.mulf %add3A_2839, %add3A_2842 : vector<16xf32>
    %swap3A_2844 = arith.constant 304 : index
    %swap3A_2845 = tpu.vector_load %arg29[%swap3A_2844] {strides = array<i32>} : memref<512xf32, #tpu.memory_space<vmem>>, vector<16xf32>,
    %swap3A_2846 = vector.shape_cast %swap3A_2845 : vector<16xf32> to vector<16xf32>
    %swap3A_2847 = vector.shape_cast %min3A_2813 : vector<16xf32> to vector<16xf32>
    tpu.vector_store %arg29[%swap3A_2844], %swap3A_2847 {strides = array<i32>} : memref<512xf32, #tpu.memory_space<vmem>>, vector<16xf32>,
    %swap3A_2848 = arith.constant 304 : index
    %swap3A_2849 = tpu.vector_load %arg30[%swap3A_2848] {strides = array<i32>} : memref<512xf32, #tpu.memory_space<vmem>>, vector<16xf32>,
    %swap3A_2850 = vector.shape_cast %swap3A_2849 : vector<16xf32> to vector<16xf32>
    %swap3A_2851 = vector.shape_cast %sub3A_2838 : vector<16xf32> to vector<16xf32>
    tpu.vector_store %arg30[%swap3A_2848], %swap3A_2851 {strides = array<i32>} : memref<512xf32, #tpu.memory_space<vmem>>, vector<16xf32>,
    %swap3A_2852 = arith.constant 304 : index
    %swap3A_2853 = tpu.vector_load %arg31[%swap3A_2852] {strides = array<i32>} : memref<512xf32, #tpu.memory_space<vmem>>, vector<16xf32>,
    %swap3A_2854 = vector.shape_cast %swap3A_2853 : vector<16xf32> to vector<16xf32>
    %swap3A_2855 = vector.shape_cast %add3A_2839 : vector<16xf32> to vector<16xf32>
    tpu.vector_store %arg31[%swap3A_2852], %swap3A_2855 {strides = array<i32>} : memref<512xf32, #tpu.memory_space<vmem>>, vector<16xf32>,
    %swap3A_2856 = arith.constant 304 : index
    %swap3A_2857 = tpu.vector_load %arg32[%swap3A_2856] {strides = array<i32>} : memref<512xf32, #tpu.memory_space<vmem>>, vector<16xf32>,
    %swap3A_2858 = vector.shape_cast %swap3A_2857 : vector<16xf32> to vector<16xf32>
    %swap3A_2859 = vector.shape_cast %add3A_2842 : vector<16xf32> to vector<16xf32>
    tpu.vector_store %arg32[%swap3A_2856], %swap3A_2859 {strides = array<i32>} : memref<512xf32, #tpu.memory_space<vmem>>, vector<16xf32>,
    %swap3A_2860 = arith.constant 304 : index
    %swap3A_2861 = tpu.vector_load %arg33[%swap3A_2860] {strides = array<i32>} : memref<512xf32, #tpu.memory_space<vmem>>, vector<16xf32>,
    %swap3A_2862 = vector.shape_cast %swap3A_2861 : vector<16xf32> to vector<16xf32>
    %swap3A_2863 = vector.shape_cast %mul3A_2843 : vector<16xf32> to vector<16xf32>
    tpu.vector_store %arg33[%swap3A_2860], %swap3A_2863 {strides = array<i32>} : memref<512xf32, #tpu.memory_space<vmem>>, vector<16xf32>,
    %get3A_2864 = arith.constant 320 : index
    %get3A_2865 = tpu.vector_load %arg25[%get3A_2864] {strides = array<i32>} : memref<512xf32, #tpu.memory_space<vmem>>, vector<16xf32>,
    %get3A_2866 = vector.shape_cast %get3A_2865 : vector<16xf32> to vector<16xf32>
    %get3A_2867 = arith.constant 320 : index
    %get3A_2868 = tpu.vector_load %arg26[%get3A_2867] {strides = array<i32>} : memref<512xf32, #tpu.memory_space<vmem>>, vector<16xf32>,
    %get3A_2869 = vector.shape_cast %get3A_2868 : vector<16xf32> to vector<16xf32>
    %max3A_2870 = arith.constant -2.000000e+00 : f32
    %max3A_2871 = vector.broadcast %max3A_2870 : f32 to vector<16xf32>
    %max3A_2872 = arith.maximumf %get3A_2869, %max3A_2871 : vector<16xf32>
    %min3A_2873 = arith.constant 2.000000e+00 : f32
    %min3A_2874 = vector.broadcast %min3A_2873 : f32 to vector<16xf32>
    %min3A_2875 = arith.minimumf %max3A_2872, %min3A_2874 : vector<16xf32>
    %get3A_2876 = arith.constant 320 : index
    %get3A_2877 = tpu.vector_load %arg27[%get3A_2876] {strides = array<i32>} : memref<512xf32, #tpu.memory_space<vmem>>, vector<16xf32>,
    %get3A_2878 = vector.shape_cast %get3A_2877 : vector<16xf32> to vector<16xf32>
    %get3A_2879 = arith.constant 320 : index
    %get3A_2880 = tpu.vector_load %arg28[%get3A_2879] {strides = array<i32>} : memref<512xf32, #tpu.memory_space<vmem>>, vector<16xf32>,
    %get3A_2881 = vector.shape_cast %get3A_2880 : vector<16xf32> to vector<16xf32>
    %get3A_2882 = arith.constant 320 : index
    %get3A_2883 = tpu.vector_load %arg22[%get3A_2882] {strides = array<i32>} : memref<512xf32, #tpu.memory_space<vmem>>, vector<16xf32>,
    %get3A_2884 = vector.shape_cast %get3A_2883 : vector<16xf32> to vector<16xf32>
    %get3A_2885 = arith.constant 320 : index
    %get3A_2886 = tpu.vector_load %arg23[%get3A_2885] {strides = array<i32>} : memref<512xf32, #tpu.memory_space<vmem>>, vector<16xf32>,
    %get3A_2887 = vector.shape_cast %get3A_2886 : vector<16xf32> to vector<16xf32>
    %mul3A_2888 = arith.constant 2.000000e+00 : f32
    %mul3A_2889 = vector.broadcast %mul3A_2888 : f32 to vector<16xf32>
    %mul3A_2890 = arith.mulf %get3A_2887, %mul3A_2889 : vector<16xf32>
    %exp3A_2891 = math.exp %mul3A_2890 : vector<16xf32>
    %add3A_2892 = arith.constant 1.000000e+00 : f32
    %add3A_2893 = vector.broadcast %add3A_2892 : f32 to vector<16xf32>
    %add3A_2894 = arith.addf %exp3A_2891, %add3A_2893 : vector<16xf32>
    %div3A_2895 = arith.constant 2.000000e+00 : f32
    %div3A_2896 = vector.broadcast %div3A_2895 : f32 to vector<16xf32>
    %div3A_2897 = arith.divf %div3A_2896, %add3A_2894 : vector<16xf32>
    %sub3A_2898 = arith.constant 1.000000e+00 : f32
    %sub3A_2899 = vector.broadcast %sub3A_2898 : f32 to vector<16xf32>
    %sub3A_2900 = arith.subf %sub3A_2899, %div3A_2897 : vector<16xf32>
    %add3A_2901 = arith.addf %get3A_2866, %min3A_2875 : vector<16xf32>
    %mul3A_2902 = arith.mulf %get3A_2878, %get3A_2884 : vector<16xf32>
    %mul3A_2903 = arith.mulf %get3A_2881, %sub3A_2900 : vector<16xf32>
    %add3A_2904 = arith.addf %mul3A_2902, %mul3A_2903 : vector<16xf32>
    %mul3A_2905 = arith.mulf %add3A_2901, %add3A_2904 : vector<16xf32>
    %swap3A_2906 = arith.constant 320 : index
    %swap3A_2907 = tpu.vector_load %arg29[%swap3A_2906] {strides = array<i32>} : memref<512xf32, #tpu.memory_space<vmem>>, vector<16xf32>,
    %swap3A_2908 = vector.shape_cast %swap3A_2907 : vector<16xf32> to vector<16xf32>
    %swap3A_2909 = vector.shape_cast %min3A_2875 : vector<16xf32> to vector<16xf32>
    tpu.vector_store %arg29[%swap3A_2906], %swap3A_2909 {strides = array<i32>} : memref<512xf32, #tpu.memory_space<vmem>>, vector<16xf32>,
    %swap3A_2910 = arith.constant 320 : index
    %swap3A_2911 = tpu.vector_load %arg30[%swap3A_2910] {strides = array<i32>} : memref<512xf32, #tpu.memory_space<vmem>>, vector<16xf32>,
    %swap3A_2912 = vector.shape_cast %swap3A_2911 : vector<16xf32> to vector<16xf32>
    %swap3A_2913 = vector.shape_cast %sub3A_2900 : vector<16xf32> to vector<16xf32>
    tpu.vector_store %arg30[%swap3A_2910], %swap3A_2913 {strides = array<i32>} : memref<512xf32, #tpu.memory_space<vmem>>, vector<16xf32>,
    %swap3A_2914 = arith.constant 320 : index
    %swap3A_2915 = tpu.vector_load %arg31[%swap3A_2914] {strides = array<i32>} : memref<512xf32, #tpu.memory_space<vmem>>, vector<16xf32>,
    %swap3A_2916 = vector.shape_cast %swap3A_2915 : vector<16xf32> to vector<16xf32>
    %swap3A_2917 = vector.shape_cast %add3A_2901 : vector<16xf32> to vector<16xf32>
    tpu.vector_store %arg31[%swap3A_2914], %swap3A_2917 {strides = array<i32>} : memref<512xf32, #tpu.memory_space<vmem>>, vector<16xf32>,
    %swap3A_2918 = arith.constant 320 : index
    %swap3A_2919 = tpu.vector_load %arg32[%swap3A_2918] {strides = array<i32>} : memref<512xf32, #tpu.memory_space<vmem>>, vector<16xf32>,
    %swap3A_2920 = vector.shape_cast %swap3A_2919 : vector<16xf32> to vector<16xf32>
    %swap3A_2921 = vector.shape_cast %add3A_2904 : vector<16xf32> to vector<16xf32>
    tpu.vector_store %arg32[%swap3A_2918], %swap3A_2921 {strides = array<i32>} : memref<512xf32, #tpu.memory_space<vmem>>, vector<16xf32>,
    %swap3A_2922 = arith.constant 320 : index
    %swap3A_2923 = tpu.vector_load %arg33[%swap3A_2922] {strides = array<i32>} : memref<512xf32, #tpu.memory_space<vmem>>, vector<16xf32>,
    %swap3A_2924 = vector.shape_cast %swap3A_2923 : vector<16xf32> to vector<16xf32>
    %swap3A_2925 = vector.shape_cast %mul3A_2905 : vector<16xf32> to vector<16xf32>
    tpu.vector_store %arg33[%swap3A_2922], %swap3A_2925 {strides = array<i32>} : memref<512xf32, #tpu.memory_space<vmem>>, vector<16xf32>,
    %get3A_2926 = arith.constant 336 : index
    %get3A_2927 = tpu.vector_load %arg25[%get3A_2926] {strides = array<i32>} : memref<512xf32, #tpu.memory_space<vmem>>, vector<16xf32>,
    %get3A_2928 = vector.shape_cast %get3A_2927 : vector<16xf32> to vector<16xf32>
    %get3A_2929 = arith.constant 336 : index
    %get3A_2930 = tpu.vector_load %arg26[%get3A_2929] {strides = array<i32>} : memref<512xf32, #tpu.memory_space<vmem>>, vector<16xf32>,
    %get3A_2931 = vector.shape_cast %get3A_2930 : vector<16xf32> to vector<16xf32>
    %max3A_2932 = arith.constant -2.000000e+00 : f32
    %max3A_2933 = vector.broadcast %max3A_2932 : f32 to vector<16xf32>
    %max3A_2934 = arith.maximumf %get3A_2931, %max3A_2933 : vector<16xf32>
    %min3A_2935 = arith.constant 2.000000e+00 : f32
    %min3A_2936 = vector.broadcast %min3A_2935 : f32 to vector<16xf32>
    %min3A_2937 = arith.minimumf %max3A_2934, %min3A_2936 : vector<16xf32>
    %get3A_2938 = arith.constant 336 : index
    %get3A_2939 = tpu.vector_load %arg27[%get3A_2938] {strides = array<i32>} : memref<512xf32, #tpu.memory_space<vmem>>, vector<16xf32>,
    %get3A_2940 = vector.shape_cast %get3A_2939 : vector<16xf32> to vector<16xf32>
    %get3A_2941 = arith.constant 336 : index
    %get3A_2942 = tpu.vector_load %arg28[%get3A_2941] {strides = array<i32>} : memref<512xf32, #tpu.memory_space<vmem>>, vector<16xf32>,
    %get3A_2943 = vector.shape_cast %get3A_2942 : vector<16xf32> to vector<16xf32>
    %get3A_2944 = arith.constant 336 : index
    %get3A_2945 = tpu.vector_load %arg22[%get3A_2944] {strides = array<i32>} : memref<512xf32, #tpu.memory_space<vmem>>, vector<16xf32>,
    %get3A_2946 = vector.shape_cast %get3A_2945 : vector<16xf32> to vector<16xf32>
    %get3A_2947 = arith.constant 336 : index
    %get3A_2948 = tpu.vector_load %arg23[%get3A_2947] {strides = array<i32>} : memref<512xf32, #tpu.memory_space<vmem>>, vector<16xf32>,
    %get3A_2949 = vector.shape_cast %get3A_2948 : vector<16xf32> to vector<16xf32>
    %mul3A_2950 = arith.constant 2.000000e+00 : f32
    %mul3A_2951 = vector.broadcast %mul3A_2950 : f32 to vector<16xf32>
    %mul3A_2952 = arith.mulf %get3A_2949, %mul3A_2951 : vector<16xf32>
    %exp3A_2953 = math.exp %mul3A_2952 : vector<16xf32>
    %add3A_2954 = arith.constant 1.000000e+00 : f32
    %add3A_2955 = vector.broadcast %add3A_2954 : f32 to vector<16xf32>
    %add3A_2956 = arith.addf %exp3A_2953, %add3A_2955 : vector<16xf32>
    %div3A_2957 = arith.constant 2.000000e+00 : f32
    %div3A_2958 = vector.broadcast %div3A_2957 : f32 to vector<16xf32>
    %div3A_2959 = arith.divf %div3A_2958, %add3A_2956 : vector<16xf32>
    %sub3A_2960 = arith.constant 1.000000e+00 : f32
    %sub3A_2961 = vector.broadcast %sub3A_2960 : f32 to vector<16xf32>
    %sub3A_2962 = arith.subf %sub3A_2961, %div3A_2959 : vector<16xf32>
    %add3A_2963 = arith.addf %get3A_2928, %min3A_2937 : vector<16xf32>
    %mul3A_2964 = arith.mulf %get3A_2940, %get3A_2946 : vector<16xf32>
    %mul3A_2965 = arith.mulf %get3A_2943, %sub3A_2962 : vector<16xf32>
    %add3A_2966 = arith.addf %mul3A_2964, %mul3A_2965 : vector<16xf32>
    %mul3A_2967 = arith.mulf %add3A_2963, %add3A_2966 : vector<16xf32>
    %swap3A_2968 = arith.constant 336 : index
    %swap3A_2969 = tpu.vector_load %arg29[%swap3A_2968] {strides = array<i32>} : memref<512xf32, #tpu.memory_space<vmem>>, vector<16xf32>,
    %swap3A_2970 = vector.shape_cast %swap3A_2969 : vector<16xf32> to vector<16xf32>
    %swap3A_2971 = vector.shape_cast %min3A_2937 : vector<16xf32> to vector<16xf32>
    tpu.vector_store %arg29[%swap3A_2968], %swap3A_2971 {strides = array<i32>} : memref<512xf32, #tpu.memory_space<vmem>>, vector<16xf32>,
    %swap3A_2972 = arith.constant 336 : index
    %swap3A_2973 = tpu.vector_load %arg30[%swap3A_2972] {strides = array<i32>} : memref<512xf32, #tpu.memory_space<vmem>>, vector<16xf32>,
    %swap3A_2974 = vector.shape_cast %swap3A_2973 : vector<16xf32> to vector<16xf32>
    %swap3A_2975 = vector.shape_cast %sub3A_2962 : vector<16xf32> to vector<16xf32>
    tpu.vector_store %arg30[%swap3A_2972], %swap3A_2975 {strides = array<i32>} : memref<512xf32, #tpu.memory_space<vmem>>, vector<16xf32>,
    %swap3A_2976 = arith.constant 336 : index
    %swap3A_2977 = tpu.vector_load %arg31[%swap3A_2976] {strides = array<i32>} : memref<512xf32, #tpu.memory_space<vmem>>, vector<16xf32>,
    %swap3A_2978 = vector.shape_cast %swap3A_2977 : vector<16xf32> to vector<16xf32>
    %swap3A_2979 = vector.shape_cast %add3A_2963 : vector<16xf32> to vector<16xf32>
    tpu.vector_store %arg31[%swap3A_2976], %swap3A_2979 {strides = array<i32>} : memref<512xf32, #tpu.memory_space<vmem>>, vector<16xf32>,
    %swap3A_2980 = arith.constant 336 : index
    %swap3A_2981 = tpu.vector_load %arg32[%swap3A_2980] {strides = array<i32>} : memref<512xf32, #tpu.memory_space<vmem>>, vector<16xf32>,
    %swap3A_2982 = vector.shape_cast %swap3A_2981 : vector<16xf32> to vector<16xf32>
    %swap3A_2983 = vector.shape_cast %add3A_2966 : vector<16xf32> to vector<16xf32>
    tpu.vector_store %arg32[%swap3A_2980], %swap3A_2983 {strides = array<i32>} : memref<512xf32, #tpu.memory_space<vmem>>, vector<16xf32>,
    %swap3A_2984 = arith.constant 336 : index
    %swap3A_2985 = tpu.vector_load %arg33[%swap3A_2984] {strides = array<i32>} : memref<512xf32, #tpu.memory_space<vmem>>, vector<16xf32>,
    %swap3A_2986 = vector.shape_cast %swap3A_2985 : vector<16xf32> to vector<16xf32>
    %swap3A_2987 = vector.shape_cast %mul3A_2967 : vector<16xf32> to vector<16xf32>
    tpu.vector_store %arg33[%swap3A_2984], %swap3A_2987 {strides = array<i32>} : memref<512xf32, #tpu.memory_space<vmem>>, vector<16xf32>,
    %get3A_2988 = arith.constant 352 : index
    %get3A_2989 = tpu.vector_load %arg25[%get3A_2988] {strides = array<i32>} : memref<512xf32, #tpu.memory_space<vmem>>, vector<16xf32>,
    %get3A_2990 = vector.shape_cast %get3A_2989 : vector<16xf32> to vector<16xf32>
    %get3A_2991 = arith.constant 352 : index
    %get3A_2992 = tpu.vector_load %arg26[%get3A_2991] {strides = array<i32>} : memref<512xf32, #tpu.memory_space<vmem>>, vector<16xf32>,
    %get3A_2993 = vector.shape_cast %get3A_2992 : vector<16xf32> to vector<16xf32>
    %max3A_2994 = arith.constant -2.000000e+00 : f32
    %max3A_2995 = vector.broadcast %max3A_2994 : f32 to vector<16xf32>
    %max3A_2996 = arith.maximumf %get3A_2993, %max3A_2995 : vector<16xf32>
    %min3A_2997 = arith.constant 2.000000e+00 : f32
    %min3A_2998 = vector.broadcast %min3A_2997 : f32 to vector<16xf32>
    %min3A_2999 = arith.minimumf %max3A_2996, %min3A_2998 : vector<16xf32>
    %get3A_3000 = arith.constant 352 : index
    %get3A_3001 = tpu.vector_load %arg27[%get3A_3000] {strides = array<i32>} : memref<512xf32, #tpu.memory_space<vmem>>, vector<16xf32>,
    %get3A_3002 = vector.shape_cast %get3A_3001 : vector<16xf32> to vector<16xf32>
    %get3A_3003 = arith.constant 352 : index
    %get3A_3004 = tpu.vector_load %arg28[%get3A_3003] {strides = array<i32>} : memref<512xf32, #tpu.memory_space<vmem>>, vector<16xf32>,
    %get3A_3005 = vector.shape_cast %get3A_3004 : vector<16xf32> to vector<16xf32>
    %get3A_3006 = arith.constant 352 : index
    %get3A_3007 = tpu.vector_load %arg22[%get3A_3006] {strides = array<i32>} : memref<512xf32, #tpu.memory_space<vmem>>, vector<16xf32>,
    %get3A_3008 = vector.shape_cast %get3A_3007 : vector<16xf32> to vector<16xf32>
    %get3A_3009 = arith.constant 352 : index
    %get3A_3010 = tpu.vector_load %arg23[%get3A_3009] {strides = array<i32>} : memref<512xf32, #tpu.memory_space<vmem>>, vector<16xf32>,
    %get3A_3011 = vector.shape_cast %get3A_3010 : vector<16xf32> to vector<16xf32>
    %mul3A_3012 = arith.constant 2.000000e+00 : f32
    %mul3A_3013 = vector.broadcast %mul3A_3012 : f32 to vector<16xf32>
    %mul3A_3014 = arith.mulf %get3A_3011, %mul3A_3013 : vector<16xf32>
    %exp3A_3015 = math.exp %mul3A_3014 : vector<16xf32>
    %add3A_3016 = arith.constant 1.000000e+00 : f32
    %add3A_3017 = vector.broadcast %add3A_3016 : f32 to vector<16xf32>
    %add3A_3018 = arith.addf %exp3A_3015, %add3A_3017 : vector<16xf32>
    %div3A_3019 = arith.constant 2.000000e+00 : f32
    %div3A_3020 = vector.broadcast %div3A_3019 : f32 to vector<16xf32>
    %div3A_3021 = arith.divf %div3A_3020, %add3A_3018 : vector<16xf32>
    %sub3A_3022 = arith.constant 1.000000e+00 : f32
    %sub3A_3023 = vector.broadcast %sub3A_3022 : f32 to vector<16xf32>
    %sub3A_3024 = arith.subf %sub3A_3023, %div3A_3021 : vector<16xf32>
    %add3A_3025 = arith.addf %get3A_2990, %min3A_2999 : vector<16xf32>
    %mul3A_3026 = arith.mulf %get3A_3002, %get3A_3008 : vector<16xf32>
    %mul3A_3027 = arith.mulf %get3A_3005, %sub3A_3024 : vector<16xf32>
    %add3A_3028 = arith.addf %mul3A_3026, %mul3A_3027 : vector<16xf32>
    %mul3A_3029 = arith.mulf %add3A_3025, %add3A_3028 : vector<16xf32>
    %swap3A_3030 = arith.constant 352 : index
    %swap3A_3031 = tpu.vector_load %arg29[%swap3A_3030] {strides = array<i32>} : memref<512xf32, #tpu.memory_space<vmem>>, vector<16xf32>,
    %swap3A_3032 = vector.shape_cast %swap3A_3031 : vector<16xf32> to vector<16xf32>
    %swap3A_3033 = vector.shape_cast %min3A_2999 : vector<16xf32> to vector<16xf32>
    tpu.vector_store %arg29[%swap3A_3030], %swap3A_3033 {strides = array<i32>} : memref<512xf32, #tpu.memory_space<vmem>>, vector<16xf32>,
    %swap3A_3034 = arith.constant 352 : index
    %swap3A_3035 = tpu.vector_load %arg30[%swap3A_3034] {strides = array<i32>} : memref<512xf32, #tpu.memory_space<vmem>>, vector<16xf32>,
    %swap3A_3036 = vector.shape_cast %swap3A_3035 : vector<16xf32> to vector<16xf32>
    %swap3A_3037 = vector.shape_cast %sub3A_3024 : vector<16xf32> to vector<16xf32>
    tpu.vector_store %arg30[%swap3A_3034], %swap3A_3037 {strides = array<i32>} : memref<512xf32, #tpu.memory_space<vmem>>, vector<16xf32>,
    %swap3A_3038 = arith.constant 352 : index
    %swap3A_3039 = tpu.vector_load %arg31[%swap3A_3038] {strides = array<i32>} : memref<512xf32, #tpu.memory_space<vmem>>, vector<16xf32>,
    %swap3A_3040 = vector.shape_cast %swap3A_3039 : vector<16xf32> to vector<16xf32>
    %swap3A_3041 = vector.shape_cast %add3A_3025 : vector<16xf32> to vector<16xf32>
    tpu.vector_store %arg31[%swap3A_3038], %swap3A_3041 {strides = array<i32>} : memref<512xf32, #tpu.memory_space<vmem>>, vector<16xf32>,
    %swap3A_3042 = arith.constant 352 : index
    %swap3A_3043 = tpu.vector_load %arg32[%swap3A_3042] {strides = array<i32>} : memref<512xf32, #tpu.memory_space<vmem>>, vector<16xf32>,
    %swap3A_3044 = vector.shape_cast %swap3A_3043 : vector<16xf32> to vector<16xf32>
    %swap3A_3045 = vector.shape_cast %add3A_3028 : vector<16xf32> to vector<16xf32>
    tpu.vector_store %arg32[%swap3A_3042], %swap3A_3045 {strides = array<i32>} : memref<512xf32, #tpu.memory_space<vmem>>, vector<16xf32>,
    %swap3A_3046 = arith.constant 352 : index
    %swap3A_3047 = tpu.vector_load %arg33[%swap3A_3046] {strides = array<i32>} : memref<512xf32, #tpu.memory_space<vmem>>, vector<16xf32>,
    %swap3A_3048 = vector.shape_cast %swap3A_3047 : vector<16xf32> to vector<16xf32>
    %swap3A_3049 = vector.shape_cast %mul3A_3029 : vector<16xf32> to vector<16xf32>
    tpu.vector_store %arg33[%swap3A_3046], %swap3A_3049 {strides = array<i32>} : memref<512xf32, #tpu.memory_space<vmem>>, vector<16xf32>,
    %get3A_3050 = arith.constant 368 : index
    %get3A_3051 = tpu.vector_load %arg25[%get3A_3050] {strides = array<i32>} : memref<512xf32, #tpu.memory_space<vmem>>, vector<16xf32>,
    %get3A_3052 = vector.shape_cast %get3A_3051 : vector<16xf32> to vector<16xf32>
    %get3A_3053 = arith.constant 368 : index
    %get3A_3054 = tpu.vector_load %arg26[%get3A_3053] {strides = array<i32>} : memref<512xf32, #tpu.memory_space<vmem>>, vector<16xf32>,
    %get3A_3055 = vector.shape_cast %get3A_3054 : vector<16xf32> to vector<16xf32>
    %max3A_3056 = arith.constant -2.000000e+00 : f32
    %max3A_3057 = vector.broadcast %max3A_3056 : f32 to vector<16xf32>
    %max3A_3058 = arith.maximumf %get3A_3055, %max3A_3057 : vector<16xf32>
    %min3A_3059 = arith.constant 2.000000e+00 : f32
    %min3A_3060 = vector.broadcast %min3A_3059 : f32 to vector<16xf32>
    %min3A_3061 = arith.minimumf %max3A_3058, %min3A_3060 : vector<16xf32>
    %get3A_3062 = arith.constant 368 : index
    %get3A_3063 = tpu.vector_load %arg27[%get3A_3062] {strides = array<i32>} : memref<512xf32, #tpu.memory_space<vmem>>, vector<16xf32>,
    %get3A_3064 = vector.shape_cast %get3A_3063 : vector<16xf32> to vector<16xf32>
    %get3A_3065 = arith.constant 368 : index
    %get3A_3066 = tpu.vector_load %arg28[%get3A_3065] {strides = array<i32>} : memref<512xf32, #tpu.memory_space<vmem>>, vector<16xf32>,
    %get3A_3067 = vector.shape_cast %get3A_3066 : vector<16xf32> to vector<16xf32>
    %get3A_3068 = arith.constant 368 : index
    %get3A_3069 = tpu.vector_load %arg22[%get3A_3068] {strides = array<i32>} : memref<512xf32, #tpu.memory_space<vmem>>, vector<16xf32>,
    %get3A_3070 = vector.shape_cast %get3A_3069 : vector<16xf32> to vector<16xf32>
    %get3A_3071 = arith.constant 368 : index
    %get3A_3072 = tpu.vector_load %arg23[%get3A_3071] {strides = array<i32>} : memref<512xf32, #tpu.memory_space<vmem>>, vector<16xf32>,
    %get3A_3073 = vector.shape_cast %get3A_3072 : vector<16xf32> to vector<16xf32>
    %mul3A_3074 = arith.constant 2.000000e+00 : f32
    %mul3A_3075 = vector.broadcast %mul3A_3074 : f32 to vector<16xf32>
    %mul3A_3076 = arith.mulf %get3A_3073, %mul3A_3075 : vector<16xf32>
    %exp3A_3077 = math.exp %mul3A_3076 : vector<16xf32>
    %add3A_3078 = arith.constant 1.000000e+00 : f32
    %add3A_3079 = vector.broadcast %add3A_3078 : f32 to vector<16xf32>
    %add3A_3080 = arith.addf %exp3A_3077, %add3A_3079 : vector<16xf32>
    %div3A_3081 = arith.constant 2.000000e+00 : f32
    %div3A_3082 = vector.broadcast %div3A_3081 : f32 to vector<16xf32>
    %div3A_3083 = arith.divf %div3A_3082, %add3A_3080 : vector<16xf32>
    %sub3A_3084 = arith.constant 1.000000e+00 : f32
    %sub3A_3085 = vector.broadcast %sub3A_3084 : f32 to vector<16xf32>
    %sub3A_3086 = arith.subf %sub3A_3085, %div3A_3083 : vector<16xf32>
    %add3A_3087 = arith.addf %get3A_3052, %min3A_3061 : vector<16xf32>
    %mul3A_3088 = arith.mulf %get3A_3064, %get3A_3070 : vector<16xf32>
    %mul3A_3089 = arith.mulf %get3A_3067, %sub3A_3086 : vector<16xf32>
    %add3A_3090 = arith.addf %mul3A_3088, %mul3A_3089 : vector<16xf32>
    %mul3A_3091 = arith.mulf %add3A_3087, %add3A_3090 : vector<16xf32>
    %swap3A_3092 = arith.constant 368 : index
    %swap3A_3093 = tpu.vector_load %arg29[%swap3A_3092] {strides = array<i32>} : memref<512xf32, #tpu.memory_space<vmem>>, vector<16xf32>,
    %swap3A_3094 = vector.shape_cast %swap3A_3093 : vector<16xf32> to vector<16xf32>
    %swap3A_3095 = vector.shape_cast %min3A_3061 : vector<16xf32> to vector<16xf32>
    tpu.vector_store %arg29[%swap3A_3092], %swap3A_3095 {strides = array<i32>} : memref<512xf32, #tpu.memory_space<vmem>>, vector<16xf32>,
    %swap3A_3096 = arith.constant 368 : index
    %swap3A_3097 = tpu.vector_load %arg30[%swap3A_3096] {strides = array<i32>} : memref<512xf32, #tpu.memory_space<vmem>>, vector<16xf32>,
    %swap3A_3098 = vector.shape_cast %swap3A_3097 : vector<16xf32> to vector<16xf32>
    %swap3A_3099 = vector.shape_cast %sub3A_3086 : vector<16xf32> to vector<16xf32>
    tpu.vector_store %arg30[%swap3A_3096], %swap3A_3099 {strides = array<i32>} : memref<512xf32, #tpu.memory_space<vmem>>, vector<16xf32>,
    %swap3A_3100 = arith.constant 368 : index
    %swap3A_3101 = tpu.vector_load %arg31[%swap3A_3100] {strides = array<i32>} : memref<512xf32, #tpu.memory_space<vmem>>, vector<16xf32>,
    %swap3A_3102 = vector.shape_cast %swap3A_3101 : vector<16xf32> to vector<16xf32>
    %swap3A_3103 = vector.shape_cast %add3A_3087 : vector<16xf32> to vector<16xf32>
    tpu.vector_store %arg31[%swap3A_3100], %swap3A_3103 {strides = array<i32>} : memref<512xf32, #tpu.memory_space<vmem>>, vector<16xf32>,
    %swap3A_3104 = arith.constant 368 : index
    %swap3A_3105 = tpu.vector_load %arg32[%swap3A_3104] {strides = array<i32>} : memref<512xf32, #tpu.memory_space<vmem>>, vector<16xf32>,
    %swap3A_3106 = vector.shape_cast %swap3A_3105 : vector<16xf32> to vector<16xf32>
    %swap3A_3107 = vector.shape_cast %add3A_3090 : vector<16xf32> to vector<16xf32>
    tpu.vector_store %arg32[%swap3A_3104], %swap3A_3107 {strides = array<i32>} : memref<512xf32, #tpu.memory_space<vmem>>, vector<16xf32>,
    %swap3A_3108 = arith.constant 368 : index
    %swap3A_3109 = tpu.vector_load %arg33[%swap3A_3108] {strides = array<i32>} : memref<512xf32, #tpu.memory_space<vmem>>, vector<16xf32>,
    %swap3A_3110 = vector.shape_cast %swap3A_3109 : vector<16xf32> to vector<16xf32>
    %swap3A_3111 = vector.shape_cast %mul3A_3091 : vector<16xf32> to vector<16xf32>
    tpu.vector_store %arg33[%swap3A_3108], %swap3A_3111 {strides = array<i32>} : memref<512xf32, #tpu.memory_space<vmem>>, vector<16xf32>,
    %get3A_3112 = arith.constant 384 : index
    %get3A_3113 = tpu.vector_load %arg25[%get3A_3112] {strides = array<i32>} : memref<512xf32, #tpu.memory_space<vmem>>, vector<16xf32>,
    %get3A_3114 = vector.shape_cast %get3A_3113 : vector<16xf32> to vector<16xf32>
    %get3A_3115 = arith.constant 384 : index
    %get3A_3116 = tpu.vector_load %arg26[%get3A_3115] {strides = array<i32>} : memref<512xf32, #tpu.memory_space<vmem>>, vector<16xf32>,
    %get3A_3117 = vector.shape_cast %get3A_3116 : vector<16xf32> to vector<16xf32>
    %max3A_3118 = arith.constant -2.000000e+00 : f32
    %max3A_3119 = vector.broadcast %max3A_3118 : f32 to vector<16xf32>
    %max3A_3120 = arith.maximumf %get3A_3117, %max3A_3119 : vector<16xf32>
    %min3A_3121 = arith.constant 2.000000e+00 : f32
    %min3A_3122 = vector.broadcast %min3A_3121 : f32 to vector<16xf32>
    %min3A_3123 = arith.minimumf %max3A_3120, %min3A_3122 : vector<16xf32>
    %get3A_3124 = arith.constant 384 : index
    %get3A_3125 = tpu.vector_load %arg27[%get3A_3124] {strides = array<i32>} : memref<512xf32, #tpu.memory_space<vmem>>, vector<16xf32>,
    %get3A_3126 = vector.shape_cast %get3A_3125 : vector<16xf32> to vector<16xf32>
    %get3A_3127 = arith.constant 384 : index
    %get3A_3128 = tpu.vector_load %arg28[%get3A_3127] {strides = array<i32>} : memref<512xf32, #tpu.memory_space<vmem>>, vector<16xf32>,
    %get3A_3129 = vector.shape_cast %get3A_3128 : vector<16xf32> to vector<16xf32>
    %get3A_3130 = arith.constant 384 : index
    %get3A_3131 = tpu.vector_load %arg22[%get3A_3130] {strides = array<i32>} : memref<512xf32, #tpu.memory_space<vmem>>, vector<16xf32>,
    %get3A_3132 = vector.shape_cast %get3A_3131 : vector<16xf32> to vector<16xf32>
    %get3A_3133 = arith.constant 384 : index
    %get3A_3134 = tpu.vector_load %arg23[%get3A_3133] {strides = array<i32>} : memref<512xf32, #tpu.memory_space<vmem>>, vector<16xf32>,
    %get3A_3135 = vector.shape_cast %get3A_3134 : vector<16xf32> to vector<16xf32>
    %mul3A_3136 = arith.constant 2.000000e+00 : f32
    %mul3A_3137 = vector.broadcast %mul3A_3136 : f32 to vector<16xf32>
    %mul3A_3138 = arith.mulf %get3A_3135, %mul3A_3137 : vector<16xf32>
    %exp3A_3139 = math.exp %mul3A_3138 : vector<16xf32>
    %add3A_3140 = arith.constant 1.000000e+00 : f32
    %add3A_3141 = vector.broadcast %add3A_3140 : f32 to vector<16xf32>
    %add3A_3142 = arith.addf %exp3A_3139, %add3A_3141 : vector<16xf32>
    %div3A_3143 = arith.constant 2.000000e+00 : f32
    %div3A_3144 = vector.broadcast %div3A_3143 : f32 to vector<16xf32>
    %div3A_3145 = arith.divf %div3A_3144, %add3A_3142 : vector<16xf32>
    %sub3A_3146 = arith.constant 1.000000e+00 : f32
    %sub3A_3147 = vector.broadcast %sub3A_3146 : f32 to vector<16xf32>
    %sub3A_3148 = arith.subf %sub3A_3147, %div3A_3145 : vector<16xf32>
    %add3A_3149 = arith.addf %get3A_3114, %min3A_3123 : vector<16xf32>
    %mul3A_3150 = arith.mulf %get3A_3126, %get3A_3132 : vector<16xf32>
    %mul3A_3151 = arith.mulf %get3A_3129, %sub3A_3148 : vector<16xf32>
    %add3A_3152 = arith.addf %mul3A_3150, %mul3A_3151 : vector<16xf32>
    %mul3A_3153 = arith.mulf %add3A_3149, %add3A_3152 : vector<16xf32>
    %swap3A_3154 = arith.constant 384 : index
    %swap3A_3155 = tpu.vector_load %arg29[%swap3A_3154] {strides = array<i32>} : memref<512xf32, #tpu.memory_space<vmem>>, vector<16xf32>,
    %swap3A_3156 = vector.shape_cast %swap3A_3155 : vector<16xf32> to vector<16xf32>
    %swap3A_3157 = vector.shape_cast %min3A_3123 : vector<16xf32> to vector<16xf32>
    tpu.vector_store %arg29[%swap3A_3154], %swap3A_3157 {strides = array<i32>} : memref<512xf32, #tpu.memory_space<vmem>>, vector<16xf32>,
    %swap3A_3158 = arith.constant 384 : index
    %swap3A_3159 = tpu.vector_load %arg30[%swap3A_3158] {strides = array<i32>} : memref<512xf32, #tpu.memory_space<vmem>>, vector<16xf32>,
    %swap3A_3160 = vector.shape_cast %swap3A_3159 : vector<16xf32> to vector<16xf32>
    %swap3A_3161 = vector.shape_cast %sub3A_3148 : vector<16xf32> to vector<16xf32>
    tpu.vector_store %arg30[%swap3A_3158], %swap3A_3161 {strides = array<i32>} : memref<512xf32, #tpu.memory_space<vmem>>, vector<16xf32>,
    %swap3A_3162 = arith.constant 384 : index
    %swap3A_3163 = tpu.vector_load %arg31[%swap3A_3162] {strides = array<i32>} : memref<512xf32, #tpu.memory_space<vmem>>, vector<16xf32>,
    %swap3A_3164 = vector.shape_cast %swap3A_3163 : vector<16xf32> to vector<16xf32>
    %swap3A_3165 = vector.shape_cast %add3A_3149 : vector<16xf32> to vector<16xf32>
    tpu.vector_store %arg31[%swap3A_3162], %swap3A_3165 {strides = array<i32>} : memref<512xf32, #tpu.memory_space<vmem>>, vector<16xf32>,
    %swap3A_3166 = arith.constant 384 : index
    %swap3A_3167 = tpu.vector_load %arg32[%swap3A_3166] {strides = array<i32>} : memref<512xf32, #tpu.memory_space<vmem>>, vector<16xf32>,
    %swap3A_3168 = vector.shape_cast %swap3A_3167 : vector<16xf32> to vector<16xf32>
    %swap3A_3169 = vector.shape_cast %add3A_3152 : vector<16xf32> to vector<16xf32>
    tpu.vector_store %arg32[%swap3A_3166], %swap3A_3169 {strides = array<i32>} : memref<512xf32, #tpu.memory_space<vmem>>, vector<16xf32>,
    %swap3A_3170 = arith.constant 384 : index
    %swap3A_3171 = tpu.vector_load %arg33[%swap3A_3170] {strides = array<i32>} : memref<512xf32, #tpu.memory_space<vmem>>, vector<16xf32>,
    %swap3A_3172 = vector.shape_cast %swap3A_3171 : vector<16xf32> to vector<16xf32>
    %swap3A_3173 = vector.shape_cast %mul3A_3153 : vector<16xf32> to vector<16xf32>
    tpu.vector_store %arg33[%swap3A_3170], %swap3A_3173 {strides = array<i32>} : memref<512xf32, #tpu.memory_space<vmem>>, vector<16xf32>,
    %get3A_3174 = arith.constant 400 : index
    %get3A_3175 = tpu.vector_load %arg25[%get3A_3174] {strides = array<i32>} : memref<512xf32, #tpu.memory_space<vmem>>, vector<16xf32>,
    %get3A_3176 = vector.shape_cast %get3A_3175 : vector<16xf32> to vector<16xf32>
    %get3A_3177 = arith.constant 400 : index
    %get3A_3178 = tpu.vector_load %arg26[%get3A_3177] {strides = array<i32>} : memref<512xf32, #tpu.memory_space<vmem>>, vector<16xf32>,
    %get3A_3179 = vector.shape_cast %get3A_3178 : vector<16xf32> to vector<16xf32>
    %max3A_3180 = arith.constant -2.000000e+00 : f32
    %max3A_3181 = vector.broadcast %max3A_3180 : f32 to vector<16xf32>
    %max3A_3182 = arith.maximumf %get3A_3179, %max3A_3181 : vector<16xf32>
    %min3A_3183 = arith.constant 2.000000e+00 : f32
    %min3A_3184 = vector.broadcast %min3A_3183 : f32 to vector<16xf32>
    %min3A_3185 = arith.minimumf %max3A_3182, %min3A_3184 : vector<16xf32>
    %get3A_3186 = arith.constant 400 : index
    %get3A_3187 = tpu.vector_load %arg27[%get3A_3186] {strides = array<i32>} : memref<512xf32, #tpu.memory_space<vmem>>, vector<16xf32>,
    %get3A_3188 = vector.shape_cast %get3A_3187 : vector<16xf32> to vector<16xf32>
    %get3A_3189 = arith.constant 400 : index
    %get3A_3190 = tpu.vector_load %arg28[%get3A_3189] {strides = array<i32>} : memref<512xf32, #tpu.memory_space<vmem>>, vector<16xf32>,
    %get3A_3191 = vector.shape_cast %get3A_3190 : vector<16xf32> to vector<16xf32>
    %get3A_3192 = arith.constant 400 : index
    %get3A_3193 = tpu.vector_load %arg22[%get3A_3192] {strides = array<i32>} : memref<512xf32, #tpu.memory_space<vmem>>, vector<16xf32>,
    %get3A_3194 = vector.shape_cast %get3A_3193 : vector<16xf32> to vector<16xf32>
    %get3A_3195 = arith.constant 400 : index
    %get3A_3196 = tpu.vector_load %arg23[%get3A_3195] {strides = array<i32>} : memref<512xf32, #tpu.memory_space<vmem>>, vector<16xf32>,
    %get3A_3197 = vector.shape_cast %get3A_3196 : vector<16xf32> to vector<16xf32>
    %mul3A_3198 = arith.constant 2.000000e+00 : f32
    %mul3A_3199 = vector.broadcast %mul3A_3198 : f32 to vector<16xf32>
    %mul3A_3200 = arith.mulf %get3A_3197, %mul3A_3199 : vector<16xf32>
    %exp3A_3201 = math.exp %mul3A_3200 : vector<16xf32>
    %add3A_3202 = arith.constant 1.000000e+00 : f32
    %add3A_3203 = vector.broadcast %add3A_3202 : f32 to vector<16xf32>
    %add3A_3204 = arith.addf %exp3A_3201, %add3A_3203 : vector<16xf32>
    %div3A_3205 = arith.constant 2.000000e+00 : f32
    %div3A_3206 = vector.broadcast %div3A_3205 : f32 to vector<16xf32>
    %div3A_3207 = arith.divf %div3A_3206, %add3A_3204 : vector<16xf32>
    %sub3A_3208 = arith.constant 1.000000e+00 : f32
    %sub3A_3209 = vector.broadcast %sub3A_3208 : f32 to vector<16xf32>
    %sub3A_3210 = arith.subf %sub3A_3209, %div3A_3207 : vector<16xf32>
    %add3A_3211 = arith.addf %get3A_3176, %min3A_3185 : vector<16xf32>
    %mul3A_3212 = arith.mulf %get3A_3188, %get3A_3194 : vector<16xf32>
    %mul3A_3213 = arith.mulf %get3A_3191, %sub3A_3210 : vector<16xf32>
    %add3A_3214 = arith.addf %mul3A_3212, %mul3A_3213 : vector<16xf32>
    %mul3A_3215 = arith.mulf %add3A_3211, %add3A_3214 : vector<16xf32>
    %swap3A_3216 = arith.constant 400 : index
    %swap3A_3217 = tpu.vector_load %arg29[%swap3A_3216] {strides = array<i32>} : memref<512xf32, #tpu.memory_space<vmem>>, vector<16xf32>,
    %swap3A_3218 = vector.shape_cast %swap3A_3217 : vector<16xf32> to vector<16xf32>
    %swap3A_3219 = vector.shape_cast %min3A_3185 : vector<16xf32> to vector<16xf32>
    tpu.vector_store %arg29[%swap3A_3216], %swap3A_3219 {strides = array<i32>} : memref<512xf32, #tpu.memory_space<vmem>>, vector<16xf32>,
    %swap3A_3220 = arith.constant 400 : index
    %swap3A_3221 = tpu.vector_load %arg30[%swap3A_3220] {strides = array<i32>} : memref<512xf32, #tpu.memory_space<vmem>>, vector<16xf32>,
    %swap3A_3222 = vector.shape_cast %swap3A_3221 : vector<16xf32> to vector<16xf32>
    %swap3A_3223 = vector.shape_cast %sub3A_3210 : vector<16xf32> to vector<16xf32>
    tpu.vector_store %arg30[%swap3A_3220], %swap3A_3223 {strides = array<i32>} : memref<512xf32, #tpu.memory_space<vmem>>, vector<16xf32>,
    %swap3A_3224 = arith.constant 400 : index
    %swap3A_3225 = tpu.vector_load %arg31[%swap3A_3224] {strides = array<i32>} : memref<512xf32, #tpu.memory_space<vmem>>, vector<16xf32>,
    %swap3A_3226 = vector.shape_cast %swap3A_3225 : vector<16xf32> to vector<16xf32>
    %swap3A_3227 = vector.shape_cast %add3A_3211 : vector<16xf32> to vector<16xf32>
    tpu.vector_store %arg31[%swap3A_3224], %swap3A_3227 {strides = array<i32>} : memref<512xf32, #tpu.memory_space<vmem>>, vector<16xf32>,
    %swap3A_3228 = arith.constant 400 : index
    %swap3A_3229 = tpu.vector_load %arg32[%swap3A_3228] {strides = array<i32>} : memref<512xf32, #tpu.memory_space<vmem>>, vector<16xf32>,
    %swap3A_3230 = vector.shape_cast %swap3A_3229 : vector<16xf32> to vector<16xf32>
    %swap3A_3231 = vector.shape_cast %add3A_3214 : vector<16xf32> to vector<16xf32>
    tpu.vector_store %arg32[%swap3A_3228], %swap3A_3231 {strides = array<i32>} : memref<512xf32, #tpu.memory_space<vmem>>, vector<16xf32>,
    %swap3A_3232 = arith.constant 400 : index
    %swap3A_3233 = tpu.vector_load %arg33[%swap3A_3232] {strides = array<i32>} : memref<512xf32, #tpu.memory_space<vmem>>, vector<16xf32>,
    %swap3A_3234 = vector.shape_cast %swap3A_3233 : vector<16xf32> to vector<16xf32>
    %swap3A_3235 = vector.shape_cast %mul3A_3215 : vector<16xf32> to vector<16xf32>
    tpu.vector_store %arg33[%swap3A_3232], %swap3A_3235 {strides = array<i32>} : memref<512xf32, #tpu.memory_space<vmem>>, vector<16xf32>,
    %get3A_3236 = arith.constant 416 : index
    %get3A_3237 = tpu.vector_load %arg25[%get3A_3236] {strides = array<i32>} : memref<512xf32, #tpu.memory_space<vmem>>, vector<16xf32>,
    %get3A_3238 = vector.shape_cast %get3A_3237 : vector<16xf32> to vector<16xf32>
    %get3A_3239 = arith.constant 416 : index
    %get3A_3240 = tpu.vector_load %arg26[%get3A_3239] {strides = array<i32>} : memref<512xf32, #tpu.memory_space<vmem>>, vector<16xf32>,
    %get3A_3241 = vector.shape_cast %get3A_3240 : vector<16xf32> to vector<16xf32>
    %max3A_3242 = arith.constant -2.000000e+00 : f32
    %max3A_3243 = vector.broadcast %max3A_3242 : f32 to vector<16xf32>
    %max3A_3244 = arith.maximumf %get3A_3241, %max3A_3243 : vector<16xf32>
    %min3A_3245 = arith.constant 2.000000e+00 : f32
    %min3A_3246 = vector.broadcast %min3A_3245 : f32 to vector<16xf32>
    %min3A_3247 = arith.minimumf %max3A_3244, %min3A_3246 : vector<16xf32>
    %get3A_3248 = arith.constant 416 : index
    %get3A_3249 = tpu.vector_load %arg27[%get3A_3248] {strides = array<i32>} : memref<512xf32, #tpu.memory_space<vmem>>, vector<16xf32>,
    %get3A_3250 = vector.shape_cast %get3A_3249 : vector<16xf32> to vector<16xf32>
    %get3A_3251 = arith.constant 416 : index
    %get3A_3252 = tpu.vector_load %arg28[%get3A_3251] {strides = array<i32>} : memref<512xf32, #tpu.memory_space<vmem>>, vector<16xf32>,
    %get3A_3253 = vector.shape_cast %get3A_3252 : vector<16xf32> to vector<16xf32>
    %get3A_3254 = arith.constant 416 : index
    %get3A_3255 = tpu.vector_load %arg22[%get3A_3254] {strides = array<i32>} : memref<512xf32, #tpu.memory_space<vmem>>, vector<16xf32>,
    %get3A_3256 = vector.shape_cast %get3A_3255 : vector<16xf32> to vector<16xf32>
    %get3A_3257 = arith.constant 416 : index
    %get3A_3258 = tpu.vector_load %arg23[%get3A_3257] {strides = array<i32>} : memref<512xf32, #tpu.memory_space<vmem>>, vector<16xf32>,
    %get3A_3259 = vector.shape_cast %get3A_3258 : vector<16xf32> to vector<16xf32>
    %mul3A_3260 = arith.constant 2.000000e+00 : f32
    %mul3A_3261 = vector.broadcast %mul3A_3260 : f32 to vector<16xf32>
    %mul3A_3262 = arith.mulf %get3A_3259, %mul3A_3261 : vector<16xf32>
    %exp3A_3263 = math.exp %mul3A_3262 : vector<16xf32>
    %add3A_3264 = arith.constant 1.000000e+00 : f32
    %add3A_3265 = vector.broadcast %add3A_3264 : f32 to vector<16xf32>
    %add3A_3266 = arith.addf %exp3A_3263, %add3A_3265 : vector<16xf32>
    %div3A_3267 = arith.constant 2.000000e+00 : f32
    %div3A_3268 = vector.broadcast %div3A_3267 : f32 to vector<16xf32>
    %div3A_3269 = arith.divf %div3A_3268, %add3A_3266 : vector<16xf32>
    %sub3A_3270 = arith.constant 1.000000e+00 : f32
    %sub3A_3271 = vector.broadcast %sub3A_3270 : f32 to vector<16xf32>
    %sub3A_3272 = arith.subf %sub3A_3271, %div3A_3269 : vector<16xf32>
    %add3A_3273 = arith.addf %get3A_3238, %min3A_3247 : vector<16xf32>
    %mul3A_3274 = arith.mulf %get3A_3250, %get3A_3256 : vector<16xf32>
    %mul3A_3275 = arith.mulf %get3A_3253, %sub3A_3272 : vector<16xf32>
    %add3A_3276 = arith.addf %mul3A_3274, %mul3A_3275 : vector<16xf32>
    %mul3A_3277 = arith.mulf %add3A_3273, %add3A_3276 : vector<16xf32>
    %swap3A_3278 = arith.constant 416 : index
    %swap3A_3279 = tpu.vector_load %arg29[%swap3A_3278] {strides = array<i32>} : memref<512xf32, #tpu.memory_space<vmem>>, vector<16xf32>,
    %swap3A_3280 = vector.shape_cast %swap3A_3279 : vector<16xf32> to vector<16xf32>
    %swap3A_3281 = vector.shape_cast %min3A_3247 : vector<16xf32> to vector<16xf32>
    tpu.vector_store %arg29[%swap3A_3278], %swap3A_3281 {strides = array<i32>} : memref<512xf32, #tpu.memory_space<vmem>>, vector<16xf32>,
    %swap3A_3282 = arith.constant 416 : index
    %swap3A_3283 = tpu.vector_load %arg30[%swap3A_3282] {strides = array<i32>} : memref<512xf32, #tpu.memory_space<vmem>>, vector<16xf32>,
    %swap3A_3284 = vector.shape_cast %swap3A_3283 : vector<16xf32> to vector<16xf32>
    %swap3A_3285 = vector.shape_cast %sub3A_3272 : vector<16xf32> to vector<16xf32>
    tpu.vector_store %arg30[%swap3A_3282], %swap3A_3285 {strides = array<i32>} : memref<512xf32, #tpu.memory_space<vmem>>, vector<16xf32>,
    %swap3A_3286 = arith.constant 416 : index
    %swap3A_3287 = tpu.vector_load %arg31[%swap3A_3286] {strides = array<i32>} : memref<512xf32, #tpu.memory_space<vmem>>, vector<16xf32>,
    %swap3A_3288 = vector.shape_cast %swap3A_3287 : vector<16xf32> to vector<16xf32>
    %swap3A_3289 = vector.shape_cast %add3A_3273 : vector<16xf32> to vector<16xf32>
    tpu.vector_store %arg31[%swap3A_3286], %swap3A_3289 {strides = array<i32>} : memref<512xf32, #tpu.memory_space<vmem>>, vector<16xf32>,
    %swap3A_3290 = arith.constant 416 : index
    %swap3A_3291 = tpu.vector_load %arg32[%swap3A_3290] {strides = array<i32>} : memref<512xf32, #tpu.memory_space<vmem>>, vector<16xf32>,
    %swap3A_3292 = vector.shape_cast %swap3A_3291 : vector<16xf32> to vector<16xf32>
    %swap3A_3293 = vector.shape_cast %add3A_3276 : vector<16xf32> to vector<16xf32>
    tpu.vector_store %arg32[%swap3A_3290], %swap3A_3293 {strides = array<i32>} : memref<512xf32, #tpu.memory_space<vmem>>, vector<16xf32>,
    %swap3A_3294 = arith.constant 416 : index
    %swap3A_3295 = tpu.vector_load %arg33[%swap3A_3294] {strides = array<i32>} : memref<512xf32, #tpu.memory_space<vmem>>, vector<16xf32>,
    %swap3A_3296 = vector.shape_cast %swap3A_3295 : vector<16xf32> to vector<16xf32>
    %swap3A_3297 = vector.shape_cast %mul3A_3277 : vector<16xf32> to vector<16xf32>
    tpu.vector_store %arg33[%swap3A_3294], %swap3A_3297 {strides = array<i32>} : memref<512xf32, #tpu.memory_space<vmem>>, vector<16xf32>,
    %get3A_3298 = arith.constant 432 : index
    %get3A_3299 = tpu.vector_load %arg25[%get3A_3298] {strides = array<i32>} : memref<512xf32, #tpu.memory_space<vmem>>, vector<16xf32>,
    %get3A_3300 = vector.shape_cast %get3A_3299 : vector<16xf32> to vector<16xf32>
    %get3A_3301 = arith.constant 432 : index
    %get3A_3302 = tpu.vector_load %arg26[%get3A_3301] {strides = array<i32>} : memref<512xf32, #tpu.memory_space<vmem>>, vector<16xf32>,
    %get3A_3303 = vector.shape_cast %get3A_3302 : vector<16xf32> to vector<16xf32>
    %max3A_3304 = arith.constant -2.000000e+00 : f32
    %max3A_3305 = vector.broadcast %max3A_3304 : f32 to vector<16xf32>
    %max3A_3306 = arith.maximumf %get3A_3303, %max3A_3305 : vector<16xf32>
    %min3A_3307 = arith.constant 2.000000e+00 : f32
    %min3A_3308 = vector.broadcast %min3A_3307 : f32 to vector<16xf32>
    %min3A_3309 = arith.minimumf %max3A_3306, %min3A_3308 : vector<16xf32>
    %get3A_3310 = arith.constant 432 : index
    %get3A_3311 = tpu.vector_load %arg27[%get3A_3310] {strides = array<i32>} : memref<512xf32, #tpu.memory_space<vmem>>, vector<16xf32>,
    %get3A_3312 = vector.shape_cast %get3A_3311 : vector<16xf32> to vector<16xf32>
    %get3A_3313 = arith.constant 432 : index
    %get3A_3314 = tpu.vector_load %arg28[%get3A_3313] {strides = array<i32>} : memref<512xf32, #tpu.memory_space<vmem>>, vector<16xf32>,
    %get3A_3315 = vector.shape_cast %get3A_3314 : vector<16xf32> to vector<16xf32>
    %get3A_3316 = arith.constant 432 : index
    %get3A_3317 = tpu.vector_load %arg22[%get3A_3316] {strides = array<i32>} : memref<512xf32, #tpu.memory_space<vmem>>, vector<16xf32>,
    %get3A_3318 = vector.shape_cast %get3A_3317 : vector<16xf32> to vector<16xf32>
    %get3A_3319 = arith.constant 432 : index
    %get3A_3320 = tpu.vector_load %arg23[%get3A_3319] {strides = array<i32>} : memref<512xf32, #tpu.memory_space<vmem>>, vector<16xf32>,
    %get3A_3321 = vector.shape_cast %get3A_3320 : vector<16xf32> to vector<16xf32>
    %mul3A_3322 = arith.constant 2.000000e+00 : f32
    %mul3A_3323 = vector.broadcast %mul3A_3322 : f32 to vector<16xf32>
    %mul3A_3324 = arith.mulf %get3A_3321, %mul3A_3323 : vector<16xf32>
    %exp3A_3325 = math.exp %mul3A_3324 : vector<16xf32>
    %add3A_3326 = arith.constant 1.000000e+00 : f32
    %add3A_3327 = vector.broadcast %add3A_3326 : f32 to vector<16xf32>
    %add3A_3328 = arith.addf %exp3A_3325, %add3A_3327 : vector<16xf32>
    %div3A_3329 = arith.constant 2.000000e+00 : f32
    %div3A_3330 = vector.broadcast %div3A_3329 : f32 to vector<16xf32>
    %div3A_3331 = arith.divf %div3A_3330, %add3A_3328 : vector<16xf32>
    %sub3A_3332 = arith.constant 1.000000e+00 : f32
    %sub3A_3333 = vector.broadcast %sub3A_3332 : f32 to vector<16xf32>
    %sub3A_3334 = arith.subf %sub3A_3333, %div3A_3331 : vector<16xf32>
    %add3A_3335 = arith.addf %get3A_3300, %min3A_3309 : vector<16xf32>
    %mul3A_3336 = arith.mulf %get3A_3312, %get3A_3318 : vector<16xf32>
    %mul3A_3337 = arith.mulf %get3A_3315, %sub3A_3334 : vector<16xf32>
    %add3A_3338 = arith.addf %mul3A_3336, %mul3A_3337 : vector<16xf32>
    %mul3A_3339 = arith.mulf %add3A_3335, %add3A_3338 : vector<16xf32>
    %swap3A_3340 = arith.constant 432 : index
    %swap3A_3341 = tpu.vector_load %arg29[%swap3A_3340] {strides = array<i32>} : memref<512xf32, #tpu.memory_space<vmem>>, vector<16xf32>,
    %swap3A_3342 = vector.shape_cast %swap3A_3341 : vector<16xf32> to vector<16xf32>
    %swap3A_3343 = vector.shape_cast %min3A_3309 : vector<16xf32> to vector<16xf32>
    tpu.vector_store %arg29[%swap3A_3340], %swap3A_3343 {strides = array<i32>} : memref<512xf32, #tpu.memory_space<vmem>>, vector<16xf32>,
    %swap3A_3344 = arith.constant 432 : index
    %swap3A_3345 = tpu.vector_load %arg30[%swap3A_3344] {strides = array<i32>} : memref<512xf32, #tpu.memory_space<vmem>>, vector<16xf32>,
    %swap3A_3346 = vector.shape_cast %swap3A_3345 : vector<16xf32> to vector<16xf32>
    %swap3A_3347 = vector.shape_cast %sub3A_3334 : vector<16xf32> to vector<16xf32>
    tpu.vector_store %arg30[%swap3A_3344], %swap3A_3347 {strides = array<i32>} : memref<512xf32, #tpu.memory_space<vmem>>, vector<16xf32>,
    %swap3A_3348 = arith.constant 432 : index
    %swap3A_3349 = tpu.vector_load %arg31[%swap3A_3348] {strides = array<i32>} : memref<512xf32, #tpu.memory_space<vmem>>, vector<16xf32>,
    %swap3A_3350 = vector.shape_cast %swap3A_3349 : vector<16xf32> to vector<16xf32>
    %swap3A_3351 = vector.shape_cast %add3A_3335 : vector<16xf32> to vector<16xf32>
    tpu.vector_store %arg31[%swap3A_3348], %swap3A_3351 {strides = array<i32>} : memref<512xf32, #tpu.memory_space<vmem>>, vector<16xf32>,
    %swap3A_3352 = arith.constant 432 : index
    %swap3A_3353 = tpu.vector_load %arg32[%swap3A_3352] {strides = array<i32>} : memref<512xf32, #tpu.memory_space<vmem>>, vector<16xf32>,
    %swap3A_3354 = vector.shape_cast %swap3A_3353 : vector<16xf32> to vector<16xf32>
    %swap3A_3355 = vector.shape_cast %add3A_3338 : vector<16xf32> to vector<16xf32>
    tpu.vector_store %arg32[%swap3A_3352], %swap3A_3355 {strides = array<i32>} : memref<512xf32, #tpu.memory_space<vmem>>, vector<16xf32>,
    %swap3A_3356 = arith.constant 432 : index
    %swap3A_3357 = tpu.vector_load %arg33[%swap3A_3356] {strides = array<i32>} : memref<512xf32, #tpu.memory_space<vmem>>, vector<16xf32>,
    %swap3A_3358 = vector.shape_cast %swap3A_3357 : vector<16xf32> to vector<16xf32>
    %swap3A_3359 = vector.shape_cast %mul3A_3339 : vector<16xf32> to vector<16xf32>
    tpu.vector_store %arg33[%swap3A_3356], %swap3A_3359 {strides = array<i32>} : memref<512xf32, #tpu.memory_space<vmem>>, vector<16xf32>,
    %get3A_3360 = arith.constant 448 : index
    %get3A_3361 = tpu.vector_load %arg25[%get3A_3360] {strides = array<i32>} : memref<512xf32, #tpu.memory_space<vmem>>, vector<16xf32>,
    %get3A_3362 = vector.shape_cast %get3A_3361 : vector<16xf32> to vector<16xf32>
    %get3A_3363 = arith.constant 448 : index
    %get3A_3364 = tpu.vector_load %arg26[%get3A_3363] {strides = array<i32>} : memref<512xf32, #tpu.memory_space<vmem>>, vector<16xf32>,
    %get3A_3365 = vector.shape_cast %get3A_3364 : vector<16xf32> to vector<16xf32>
    %max3A_3366 = arith.constant -2.000000e+00 : f32
    %max3A_3367 = vector.broadcast %max3A_3366 : f32 to vector<16xf32>
    %max3A_3368 = arith.maximumf %get3A_3365, %max3A_3367 : vector<16xf32>
    %min3A_3369 = arith.constant 2.000000e+00 : f32
    %min3A_3370 = vector.broadcast %min3A_3369 : f32 to vector<16xf32>
    %min3A_3371 = arith.minimumf %max3A_3368, %min3A_3370 : vector<16xf32>
    %get3A_3372 = arith.constant 448 : index
    %get3A_3373 = tpu.vector_load %arg27[%get3A_3372] {strides = array<i32>} : memref<512xf32, #tpu.memory_space<vmem>>, vector<16xf32>,
    %get3A_3374 = vector.shape_cast %get3A_3373 : vector<16xf32> to vector<16xf32>
    %get3A_3375 = arith.constant 448 : index
    %get3A_3376 = tpu.vector_load %arg28[%get3A_3375] {strides = array<i32>} : memref<512xf32, #tpu.memory_space<vmem>>, vector<16xf32>,
    %get3A_3377 = vector.shape_cast %get3A_3376 : vector<16xf32> to vector<16xf32>
    %get3A_3378 = arith.constant 448 : index
    %get3A_3379 = tpu.vector_load %arg22[%get3A_3378] {strides = array<i32>} : memref<512xf32, #tpu.memory_space<vmem>>, vector<16xf32>,
    %get3A_3380 = vector.shape_cast %get3A_3379 : vector<16xf32> to vector<16xf32>
    %get3A_3381 = arith.constant 448 : index
    %get3A_3382 = tpu.vector_load %arg23[%get3A_3381] {strides = array<i32>} : memref<512xf32, #tpu.memory_space<vmem>>, vector<16xf32>,
    %get3A_3383 = vector.shape_cast %get3A_3382 : vector<16xf32> to vector<16xf32>
    %mul3A_3384 = arith.constant 2.000000e+00 : f32
    %mul3A_3385 = vector.broadcast %mul3A_3384 : f32 to vector<16xf32>
    %mul3A_3386 = arith.mulf %get3A_3383, %mul3A_3385 : vector<16xf32>
    %exp3A_3387 = math.exp %mul3A_3386 : vector<16xf32>
    %add3A_3388 = arith.constant 1.000000e+00 : f32
    %add3A_3389 = vector.broadcast %add3A_3388 : f32 to vector<16xf32>
    %add3A_3390 = arith.addf %exp3A_3387, %add3A_3389 : vector<16xf32>
    %div3A_3391 = arith.constant 2.000000e+00 : f32
    %div3A_3392 = vector.broadcast %div3A_3391 : f32 to vector<16xf32>
    %div3A_3393 = arith.divf %div3A_3392, %add3A_3390 : vector<16xf32>
    %sub3A_3394 = arith.constant 1.000000e+00 : f32
    %sub3A_3395 = vector.broadcast %sub3A_3394 : f32 to vector<16xf32>
    %sub3A_3396 = arith.subf %sub3A_3395, %div3A_3393 : vector<16xf32>
    %add3A_3397 = arith.addf %get3A_3362, %min3A_3371 : vector<16xf32>
    %mul3A_3398 = arith.mulf %get3A_3374, %get3A_3380 : vector<16xf32>
    %mul3A_3399 = arith.mulf %get3A_3377, %sub3A_3396 : vector<16xf32>
    %add3A_3400 = arith.addf %mul3A_3398, %mul3A_3399 : vector<16xf32>
    %mul3A_3401 = arith.mulf %add3A_3397, %add3A_3400 : vector<16xf32>
    %swap3A_3402 = arith.constant 448 : index
    %swap3A_3403 = tpu.vector_load %arg29[%swap3A_3402] {strides = array<i32>} : memref<512xf32, #tpu.memory_space<vmem>>, vector<16xf32>,
    %swap3A_3404 = vector.shape_cast %swap3A_3403 : vector<16xf32> to vector<16xf32>
    %swap3A_3405 = vector.shape_cast %min3A_3371 : vector<16xf32> to vector<16xf32>
    tpu.vector_store %arg29[%swap3A_3402], %swap3A_3405 {strides = array<i32>} : memref<512xf32, #tpu.memory_space<vmem>>, vector<16xf32>,
    %swap3A_3406 = arith.constant 448 : index
    %swap3A_3407 = tpu.vector_load %arg30[%swap3A_3406] {strides = array<i32>} : memref<512xf32, #tpu.memory_space<vmem>>, vector<16xf32>,
    %swap3A_3408 = vector.shape_cast %swap3A_3407 : vector<16xf32> to vector<16xf32>
    %swap3A_3409 = vector.shape_cast %sub3A_3396 : vector<16xf32> to vector<16xf32>
    tpu.vector_store %arg30[%swap3A_3406], %swap3A_3409 {strides = array<i32>} : memref<512xf32, #tpu.memory_space<vmem>>, vector<16xf32>,
    %swap3A_3410 = arith.constant 448 : index
    %swap3A_3411 = tpu.vector_load %arg31[%swap3A_3410] {strides = array<i32>} : memref<512xf32, #tpu.memory_space<vmem>>, vector<16xf32>,
    %swap3A_3412 = vector.shape_cast %swap3A_3411 : vector<16xf32> to vector<16xf32>
    %swap3A_3413 = vector.shape_cast %add3A_3397 : vector<16xf32> to vector<16xf32>
    tpu.vector_store %arg31[%swap3A_3410], %swap3A_3413 {strides = array<i32>} : memref<512xf32, #tpu.memory_space<vmem>>, vector<16xf32>,
    %swap3A_3414 = arith.constant 448 : index
    %swap3A_3415 = tpu.vector_load %arg32[%swap3A_3414] {strides = array<i32>} : memref<512xf32, #tpu.memory_space<vmem>>, vector<16xf32>,
    %swap3A_3416 = vector.shape_cast %swap3A_3415 : vector<16xf32> to vector<16xf32>
    %swap3A_3417 = vector.shape_cast %add3A_3400 : vector<16xf32> to vector<16xf32>
    tpu.vector_store %arg32[%swap3A_3414], %swap3A_3417 {strides = array<i32>} : memref<512xf32, #tpu.memory_space<vmem>>, vector<16xf32>,
    %swap3A_3418 = arith.constant 448 : index
    %swap3A_3419 = tpu.vector_load %arg33[%swap3A_3418] {strides = array<i32>} : memref<512xf32, #tpu.memory_space<vmem>>, vector<16xf32>,
    %swap3A_3420 = vector.shape_cast %swap3A_3419 : vector<16xf32> to vector<16xf32>
    %swap3A_3421 = vector.shape_cast %mul3A_3401 : vector<16xf32> to vector<16xf32>
    tpu.vector_store %arg33[%swap3A_3418], %swap3A_3421 {strides = array<i32>} : memref<512xf32, #tpu.memory_space<vmem>>, vector<16xf32>,
    %get3A_3422 = arith.constant 464 : index
    %get3A_3423 = tpu.vector_load %arg25[%get3A_3422] {strides = array<i32>} : memref<512xf32, #tpu.memory_space<vmem>>, vector<16xf32>,
    %get3A_3424 = vector.shape_cast %get3A_3423 : vector<16xf32> to vector<16xf32>
    %get3A_3425 = arith.constant 464 : index
    %get3A_3426 = tpu.vector_load %arg26[%get3A_3425] {strides = array<i32>} : memref<512xf32, #tpu.memory_space<vmem>>, vector<16xf32>,
    %get3A_3427 = vector.shape_cast %get3A_3426 : vector<16xf32> to vector<16xf32>
    %max3A_3428 = arith.constant -2.000000e+00 : f32
    %max3A_3429 = vector.broadcast %max3A_3428 : f32 to vector<16xf32>
    %max3A_3430 = arith.maximumf %get3A_3427, %max3A_3429 : vector<16xf32>
    %min3A_3431 = arith.constant 2.000000e+00 : f32
    %min3A_3432 = vector.broadcast %min3A_3431 : f32 to vector<16xf32>
    %min3A_3433 = arith.minimumf %max3A_3430, %min3A_3432 : vector<16xf32>
    %get3A_3434 = arith.constant 464 : index
    %get3A_3435 = tpu.vector_load %arg27[%get3A_3434] {strides = array<i32>} : memref<512xf32, #tpu.memory_space<vmem>>, vector<16xf32>,
    %get3A_3436 = vector.shape_cast %get3A_3435 : vector<16xf32> to vector<16xf32>
    %get3A_3437 = arith.constant 464 : index
    %get3A_3438 = tpu.vector_load %arg28[%get3A_3437] {strides = array<i32>} : memref<512xf32, #tpu.memory_space<vmem>>, vector<16xf32>,
    %get3A_3439 = vector.shape_cast %get3A_3438 : vector<16xf32> to vector<16xf32>
    %get3A_3440 = arith.constant 464 : index
    %get3A_3441 = tpu.vector_load %arg22[%get3A_3440] {strides = array<i32>} : memref<512xf32, #tpu.memory_space<vmem>>, vector<16xf32>,
    %get3A_3442 = vector.shape_cast %get3A_3441 : vector<16xf32> to vector<16xf32>
    %get3A_3443 = arith.constant 464 : index
    %get3A_3444 = tpu.vector_load %arg23[%get3A_3443] {strides = array<i32>} : memref<512xf32, #tpu.memory_space<vmem>>, vector<16xf32>,
    %get3A_3445 = vector.shape_cast %get3A_3444 : vector<16xf32> to vector<16xf32>
    %mul3A_3446 = arith.constant 2.000000e+00 : f32
    %mul3A_3447 = vector.broadcast %mul3A_3446 : f32 to vector<16xf32>
    %mul3A_3448 = arith.mulf %get3A_3445, %mul3A_3447 : vector<16xf32>
    %exp3A_3449 = math.exp %mul3A_3448 : vector<16xf32>
    %add3A_3450 = arith.constant 1.000000e+00 : f32
    %add3A_3451 = vector.broadcast %add3A_3450 : f32 to vector<16xf32>
    %add3A_3452 = arith.addf %exp3A_3449, %add3A_3451 : vector<16xf32>
    %div3A_3453 = arith.constant 2.000000e+00 : f32
    %div3A_3454 = vector.broadcast %div3A_3453 : f32 to vector<16xf32>
    %div3A_3455 = arith.divf %div3A_3454, %add3A_3452 : vector<16xf32>
    %sub3A_3456 = arith.constant 1.000000e+00 : f32
    %sub3A_3457 = vector.broadcast %sub3A_3456 : f32 to vector<16xf32>
    %sub3A_3458 = arith.subf %sub3A_3457, %div3A_3455 : vector<16xf32>
    %add3A_3459 = arith.addf %get3A_3424, %min3A_3433 : vector<16xf32>
    %mul3A_3460 = arith.mulf %get3A_3436, %get3A_3442 : vector<16xf32>
    %mul3A_3461 = arith.mulf %get3A_3439, %sub3A_3458 : vector<16xf32>
    %add3A_3462 = arith.addf %mul3A_3460, %mul3A_3461 : vector<16xf32>
    %mul3A_3463 = arith.mulf %add3A_3459, %add3A_3462 : vector<16xf32>
    %swap3A_3464 = arith.constant 464 : index
    %swap3A_3465 = tpu.vector_load %arg29[%swap3A_3464] {strides = array<i32>} : memref<512xf32, #tpu.memory_space<vmem>>, vector<16xf32>,
    %swap3A_3466 = vector.shape_cast %swap3A_3465 : vector<16xf32> to vector<16xf32>
    %swap3A_3467 = vector.shape_cast %min3A_3433 : vector<16xf32> to vector<16xf32>
    tpu.vector_store %arg29[%swap3A_3464], %swap3A_3467 {strides = array<i32>} : memref<512xf32, #tpu.memory_space<vmem>>, vector<16xf32>,
    %swap3A_3468 = arith.constant 464 : index
    %swap3A_3469 = tpu.vector_load %arg30[%swap3A_3468] {strides = array<i32>} : memref<512xf32, #tpu.memory_space<vmem>>, vector<16xf32>,
    %swap3A_3470 = vector.shape_cast %swap3A_3469 : vector<16xf32> to vector<16xf32>
    %swap3A_3471 = vector.shape_cast %sub3A_3458 : vector<16xf32> to vector<16xf32>
    tpu.vector_store %arg30[%swap3A_3468], %swap3A_3471 {strides = array<i32>} : memref<512xf32, #tpu.memory_space<vmem>>, vector<16xf32>,
    %swap3A_3472 = arith.constant 464 : index
    %swap3A_3473 = tpu.vector_load %arg31[%swap3A_3472] {strides = array<i32>} : memref<512xf32, #tpu.memory_space<vmem>>, vector<16xf32>,
    %swap3A_3474 = vector.shape_cast %swap3A_3473 : vector<16xf32> to vector<16xf32>
    %swap3A_3475 = vector.shape_cast %add3A_3459 : vector<16xf32> to vector<16xf32>
    tpu.vector_store %arg31[%swap3A_3472], %swap3A_3475 {strides = array<i32>} : memref<512xf32, #tpu.memory_space<vmem>>, vector<16xf32>,
    %swap3A_3476 = arith.constant 464 : index
    %swap3A_3477 = tpu.vector_load %arg32[%swap3A_3476] {strides = array<i32>} : memref<512xf32, #tpu.memory_space<vmem>>, vector<16xf32>,
    %swap3A_3478 = vector.shape_cast %swap3A_3477 : vector<16xf32> to vector<16xf32>
    %swap3A_3479 = vector.shape_cast %add3A_3462 : vector<16xf32> to vector<16xf32>
    tpu.vector_store %arg32[%swap3A_3476], %swap3A_3479 {strides = array<i32>} : memref<512xf32, #tpu.memory_space<vmem>>, vector<16xf32>,
    %swap3A_3480 = arith.constant 464 : index
    %swap3A_3481 = tpu.vector_load %arg33[%swap3A_3480] {strides = array<i32>} : memref<512xf32, #tpu.memory_space<vmem>>, vector<16xf32>,
    %swap3A_3482 = vector.shape_cast %swap3A_3481 : vector<16xf32> to vector<16xf32>
    %swap3A_3483 = vector.shape_cast %mul3A_3463 : vector<16xf32> to vector<16xf32>
    tpu.vector_store %arg33[%swap3A_3480], %swap3A_3483 {strides = array<i32>} : memref<512xf32, #tpu.memory_space<vmem>>, vector<16xf32>,
    %get3A_3484 = arith.constant 480 : index
    %get3A_3485 = tpu.vector_load %arg25[%get3A_3484] {strides = array<i32>} : memref<512xf32, #tpu.memory_space<vmem>>, vector<16xf32>,
    %get3A_3486 = vector.shape_cast %get3A_3485 : vector<16xf32> to vector<16xf32>
    %get3A_3487 = arith.constant 480 : index
    %get3A_3488 = tpu.vector_load %arg26[%get3A_3487] {strides = array<i32>} : memref<512xf32, #tpu.memory_space<vmem>>, vector<16xf32>,
    %get3A_3489 = vector.shape_cast %get3A_3488 : vector<16xf32> to vector<16xf32>
    %max3A_3490 = arith.constant -2.000000e+00 : f32
    %max3A_3491 = vector.broadcast %max3A_3490 : f32 to vector<16xf32>
    %max3A_3492 = arith.maximumf %get3A_3489, %max3A_3491 : vector<16xf32>
    %min3A_3493 = arith.constant 2.000000e+00 : f32
    %min3A_3494 = vector.broadcast %min3A_3493 : f32 to vector<16xf32>
    %min3A_3495 = arith.minimumf %max3A_3492, %min3A_3494 : vector<16xf32>
    %get3A_3496 = arith.constant 480 : index
    %get3A_3497 = tpu.vector_load %arg27[%get3A_3496] {strides = array<i32>} : memref<512xf32, #tpu.memory_space<vmem>>, vector<16xf32>,
    %get3A_3498 = vector.shape_cast %get3A_3497 : vector<16xf32> to vector<16xf32>
    %get3A_3499 = arith.constant 480 : index
    %get3A_3500 = tpu.vector_load %arg28[%get3A_3499] {strides = array<i32>} : memref<512xf32, #tpu.memory_space<vmem>>, vector<16xf32>,
    %get3A_3501 = vector.shape_cast %get3A_3500 : vector<16xf32> to vector<16xf32>
    %get3A_3502 = arith.constant 480 : index
    %get3A_3503 = tpu.vector_load %arg22[%get3A_3502] {strides = array<i32>} : memref<512xf32, #tpu.memory_space<vmem>>, vector<16xf32>,
    %get3A_3504 = vector.shape_cast %get3A_3503 : vector<16xf32> to vector<16xf32>
    %get3A_3505 = arith.constant 480 : index
    %get3A_3506 = tpu.vector_load %arg23[%get3A_3505] {strides = array<i32>} : memref<512xf32, #tpu.memory_space<vmem>>, vector<16xf32>,
    %get3A_3507 = vector.shape_cast %get3A_3506 : vector<16xf32> to vector<16xf32>
    %mul3A_3508 = arith.constant 2.000000e+00 : f32
    %mul3A_3509 = vector.broadcast %mul3A_3508 : f32 to vector<16xf32>
    %mul3A_3510 = arith.mulf %get3A_3507, %mul3A_3509 : vector<16xf32>
    %exp3A_3511 = math.exp %mul3A_3510 : vector<16xf32>
    %add3A_3512 = arith.constant 1.000000e+00 : f32
    %add3A_3513 = vector.broadcast %add3A_3512 : f32 to vector<16xf32>
    %add3A_3514 = arith.addf %exp3A_3511, %add3A_3513 : vector<16xf32>
    %div3A_3515 = arith.constant 2.000000e+00 : f32
    %div3A_3516 = vector.broadcast %div3A_3515 : f32 to vector<16xf32>
    %div3A_3517 = arith.divf %div3A_3516, %add3A_3514 : vector<16xf32>
    %sub3A_3518 = arith.constant 1.000000e+00 : f32
    %sub3A_3519 = vector.broadcast %sub3A_3518 : f32 to vector<16xf32>
    %sub3A_3520 = arith.subf %sub3A_3519, %div3A_3517 : vector<16xf32>
    %add3A_3521 = arith.addf %get3A_3486, %min3A_3495 : vector<16xf32>
    %mul3A_3522 = arith.mulf %get3A_3498, %get3A_3504 : vector<16xf32>
    %mul3A_3523 = arith.mulf %get3A_3501, %sub3A_3520 : vector<16xf32>
    %add3A_3524 = arith.addf %mul3A_3522, %mul3A_3523 : vector<16xf32>
    %mul3A_3525 = arith.mulf %add3A_3521, %add3A_3524 : vector<16xf32>
    %swap3A_3526 = arith.constant 480 : index
    %swap3A_3527 = tpu.vector_load %arg29[%swap3A_3526] {strides = array<i32>} : memref<512xf32, #tpu.memory_space<vmem>>, vector<16xf32>,
    %swap3A_3528 = vector.shape_cast %swap3A_3527 : vector<16xf32> to vector<16xf32>
    %swap3A_3529 = vector.shape_cast %min3A_3495 : vector<16xf32> to vector<16xf32>
    tpu.vector_store %arg29[%swap3A_3526], %swap3A_3529 {strides = array<i32>} : memref<512xf32, #tpu.memory_space<vmem>>, vector<16xf32>,
    %swap3A_3530 = arith.constant 480 : index
    %swap3A_3531 = tpu.vector_load %arg30[%swap3A_3530] {strides = array<i32>} : memref<512xf32, #tpu.memory_space<vmem>>, vector<16xf32>,
    %swap3A_3532 = vector.shape_cast %swap3A_3531 : vector<16xf32> to vector<16xf32>
    %swap3A_3533 = vector.shape_cast %sub3A_3520 : vector<16xf32> to vector<16xf32>
    tpu.vector_store %arg30[%swap3A_3530], %swap3A_3533 {strides = array<i32>} : memref<512xf32, #tpu.memory_space<vmem>>, vector<16xf32>,
    %swap3A_3534 = arith.constant 480 : index
    %swap3A_3535 = tpu.vector_load %arg31[%swap3A_3534] {strides = array<i32>} : memref<512xf32, #tpu.memory_space<vmem>>, vector<16xf32>,
    %swap3A_3536 = vector.shape_cast %swap3A_3535 : vector<16xf32> to vector<16xf32>
    %swap3A_3537 = vector.shape_cast %add3A_3521 : vector<16xf32> to vector<16xf32>
    tpu.vector_store %arg31[%swap3A_3534], %swap3A_3537 {strides = array<i32>} : memref<512xf32, #tpu.memory_space<vmem>>, vector<16xf32>,
    %swap3A_3538 = arith.constant 480 : index
    %swap3A_3539 = tpu.vector_load %arg32[%swap3A_3538] {strides = array<i32>} : memref<512xf32, #tpu.memory_space<vmem>>, vector<16xf32>,
    %swap3A_3540 = vector.shape_cast %swap3A_3539 : vector<16xf32> to vector<16xf32>
    %swap3A_3541 = vector.shape_cast %add3A_3524 : vector<16xf32> to vector<16xf32>
    tpu.vector_store %arg32[%swap3A_3538], %swap3A_3541 {strides = array<i32>} : memref<512xf32, #tpu.memory_space<vmem>>, vector<16xf32>,
    %swap3A_3542 = arith.constant 480 : index
    %swap3A_3543 = tpu.vector_load %arg33[%swap3A_3542] {strides = array<i32>} : memref<512xf32, #tpu.memory_space<vmem>>, vector<16xf32>,
    %swap3A_3544 = vector.shape_cast %swap3A_3543 : vector<16xf32> to vector<16xf32>
    %swap3A_3545 = vector.shape_cast %mul3A_3525 : vector<16xf32> to vector<16xf32>
    tpu.vector_store %arg33[%swap3A_3542], %swap3A_3545 {strides = array<i32>} : memref<512xf32, #tpu.memory_space<vmem>>, vector<16xf32>,
    %get3A_3546 = arith.constant 496 : index
    %get3A_3547 = tpu.vector_load %arg25[%get3A_3546] {strides = array<i32>} : memref<512xf32, #tpu.memory_space<vmem>>, vector<16xf32>,
    %get3A_3548 = vector.shape_cast %get3A_3547 : vector<16xf32> to vector<16xf32>
    %get3A_3549 = arith.constant 496 : index
    %get3A_3550 = tpu.vector_load %arg26[%get3A_3549] {strides = array<i32>} : memref<512xf32, #tpu.memory_space<vmem>>, vector<16xf32>,
    %get3A_3551 = vector.shape_cast %get3A_3550 : vector<16xf32> to vector<16xf32>
    %max3A_3552 = arith.constant -2.000000e+00 : f32
    %max3A_3553 = vector.broadcast %max3A_3552 : f32 to vector<16xf32>
    %max3A_3554 = arith.maximumf %get3A_3551, %max3A_3553 : vector<16xf32>
    %min3A_3555 = arith.constant 2.000000e+00 : f32
    %min3A_3556 = vector.broadcast %min3A_3555 : f32 to vector<16xf32>
    %min3A_3557 = arith.minimumf %max3A_3554, %min3A_3556 : vector<16xf32>
    %get3A_3558 = arith.constant 496 : index
    %get3A_3559 = tpu.vector_load %arg27[%get3A_3558] {strides = array<i32>} : memref<512xf32, #tpu.memory_space<vmem>>, vector<16xf32>,
    %get3A_3560 = vector.shape_cast %get3A_3559 : vector<16xf32> to vector<16xf32>
    %get3A_3561 = arith.constant 496 : index
    %get3A_3562 = tpu.vector_load %arg28[%get3A_3561] {strides = array<i32>} : memref<512xf32, #tpu.memory_space<vmem>>, vector<16xf32>,
    %get3A_3563 = vector.shape_cast %get3A_3562 : vector<16xf32> to vector<16xf32>
    %get3A_3564 = arith.constant 496 : index
    %get3A_3565 = tpu.vector_load %arg22[%get3A_3564] {strides = array<i32>} : memref<512xf32, #tpu.memory_space<vmem>>, vector<16xf32>,
    %get3A_3566 = vector.shape_cast %get3A_3565 : vector<16xf32> to vector<16xf32>
    %get3A_3567 = arith.constant 496 : index
    %get3A_3568 = tpu.vector_load %arg23[%get3A_3567] {strides = array<i32>} : memref<512xf32, #tpu.memory_space<vmem>>, vector<16xf32>,
    %get3A_3569 = vector.shape_cast %get3A_3568 : vector<16xf32> to vector<16xf32>
    %mul3A_3570 = arith.constant 2.000000e+00 : f32
    %mul3A_3571 = vector.broadcast %mul3A_3570 : f32 to vector<16xf32>
    %mul3A_3572 = arith.mulf %get3A_3569, %mul3A_3571 : vector<16xf32>
    %exp3A_3573 = math.exp %mul3A_3572 : vector<16xf32>
    %add3A_3574 = arith.constant 1.000000e+00 : f32
    %add3A_3575 = vector.broadcast %add3A_3574 : f32 to vector<16xf32>
    %add3A_3576 = arith.addf %exp3A_3573, %add3A_3575 : vector<16xf32>
    %div3A_3577 = arith.constant 2.000000e+00 : f32
    %div3A_3578 = vector.broadcast %div3A_3577 : f32 to vector<16xf32>
    %div3A_3579 = arith.divf %div3A_3578, %add3A_3576 : vector<16xf32>
    %sub3A_3580 = arith.constant 1.000000e+00 : f32
    %sub3A_3581 = vector.broadcast %sub3A_3580 : f32 to vector<16xf32>
    %sub3A_3582 = arith.subf %sub3A_3581, %div3A_3579 : vector<16xf32>
    %add3A_3583 = arith.addf %get3A_3548, %min3A_3557 : vector<16xf32>
    %mul3A_3584 = arith.mulf %get3A_3560, %get3A_3566 : vector<16xf32>
    %mul3A_3585 = arith.mulf %get3A_3563, %sub3A_3582 : vector<16xf32>
    %add3A_3586 = arith.addf %mul3A_3584, %mul3A_3585 : vector<16xf32>
    %mul3A_3587 = arith.mulf %add3A_3583, %add3A_3586 : vector<16xf32>
    %swap3A_3588 = arith.constant 496 : index
    %swap3A_3589 = tpu.vector_load %arg29[%swap3A_3588] {strides = array<i32>} : memref<512xf32, #tpu.memory_space<vmem>>, vector<16xf32>,
    %swap3A_3590 = vector.shape_cast %swap3A_3589 : vector<16xf32> to vector<16xf32>
    %swap3A_3591 = vector.shape_cast %min3A_3557 : vector<16xf32> to vector<16xf32>
    tpu.vector_store %arg29[%swap3A_3588], %swap3A_3591 {strides = array<i32>} : memref<512xf32, #tpu.memory_space<vmem>>, vector<16xf32>,
    %swap3A_3592 = arith.constant 496 : index
    %swap3A_3593 = tpu.vector_load %arg30[%swap3A_3592] {strides = array<i32>} : memref<512xf32, #tpu.memory_space<vmem>>, vector<16xf32>,
    %swap3A_3594 = vector.shape_cast %swap3A_3593 : vector<16xf32> to vector<16xf32>
    %swap3A_3595 = vector.shape_cast %sub3A_3582 : vector<16xf32> to vector<16xf32>
    tpu.vector_store %arg30[%swap3A_3592], %swap3A_3595 {strides = array<i32>} : memref<512xf32, #tpu.memory_space<vmem>>, vector<16xf32>,
    %swap3A_3596 = arith.constant 496 : index
    %swap3A_3597 = tpu.vector_load %arg31[%swap3A_3596] {strides = array<i32>} : memref<512xf32, #tpu.memory_space<vmem>>, vector<16xf32>,
    %swap3A_3598 = vector.shape_cast %swap3A_3597 : vector<16xf32> to vector<16xf32>
    %swap3A_3599 = vector.shape_cast %add3A_3583 : vector<16xf32> to vector<16xf32>
    tpu.vector_store %arg31[%swap3A_3596], %swap3A_3599 {strides = array<i32>} : memref<512xf32, #tpu.memory_space<vmem>>, vector<16xf32>,
    %swap3A_3600 = arith.constant 496 : index
    %swap3A_3601 = tpu.vector_load %arg32[%swap3A_3600] {strides = array<i32>} : memref<512xf32, #tpu.memory_space<vmem>>, vector<16xf32>,
    %swap3A_3602 = vector.shape_cast %swap3A_3601 : vector<16xf32> to vector<16xf32>
    %swap3A_3603 = vector.shape_cast %add3A_3586 : vector<16xf32> to vector<16xf32>
    tpu.vector_store %arg32[%swap3A_3600], %swap3A_3603 {strides = array<i32>} : memref<512xf32, #tpu.memory_space<vmem>>, vector<16xf32>,
    %swap3A_3604 = arith.constant 496 : index
    %swap3A_3605 = tpu.vector_load %arg33[%swap3A_3604] {strides = array<i32>} : memref<512xf32, #tpu.memory_space<vmem>>, vector<16xf32>,
    %swap3A_3606 = vector.shape_cast %swap3A_3605 : vector<16xf32> to vector<16xf32>
    %swap3A_3607 = vector.shape_cast %mul3A_3587 : vector<16xf32> to vector<16xf32>
    tpu.vector_store %arg33[%swap3A_3604], %swap3A_3607 {strides = array<i32>} : memref<512xf32, #tpu.memory_space<vmem>>, vector<16xf32>,
    "tpu.region"() ({
      %run_scoped3A = tpu.sem_alloc : memref<!tpu.dma_semaphore, #tpu.memory_space<semaphore_mem>>
      %dma_start3A_3608 = tpu.memref_slice %arg11[%mul3A_2] : memref<16384xf32, #tpu.memory_space<hbm>> -> memref<512xf32, #tpu.memory_space<hbm>>
      %dma_start3A_3609 = tpu.memref_slice %arg11[%mul3A_2] : memref<16384xf32, #tpu.memory_space<hbm>> -> memref<512xf32, #tpu.memory_space<hbm>>
      tpu.enqueue_dma source(%arg25 : memref<512xf32, #tpu.memory_space<vmem>>) target(%dma_start3A_3609 : memref<512xf32, #tpu.memory_space<hbm>>) target_semaphore(%run_scoped3A : memref<!tpu.dma_semaphore, #tpu.memory_space<semaphore_mem>>)
      %dma_wait3A_3610 = tpu.memref_slice %arg11[%mul3A_2] : memref<16384xf32, #tpu.memory_space<hbm>> -> memref<512xf32, #tpu.memory_space<hbm>>
      %dma_wait3A_3611 = tpu.memref_slice %arg11[%mul3A_2] : memref<16384xf32, #tpu.memory_space<hbm>> -> memref<512xf32, #tpu.memory_space<hbm>>
      tpu.wait_dma2 semaphore(%run_scoped3A : memref<!tpu.dma_semaphore, #tpu.memory_space<semaphore_mem>>) src(%arg25 : memref<512xf32, #tpu.memory_space<vmem>>) dst(%dma_wait3A_3611 : memref<512xf32, #tpu.memory_space<hbm>>)
      tpu.yield
    }) : () -> ()
    "tpu.region"() ({
      %run_scoped3A = tpu.sem_alloc : memref<!tpu.dma_semaphore, #tpu.memory_space<semaphore_mem>>
      %dma_start3A_3608 = tpu.memref_slice %arg12[%mul3A_2] : memref<16384xf32, #tpu.memory_space<hbm>> -> memref<512xf32, #tpu.memory_space<hbm>>
      %dma_start3A_3609 = tpu.memref_slice %arg12[%mul3A_2] : memref<16384xf32, #tpu.memory_space<hbm>> -> memref<512xf32, #tpu.memory_space<hbm>>
      tpu.enqueue_dma source(%arg29 : memref<512xf32, #tpu.memory_space<vmem>>) target(%dma_start3A_3609 : memref<512xf32, #tpu.memory_space<hbm>>) target_semaphore(%run_scoped3A : memref<!tpu.dma_semaphore, #tpu.memory_space<semaphore_mem>>)
      %dma_wait3A_3610 = tpu.memref_slice %arg12[%mul3A_2] : memref<16384xf32, #tpu.memory_space<hbm>> -> memref<512xf32, #tpu.memory_space<hbm>>
      %dma_wait3A_3611 = tpu.memref_slice %arg12[%mul3A_2] : memref<16384xf32, #tpu.memory_space<hbm>> -> memref<512xf32, #tpu.memory_space<hbm>>
      tpu.wait_dma2 semaphore(%run_scoped3A : memref<!tpu.dma_semaphore, #tpu.memory_space<semaphore_mem>>) src(%arg29 : memref<512xf32, #tpu.memory_space<vmem>>) dst(%dma_wait3A_3611 : memref<512xf32, #tpu.memory_space<hbm>>)
      tpu.yield
    }) : () -> ()
    "tpu.region"() ({
      %run_scoped3A = tpu.sem_alloc : memref<!tpu.dma_semaphore, #tpu.memory_space<semaphore_mem>>
      %dma_start3A_3608 = tpu.memref_slice %arg13[%mul3A_2] : memref<16384xf32, #tpu.memory_space<hbm>> -> memref<512xf32, #tpu.memory_space<hbm>>
      %dma_start3A_3609 = tpu.memref_slice %arg13[%mul3A_2] : memref<16384xf32, #tpu.memory_space<hbm>> -> memref<512xf32, #tpu.memory_space<hbm>>
      tpu.enqueue_dma source(%arg27 : memref<512xf32, #tpu.memory_space<vmem>>) target(%dma_start3A_3609 : memref<512xf32, #tpu.memory_space<hbm>>) target_semaphore(%run_scoped3A : memref<!tpu.dma_semaphore, #tpu.memory_space<semaphore_mem>>)
      %dma_wait3A_3610 = tpu.memref_slice %arg13[%mul3A_2] : memref<16384xf32, #tpu.memory_space<hbm>> -> memref<512xf32, #tpu.memory_space<hbm>>
      %dma_wait3A_3611 = tpu.memref_slice %arg13[%mul3A_2] : memref<16384xf32, #tpu.memory_space<hbm>> -> memref<512xf32, #tpu.memory_space<hbm>>
      tpu.wait_dma2 semaphore(%run_scoped3A : memref<!tpu.dma_semaphore, #tpu.memory_space<semaphore_mem>>) src(%arg27 : memref<512xf32, #tpu.memory_space<vmem>>) dst(%dma_wait3A_3611 : memref<512xf32, #tpu.memory_space<hbm>>)
      tpu.yield
    }) : () -> ()
    "tpu.region"() ({
      %run_scoped3A = tpu.sem_alloc : memref<!tpu.dma_semaphore, #tpu.memory_space<semaphore_mem>>
      %dma_start3A_3608 = tpu.memref_slice %arg14[%mul3A_2] : memref<16384xf32, #tpu.memory_space<hbm>> -> memref<512xf32, #tpu.memory_space<hbm>>
      %dma_start3A_3609 = tpu.memref_slice %arg14[%mul3A_2] : memref<16384xf32, #tpu.memory_space<hbm>> -> memref<512xf32, #tpu.memory_space<hbm>>
      tpu.enqueue_dma source(%arg28 : memref<512xf32, #tpu.memory_space<vmem>>) target(%dma_start3A_3609 : memref<512xf32, #tpu.memory_space<hbm>>) target_semaphore(%run_scoped3A : memref<!tpu.dma_semaphore, #tpu.memory_space<semaphore_mem>>)
      %dma_wait3A_3610 = tpu.memref_slice %arg14[%mul3A_2] : memref<16384xf32, #tpu.memory_space<hbm>> -> memref<512xf32, #tpu.memory_space<hbm>>
      %dma_wait3A_3611 = tpu.memref_slice %arg14[%mul3A_2] : memref<16384xf32, #tpu.memory_space<hbm>> -> memref<512xf32, #tpu.memory_space<hbm>>
      tpu.wait_dma2 semaphore(%run_scoped3A : memref<!tpu.dma_semaphore, #tpu.memory_space<semaphore_mem>>) src(%arg28 : memref<512xf32, #tpu.memory_space<vmem>>) dst(%dma_wait3A_3611 : memref<512xf32, #tpu.memory_space<hbm>>)
      tpu.yield
    }) : () -> ()
    "tpu.region"() ({
      %run_scoped3A = tpu.sem_alloc : memref<!tpu.dma_semaphore, #tpu.memory_space<semaphore_mem>>
      %dma_start3A_3608 = tpu.memref_slice %arg15[%mul3A_2] : memref<16384xf32, #tpu.memory_space<hbm>> -> memref<512xf32, #tpu.memory_space<hbm>>
      %dma_start3A_3609 = tpu.memref_slice %arg15[%mul3A_2] : memref<16384xf32, #tpu.memory_space<hbm>> -> memref<512xf32, #tpu.memory_space<hbm>>
      tpu.enqueue_dma source(%arg30 : memref<512xf32, #tpu.memory_space<vmem>>) target(%dma_start3A_3609 : memref<512xf32, #tpu.memory_space<hbm>>) target_semaphore(%run_scoped3A : memref<!tpu.dma_semaphore, #tpu.memory_space<semaphore_mem>>)
      %dma_wait3A_3610 = tpu.memref_slice %arg15[%mul3A_2] : memref<16384xf32, #tpu.memory_space<hbm>> -> memref<512xf32, #tpu.memory_space<hbm>>
      %dma_wait3A_3611 = tpu.memref_slice %arg15[%mul3A_2] : memref<16384xf32, #tpu.memory_space<hbm>> -> memref<512xf32, #tpu.memory_space<hbm>>
      tpu.wait_dma2 semaphore(%run_scoped3A : memref<!tpu.dma_semaphore, #tpu.memory_space<semaphore_mem>>) src(%arg30 : memref<512xf32, #tpu.memory_space<vmem>>) dst(%dma_wait3A_3611 : memref<512xf32, #tpu.memory_space<hbm>>)
      tpu.yield
    }) : () -> ()
    "tpu.region"() ({
      %run_scoped3A = tpu.sem_alloc : memref<!tpu.dma_semaphore, #tpu.memory_space<semaphore_mem>>
      %dma_start3A_3608 = tpu.memref_slice %arg16[%mul3A_2] : memref<16384xf32, #tpu.memory_space<hbm>> -> memref<512xf32, #tpu.memory_space<hbm>>
      %dma_start3A_3609 = tpu.memref_slice %arg16[%mul3A_2] : memref<16384xf32, #tpu.memory_space<hbm>> -> memref<512xf32, #tpu.memory_space<hbm>>
      tpu.enqueue_dma source(%arg31 : memref<512xf32, #tpu.memory_space<vmem>>) target(%dma_start3A_3609 : memref<512xf32, #tpu.memory_space<hbm>>) target_semaphore(%run_scoped3A : memref<!tpu.dma_semaphore, #tpu.memory_space<semaphore_mem>>)
      %dma_wait3A_3610 = tpu.memref_slice %arg16[%mul3A_2] : memref<16384xf32, #tpu.memory_space<hbm>> -> memref<512xf32, #tpu.memory_space<hbm>>
      %dma_wait3A_3611 = tpu.memref_slice %arg16[%mul3A_2] : memref<16384xf32, #tpu.memory_space<hbm>> -> memref<512xf32, #tpu.memory_space<hbm>>
      tpu.wait_dma2 semaphore(%run_scoped3A : memref<!tpu.dma_semaphore, #tpu.memory_space<semaphore_mem>>) src(%arg31 : memref<512xf32, #tpu.memory_space<vmem>>) dst(%dma_wait3A_3611 : memref<512xf32, #tpu.memory_space<hbm>>)
      tpu.yield
    }) : () -> ()
    "tpu.region"() ({
      %run_scoped3A = tpu.sem_alloc : memref<!tpu.dma_semaphore, #tpu.memory_space<semaphore_mem>>
      %dma_start3A_3608 = tpu.memref_slice %arg17[%mul3A_2] : memref<16384xf32, #tpu.memory_space<hbm>> -> memref<512xf32, #tpu.memory_space<hbm>>
      %dma_start3A_3609 = tpu.memref_slice %arg17[%mul3A_2] : memref<16384xf32, #tpu.memory_space<hbm>> -> memref<512xf32, #tpu.memory_space<hbm>>
      tpu.enqueue_dma source(%arg32 : memref<512xf32, #tpu.memory_space<vmem>>) target(%dma_start3A_3609 : memref<512xf32, #tpu.memory_space<hbm>>) target_semaphore(%run_scoped3A : memref<!tpu.dma_semaphore, #tpu.memory_space<semaphore_mem>>)
      %dma_wait3A_3610 = tpu.memref_slice %arg17[%mul3A_2] : memref<16384xf32, #tpu.memory_space<hbm>> -> memref<512xf32, #tpu.memory_space<hbm>>
      %dma_wait3A_3611 = tpu.memref_slice %arg17[%mul3A_2] : memref<16384xf32, #tpu.memory_space<hbm>> -> memref<512xf32, #tpu.memory_space<hbm>>
      tpu.wait_dma2 semaphore(%run_scoped3A : memref<!tpu.dma_semaphore, #tpu.memory_space<semaphore_mem>>) src(%arg32 : memref<512xf32, #tpu.memory_space<vmem>>) dst(%dma_wait3A_3611 : memref<512xf32, #tpu.memory_space<hbm>>)
      tpu.yield
    }) : () -> ()
    "tpu.region"() ({
      %run_scoped3A = tpu.sem_alloc : memref<!tpu.dma_semaphore, #tpu.memory_space<semaphore_mem>>
      %dma_start3A_3608 = tpu.memref_slice %arg18[%mul3A_2] : memref<16384xf32, #tpu.memory_space<hbm>> -> memref<512xf32, #tpu.memory_space<hbm>>
      %dma_start3A_3609 = tpu.memref_slice %arg18[%mul3A_2] : memref<16384xf32, #tpu.memory_space<hbm>> -> memref<512xf32, #tpu.memory_space<hbm>>
      tpu.enqueue_dma source(%arg33 : memref<512xf32, #tpu.memory_space<vmem>>) target(%dma_start3A_3609 : memref<512xf32, #tpu.memory_space<hbm>>) target_semaphore(%run_scoped3A : memref<!tpu.dma_semaphore, #tpu.memory_space<semaphore_mem>>)
      %dma_wait3A_3610 = tpu.memref_slice %arg18[%mul3A_2] : memref<16384xf32, #tpu.memory_space<hbm>> -> memref<512xf32, #tpu.memory_space<hbm>>
      %dma_wait3A_3611 = tpu.memref_slice %arg18[%mul3A_2] : memref<16384xf32, #tpu.memory_space<hbm>> -> memref<512xf32, #tpu.memory_space<hbm>>
      tpu.wait_dma2 semaphore(%run_scoped3A : memref<!tpu.dma_semaphore, #tpu.memory_space<semaphore_mem>>) src(%arg33 : memref<512xf32, #tpu.memory_space<vmem>>) dst(%dma_wait3A_3611 : memref<512xf32, #tpu.memory_space<hbm>>)
      tpu.yield
    }) : () -> ()
    return
  }
}

</mosaic_0001>

<sc_bundles>
// kernel: _run.3.cloned.1.call-start
scs
__scs_entry_jumppad:
0x0: {  	(pc) =	sbr.rel $0x88, $3  }
0x1: {  	(tag) =	ssettag $0x0;
	lr =	simm.s32 $0x1  }
0x2: {  	[smem:$0x3F98] =	sst lr;
	_ =	strace $0xD0000000  }
0x3: {  	_ = 	snop  }
0x4: {  	_ = 	snop  }
0x5: {  	_ = 	snop  }
0x6: {  	_ = 	snop  }
0x7: {  	_ = 	snop  }
__scs_overlays_trampoline_lowered:
0x8: {  	[smem:$0x3FA7] =	sst s0  }
0x9: {  	[smem:$0x3FA8] =	sst s1  }
0xa: {  	[smem:$0x3FA9] =	sst s2  }
0xb: {  	[smem:$0x3FAA] =	sst s3  }
0xc: {  	[smem:$0x3FAB] =	sst s4  }
0xd: {  	[smem:$0x3FAC] =	sst s5  }
0xe: {  	[smem:$0x3FAD] =	sst s6  }
0xf: {  	[smem:$0x3FAE] =	sst s7  }
0x10: {  	[smem:$0x3FAF] =	sst s8  }
0x11: {  	[smem:$0x3FB0] =	sst s9;
	s0 =	simm.s32 @!p0 $0x0  }
0x12: {  	s1 =	sld [smem:$0x3F96];
	s0 =	simm.s32 @p0 $0x1  }
0x13: {  	[smem:$0x3FB1] =	sst s0;
	s0 =	simm.s32 @!p1 $0x0  }
0x14: {  	s2 =	sld [smem:$0x3F95];
	s0 =	simm.s32 @p1 $0x1  }
0x15: {  	[smem:$0x3FB2] =	sst s0;
	s0 =	simm.s32 @!p2 $0x0  }
0x16: {  	s3 =	sld [smem:$0x3FDB];
	s0 =	simm.s32 @p2 $0x1  }
0x17: {  	s4 =	simm.s32 $0x1BF5;
	[smem:$0x3FB4] =	sst s0  }
0x18: {  	s0 =	sld [smem:$0x3F97];
	_ =	swait.ge [sflag:s4], $0x0  }
0x19: {  	s7 =	sld [smem:$0x3F98]  }
0x1a: {  	s8 =	sadd.s32 $0xFFFFE003, lr  }
0x1b: {  	s9 =	sadd.s32 $0xFFFFFEF7, lr;
	s5 =	simm.s32 $0xFFFFFFFF;
	p2 =	slt.u32 s8, $0xFFFFF086  }
0x1c: {  	p1 =	slt.u32 s9, $0xF7A;
	s5 =	simm.s32 @!p2 $0x0  }
0x1d: {  	s5 =	simm.s32 @p1 $0x1;
	p0 =	seq.s32 s7, s2  }
0x1e: {  	s7 =	smul.u32 @!p0 $0xF7A, s2;
	p2 =	seq.s32 @!p0 s5, $0x0  }
0x1f: {  	s9 =	smul.u32 $0xF7A, s1;
	s8 =	simm.s32 @!p0 $0x1BF5;
	p2 =	por !p2, p0  }
0x20: {  	[sflag:s8] =	ssyncset.s32 @!p0 $0xFFFFF086;
	s6 =	sadd.s32 @!p0 s3, s7;
	s7 =	simm.s32 @!p0 $0x108  }
0x21: {  	s3 =	sadd.s32 s3, s9;
	s6 =	sadd.s32 @!p0 $0x88, s6;
	s7 =	simm.s32 @p2 $0x1082  }
0x22: {  	[simem:s7], [sflag:s8] =	dma.local @!p0 [hbm:s6], $0xF7A  }
0x23: {  	s9 =	sor.u32 $0xD0000000, s2;
	s6 =	simm.s32 $0x108;
	_ =	swait.ge @!p0 [sflag:s8], $0x0  }
0x24: {  	s3 =	sadd.s32 $0x88, s3;
	s6 =	simm.s32 @!p1 $0x1082;
	[sflag:s4] =	ssyncset.s32 $0xFFFFF086  }
0x25: {  	[simem:s6], [sflag:s4] =	dma.local [hbm:s3], $0xF7A  }
0x26: {  	[smem:$0x3F98] =	sst s1;
	(tag) =	ssettag s2;
	_ =	strace s9  }
0x27: {  	s1 =	sld [smem:$0x3FA8]  }
0x28: {  	s2 =	sld [smem:$0x3FA9]  }
0x29: {  	s4 =	sld [smem:$0x3FAB]  }
0x2a: {  	p0 =	seq.s32 s5, $0x0;
	s5 =	sld [smem:$0x3FAC]  }
0x2b: {  	s6 =	sld [smem:$0x3FAD]  }
0x2c: {  	s7 =	sld [smem:$0x3FAE]  }
0x2d: {  	s3 =	simm.s32 $0x108;
	s8 =	sld [smem:$0x3FAF]  }
0x2e: {  	s3 =	simm.s32 @!p0 $0x1082;
	s9 =	sld [smem:$0x3FB0]  }
0x2f: {  	lr =	sadd.s32 s0, s3;
	s0 =	sld [smem:$0x3FA7]  }
0x30: {  	s3 =	sld [smem:$0x3FAA]  }
0x31: {  	[smem:$0x3FB3] =	sst s10  }
0x32: {  	s10 =	sld [smem:$0x3FB1];
	_ =	sdelay $0x3  }
0x33: {  	p0 =	seq.s32 s10, $0x1;
	s10 =	sld [smem:$0x3FB3];
	_ =	sdelay $0x3  }
0x34: {  	[smem:$0x3FB3] =	sst s10  }
0x35: {  	s10 =	sld [smem:$0x3FB2];
	_ =	sdelay $0x3  }
0x36: {  	p1 =	seq.s32 s10, $0x1;
	s10 =	sld [smem:$0x3FB3];
	_ =	sdelay $0x3  }
0x37: {  	[smem:$0x3FB3] =	sst s10  }
0x38: {  	s10 =	sld [smem:$0x3FB4]  }
0x39: {  	_ = 	snop;
	(pc) =	sbr.ind lr, $3  }
0x3a: {  	_ = 	snop  }
0x3b: {  	_ = 	snop  }
0x3c: {  	p2 =	seq.s32 s10, $0x1;
	s10 =	sld [smem:$0x3FB3]  }
0x3d: {  	_ =	shalt  }
0x3e: {  	_ =	shalt  }
0x3f: {  	_ =	shalt  }
0x40: {  	_ =	shalt  }
0x41: {  	_ =	shalt  }
0x42: {  	_ =	shalt  }
0x43: {  	_ =	shalt  }
0x44: {  	_ =	shalt  }
0x45: {  	_ =	shalt  }
0x46: {  	_ =	shalt  }
0x47: {  	_ =	shalt  }
0x48: {  	_ =	shalt  }
0x49: {  	_ =	shalt  }
0x4a: {  	_ =	shalt  }
0x4b: {  	_ =	shalt  }
0x4c: {  	_ =	shalt  }
0x4d: {  	_ =	shalt  }
0x4e: {  	_ =	shalt  }
0x4f: {  	_ =	shalt  }
0x50: {  	_ =	shalt  }
0x51: {  	_ =	shalt  }
0x52: {  	_ =	shalt  }
0x53: {  	_ =	shalt  }
0x54: {  	_ =	shalt  }
0x55: {  	_ =	shalt  }
0x56: {  	_ =	shalt  }
0x57: {  	_ =	shalt  }
0x58: {  	_ =	shalt  }
0x59: {  	_ =	shalt  }
0x5a: {  	_ =	shalt  }
0x5b: {  	_ =	shalt  }
0x5c: {  	_ =	shalt  }
0x5d: {  	_ =	shalt  }
0x5e: {  	_ =	shalt  }
0x5f: {  	_ =	shalt  }
0x60: {  	_ =	shalt  }
0x61: {  	_ =	shalt  }
0x62: {  	_ =	shalt  }
0x63: {  	_ =	shalt  }
0x64: {  	_ =	shalt  }
0x65: {  	_ =	shalt  }
0x66: {  	_ =	shalt  }
0x67: {  	_ =	shalt  }
0x68: {  	_ =	shalt  }
0x69: {  	_ =	shalt  }
0x6a: {  	_ =	shalt  }
0x6b: {  	_ =	shalt  }
0x6c: {  	_ =	shalt  }
0x6d: {  	_ =	shalt  }
0x6e: {  	_ =	shalt  }
0x6f: {  	_ =	shalt  }
0x70: {  	_ =	shalt  }
0x71: {  	_ =	shalt  }
0x72: {  	_ =	shalt  }
0x73: {  	_ =	shalt  }
0x74: {  	_ =	shalt  }
0x75: {  	_ =	shalt  }
0x76: {  	_ =	shalt  }
0x77: {  	_ =	shalt  }
0x78: {  	_ =	shalt  }
0x79: {  	_ =	shalt  }
0x7a: {  	_ =	shalt  }
0x7b: {  	_ =	shalt  }
0x7c: {  	_ =	shalt  }
0x7d: {  	_ =	shalt  }
0x7e: {  	_ =	shalt  }
0x7f: {  	_ =	shalt  }
0x80: {  	_ =	shalt  }
0x81: {  	_ =	shalt  }
0x82: {  	_ =	shalt  }
0x83: {  	_ =	shalt  }
0x84: {  	_ =	shalt  }
0x85: {  	_ =	shalt  }
0x86: {  	_ =	shalt  }
0x87: {  	_ =	shalt  }
.Lfunc_end0:
.L_simem_size_0:
called_computation_lowered:
.L_overlay_start_0:
0x88: {  	s2 =	sld [smem:$0x3FD9]  }
0x89: {  	s3 =	sld [smem:$0x3FFE];
	_ =	sdelay $0x1  }
0x8a: {  	s1 =	srdreg.scid  }
0x8b: {  	s0 =	sand.u32 $0x1, s1  }
0x8c: {  	s25 =	sshll.u32 s0, $0xA;
	s2 =	sadd.s32 s3, s2  }
0x8d: {  	s2 =	sadd.s32 s2, s25  }
0x8e: {  	[smem:$0x3FBF] =	sst s2  }
0x8f: {  	_ = 	snop  }
0x90: {  	s2 =	sld [smem:$0x3FC9]  }
0x91: {  	s3 =	sld [smem:$0x3FC8]  }
0x92: {  	s7 =	sld [smem:$0x3FD0]  }
0x93: {  	s4 =	sld [smem:$0x3FC7]  }
0x94: {  	s5 =	sld [smem:$0x3FC6]  }
0x95: {  	s14 =	simm.s32 $0xA;
	s8 =	simm.s32 $0x10;
	s6 =	sld [smem:$0x3FC5]  }
0x96: {  	[smem:s8], [sflag:s14] =	dma.local [hbm:s7], $0x1  }
0x97: {  	_ =	swait.eq [sflag:s14], $0x1  }
0x98: {  	s7 =	sld [smem:$0x10]  }
0x99: {  	s8 =	sld [smem:$0x11]  }
0x9a: {  	s9 =	sld [smem:$0x12]  }
0x9b: {  	s10 =	sld [smem:$0x13]  }
0x9c: {  	s11 =	sld [smem:$0x14]  }
0x9d: {  	s12 =	sld [smem:$0x15];
	[sflag:s14] =	ssyncset.done $0x0  }
0x9e: {  	s13 =	sld [smem:$0x16];
	[sflag:s14] =	ssyncadd.s32 $0xFFFFFFFF  }
0x9f: {  	s14 =	sld [smem:$0x17];
	(tm) =	ssettm $0x1  }
0xa0: {  	s15 =	sld [smem:$0x3FFB];
	_ =	sdelay $0x3  }
0xa1: {  	_ =	strace s15  }
0xa2: {  	s15 =	sld [smem:$0x3FFC];
	_ =	sdelay $0x3  }
0xa3: {  	_ =	strace s15  }
0xa4: {  	s15 =	sld [smem:$0x3FFD];
	_ =	sdelay $0x3  }
0xa5: {  	_ =	strace s15  }
0xa6: {  	_ =	strace $0x8FFFFFFF  }
0xa7: {  	s26 =	sld [smem:$0x3FDB];
	_ =	sdelay $0x1  }
0xa8: {  	s16 =	simm.s32 $_scs_section_size  }
0xa9: {  	s17 =	simm.s32 $_size__tile_task_arg_handler_lowered;
	s18 =	simm.s32 $_tile_task_arg_handler_lowered  }
0xaa: {  	s30 =	simm.s32 $0x1BFF;
	s29 =	sshll.u32 s18, $0x1;
	s16 =	sadd.s32 s16, s26  }
0xab: {  	s19 =	simm.s32 $0x60;
	s28 =	sshll.u32 s17, $0x1;
	s17 =	sadd.s32 s29, s16  }
0xac: {  	[timem:s19], [sflag:s30] =	dma.local [hbm:s17], s28  }
0xad: {  	_ =	swait.ge [sflag:s30], s28  }
0xae: {  	s31 =	simm.s32 $_tile_overlayer_lowered;
	s15 =	ssub.s32 $0x0, s28;
	[sflag:s30] =	ssyncset.done $0x0  }
0xaf: {  	s19 =	simm.s32 $_size__tile_overlayer_lowered;
	s17 =	sshll.u32 s31, $0x1;
	[sflag:s30] =	ssyncadd.s32 s15  }
0xb0: {  	s21 =	simm.s32 $0x0;
	s20 =	sshll.u32 s19, $0x1;
	s17 =	sadd.s32 s17, s16  }
0xb1: {  	[timem:s21], [sflag:s30] =	dma.local [hbm:s17], s20  }
0xb2: {  	_ =	swait.ge [sflag:s30], s20  }
0xb3: {  	s22 =	ssub.s32 $0x0, s20;
	[sflag:s30] =	ssyncset.done $0x0  }
0xb4: {  	[sflag:s30] =	ssyncadd.s32 s22;
	_ =	sdelay $0x1  }
0xb5: {  	s23 =	simm.s32 $0x1B8B  }
0xb6: {  	_ =	swait.ge [sflag:s23], $0x1  }
0xb7: {  	[sflag:s23] =	ssyncset.done $0x0  }
0xb8: {  	s25 =	simm.s32 $0x1B8E;
	s24 =	sld [smem:$0x3FFE];
	[sflag:s23] =	ssyncadd.s32 $0xFFFFFFFF  }
0xb9: {  	s26 =	simm.s32 $execute0_lowered;
	[smem:$0x3FD2] =	sst s25  }
0xba: {  	s18 =	sshll.u32 s26, $0x1;
	_ =	strace $0x80000046;
	[dreg:$0x1] =	wrdreg $0xFFFFFFFF  }
0xbb: {  	s16 =	sadd.s32 s16, s18;
	s28 =	simm.s32 $_size_execute0_lowered;
	[dreg:$0x0] =	wrdreg $0x0  }
0xbc: {  	s18 =	sshll.u32 s28, $0x1;
	[dreg:$0x2] =	wrdreg s16  }
0xbd: {  	[dreg:$0x3] =	wrdreg s18  }
0xbe: {  	[dreg:$0x4] =	wrdreg $0xC0  }
0xbf: {  	_ =	task [dreg:s21], $0x5FFFF  }
0xc0: {  	[dreg:$0x1] =	wrdreg $0xFFFFFFFF  }
0xc1: {  	[dreg:$0x0] =	wrdreg $0x30  }
0xc2: {  	[dreg:$0x2] =	wrdreg $0x0  }
0xc3: {  	[dreg:$0x3] =	wrdreg $0x9  }
0xc4: {  	_ =	task [dreg:s21], $0x4FFFF  }
0xc5: {  	[dreg:$0x1] =	wrdreg $0xFFFFFFFF  }
0xc6: {  	[dreg:$0x0] =	wrdreg $0x60  }
0xc7: {  	[dreg:$0x2] =	wrdreg s2  }
0xc8: {  	[dreg:$0x3] =	wrdreg s3  }
0xc9: {  	[dreg:$0x4] =	wrdreg s4  }
0xca: {  	[dreg:$0x5] =	wrdreg s5  }
0xcb: {  	[dreg:$0x6] =	wrdreg s6  }
0xcc: {  	[dreg:$0x7] =	wrdreg s24  }
0xcd: {  	[dreg:$0x8] =	wrdreg s7  }
0xce: {  	[dreg:$0x9] =	wrdreg s8  }
0xcf: {  	[dreg:$0xa] =	wrdreg s9  }
0xd0: {  	[dreg:$0xb] =	wrdreg s10  }
0xd1: {  	[dreg:$0xc] =	wrdreg s11  }
0xd2: {  	[dreg:$0xd] =	wrdreg s12  }
0xd3: {  	[dreg:$0xe] =	wrdreg s13  }
0xd4: {  	[dreg:$0xf] =	wrdreg s14  }
0xd5: {  	_ =	task.clear_ibuf [dreg:s21], $0x10FFFF;
	_ =	strace $0x90000046  }
0xd6: {  	s29 =	simm.s32 $0x9;
	_ =	strace $0x80000048  }
0xd7: {  	_ =	swait.ge [sflag:s29], $0x1  }
0xd8: {  	[sflag:s29] =	ssyncadd.s32 $0xFFFFFFFF  }
0xd9: {  	_ =	strace $0x90000048  }
0xda: {  	_ =	sfence  }
0xdb: {  	s30 =	sld [smem:$0x0];
	_ =	sdelay $0x2  }
0xdc: {  	s31 =	sshll.u32 s1, $0xD;
	s1 =	sshrl.u32 s1, $0x2  }
0xdd: {  	s3 =	sand.u32 $0x4000, s31;
	s1 =	sadd.s32 s1, s30  }
0xde: {  	s0 =	sor.u32 s3, s0;
	s1 =	sshll.u32 s1, $0x11  }
0xdf: {  	s0 =	sor.u32 s1, s0  }
0xe0: {  	s0 =	sadd.s32 $0x8F2B, s0  }
0xe1: {  	[sflag:s0] =	ssyncadd.remote.s32 $0x1  }
0xe2: {  	_ =	sfence.sel $0xFFFF  }
0xe3: {  	[dreg:$0x0] =	wrdreg $0xFFFFFFFF;
	(pc) =	sbr.abs _section_cstart, $3  }
0xe4: {  	[dreg:$0x1] =	wrdreg $0xFFFFFFFF  }
0xe5: {  	_ =	task.clear_ibuf [dreg:s21], $0x2FFFF;
	_ =	strace $0x9FFFFFFF  }
0xe6: {  	(tm) =	ssettm $0x7FFFFFFF  }
0xe7: {  	_ =	shalt  }
tec
_tile_task_arg_handler_lowered:
.L_overlay_start_1:
0x0: {  	(tag) =	ssettag $0x1  }
0x1: {  	s0 =	rddreg [dreg:$0x0]  }
0x2: {  	s1 =	rddreg [dreg:$0x1]  }
0x3: {  	s2 =	rddreg [dreg:$0x2]  }
0x4: {  	s3 =	rddreg [dreg:$0x3]  }
0x5: {  	s4 =	rddreg [dreg:$0x4]  }
0x6: {  	s5 =	rddreg [dreg:$0x5]  }
0x7: {  	s6 =	rddreg [dreg:$0x6]  }
0x8: {  	s7 =	rddreg [dreg:$0x7]  }
0x9: {  	s8 =	rddreg [dreg:$0x8]  }
0xa: {  	s9 =	rddreg [dreg:$0x9]  }
0xb: {  	s10 =	rddreg [dreg:$0xa]  }
0xc: {  	s11 =	rddreg [dreg:$0xb]  }
0xd: {  	s12 =	rddreg [dreg:$0xc]  }
0xe: {  	s13 =	rddreg [dreg:$0xd]  }
0xf: {  	[smem:s0] =	sst s1  }
0x10: {  	[smem:s0+$0x1] =	sst s2  }
0x11: {  	[smem:s0+$0x2] =	sst s3  }
0x12: {  	[smem:s0+$0x3] =	sst s4  }
0x13: {  	[smem:s0+$0x4] =	sst s5  }
0x14: {  	[smem:s0+$0x5] =	sst s6  }
0x15: {  	[smem:s0+$0x6] =	sst s7  }
0x16: {  	[smem:s0+$0x7] =	sst s8  }
0x17: {  	[smem:s0+$0x8] =	sst s9  }
0x18: {  	[smem:s0+$0x9] =	sst s10  }
0x19: {  	[smem:s0+$0xA] =	sst s11  }
0x1a: {  	[smem:s0+$0xB] =	sst s12  }
0x1b: {  	[smem:s0+$0xC] =	sst s13;
	_ =	shalt  }
.Lfunc_end2:
execute0_lowered:
.L_overlay_start_2:
0x1c: {  	(tag) =	ssettag $0x2  }
0x1d: {  	s0 =	rddreg [dreg:$0x0]  }
0x1e: {  	s3 =	rddreg [dreg:$0x1]  }
0x1f: {  	s4 =	rddreg [dreg:$0x2]  }
0x20: {  	s5 =	rddreg [dreg:$0x3]  }
0x21: {  	s6 =	rddreg [dreg:$0x4]  }
0x22: {  	s7 =	rddreg [dreg:$0x5]  }
0x23: {  	s8 =	rddreg [dreg:$0x6]  }
0x24: {  	s9 =	rddreg [dreg:$0x7]  }
0x25: {  	s10 =	rddreg [dreg:$0x8]  }
0x26: {  	s11 =	rddreg [dreg:$0x9]  }
0x27: {  	s12 =	rddreg [dreg:$0xa]  }
0x28: {  	s13 =	rddreg [dreg:$0xb];
	s2 =	simm.s32 $0x0  }
0x29: {  	s1 =	srdreg.scid;
	[smem:$0x7FF] =	sst s2  }
0x2a: {  	s17 =	stileid.u32;
	s16 =	sand.u32 $0x1, s1;
	s26 =	sld [smem:$0x0]  }
0x2b: {  	s14 =	rddreg [dreg:$0xc];
	s17 =	sshll.u32 s17, $0x7;
	s18 =	sshll.u32 s16, $0x6  }
0x2c: {  	s15 =	rddreg [dreg:$0xd];
	s17 =	sor.u32 s18, s17  }
0x2d: {  	s0 =	sadd.s32 s0, s17;
	[smem:$0x7FA] =	sst s26  }
0x2e: {  	s3 =	sadd.s32 s3, s17;
	_ =	strace $0x80000047;
	[dreg:$0xe] =	wrdreg s0  }
0x2f: {  	s4 =	sadd.s32 s4, s17;
	[dreg:$0xf] =	wrdreg s3  }
0x30: {  	s5 =	sadd.s32 s5, s17;
	[dreg:$0x10] =	wrdreg s4  }
0x31: {  	s20 =	simm.s32 $0x400;
	s6 =	sadd.s32 s6, s17;
	[dreg:$0x11] =	wrdreg s5  }
0x32: {  	s21 =	simm.s32 $0x600;
	s8 =	sadd.s32 s8, s17;
	[dreg:$0x12] =	wrdreg s6  }
0x33: {  	s22 =	simm.s32 $0x800;
	s9 =	sadd.s32 s9, s17;
	[dreg:$0x13] =	wrdreg s8  }
0x34: {  	s23 =	simm.s32 $0xE00;
	s10 =	sadd.s32 s10, s17;
	[dreg:$0x14] =	wrdreg s9  }
0x35: {  	s24 =	simm.s32 $0xC80;
	s11 =	sadd.s32 s11, s17;
	[dreg:$0x15] =	wrdreg s10  }
0x36: {  	s25 =	simm.s32 $0xE80;
	s12 =	sadd.s32 s12, s17;
	[dreg:$0x16] =	wrdreg s11  }
0x37: {  	s28 =	simm.s32 $0x1400;
	s13 =	sadd.s32 s13, s17;
	[dreg:$0x17] =	wrdreg s12  }
0x38: {  	s29 =	simm.s32 $0x1600;
	s14 =	sadd.s32 s14, s17;
	[dreg:$0x18] =	wrdreg s13  }
0x39: {  	s30 =	simm.s32 $0x1800;
	s15 =	sadd.s32 s15, s17;
	[dreg:$0x19] =	wrdreg s14  }
0x3a: {  	s31 =	simm.s32 $0x1A00;
	s18 =	simm.s32 $0x200;
	[dreg:$0x1a] =	wrdreg s15  }
0x3b: {  	s17 =	ssub.s32 $0x2, s16;
	s16 =	simm.s32 $0xB00;
	[dreg:$0x1b] =	wrdreg s18  }
0x3c: {  	s19 =	sshrl.u32 s17, $0x1;
	s26 =	simm.s32 $0x1080;
	[dreg:$0x1c] =	wrdreg s20  }
0x3d: {  	s3 =	sadd.s32 $0x800, s7;
	s4 =	sadd.s32 $0x145800, s7;
	[dreg:$0x1d] =	wrdreg s21  }
0x3e: {  	s5 =	sadd.s32 $0x28A800, s7;
	s6 =	sadd.s32 $0x3CF800, s7;
	[dreg:$0x1e] =	wrdreg s22  }
0x3f: {  	s7 =	ssub.s32 s17, s19;
	s8 =	simm.s32 $0x2;
	[dreg:$0x1f] =	wrdreg s23  }
0x40: {  	s9 =	simm.s32 $0x80;
	s10 =	simm.s32 $0xA00;
	[smem:$0x7FB] =	sst s24  }
0x41: {  	s11 =	simm.s32 $0xC00;
	s12 =	simm.s32 $0x1000;
	[smem:$0x7FC] =	sst s25  }
0x42: {  	s13 =	simm.s32 $0x1200;
	s14 =	simm.s32 $0xA80;
	[smem:$0x7FD] =	sst s26  }
0x43: {  	s17 =	simm.s32 $0xD00;
	s18 =	simm.s32 $0xF00;
	s19 =	simm.s32 $0x1100  }
0x44: {  	s20 =	simm.s32 $0x1300;
	s21 =	simm.s32 $0xB80;
	s22 =	simm.s32 $0xD80  }
0x45: {  	s23 =	simm.s32 $0xF80;
	s24 =	simm.s32 $0x1180;
	s25 =	simm.s32 $0x1380  }
0x46: {  	s26 =	simm.s32 $0x1;
	s0 =	simm.s32 $0x1C00;
	s7 =	smax.u32 s7, $0x1  }
.LBB3_1:
0x47: {  	s1 =	rddreg [dreg:$0xe]  }
0x48: {  	[tilespmem:s2], [sflag:$0x2] =	stream.linear.gather [hbm4b:s1+s2], $0x200, $0x38;
	[tilespmem:$0x1E00] =	vst v63  }
0x49: {  	_ =	swait.ge [sflag:s8], $0x200  }
0x4a: {  	s1 =	rddreg [dreg:$0xf];
	[sflag:s8] =	ssyncset.done $0x0  }
0x4b: {  	s15 =	rddreg [dreg:$0x1b];
	[sflag:s8] =	ssyncadd.s32 $0xFFFFFE00  }
0x4c: {  	[tilespmem:s15], [sflag:$0x2] =	stream.linear.gather [hbm4b:s1+s2], $0x200, $0x38;
	[tilespmem:$0x1E00] =	vst v63  }
0x4d: {  	_ =	swait.ge [sflag:s8], $0x200  }
0x4e: {  	s1 =	rddreg [dreg:$0x10];
	[sflag:s8] =	ssyncset.done $0x0  }
0x4f: {  	s15 =	rddreg [dreg:$0x1c];
	[sflag:s8] =	ssyncadd.s32 $0xFFFFFE00  }
0x50: {  	[tilespmem:s15], [sflag:$0x2] =	stream.linear.gather [hbm4b:s1+s2], $0x200, $0x38;
	[tilespmem:$0x1E00] =	vst v63  }
0x51: {  	_ =	swait.ge [sflag:s8], $0x200  }
0x52: {  	s1 =	rddreg [dreg:$0x11];
	[sflag:s8] =	ssyncset.done $0x0  }
0x53: {  	s15 =	rddreg [dreg:$0x1d];
	[sflag:s8] =	ssyncadd.s32 $0xFFFFFE00  }
0x54: {  	[tilespmem:s15], [sflag:$0x2] =	stream.linear.gather [hbm4b:s1+s2], $0x200, $0x38;
	[tilespmem:$0x1E00] =	vst v63  }
0x55: {  	_ =	swait.ge [sflag:s8], $0x200  }
0x56: {  	s1 =	rddreg [dreg:$0x12];
	[sflag:s8] =	ssyncset.done $0x0  }
0x57: {  	s15 =	rddreg [dreg:$0x1e];
	[sflag:s8] =	ssyncadd.s32 $0xFFFFFE00  }
0x58: {  	[tilespmem:s15], [sflag:$0x2] =	stream.linear.gather [hbm4b:s1+s2], $0x200, $0x38;
	[tilespmem:$0x1E00] =	vst v63  }
0x59: {  	_ =	swait.ge [sflag:s8], $0x200  }
0x5a: {  	[sflag:s8] =	ssyncset.done $0x0  }
0x5b: {  	[sflag:s8] =	ssyncadd.s32 $0xFFFFFE00  }
0x5c: {  	v0 =	vld [tilespmem:$0x200]  }
0x5d: {  	v1 =	vld [tilespmem:$0x400]  }
0x5e: {  	v2 =	vld [tilespmem:$0x0]  }
0x5f: {  	v3 =	vld [tilespmem:$0x210]  }
0x60: {  	v4 =	vld [tilespmem:$0x410]  }
0x61: {  	v7 =	vld [tilespmem:$0x10]  }
0x62: {  	v43 =	vld [tilespmem:$0x220]  }
0x63: {  	v9 =	vld [tilespmem:$0x420]  }
0x64: {  	v45 =	vld [tilespmem:$0x20]  }
0x65: {  	v10 =	vld [tilespmem:$0x430]  }
0x66: {  	v54 =	vld [tilespmem:$0x30]  }
0x67: {  	v57 =	vld [tilespmem:$0x240]  }
0x68: {  	v11 =	vld [tilespmem:$0x440]  }
0x69: {  	v61 =	vld [tilespmem:$0x40]  }
0x6a: {  	v12 =	vld [tilespmem:$0x450];
	v0 =	vmul.u32 $0x1A000, v0;
	v5 =	vshll.u32 v1, $0xA  }
0x6b: {  	v23 =	vld [tilespmem:$0x50];
	v6 =	vshll.u32 v2, $0x3;
	v1 =	vshll.u32 v1, $0x7;
	v2 =	vand.u32 $0x7F, v2  }
0x6c: {  	v26 =	vld [tilespmem:$0x260];
	v3 =	vmul.u32 $0x1A000, v3;
	v8 =	vshll.u32 v4, $0xA;
	v4 =	vshll.u32 v4, $0x7  }
0x6d: {  	v13 =	vld [tilespmem:$0x460];
	v48 =	vshll.u32 v7, $0x3;
	v7 =	vand.u32 $0x7F, v7;
	v50 =	vmul.u32 $0x1A000, v43  }
0x6e: {  	v30 =	vld [tilespmem:$0x60];
	v51 =	vshll.u32 v9, $0xA;
	v52 =	vshll.u32 v45, $0x3;
	v53 =	vshll.u32 v9, $0x7  }
0x6f: {  	v34 =	vld [tilespmem:$0x470];
	v58 =	vshll.u32 v10, $0xA;
	v60 =	vshll.u32 v10, $0x7;
	v16 =	vshll.u32 v54, $0x3  }
0x70: {  	v40 =	vld [tilespmem:$0x70];
	v19 =	vmul.u32 $0x1A000, v57;
	v20 =	vshll.u32 v11, $0xA;
	v21 =	vshll.u32 v61, $0x3  }
0x71: {  	v22 =	vshll.u32 v11, $0x7;
	v10 =	vand.u32 $0x7F, v61;
	v27 =	vshll.u32 v12, $0xA  }
0x72: {  	v29 =	vshll.u32 v12, $0x7;
	v33 =	vshll.u32 v23, $0x3;
	v9 =	vand.u32 $0x7F, v23  }
0x73: {  	v36 =	vmul.u32 $0x1A000, v26;
	v37 =	vshll.u32 v13, $0xA;
	v38 =	vshll.u32 v30, $0x3  }
0x74: {  	v39 =	vshll.u32 v13, $0x7;
	v12 =	vand.u32 $0x7F, v30;
	v14 =	vshll.u32 v34, $0xA  }
0x75: {  	v13 =	vand.u32 $0x7F, v40;
	v5 =	vand.u32 $0xFFFFE000, v5;
	v42 =	vand.u32 $0xFFFFFC00, v6  }
0x76: {  	v15 =	vld [tilespmem:$0x480];
	v1 =	vand.u32 $0x380, v1;
	v44 =	vand.u32 $0xFFFFE000, v8;
	v46 =	vand.u32 $0x380, v4  }
0x77: {  	v49 =	vand.u32 $0xFFFFFC00, v48;
	v4 =	vand.u32 $0xFFFFE000, v51;
	v55 =	vand.u32 $0xFFFFFC00, v52  }
0x78: {  	v47 =	vld [tilespmem:$0x230];
	v56 =	vand.u32 $0x380, v53;
	v8 =	vand.u32 $0x7F, v45;
	v59 =	vand.u32 $0xFFFFE000, v58  }
0x79: {  	v62 =	vand.u32 $0x380, v60;
	v17 =	vand.u32 $0xFFFFFC00, v16;
	v24 =	vand.u32 $0xFFFFFC00, v21  }
0x7a: {  	v25 =	vand.u32 $0x380, v22;
	v28 =	vand.u32 $0xFFFFE000, v27;
	v31 =	vand.u32 $0x380, v29  }
0x7b: {  	v43 =	vld [tilespmem:$0x280];
	v35 =	vand.u32 $0xFFFFFC00, v33;
	v41 =	vand.u32 $0xFFFFFC00, v38;
	v51 =	vshll.u32 v15, $0xA  }
0x7c: {  	v45 =	vld [tilespmem:$0x80];
	v53 =	vshll.u32 v15, $0x7;
	v0 =	vadd.s32 v0, v5;
	v11 =	vand.u32 $0xFFFFE000, v51  }
0x7d: {  	v48 =	vld [tilespmem:$0x490];
	v0 =	vor.u32 v1, v0;
	v1 =	vadd.s32 v3, v44;
	v3 =	vmul.u32 $0x1A000, v47  }
0x7e: {  	v38 =	vld [tilespmem:$0xD0];
	v44 =	vand.u32 $0xFFFFE000, v14;
	v0 =	vor.u32 v2, v0;
	v2 =	vor.u32 v46, v1  }
0x7f: {  	v47 =	vshll.u32 v40, $0x3;
	v1 =	vadd.s32 v42, v0;
	v2 =	vor.u32 v7, v2  }
0x80: {  	v3 =	vadd.s32 v3, v59;
	v7 =	vand.u32 $0x7F, v54;
	v42 =	vand.u32 $0x380, v39  }
0x81: {  	v63 =	vld [tilespmem:$0x250];
	v0 =	vadd.s32 v49, v2;
	v2 =	vadd.s32 v50, v4;
	v5 =	vor.u32 v62, v3  }
0x82: {  	v57 =	vld [tilespmem:$0x2A0];
	v49 =	vand.u32 $0xFFFFFC00, v47;
	v50 =	vmul.u32 $0x1A000, v43;
	v52 =	vshll.u32 v45, $0x3  }
0x83: {  	v32 =	vld [tilespmem:$0x270];
	v14 =	vand.u32 $0x7F, v45;
	v16 =	vshll.u32 v48, $0xA;
	v45 =	vshll.u32 v38, $0x3  }
0x84: {  	v54 =	vld [tilespmem:$0x90];
	v2 =	vor.u32 v56, v2;
	v18 =	vor.u32 v7, v5;
	v5 =	vand.u32 $0xFFFFE000, v20  }
0x85: {  	v59 =	vld [tilespmem:$0xA0];
	v7 =	vand.u32 $0xFFFFE000, v37;
	v56 =	vand.u32 $0x380, v53;
	v58 =	vand.u32 $0xFFFFE000, v16  }
0x86: {  	v2 =	vor.u32 v8, v2;
	v4 =	vadd.s32 v19, v5;
	v8 =	vmul.u32 $0x1A000, v63  }
0x87: {  	v63 =	vmul.u32 $0x1A000, v57;
	v3 =	vadd.s32 v55, v2;
	v4 =	vor.u32 v25, v4  }
0x88: {  	v21 =	vld [tilespmem:$0xB0];
	v2 =	vadd.s32 v17, v18;
	v55 =	vand.u32 $0xFFFFFC00, v52;
	v4 =	vor.u32 v10, v4  }
0x89: {  	v46 =	vld [tilespmem:$0x290];
	v6 =	vadd.s32 v8, v28;
	v10 =	vmul.u32 $0x1A000, v32;
	v8 =	vshll.u32 v34, $0x7  }
0x8a: {  	v61 =	vshll.u32 v54, $0x3;
	v15 =	vand.u32 $0x7F, v54;
	v19 =	vshll.u32 v59, $0x3  }
0x8b: {  	v16 =	vand.u32 $0x7F, v59;
	v6 =	vor.u32 v31, v6;
	v5 =	vadd.s32 v24, v4  }
0x8c: {  	v17 =	vld [tilespmem:$0x4A0];
	v8 =	vand.u32 $0x380, v8;
	v62 =	vand.u32 $0xFFFFFC00, v61;
	v22 =	vand.u32 $0xFFFFFC00, v19  }
0x8d: {  	v18 =	vld [tilespmem:$0x4B0];
	v31 =	vshll.u32 v21, $0x3;
	v6 =	vor.u32 v9, v6;
	v9 =	vadd.s32 v10, v44  }
0x8e: {  	v60 =	vld [tilespmem:$0x2B0];
	v10 =	vmul.u32 $0x1A000, v46;
	v33 =	vand.u32 $0xFFFFFC00, v31;
	v46 =	vand.u32 $0xFFFFFC00, v45  }
0x8f: {  	v28 =	vld [tilespmem:$0xC0];
	v4 =	vadd.s32 v35, v6;
	v6 =	vadd.s32 v36, v7;
	v8 =	vor.u32 v8, v9  }
0x90: {  	v32 =	vld [tilespmem:$0x4D0];
	v9 =	vshll.u32 v48, $0x7;
	v6 =	vor.u32 v42, v6;
	v8 =	vor.u32 v13, v8  }
0x91: {  	v10 =	vadd.s32 v10, v58;
	v9 =	vand.u32 $0x380, v9;
	v20 =	vshll.u32 v17, $0x7  }
0x92: {  	v24 =	vld [tilespmem:$0x2C0];
	v25 =	vshll.u32 v18, $0xA;
	v27 =	vshll.u32 v18, $0x7;
	v6 =	vor.u32 v12, v6  }
0x93: {  	v19 =	vld [tilespmem:$0x4C0];
	v10 =	vor.u32 v9, v10;
	v23 =	vand.u32 $0x380, v20;
	v12 =	vmul.u32 $0x1A000, v60  }
0x94: {  	v26 =	vand.u32 $0xFFFFE000, v25;
	v29 =	vand.u32 $0x380, v27;
	v36 =	vshll.u32 v28, $0x3  }
0x95: {  	v43 =	vld [tilespmem:$0xE0];
	v18 =	vand.u32 $0x7F, v28;
	v20 =	vshll.u32 v32, $0xA;
	v13 =	vshll.u32 v32, $0x7  }
0x96: {  	v7 =	vadd.s32 v41, v6;
	v6 =	vadd.s32 v49, v8;
	v8 =	vadd.s32 v50, v11  }
0x97: {  	v31 =	vld [tilespmem:$0x110];
	v10 =	vor.u32 v15, v10;
	v15 =	vshll.u32 v17, $0xA;
	v34 =	vmul.u32 $0x1A000, v24  }
0x98: {  	v30 =	vld [tilespmem:$0x2D0];
	v35 =	vshll.u32 v19, $0xA;
	v37 =	vshll.u32 v19, $0x7;
	v39 =	vand.u32 $0xFFFFFC00, v36  }
0x99: {  	v59 =	vld [tilespmem:$0x100];
	v42 =	vand.u32 $0xFFFFE000, v20;
	v13 =	vand.u32 $0x380, v13;
	v19 =	vand.u32 $0x7F, v38  }
0x9a: {  	v52 =	vld [tilespmem:$0xF0];
	v50 =	vshll.u32 v43, $0x3;
	v20 =	vand.u32 $0x7F, v43;
	v8 =	vor.u32 v56, v8  }
0x9b: {  	v44 =	vld [tilespmem:$0x2F0];
	v11 =	vand.u32 $0xFFFFE000, v15;
	v12 =	vadd.s32 v12, v26;
	v15 =	vand.u32 $0x7F, v21  }
0x9c: {  	v41 =	vld [tilespmem:$0x2E0];
	v40 =	vand.u32 $0x380, v37;
	v53 =	vand.u32 $0xFFFFFC00, v50;
	v38 =	vshll.u32 v31, $0x3  }
0x9d: {  	v36 =	vld [tilespmem:$0x120];
	v8 =	vor.u32 v14, v8;
	v12 =	vor.u32 v29, v12;
	v14 =	vand.u32 $0xFFFFE000, v35  }
0x9e: {  	v21 =	vld [tilespmem:$0x4E0];
	v29 =	vshll.u32 v59, $0x3;
	v9 =	vadd.s32 v55, v8;
	v8 =	vadd.s32 v62, v10  }
0x9f: {  	v45 =	vld [tilespmem:$0x130];
	v10 =	vadd.s32 v63, v11;
	v12 =	vor.u32 v15, v12;
	v62 =	vshll.u32 v52, $0x3  }
0xa0: {  	v25 =	vld [tilespmem:$0x520];
	v32 =	vand.u32 $0xFFFFFC00, v29;
	v10 =	vor.u32 v23, v10;
	v26 =	vand.u32 $0xFFFFFC00, v62  }
0xa1: {  	v55 =	vld [tilespmem:$0x300];
	v10 =	vor.u32 v16, v10;
	v16 =	vmul.u32 $0x1A000, v30;
	v48 =	vmul.u32 $0x1A000, v41  }
0xa2: {  	v63 =	vld [tilespmem:$0x510];
	v43 =	vshll.u32 v36, $0x3;
	v11 =	vadd.s32 v22, v10;
	v10 =	vadd.s32 v33, v12  }
0xa3: {  	v12 =	vadd.s32 v34, v14;
	v49 =	vshll.u32 v21, $0xA;
	v51 =	vshll.u32 v21, $0x7  }
0xa4: {  	v23 =	vld [tilespmem:$0x500];
	v12 =	vor.u32 v40, v12;
	v15 =	vadd.s32 v16, v42;
	v54 =	vand.u32 $0x380, v51  }
0xa5: {  	v16 =	vmul.u32 $0x1A000, v44;
	v42 =	vshll.u32 v25, $0xA;
	v44 =	vshll.u32 v25, $0x7  }
0xa6: {  	v12 =	vor.u32 v18, v12;
	v15 =	vor.u32 v13, v15;
	v27 =	vmul.u32 $0x1A000, v55  }
0xa7: {  	v61 =	vld [tilespmem:$0x310];
	v24 =	vshll.u32 v63, $0xA;
	v17 =	vshll.u32 v63, $0x7;
	v55 =	vshll.u32 v45, $0x3  }
0xa8: {  	v29 =	vld [tilespmem:$0x560];
	v13 =	vadd.s32 v39, v12;
	v47 =	vor.u32 v19, v15;
	v15 =	vand.u32 $0xFFFFE000, v49  }
0xa9: {  	v22 =	vld [tilespmem:$0x4F0];
	v19 =	vand.u32 $0x7F, v52;
	v28 =	vshll.u32 v23, $0xA;
	v30 =	vshll.u32 v23, $0x7  }
0xaa: {  	v34 =	vld [tilespmem:$0x320];
	v35 =	vand.u32 $0xFFFFE000, v24;
	v17 =	vand.u32 $0x380, v17;
	v23 =	vand.u32 $0x7F, v31  }
0xab: {  	v37 =	vld [tilespmem:$0x330];
	v39 =	vand.u32 $0xFFFFFC00, v38;
	v24 =	vand.u32 $0x7F, v36;
	v12 =	vadd.s32 v46, v47  }
0xac: {  	v62 =	vld [tilespmem:$0x150];
	v14 =	vadd.s32 v48, v15;
	v18 =	vand.u32 $0xFFFFE000, v28;
	v33 =	vand.u32 $0x380, v30  }
0xad: {  	v52 =	vld [tilespmem:$0x140];
	v46 =	vand.u32 $0xFFFFFC00, v43;
	v47 =	vand.u32 $0x380, v44;
	v43 =	vshll.u32 v29, $0x7  }
0xae: {  	v48 =	vld [tilespmem:$0x340];
	v56 =	vshll.u32 v22, $0xA;
	v14 =	vor.u32 v54, v14;
	v58 =	vshll.u32 v22, $0x7  }
0xaf: {  	v30 =	vld [tilespmem:$0x570];
	v22 =	vand.u32 $0x7F, v59;
	v41 =	vmul.u32 $0x1A000, v34;
	v57 =	vand.u32 $0xFFFFE000, v56  }
0xb0: {  	v31 =	vld [tilespmem:$0x580];
	v14 =	vor.u32 v20, v14;
	v60 =	vand.u32 $0x380, v58;
	v16 =	vadd.s32 v16, v57  }
0xb1: {  	v20 =	vmul.u32 $0x1A000, v61;
	v15 =	vadd.s32 v53, v14;
	v16 =	vor.u32 v60, v16  }
0xb2: {  	v57 =	vand.u32 $0xFFFFFC00, v55;
	v60 =	vshll.u32 v52, $0x3;
	v16 =	vor.u32 v19, v16  }
0xb3: {  	v56 =	vld [tilespmem:$0x550];
	v19 =	vadd.s32 v20, v35;
	v20 =	vmul.u32 $0x1A000, v37;
	v58 =	vmul.u32 $0x1A000, v48  }
0xb4: {  	v44 =	vld [tilespmem:$0x170];
	v63 =	vand.u32 $0xFFFFFC00, v60;
	v37 =	vshll.u32 v62, $0x3;
	v48 =	vshll.u32 v30, $0xA  }
0xb5: {  	v55 =	vld [tilespmem:$0x590];
	v60 =	vshll.u32 v31, $0x7;
	v14 =	vadd.s32 v26, v16;
	v16 =	vadd.s32 v27, v18  }
0xb6: {  	v54 =	vld [tilespmem:$0x350];
	v19 =	vor.u32 v17, v19;
	v38 =	vand.u32 $0xFFFFFC00, v37;
	v16 =	vor.u32 v33, v16  }
0xb7: {  	v35 =	vld [tilespmem:$0x160];
	v40 =	vor.u32 v23, v19;
	v19 =	vand.u32 $0xFFFFE000, v42;
	v23 =	vand.u32 $0x7F, v45  }
0xb8: {  	v26 =	vld [tilespmem:$0x530];
	v28 =	vshll.u32 v56, $0xA;
	v21 =	vshll.u32 v56, $0x7;
	v16 =	vor.u32 v22, v16  }
0xb9: {  	v27 =	vld [tilespmem:$0x540];
	v18 =	vadd.s32 v41, v19;
	v34 =	vand.u32 $0xFFFFE000, v28;
	v21 =	vand.u32 $0x380, v21  }
0xba: {  	v41 =	vshll.u32 v29, $0xA;
	v25 =	vshll.u32 v55, $0x7;
	v18 =	vor.u32 v47, v18  }
0xbb: {  	v17 =	vadd.s32 v32, v16;
	v16 =	vadd.s32 v39, v40;
	v18 =	vor.u32 v24, v18  }
0xbc: {  	v24 =	vmul.u32 $0x1A000, v54;
	v42 =	vshll.u32 v35, $0x3;
	v28 =	vand.u32 $0x7F, v35  }
0xbd: {  	v33 =	vld [tilespmem:$0x360];
	v54 =	vshll.u32 v44, $0x3;
	v49 =	vshll.u32 v26, $0xA;
	v51 =	vshll.u32 v26, $0x7  }
0xbe: {  	v37 =	vld [tilespmem:$0x5A0];
	v19 =	vadd.s32 v46, v18;
	v59 =	vshll.u32 v27, $0xA;
	v61 =	vshll.u32 v27, $0x7  }
0xbf: {  	v26 =	vand.u32 $0x7F, v52;
	v27 =	vand.u32 $0x7F, v62;
	v45 =	vand.u32 $0xFFFFFC00, v42  }
0xc0: {  	v29 =	vld [tilespmem:$0x5E0];
	v46 =	vand.u32 $0x380, v43;
	v56 =	vand.u32 $0xFFFFFC00, v54;
	v50 =	vand.u32 $0xFFFFE000, v49  }
0xc1: {  	v36 =	vld [tilespmem:$0x370];
	v53 =	vand.u32 $0x380, v51;
	v22 =	vand.u32 $0xFFFFE000, v59;
	v32 =	vand.u32 $0x380, v61  }
0xc2: {  	v47 =	vld [tilespmem:$0x380];
	v40 =	vmul.u32 $0x1A000, v33;
	v49 =	vand.u32 $0xFFFFE000, v48;
	v33 =	vand.u32 $0x380, v60  }
0xc3: {  	v42 =	vld [tilespmem:$0x3B0];
	v48 =	vshll.u32 v37, $0xA;
	v20 =	vadd.s32 v20, v50;
	v50 =	vshll.u32 v30, $0x7  }
0xc4: {  	[tilespmem:$0xA40] =	vst v5;
	v54 =	vld [tilespmem:$0x3C0];
	v5 =	vand.u32 $0xFFFFE000, v48;
	v20 =	vor.u32 v53, v20;
	v52 =	vand.u32 $0x380, v50  }
0xc5: {  	v51 =	vld [tilespmem:$0x180];
	v50 =	vshll.u32 v37, $0x7;
	v37 =	vshll.u32 v29, $0xA;
	v20 =	vor.u32 v23, v20  }
0xc6: {  	v61 =	vld [tilespmem:$0x190];
	v23 =	vadd.s32 v24, v34;
	v24 =	vmul.u32 $0x1A000, v36;
	v36 =	vshll.u32 v55, $0xA  }
0xc7: {  	v60 =	vld [tilespmem:$0x3D0];
	v18 =	vadd.s32 v57, v20;
	v20 =	vadd.s32 v58, v22;
	v23 =	vor.u32 v21, v23  }
0xc8: {  	[tilespmem:$0xA20] =	vst v3;
	v57 =	vmul.u32 $0x1A000, v47;
	v58 =	vshll.u32 v31, $0xA;
	v3 =	vmul.u32 $0x1A000, v42  }
0xc9: {  	[tilespmem:$0xAD0] =	vst v12;
	v12 =	vmul.u32 $0x1A000, v54;
	v20 =	vor.u32 v32, v20;
	v39 =	vor.u32 v27, v23  }
0xca: {  	v23 =	vand.u32 $0xFFFFE000, v41;
	v24 =	vadd.s32 v24, v49;
	v27 =	vand.u32 $0x7F, v44  }
0xcb: {  	v59 =	vshll.u32 v51, $0x3;
	v35 =	vand.u32 $0x7F, v51;
	v41 =	vand.u32 $0x380, v25  }
0xcc: {  	[tilespmem:$0xA70] =	vst v6;
	v53 =	vld [tilespmem:$0x390];
	v43 =	vshll.u32 v61, $0x3;
	v44 =	vand.u32 $0x7F, v61;
	v6 =	vmul.u32 $0x1A000, v60  }
0xcd: {  	v34 =	vld [tilespmem:$0x3A0];
	v20 =	vor.u32 v26, v20;
	v22 =	vadd.s32 v40, v23;
	v24 =	vor.u32 v52, v24  }
0xce: {  	v31 =	vld [tilespmem:$0x1E0];
	v26 =	vand.u32 $0xFFFFE000, v58;
	v21 =	vadd.s32 v63, v20;
	v20 =	vadd.s32 v38, v39  }
0xcf: {  	v51 =	vld [tilespmem:$0x1B0];
	v22 =	vor.u32 v46, v22;
	v24 =	vor.u32 v27, v24;
	v62 =	vadd.s32 v57, v26  }
0xd0: {  	[tilespmem:$0xA00] =	vst v1;
	v32 =	vld [tilespmem:$0x3F0];
	v63 =	vand.u32 $0xFFFFFC00, v59;
	v38 =	vand.u32 $0xFFFFE000, v36;
	v46 =	vand.u32 $0xFFFFFC00, v43  }
0xd1: {  	[tilespmem:$0xA10] =	vst v0;
	v39 =	vld [tilespmem:$0x1A0];
	v22 =	vor.u32 v28, v22;
	v23 =	vadd.s32 v56, v24;
	v28 =	vmul.u32 $0x1A000, v53  }
0xd2: {  	[tilespmem:$0xA30] =	vst v2;
	v57 =	vld [tilespmem:$0x5C0];
	v1 =	vor.u32 v33, v62;
	v47 =	vmul.u32 $0x1A000, v34;
	v53 =	vand.u32 $0x380, v50  }
0xd3: {  	[tilespmem:$0xA50] =	vst v4;
	v59 =	vld [tilespmem:$0x1C0];
	v22 =	vadd.s32 v45, v22;
	v0 =	vor.u32 v35, v1;
	v40 =	vadd.s32 v28, v38  }
0xd4: {  	[tilespmem:$0xA80] =	vst v9;
	v27 =	vld [tilespmem:$0x3E0];
	v0 =	vadd.s32 v63, v0;
	v4 =	vadd.s32 v47, v5;
	v61 =	vshll.u32 v51, $0x3  }
0xd5: {  	[tilespmem:$0xA90] =	vst v8;
	v62 =	vand.u32 $0x7F, v51;
	v38 =	vshll.u32 v31, $0x3;
	v8 =	vmul.u32 $0x1A000, v32  }
0xd6: {  	[tilespmem:$0xAA0] =	vst v11;
	v1 =	vor.u32 v41, v40;
	v4 =	vor.u32 v53, v4;
	v11 =	vand.u32 $0xFFFFFC00, v61  }
0xd7: {  	[tilespmem:$0xAC0] =	vst v13;
	v24 =	vld [tilespmem:$0x1D0];
	v42 =	vand.u32 $0xFFFFFC00, v38;
	v1 =	vor.u32 v44, v1;
	v49 =	vshll.u32 v39, $0x3  }
0xd8: {  	[tilespmem:$0xAF0] =	vst v14;
	v45 =	vld [tilespmem:$0x5B0];
	v55 =	vand.u32 $0x7F, v39;
	v13 =	vshll.u32 v57, $0xA;
	v14 =	vshll.u32 v59, $0x3  }
0xd9: {  	[tilespmem:$0xAE0] =	vst v15;
	v15 =	vshll.u32 v57, $0x7;
	v9 =	vand.u32 $0x7F, v59;
	v36 =	vmul.u32 $0x1A000, v27  }
0xda: {  	[tilespmem:$0xA60] =	vst v7;
	v34 =	vld [tilespmem:$0x5F0];
	v39 =	vshll.u32 v29, $0x7;
	v44 =	vand.u32 $0x7F, v31;
	v1 =	vadd.s32 v46, v1  }
0xdb: {  	[tilespmem:$0xAB0] =	vst v10;
	v63 =	vld [tilespmem:$0x5D0];
	v52 =	vand.u32 $0xFFFFFC00, v49;
	v4 =	vor.u32 v55, v4;
	v7 =	vand.u32 $0xFFFFE000, v13  }
0xdc: {  	[tilespmem:$0xB00] =	vst v17;
	v25 =	vand.u32 $0xFFFFFC00, v14;
	v26 =	vand.u32 $0x380, v15;
	v33 =	vshll.u32 v24, $0x3  }
0xdd: {  	[tilespmem:$0xB10] =	vst v16;
	v40 =	vld [tilespmem:$0x1F0];
	v43 =	vand.u32 $0x380, v39;
	v56 =	vshll.u32 v45, $0xA;
	v2 =	vshll.u32 v45, $0x7  }
0xde: {  	[tilespmem:$0xB20] =	vst v19;
	v4 =	vadd.s32 v52, v4;
	v5 =	vadd.s32 v12, v7;
	v35 =	vand.u32 $0xFFFFFC00, v33  }
0xdf: {  	[tilespmem:$0xB30] =	vst v18;
	v45 =	vshll.u32 v34, $0xA;
	v58 =	vand.u32 $0xFFFFE000, v56;
	v2 =	vand.u32 $0x380, v2  }
0xe0: {  	[tilespmem:$0xB40] =	vst v21;
	v28 =	vshll.u32 v63, $0xA;
	v5 =	vor.u32 v26, v5;
	v46 =	vand.u32 $0xFFFFE000, v45  }
0xe1: {  	[tilespmem:$0xB50] =	vst v20;
	v3 =	vadd.s32 v3, v58;
	v30 =	vand.u32 $0xFFFFE000, v28;
	v5 =	vor.u32 v9, v5  }
0xe2: {  	[tilespmem:$0xB70] =	vst v23;
	v9 =	vand.u32 $0xFFFFE000, v37;
	v47 =	vadd.s32 v8, v46;
	v49 =	vshll.u32 v40, $0x3  }
0xe3: {  	[tilespmem:$0xB60] =	vst v22;
	v50 =	vand.u32 $0x7F, v40;
	v2 =	vor.u32 v2, v3;
	v3 =	vshll.u32 v63, $0x7  }
0xe4: {  	[tilespmem:$0xB80] =	vst v0;
	v6 =	vadd.s32 v6, v30;
	v5 =	vadd.s32 v25, v5;
	v41 =	vadd.s32 v36, v9  }
0xe5: {  	[tilespmem:$0xB90] =	vst v1;
	v2 =	vor.u32 v62, v2;
	v3 =	vand.u32 $0x380, v3;
	v0 =	vor.u32 v43, v41  }
0xe6: {  	[tilespmem:$0xBA0] =	vst v4;
	v2 =	vadd.s32 v11, v2;
	v3 =	vor.u32 v3, v6;
	v6 =	vshll.u32 v34, $0x7  }
0xe7: {  	[tilespmem:$0xBC0] =	vst v5;
	v11 =	vand.u32 $0x7F, v24;
	v0 =	vor.u32 v44, v0;
	v48 =	vand.u32 $0x380, v6  }
0xe8: {  	v3 =	vor.u32 v11, v3;
	[tilespmem:$0xBB0] =	vst v2;
	v0 =	vadd.s32 v42, v0;
	v1 =	vor.u32 v48, v47  }
0xe9: {  	v51 =	vand.u32 $0xFFFFFC00, v49;
	v3 =	vadd.s32 v35, v3;
	[tilespmem:$0xBE0] =	vst v0;
	v1 =	vor.u32 v50, v1  }
0xea: {  	[tilespmem:$0xBD0] =	vst v3;
	v52 =	vadd.s32 v51, v1  }
0xeb: {  	[tilespmem:$0xBF0] =	vst v52  }
0xec: {  	[tilespmem:s11], [sflag:$0x1] =	stream.indirect.gather [hbm4b:s3+s9], $0x1, s10, s9, $0xb8;
	[tilespmem:$0x1E00] =	vst v63  }
0xed: {  	s15 =	rddreg [dreg:$0x1f]  }
0xee: {  	[tilespmem:s15], [sflag:$0x1] =	stream.indirect.gather [hbm4b:s4+s9], $0x1, s10, s9, $0xb8;
	[tilespmem:$0x1E00] =	vst v63  }
0xef: {  	_ = 	snop  }
0xf0: {  	[tilespmem:s12], [sflag:$0x1] =	stream.indirect.gather [hbm4b:s5+s9], $0x1, s10, s9, $0xb8;
	[tilespmem:$0x1E00] =	vst v63  }
0xf1: {  	s1 =	sld [smem:$0x7FB]  }
0xf2: {  	[tilespmem:s13], [sflag:$0x1] =	stream.indirect.gather [hbm4b:s6+s9], $0x1, s10, s9, $0xb8;
	[tilespmem:$0x1E00] =	vst v63  }
0xf3: {  	s15 =	sld [smem:$0x7FC]  }
0xf4: {  	[tilespmem:s1], [sflag:$0x1] =	stream.indirect.gather [hbm4b:s3+s9], $0x1, s14, s9, $0xb8;
	[tilespmem:$0x1E00] =	vst v63  }
0xf5: {  	s1 =	sld [smem:$0x7FD]  }
0xf6: {  	[tilespmem:s15], [sflag:$0x1] =	stream.indirect.gather [hbm4b:s4+s9], $0x1, s14, s9, $0xb8;
	[tilespmem:$0x1E00] =	vst v63  }
0xf7: {  	_ = 	snop  }
0xf8: {  	[tilespmem:s1], [sflag:$0x1] =	stream.indirect.gather [hbm4b:s5+s9], $0x1, s14, s9, $0xb8;
	[tilespmem:$0x1E00] =	vst v63  }
0xf9: {  	s15 =	simm.s32 $0x1280  }
0xfa: {  	[tilespmem:s15], [sflag:$0x1] =	stream.indirect.gather [hbm4b:s6+s9], $0x1, s14, s9, $0xb8;
	[tilespmem:$0x1E00] =	vst v63  }
0xfb: {  	_ = 	snop  }
0xfc: {  	[tilespmem:s17], [sflag:$0x1] =	stream.indirect.gather [hbm4b:s3+s9], $0x1, s16, s9, $0xb8;
	[tilespmem:$0x1E00] =	vst v63  }
0xfd: {  	_ = 	snop  }
0xfe: {  	[tilespmem:s18], [sflag:$0x1] =	stream.indirect.gather [hbm4b:s4+s9], $0x1, s16, s9, $0xb8;
	[tilespmem:$0x1E00] =	vst v63  }
0xff: {  	_ = 	snop  }
0x100: {  	[tilespmem:s19], [sflag:$0x1] =	stream.indirect.gather [hbm4b:s5+s9], $0x1, s16, s9, $0xb8;
	[tilespmem:$0x1E00] =	vst v63  }
0x101: {  	_ = 	snop  }
0x102: {  	[tilespmem:s20], [sflag:$0x1] =	stream.indirect.gather [hbm4b:s6+s9], $0x1, s16, s9, $0xb8;
	[tilespmem:$0x1E00] =	vst v63  }
0x103: {  	_ = 	snop  }
0x104: {  	[tilespmem:s22], [sflag:$0x1] =	stream.indirect.gather [hbm4b:s3+s9], $0x1, s21, s9, $0xb8;
	[tilespmem:$0x1E00] =	vst v63  }
0x105: {  	_ = 	snop  }
0x106: {  	[tilespmem:s23], [sflag:$0x1] =	stream.indirect.gather [hbm4b:s4+s9], $0x1, s21, s9, $0xb8;
	[tilespmem:$0x1E00] =	vst v63  }
0x107: {  	_ = 	snop  }
0x108: {  	[tilespmem:s24], [sflag:$0x1] =	stream.indirect.gather [hbm4b:s5+s9], $0x1, s21, s9, $0xb8;
	[tilespmem:$0x1E00] =	vst v63  }
0x109: {  	_ = 	snop  }
0x10a: {  	[tilespmem:s25], [sflag:$0x1] =	stream.indirect.gather [hbm4b:s6+s9], $0x1, s21, s9, $0xb8;
	[tilespmem:$0x1E00] =	vst v63  }
0x10b: {  	_ =	swait.ge [sflag:s26], $0x80  }
0x10c: {  	[sflag:s26] =	ssyncset.done $0x0  }
0x10d: {  	[sflag:s26] =	ssyncadd.s32 $0xFFFFFF80  }
0x10e: {  	_ =	swait.ge [sflag:s26], $0x80  }
0x10f: {  	[sflag:s26] =	ssyncset.done $0x0  }
0x110: {  	[sflag:s26] =	ssyncadd.s32 $0xFFFFFF80  }
0x111: {  	_ =	swait.ge [sflag:s26], $0x80  }
0x112: {  	[sflag:s26] =	ssyncset.done $0x0  }
0x113: {  	[sflag:s26] =	ssyncadd.s32 $0xFFFFFF80  }
0x114: {  	_ =	swait.ge [sflag:s26], $0x80  }
0x115: {  	[sflag:s26] =	ssyncset.done $0x0  }
0x116: {  	[sflag:s26] =	ssyncadd.s32 $0xFFFFFF80  }
0x117: {  	_ =	swait.ge [sflag:s26], $0x80  }
0x118: {  	[sflag:s26] =	ssyncset.done $0x0  }
0x119: {  	[sflag:s26] =	ssyncadd.s32 $0xFFFFFF80  }
0x11a: {  	_ =	swait.ge [sflag:s26], $0x80  }
0x11b: {  	[sflag:s26] =	ssyncset.done $0x0  }
0x11c: {  	[sflag:s26] =	ssyncadd.s32 $0xFFFFFF80  }
0x11d: {  	_ =	swait.ge [sflag:s26], $0x80  }
0x11e: {  	[sflag:s26] =	ssyncset.done $0x0  }
0x11f: {  	[sflag:s26] =	ssyncadd.s32 $0xFFFFFF80  }
0x120: {  	_ =	swait.ge [sflag:s26], $0x80  }
0x121: {  	[sflag:s26] =	ssyncset.done $0x0  }
0x122: {  	[sflag:s26] =	ssyncadd.s32 $0xFFFFFF80  }
0x123: {  	_ =	swait.ge [sflag:s26], $0x80  }
0x124: {  	[sflag:s26] =	ssyncset.done $0x0  }
0x125: {  	[sflag:s26] =	ssyncadd.s32 $0xFFFFFF80  }
0x126: {  	_ =	swait.ge [sflag:s26], $0x80  }
0x127: {  	[sflag:s26] =	ssyncset.done $0x0  }
0x128: {  	[sflag:s26] =	ssyncadd.s32 $0xFFFFFF80  }
0x129: {  	_ =	swait.ge [sflag:s26], $0x80  }
0x12a: {  	[sflag:s26] =	ssyncset.done $0x0  }
0x12b: {  	[sflag:s26] =	ssyncadd.s32 $0xFFFFFF80  }
0x12c: {  	_ =	swait.ge [sflag:s26], $0x80  }
0x12d: {  	[sflag:s26] =	ssyncset.done $0x0  }
0x12e: {  	[sflag:s26] =	ssyncadd.s32 $0xFFFFFF80  }
0x12f: {  	_ =	swait.ge [sflag:s26], $0x80  }
0x130: {  	[sflag:s26] =	ssyncset.done $0x0  }
0x131: {  	[sflag:s26] =	ssyncadd.s32 $0xFFFFFF80  }
0x132: {  	_ =	swait.ge [sflag:s26], $0x80  }
0x133: {  	[sflag:s26] =	ssyncset.done $0x0  }
0x134: {  	[sflag:s26] =	ssyncadd.s32 $0xFFFFFF80  }
0x135: {  	_ =	swait.ge [sflag:s26], $0x80  }
0x136: {  	[sflag:s26] =	ssyncset.done $0x0  }
0x137: {  	[sflag:s26] =	ssyncadd.s32 $0xFFFFFF80  }
0x138: {  	_ =	swait.ge [sflag:s26], $0x80  }
0x139: {  	[sflag:s26] =	ssyncset.done $0x0  }
0x13a: {  	[sflag:s26] =	ssyncadd.s32 $0xFFFFFF80  }
0x13b: {  	v53 =	vld [tilespmem:$0x800];
	_ =	sdelay $0x4  }
0x13c: {  	v0 =	vadd.f32 v53, v53;
	_ =	sdelay $0x1  }
0x13d: {  	v0 =	vmul.f32 $1.442695020e+00, v0;
	_ =	sdelay $0x1  }
0x13e: {  	(erf) = vpow2.f32 v0;
	_ =	sdelay $0x8  }
0x13f: {  	v0 =	vpop (erf)  }
0x140: {  	v0 =	vadd.f32 $1.000000000e+00, v0;
	_ =	sdelay $0x1  }
0x141: {  	(erf) = vrcp.f32 v0;
	_ =	sdelay $0x5  }
0x142: {  	v54 =	vld [tilespmem:$0xE00];
	_ =	sdelay $0x1  }
0x143: {  	v55 =	vld [tilespmem:$0xC00]  }
0x144: {  	v56 =	vpop (erf)  }
0x145: {  	v2 =	vadd.f32 v56, v56  }
0x146: {  	v0 =	vmax.f32 v54, $-2.000000000e+00  }
0x147: {  	v0 =	vmin.f32 v0, $2.000000000e+00;
	v19 =	vsub.f32 $1.000000000e+00, v2  }
0x148: {  	v18 =	vld [tilespmem:$0x1000];
	[tilespmem:$0x1400] =	vst v0;
	v2 =	vadd.f32 v0, v55  }
0x149: {  	v20 =	vld [tilespmem:$0x1200];
	[tilespmem:$0x1600] =	vst v19  }
0x14a: {  	v21 =	vld [tilespmem:$0x600];
	[tilespmem:$0x1800] =	vst v2  }
0x14b: {  	v57 =	vld [tilespmem:$0x810];
	_ =	sdelay $0x4  }
0x14c: {  	v0 =	vadd.f32 v57, v57;
	_ =	sdelay $0x1  }
0x14d: {  	v0 =	vmul.f32 $1.442695020e+00, v0;
	_ =	sdelay $0x1  }
0x14e: {  	(erf) = vpow2.f32 v0;
	_ =	sdelay $0x3  }
0x14f: {  	v58 =	vld [tilespmem:$0x820];
	_ =	sdelay $0x4  }
0x150: {  	v0 =	vadd.f32 v58, v58;
	v59 =	vpop (erf)  }
0x151: {  	v1 =	vadd.f32 $1.000000000e+00, v59  }
0x152: {  	v0 =	vmul.f32 $1.442695020e+00, v0  }
0x153: {  	(erf) = vrcp.f32 v1  }
0x154: {  	(erf) = vpow2.f32 v0;
	_ =	sdelay $0x3  }
0x155: {  	v60 =	vld [tilespmem:$0x830];
	_ =	sdelay $0x3  }
0x156: {  	v61 =	vpop (erf)  }
0x157: {  	v0 =	vadd.f32 v60, v60;
	v62 =	vpop (erf)  }
0x158: {  	v1 =	vadd.f32 $1.000000000e+00, v62  }
0x159: {  	v0 =	vmul.f32 $1.442695020e+00, v0  }
0x15a: {  	(erf) = vrcp.f32 v1  }
0x15b: {  	(erf) = vpow2.f32 v0;
	_ =	sdelay $0x3  }
0x15c: {  	v63 =	vld [tilespmem:$0x840];
	_ =	sdelay $0x3  }
0x15d: {  	v22 =	vpop (erf)  }
0x15e: {  	v0 =	vadd.f32 v63, v63;
	v4 =	vpop (erf)  }
0x15f: {  	v1 =	vadd.f32 $1.000000000e+00, v4  }
0x160: {  	v0 =	vmul.f32 $1.442695020e+00, v0  }
0x161: {  	(erf) = vrcp.f32 v1  }
0x162: {  	(erf) = vpow2.f32 v0;
	_ =	sdelay $0x3  }
0x163: {  	v5 =	vld [tilespmem:$0x850];
	_ =	sdelay $0x3  }
0x164: {  	v17 =	vpop (erf)  }
0x165: {  	v0 =	vadd.f32 v5, v5;
	v6 =	vpop (erf)  }
0x166: {  	v1 =	vadd.f32 $1.000000000e+00, v6  }
0x167: {  	v0 =	vmul.f32 $1.442695020e+00, v0  }
0x168: {  	(erf) = vrcp.f32 v1  }
0x169: {  	(erf) = vpow2.f32 v0;
	_ =	sdelay $0x3  }
0x16a: {  	v7 =	vld [tilespmem:$0x860];
	_ =	sdelay $0x3  }
0x16b: {  	v16 =	vpop (erf)  }
0x16c: {  	v0 =	vadd.f32 v7, v7;
	v8 =	vpop (erf)  }
0x16d: {  	v1 =	vadd.f32 $1.000000000e+00, v8  }
0x16e: {  	v0 =	vmul.f32 $1.442695020e+00, v0  }
0x16f: {  	(erf) = vrcp.f32 v1  }
0x170: {  	(erf) = vpow2.f32 v0;
	_ =	sdelay $0x3  }
0x171: {  	v9 =	vld [tilespmem:$0x870];
	_ =	sdelay $0x3  }
0x172: {  	v6 =	vpop (erf)  }
0x173: {  	v0 =	vadd.f32 v9, v9;
	v10 =	vpop (erf)  }
0x174: {  	v1 =	vadd.f32 $1.000000000e+00, v10  }
0x175: {  	v0 =	vmul.f32 $1.442695020e+00, v0  }
0x176: {  	(erf) = vrcp.f32 v1  }
0x177: {  	(erf) = vpow2.f32 v0;
	_ =	sdelay $0x3  }
0x178: {  	v11 =	vld [tilespmem:$0x880];
	_ =	sdelay $0x3  }
0x179: {  	v15 =	vpop (erf)  }
0x17a: {  	v0 =	vadd.f32 v11, v11;
	v14 =	vpop (erf)  }
0x17b: {  	v1 =	vadd.f32 $1.000000000e+00, v14  }
0x17c: {  	v0 =	vmul.f32 $1.442695020e+00, v0  }
0x17d: {  	(erf) = vrcp.f32 v1  }
0x17e: {  	(erf) = vpow2.f32 v0;
	_ =	sdelay $0x3  }
0x17f: {  	v24 =	vld [tilespmem:$0x890];
	_ =	sdelay $0x3  }
0x180: {  	v9 =	vpop (erf)  }
0x181: {  	v0 =	vadd.f32 v24, v24;
	v25 =	vpop (erf)  }
0x182: {  	v1 =	vadd.f32 $1.000000000e+00, v25  }
0x183: {  	v0 =	vmul.f32 $1.442695020e+00, v0  }
0x184: {  	(erf) = vrcp.f32 v1  }
0x185: {  	(erf) = vpow2.f32 v0;
	_ =	sdelay $0x3  }
0x186: {  	v26 =	vld [tilespmem:$0x8A0];
	_ =	sdelay $0x3  }
0x187: {  	v14 =	vpop (erf)  }
0x188: {  	v0 =	vadd.f32 v26, v26;
	v27 =	vpop (erf)  }
0x189: {  	v1 =	vadd.f32 $1.000000000e+00, v27  }
0x18a: {  	v0 =	vmul.f32 $1.442695020e+00, v0  }
0x18b: {  	(erf) = vrcp.f32 v1  }
0x18c: {  	(erf) = vpow2.f32 v0;
	_ =	sdelay $0x3  }
0x18d: {  	v28 =	vld [tilespmem:$0x8B0];
	_ =	sdelay $0x3  }
0x18e: {  	v13 =	vpop (erf)  }
0x18f: {  	v0 =	vadd.f32 v28, v28;
	v29 =	vpop (erf)  }
0x190: {  	v1 =	vadd.f32 $1.000000000e+00, v29  }
0x191: {  	v0 =	vmul.f32 $1.442695020e+00, v0  }
0x192: {  	(erf) = vrcp.f32 v1  }
0x193: {  	(erf) = vpow2.f32 v0;
	_ =	sdelay $0x3  }
0x194: {  	v30 =	vld [tilespmem:$0x8C0];
	_ =	sdelay $0x3  }
0x195: {  	v12 =	vpop (erf)  }
0x196: {  	v0 =	vadd.f32 v30, v30;
	v31 =	vpop (erf)  }
0x197: {  	v1 =	vadd.f32 $1.000000000e+00, v31  }
0x198: {  	v0 =	vmul.f32 $1.442695020e+00, v0  }
0x199: {  	(erf) = vrcp.f32 v1  }
0x19a: {  	(erf) = vpow2.f32 v0;
	_ =	sdelay $0x3  }
0x19b: {  	v32 =	vld [tilespmem:$0x8D0];
	_ =	sdelay $0x3  }
0x19c: {  	v11 =	vpop (erf)  }
0x19d: {  	v0 =	vadd.f32 v32, v32;
	v33 =	vpop (erf)  }
0x19e: {  	v1 =	vadd.f32 $1.000000000e+00, v33  }
0x19f: {  	v0 =	vmul.f32 $1.442695020e+00, v0  }
0x1a0: {  	(erf) = vrcp.f32 v1  }
0x1a1: {  	(erf) = vpow2.f32 v0;
	_ =	sdelay $0x3  }
0x1a2: {  	v34 =	vld [tilespmem:$0x8E0];
	_ =	sdelay $0x3  }
0x1a3: {  	v10 =	vpop (erf)  }
0x1a4: {  	v0 =	vadd.f32 v34, v34;
	v35 =	vpop (erf)  }
0x1a5: {  	v1 =	vadd.f32 $1.000000000e+00, v35  }
0x1a6: {  	v0 =	vmul.f32 $1.442695020e+00, v0  }
0x1a7: {  	(erf) = vrcp.f32 v1  }
0x1a8: {  	(erf) = vpow2.f32 v0;
	_ =	sdelay $0x3  }
0x1a9: {  	v36 =	vld [tilespmem:$0x8F0];
	_ =	sdelay $0x3  }
0x1aa: {  	v8 =	vpop (erf)  }
0x1ab: {  	v0 =	vadd.f32 v36, v36;
	v37 =	vpop (erf)  }
0x1ac: {  	v1 =	vadd.f32 $1.000000000e+00, v37  }
0x1ad: {  	v0 =	vmul.f32 $1.442695020e+00, v0  }
0x1ae: {  	(erf) = vrcp.f32 v1  }
0x1af: {  	(erf) = vpow2.f32 v0;
	_ =	sdelay $0x3  }
0x1b0: {  	v38 =	vld [tilespmem:$0x900];
	_ =	sdelay $0x3  }
0x1b1: {  	v7 =	vpop (erf)  }
0x1b2: {  	v0 =	vadd.f32 v38, v38;
	v39 =	vpop (erf)  }
0x1b3: {  	v1 =	vadd.f32 $1.000000000e+00, v39  }
0x1b4: {  	v0 =	vmul.f32 $1.442695020e+00, v0  }
0x1b5: {  	(erf) = vrcp.f32 v1  }
0x1b6: {  	(erf) = vpow2.f32 v0;
	_ =	sdelay $0x3  }
0x1b7: {  	v40 =	vld [tilespmem:$0x910];
	_ =	sdelay $0x3  }
0x1b8: {  	v5 =	vpop (erf)  }
0x1b9: {  	v0 =	vadd.f32 v40, v40;
	v41 =	vpop (erf)  }
0x1ba: {  	v1 =	vadd.f32 $1.000000000e+00, v41  }
0x1bb: {  	v0 =	vmul.f32 $1.442695020e+00, v0  }
0x1bc: {  	(erf) = vrcp.f32 v1  }
0x1bd: {  	(erf) = vpow2.f32 v0;
	_ =	sdelay $0x3  }
0x1be: {  	v42 =	vld [tilespmem:$0x920];
	_ =	sdelay $0x3  }
0x1bf: {  	v4 =	vpop (erf)  }
0x1c0: {  	v0 =	vadd.f32 v42, v42;
	v43 =	vpop (erf)  }
0x1c1: {  	v1 =	vadd.f32 $1.000000000e+00, v43  }
0x1c2: {  	v0 =	vmul.f32 $1.442695020e+00, v0  }
0x1c3: {  	(erf) = vrcp.f32 v1  }
0x1c4: {  	(erf) = vpow2.f32 v0;
	_ =	sdelay $0x3  }
0x1c5: {  	v44 =	vld [tilespmem:$0x930];
	_ =	sdelay $0x3  }
0x1c6: {  	v3 =	vpop (erf)  }
0x1c7: {  	v0 =	vadd.f32 v44, v44;
	v45 =	vpop (erf)  }
0x1c8: {  	v1 =	vadd.f32 $1.000000000e+00, v45  }
0x1c9: {  	v0 =	vmul.f32 $1.442695020e+00, v0  }
0x1ca: {  	(erf) = vrcp.f32 v1  }
0x1cb: {  	(erf) = vpow2.f32 v0;
	_ =	sdelay $0x3  }
0x1cc: {  	v46 =	vld [tilespmem:$0x940];
	_ =	sdelay $0x3  }
0x1cd: {  	v1 =	vpop (erf)  }
0x1ce: {  	v0 =	vadd.f32 v46, v46;
	v47 =	vpop (erf)  }
0x1cf: {  	v24 =	vadd.f32 $1.000000000e+00, v47  }
0x1d0: {  	v0 =	vmul.f32 $1.442695020e+00, v0  }
0x1d1: {  	v48 =	vld [tilespmem:$0xC10];
	(erf) = vrcp.f32 v24  }
0x1d2: {  	v49 =	vld [tilespmem:$0xE10];
	(erf) = vpow2.f32 v0  }
0x1d3: {  	v50 =	vld [tilespmem:$0x1010]  }
0x1d4: {  	v51 =	vld [tilespmem:$0x1210]  }
0x1d5: {  	v52 =	vld [tilespmem:$0x950]  }
0x1d6: {  	v53 =	vld [tilespmem:$0x610]  }
0x1d7: {  	v54 =	vld [tilespmem:$0xC20]  }
0x1d8: {  	v18 =	vmul.f32 v21, v18;
	v19 =	vmul.f32 v19, v20;
	v55 =	vld [tilespmem:$0xE20]  }
0x1d9: {  	v56 =	vld [tilespmem:$0x1030]  }
0x1da: {  	v18 =	vadd.f32 v19, v18;
	v19 =	vld [tilespmem:$0xC40];
	v0 =	vpop (erf)  }
0x1db: {  	v57 =	vld [tilespmem:$0x1230];
	v58 =	vadd.f32 v61, v61;
	v28 =	vadd.f32 v52, v52;
	v34 =	vpop (erf)  }
0x1dc: {  	v59 =	vld [tilespmem:$0x630];
	v17 =	vadd.f32 v17, v17;
	v34 =	vadd.f32 $1.000000000e+00, v34  }
0x1dd: {  	v60 =	vld [tilespmem:$0x960];
	v21 =	vsub.f32 $1.000000000e+00, v58;
	v28 =	vmul.f32 $1.442695020e+00, v28  }
0x1de: {  	v62 =	vmul.f32 v53, v50;
	v50 =	vld [tilespmem:$0x650];
	v17 =	vsub.f32 $1.000000000e+00, v17;
	(erf) = vrcp.f32 v34  }
0x1df: {  	v63 =	vmul.f32 v21, v51;
	[tilespmem:$0x1610] =	vst v21;
	v21 =	vld [tilespmem:$0xC50];
	(erf) = vpow2.f32 v28  }
0x1e0: {  	v20 =	vmul.f32 v17, v57;
	v57 =	vld [tilespmem:$0x1260]  }
0x1e1: {  	v23 =	vmul.f32 v59, v56;
	v31 =	vld [tilespmem:$0x1060]  }
0x1e2: {  	v16 =	vadd.f32 v16, v16;
	v32 =	vld [tilespmem:$0x1020]  }
0x1e3: {  	v2 =	vmul.f32 v18, v2;
	v20 =	vadd.f32 v20, v23;
	v15 =	vadd.f32 v15, v15;
	v35 =	vld [tilespmem:$0x620]  }
0x1e4: {  	v16 =	vsub.f32 $1.000000000e+00, v16;
	v14 =	vadd.f32 v14, v14;
	v37 =	vld [tilespmem:$0xE30]  }
0x1e5: {  	v15 =	vsub.f32 $1.000000000e+00, v15;
	v13 =	vadd.f32 v13, v13;
	v38 =	vld [tilespmem:$0xE40]  }
0x1e6: {  	[tilespmem:$0x1A00] =	vst v18;
	v25 =	vadd.f32 v63, v62;
	v14 =	vsub.f32 $1.000000000e+00, v14;
	v39 =	vld [tilespmem:$0x1040]  }
0x1e7: {  	[tilespmem:$0x1C00] =	vst v2;
	v13 =	vsub.f32 $1.000000000e+00, v13;
	v11 =	vadd.f32 v11, v11;
	v42 =	vld [tilespmem:$0x1240];
	v2 =	vpop (erf)  }
0x1e8: {  	[tilespmem:$0x1630] =	vst v17;
	v8 =	vadd.f32 v8, v8;
	v43 =	vld [tilespmem:$0x640];
	v28 =	vadd.f32 v60, v60;
	v44 =	vpop (erf)  }
0x1e9: {  	v61 =	vmax.f32 v49, $-2.000000000e+00;
	[tilespmem:$0x1A30] =	vst v20;
	v33 =	vld [tilespmem:$0x1220];
	v11 =	vsub.f32 $1.000000000e+00, v11;
	v29 =	vadd.f32 $1.000000000e+00, v44  }
0x1ea: {  	[tilespmem:$0x1640] =	vst v16;
	v36 =	vld [tilespmem:$0xC30];
	v32 =	vmul.f32 v35, v32;
	v8 =	vsub.f32 $1.000000000e+00, v8;
	v28 =	vmul.f32 $1.442695020e+00, v28  }
0x1eb: {  	[tilespmem:$0x1660] =	vst v15;
	v35 =	vld [tilespmem:$0xE50];
	v52 =	vmax.f32 v37, $-2.000000000e+00;
	v56 =	vmax.f32 v38, $-2.000000000e+00;
	(erf) = vrcp.f32 v29  }
0x1ec: {  	[tilespmem:$0x1A10] =	vst v25;
	v53 =	vmin.f32 v52, $2.000000000e+00;
	v52 =	vld [tilespmem:$0x1280];
	v58 =	vmin.f32 v56, $2.000000000e+00;
	(erf) = vpow2.f32 v28  }
0x1ed: {  	[tilespmem:$0x1680] =	vst v14;
	v38 =	vld [tilespmem:$0xCA0];
	v41 =	vadd.f32 v22, v22;
	v22 =	vmul.f32 v16, v42;
	v59 =	vmul.f32 v43, v39  }
0x1ee: {  	[tilespmem:$0x1690] =	vst v13;
	v56 =	vld [tilespmem:$0x980];
	v19 =	vadd.f32 v58, v19;
	v40 =	vmin.f32 v61, $2.000000000e+00;
	v45 =	vmax.f32 v55, $-2.000000000e+00  }
0x1ef: {  	[tilespmem:$0x1440] =	vst v58;
	v58 =	vld [tilespmem:$0xC90];
	v62 =	vadd.f32 v22, v59;
	v24 =	vadd.f32 v40, v48;
	v48 =	vmin.f32 v45, $2.000000000e+00  }
0x1f0: {  	[tilespmem:$0x16B0] =	vst v11;
	v30 =	vadd.f32 v48, v54;
	v54 =	vld [tilespmem:$0x970]  }
0x1f1: {  	[tilespmem:$0x16D0] =	vst v8;
	v18 =	vsub.f32 $1.000000000e+00, v41;
	v41 =	vld [tilespmem:$0x1070];
	v43 =	vmul.f32 v62, v19  }
0x1f2: {  	[tilespmem:$0x1430] =	vst v53;
	v7 =	vadd.f32 v7, v7;
	v59 =	vld [tilespmem:$0xE90]  }
0x1f3: {  	v63 =	vadd.f32 v6, v6;
	[tilespmem:$0x1C40] =	vst v43;
	v43 =	vld [tilespmem:$0x12A0];
	v55 =	vadd.f32 v53, v36  }
0x1f4: {  	[tilespmem:$0x1840] =	vst v19;
	v7 =	vsub.f32 $1.000000000e+00, v7;
	v4 =	vadd.f32 v4, v4;
	v36 =	vld [tilespmem:$0x690];
	v6 =	vpop (erf)  }
0x1f5: {  	[tilespmem:$0x1620] =	vst v18;
	v61 =	vmul.f32 v20, v55;
	v46 =	vmul.f32 v18, v33;
	v18 =	vld [tilespmem:$0xC60];
	v29 =	vadd.f32 v54, v54;
	v42 =	vpop (erf)  }
0x1f6: {  	[tilespmem:$0x16E0] =	vst v7;
	v33 =	vld [tilespmem:$0x12C0];
	v34 =	vadd.f32 $1.000000000e+00, v42  }
0x1f7: {  	v4 =	vsub.f32 $1.000000000e+00, v4;
	[tilespmem:$0x1C30] =	vst v61;
	v61 =	vld [tilespmem:$0x1090];
	v29 =	vmul.f32 $1.442695020e+00, v29  }
0x1f8: {  	[tilespmem:$0x1410] =	vst v40;
	v3 =	vadd.f32 v3, v3;
	v49 =	vadd.f32 v46, v32;
	v32 =	vld [tilespmem:$0xC70];
	(erf) = vrcp.f32 v34  }
0x1f9: {  	[tilespmem:$0x1700] =	vst v4;
	v47 =	vld [tilespmem:$0x1050];
	(erf) = vpow2.f32 v29  }
0x1fa: {  	[tilespmem:$0x1A40] =	vst v62;
	v3 =	vsub.f32 $1.000000000e+00, v3;
	v40 =	vld [tilespmem:$0xE70]  }
0x1fb: {  	[tilespmem:$0x1830] =	vst v55;
	v45 =	vld [tilespmem:$0x1270]  }
0x1fc: {  	[tilespmem:$0x1710] =	vst v3;
	v60 =	vld [tilespmem:$0x660]  }
0x1fd: {  	v9 =	vadd.f32 v9, v9;
	v51 =	vmul.f32 v49, v30;
	[tilespmem:$0x1820] =	vst v30;
	v30 =	vld [tilespmem:$0xE60]  }
0x1fe: {  	[tilespmem:$0x1A20] =	vst v49;
	v46 =	vmul.f32 v50, v47;
	v47 =	vld [tilespmem:$0x670]  }
0x1ff: {  	[tilespmem:$0x1420] =	vst v48;
	v48 =	vmax.f32 v35, $-2.000000000e+00;
	v50 =	vld [tilespmem:$0xE80]  }
0x200: {  	[tilespmem:$0x1810] =	vst v24;
	v24 =	vmul.f32 v25, v24;
	v25 =	vld [tilespmem:$0x1250];
	v19 =	vmin.f32 v48, $2.000000000e+00  }
0x201: {  	v49 =	vld [tilespmem:$0xC80];
	[tilespmem:$0x1450] =	vst v19;
	v0 =	vadd.f32 v0, v0;
	v26 =	vmul.f32 v60, v31;
	v60 =	vsub.f32 $1.000000000e+00, v9;
	v9 =	vpop (erf)  }
0x202: {  	v48 =	vld [tilespmem:$0xEB0];
	v21 =	vadd.f32 v19, v21;
	[tilespmem:$0x1C10] =	vst v24;
	v55 =	vmax.f32 v30, $-2.000000000e+00;
	v30 =	vadd.f32 v56, v56;
	v37 =	vpop (erf)  }
0x203: {  	v19 =	vmul.f32 v14, v52;
	v52 =	vld [tilespmem:$0x10B0];
	[tilespmem:$0x1C20] =	vst v51;
	v0 =	vsub.f32 $1.000000000e+00, v0;
	v27 =	vadd.f32 $1.000000000e+00, v37  }
0x204: {  	v51 =	vld [tilespmem:$0x1080];
	[tilespmem:$0x1850] =	vst v21;
	v35 =	vmul.f32 v47, v41;
	v20 =	vmax.f32 v50, $-2.000000000e+00;
	v30 =	vmul.f32 $1.442695020e+00, v30  }
0x205: {  	v41 =	vld [tilespmem:$0x10A0];
	[tilespmem:$0x1730] =	vst v0;
	v22 =	vmul.f32 v60, v45;
	v45 =	vmin.f32 v20, $2.000000000e+00;
	(erf) = vrcp.f32 v27  }
0x206: {  	v56 =	vld [tilespmem:$0x6B0];
	[tilespmem:$0x1670] =	vst v60;
	v47 =	vadd.f32 v45, v49;
	v2 =	vadd.f32 v2, v2;
	(erf) = vpow2.f32 v30  }
0x207: {  	v31 =	vld [tilespmem:$0x1100];
	[tilespmem:$0x1480] =	vst v45;
	v44 =	vsub.f32 $1.000000000e+00, v63  }
0x208: {  	v49 =	vld [tilespmem:$0x990];
	[tilespmem:$0x1880] =	vst v47;
	v2 =	vsub.f32 $1.000000000e+00, v2  }
0x209: {  	v45 =	vld [tilespmem:$0x6D0];
	[tilespmem:$0x1650] =	vst v44;
	v28 =	vmul.f32 v15, v57  }
0x20a: {  	v63 =	vmax.f32 v40, $-2.000000000e+00;
	v40 =	vld [tilespmem:$0xEA0];
	v25 =	vmul.f32 v44, v25;
	v57 =	vmin.f32 v55, $2.000000000e+00;
	[tilespmem:$0x1740] =	vst v2  }
0x20b: {  	v54 =	vld [tilespmem:$0x680];
	v15 =	vmin.f32 v63, $2.000000000e+00;
	v18 =	vadd.f32 v57, v18;
	[tilespmem:$0x1460] =	vst v57;
	v26 =	vadd.f32 v28, v26  }
0x20c: {  	v44 =	vld [tilespmem:$0x6A0];
	v16 =	vadd.f32 v25, v46;
	[tilespmem:$0x1470] =	vst v15  }
0x20d: {  	v63 =	vld [tilespmem:$0x10C0];
	v39 =	vadd.f32 v15, v32;
	[tilespmem:$0x1860] =	vst v18;
	v62 =	vmul.f32 v26, v18;
	v18 =	vadd.f32 v22, v35  }
0x20e: {  	v46 =	vld [tilespmem:$0xCB0];
	v57 =	vadd.f32 v12, v12;
	[tilespmem:$0x1A50] =	vst v16;
	v12 =	vpop (erf)  }
0x20f: {  	v28 =	vld [tilespmem:$0xF00];
	[tilespmem:$0x1A70] =	vst v18;
	v42 =	vmul.f32 v18, v39;
	v18 =	vadd.f32 v49, v49;
	v60 =	vpop (erf)  }
0x210: {  	v53 =	vmul.f32 v16, v21;
	[tilespmem:$0x1870] =	vst v39;
	v17 =	vmul.f32 v54, v51;
	v54 =	vld [tilespmem:$0x12B0];
	v30 =	vadd.f32 $1.000000000e+00, v60  }
0x211: {  	[tilespmem:$0x1A60] =	vst v26;
	v51 =	vmax.f32 v59, $-2.000000000e+00;
	v59 =	vld [tilespmem:$0xEC0];
	v18 =	vmul.f32 $1.442695020e+00, v18  }
0x212: {  	v15 =	vmul.f32 v44, v41;
	v41 =	vmax.f32 v48, $-2.000000000e+00;
	v44 =	vld [tilespmem:$0x9A0];
	[tilespmem:$0x1C50] =	vst v53;
	(erf) = vrcp.f32 v30  }
0x213: {  	v48 =	vld [tilespmem:$0xEE0];
	v14 =	vmin.f32 v51, $2.000000000e+00;
	[tilespmem:$0x1C60] =	vst v62;
	v17 =	vadd.f32 v19, v17;
	(erf) = vpow2.f32 v18  }
0x214: {  	v53 =	vmul.f32 v36, v61;
	v36 =	vld [tilespmem:$0x6C0];
	v55 =	vadd.f32 v14, v58;
	[tilespmem:$0x1490] =	vst v14  }
0x215: {  	v10 =	vadd.f32 v10, v10;
	v62 =	vsub.f32 $1.000000000e+00, v57;
	[tilespmem:$0x1A80] =	vst v17;
	v34 =	vld [tilespmem:$0x1290]  }
0x216: {  	v58 =	vld [tilespmem:$0xCC0];
	v50 =	vmul.f32 v17, v47;
	[tilespmem:$0x1890] =	vst v55  }
0x217: {  	v57 =	vld [tilespmem:$0xEF0];
	[tilespmem:$0x16A0] =	vst v62;
	v47 =	vsub.f32 $1.000000000e+00, v10  }
0x218: {  	v35 =	vmul.f32 v62, v43;
	v62 =	vld [tilespmem:$0xD00];
	v14 =	vmax.f32 v59, $-2.000000000e+00;
	[tilespmem:$0x1C80] =	vst v50  }
0x219: {  	v32 =	vadd.f32 v5, v5;
	v43 =	vmul.f32 v11, v54;
	v54 =	vld [tilespmem:$0x6E0];
	v14 =	vmin.f32 v14, $2.000000000e+00;
	[tilespmem:$0x16C0] =	vst v47  }
0x21a: {  	v24 =	vadd.f32 v44, v44;
	v15 =	vadd.f32 v35, v15;
	v39 =	vld [tilespmem:$0x10D0];
	[tilespmem:$0x14C0] =	vst v14;
	v23 =	vmul.f32 v13, v34  }
0x21b: {  	v6 =	vadd.f32 v6, v6;
	v50 =	vld [tilespmem:$0x10E0];
	v51 =	vmul.f32 v36, v63;
	v35 =	vsub.f32 $1.000000000e+00, v32;
	[tilespmem:$0x1C70] =	vst v42;
	v10 =	vpop (erf)  }
0x21c: {  	v17 =	vmul.f32 v47, v33;
	v63 =	vld [tilespmem:$0x9B0];
	v11 =	vmax.f32 v57, $-2.000000000e+00;
	[tilespmem:$0x1AA0] =	vst v15;
	v16 =	vadd.f32 v23, v53;
	v53 =	vpop (erf)  }
0x21d: {  	v33 =	vld [tilespmem:$0x1300];
	v6 =	vsub.f32 $1.000000000e+00, v6;
	v11 =	vmin.f32 v11, $2.000000000e+00;
	[tilespmem:$0x16F0] =	vst v35;
	v25 =	vadd.f32 $1.000000000e+00, v53  }
0x21e: {  	v36 =	vld [tilespmem:$0xD10];
	v24 =	vmul.f32 $1.442695020e+00, v24;
	v42 =	vmul.f32 v56, v52;
	v17 =	vadd.f32 v17, v51;
	[tilespmem:$0x14F0] =	vst v11  }
0x21f: {  	v56 =	vld [tilespmem:$0xCF0];
	[tilespmem:$0x1750] =	vst v6;
	(erf) = vrcp.f32 v25  }
0x220: {  	v47 =	vld [tilespmem:$0x1120];
	v19 =	vadd.f32 v43, v42;
	[tilespmem:$0x1AC0] =	vst v17;
	v34 =	vmax.f32 v40, $-2.000000000e+00;
	(erf) = vpow2.f32 v24  }
0x221: {  	v40 =	vld [tilespmem:$0x12D0];
	v61 =	vmul.f32 v16, v55;
	[tilespmem:$0x1A90] =	vst v16;
	v16 =	vmin.f32 v34, $2.000000000e+00  }
0x222: {  	[tilespmem:$0x1AB0] =	vst v19;
	v26 =	vadd.f32 v16, v38;
	v38 =	vld [tilespmem:$0xED0]  }
0x223: {  	v32 =	vld [tilespmem:$0x1140];
	v55 =	vadd.f32 v14, v58;
	[tilespmem:$0x14A0] =	vst v16  }
0x224: {  	v14 =	vadd.f32 v11, v56;
	[tilespmem:$0x1C90] =	vst v61;
	v37 =	vld [tilespmem:$0xCD0]  }
0x225: {  	v52 =	vld [tilespmem:$0x12E0];
	[tilespmem:$0x18C0] =	vst v55  }
0x226: {  	v51 =	vld [tilespmem:$0x1320];
	v13 =	vmul.f32 v45, v39;
	v59 =	vmul.f32 v8, v40;
	[tilespmem:$0x18F0] =	vst v14  }
0x227: {  	v42 =	vld [tilespmem:$0x710];
	v22 =	vmul.f32 v15, v26;
	[tilespmem:$0x18A0] =	vst v26;
	v15 =	vmin.f32 v41, $2.000000000e+00;
	v16 =	vmax.f32 v38, $-2.000000000e+00  }
0x228: {  	v13 =	vadd.f32 v59, v13;
	v20 =	vadd.f32 v15, v46;
	[tilespmem:$0x14B0] =	vst v15;
	v38 =	vld [tilespmem:$0xF10];
	v16 =	vmin.f32 v16, $2.000000000e+00;
	v5 =	vpop (erf)  }
0x229: {  	v43 =	vld [tilespmem:$0xD20];
	v8 =	vadd.f32 v63, v63;
	[tilespmem:$0x1CA0] =	vst v22;
	v18 =	vadd.f32 v16, v37;
	v37 =	vpop (erf)  }
0x22a: {  	v45 =	vld [tilespmem:$0xF20];
	[tilespmem:$0x1AD0] =	vst v13;
	v49 =	vmul.f32 v19, v20;
	v21 =	vadd.f32 $1.000000000e+00, v37  }
0x22b: {  	v58 =	vld [tilespmem:$0x10F0];
	v8 =	vmul.f32 $1.442695020e+00, v8;
	[tilespmem:$0x18B0] =	vst v20;
	v19 =	vmul.f32 v17, v55  }
0x22c: {  	v34 =	vld [tilespmem:$0x700];
	[tilespmem:$0x1CB0] =	vst v49;
	(erf) = vrcp.f32 v21  }
0x22d: {  	v61 =	vld [tilespmem:$0x6F0];
	v20 =	vmul.f32 v54, v50;
	[tilespmem:$0x1CC0] =	vst v19;
	v50 =	vmax.f32 v38, $-2.000000000e+00;
	(erf) = vpow2.f32 v8  }
0x22e: {  	[tilespmem:$0x14D0] =	vst v16;
	v60 =	vld [tilespmem:$0x12F0];
	v30 =	vmul.f32 v7, v52;
	v52 =	vmin.f32 v50, $2.000000000e+00  }
0x22f: {  	v46 =	vld [tilespmem:$0xCE0];
	v57 =	vadd.f32 v52, v36;
	[tilespmem:$0x1510] =	vst v52  }
0x230: {  	v29 =	vmax.f32 v48, $-2.000000000e+00;
	v40 =	vld [tilespmem:$0x1110];
	[tilespmem:$0x18D0] =	vst v18  }
0x231: {  	v49 =	vld [tilespmem:$0x9C0];
	v20 =	vadd.f32 v30, v20;
	v17 =	vmul.f32 v13, v18;
	v13 =	vmin.f32 v29, $2.000000000e+00;
	[tilespmem:$0x1910] =	vst v57  }
0x232: {  	v41 =	vld [tilespmem:$0x1310];
	[tilespmem:$0x14E0] =	vst v13  }
0x233: {  	v27 =	vld [tilespmem:$0x730];
	v19 =	vmul.f32 v61, v58;
	v39 =	vmul.f32 v35, v60;
	v18 =	vmax.f32 v28, $-2.000000000e+00;
	[tilespmem:$0x1AE0] =	vst v20  }
0x234: {  	v55 =	vld [tilespmem:$0x720];
	v15 =	vadd.f32 v13, v46;
	v48 =	vmin.f32 v18, $2.000000000e+00;
	[tilespmem:$0x1CD0] =	vst v17  }
0x235: {  	v59 =	vadd.f32 v1, v1;
	v58 =	vld [tilespmem:$0xD30];
	v13 =	vmul.f32 v34, v31;
	v19 =	vadd.f32 v39, v19;
	[tilespmem:$0x1500] =	vst v48;
	v1 =	vpop (erf)  }
0x236: {  	v61 =	vld [tilespmem:$0x1130];
	v46 =	vmul.f32 v4, v33;
	v18 =	vadd.f32 v49, v49;
	v16 =	vadd.f32 v48, v62;
	[tilespmem:$0x18E0] =	vst v15;
	v62 =	vpop (erf)  }
0x237: {  	v60 =	vld [tilespmem:$0xF30];
	v15 =	vmul.f32 v20, v15;
	[tilespmem:$0x1AF0] =	vst v19;
	v22 =	vadd.f32 $1.000000000e+00, v62  }
0x238: {  	v54 =	vmul.f32 v3, v41;
	v41 =	vld [tilespmem:$0xF50];
	v13 =	vadd.f32 v46, v13;
	v18 =	vmul.f32 $1.442695020e+00, v18;
	[tilespmem:$0x1900] =	vst v16  }
0x239: {  	v31 =	vld [tilespmem:$0xF40];
	v44 =	vmul.f32 v19, v14;
	[tilespmem:$0x1CE0] =	vst v15;
	(erf) = vrcp.f32 v22  }
0x23a: {  	v38 =	vld [tilespmem:$0x9D0];
	v14 =	vmax.f32 v45, $-2.000000000e+00;
	[tilespmem:$0x1B00] =	vst v13;
	(erf) = vpow2.f32 v18  }
0x23b: {  	v9 =	vadd.f32 v9, v9;
	v56 =	vmul.f32 v13, v16;
	v30 =	vmin.f32 v14, $2.000000000e+00;
	[tilespmem:$0x1CF0] =	vst v44;
	v25 =	vld [tilespmem:$0x1330]  }
0x23c: {  	v26 =	vmul.f32 v55, v47;
	v55 =	vld [tilespmem:$0x760];
	v36 =	vmax.f32 v60, $-2.000000000e+00;
	[tilespmem:$0x1520] =	vst v30  }
0x23d: {  	v29 =	vld [tilespmem:$0xD40];
	v60 =	vsub.f32 $1.000000000e+00, v9;
	v39 =	vmin.f32 v36, $2.000000000e+00;
	[tilespmem:$0x1D00] =	vst v56  }
0x23e: {  	v7 =	vadd.f32 v30, v43;
	v14 =	vmax.f32 v31, $-2.000000000e+00;
	[tilespmem:$0x1530] =	vst v39;
	v53 =	vmul.f32 v42, v40;
	v40 =	vld [tilespmem:$0xD50]  }
0x23f: {  	v50 =	vld [tilespmem:$0xF60];
	v13 =	vmax.f32 v41, $-2.000000000e+00;
	v47 =	vmin.f32 v14, $2.000000000e+00;
	[tilespmem:$0x1760] =	vst v60  }
0x240: {  	v35 =	vld [tilespmem:$0x740];
	[tilespmem:$0x1920] =	vst v7;
	v24 =	vsub.f32 $1.000000000e+00, v59;
	v11 =	vmul.f32 v0, v25;
	v37 =	vmul.f32 v27, v61  }
0x241: {  	v45 =	vld [tilespmem:$0x750];
	v17 =	vadd.f32 v39, v58;
	v56 =	vmin.f32 v13, $2.000000000e+00;
	[tilespmem:$0x1540] =	vst v47  }
0x242: {  	v42 =	vld [tilespmem:$0x1150];
	v49 =	vadd.f32 v47, v29;
	[tilespmem:$0x1550] =	vst v56;
	v28 =	vmul.f32 v24, v51;
	v11 =	vadd.f32 v11, v37;
	v0 =	vpop (erf)  }
0x243: {  	v33 =	vld [tilespmem:$0x1340];
	v15 =	vadd.f32 v38, v38;
	[tilespmem:$0x1930] =	vst v17;
	v58 =	vadd.f32 v56, v40;
	v46 =	vpop (erf)  }
0x244: {  	v48 =	vld [tilespmem:$0xD60];
	[tilespmem:$0x1940] =	vst v49;
	v3 =	vadd.f32 v28, v26;
	v43 =	vmul.f32 v11, v17;
	v17 =	vadd.f32 $1.000000000e+00, v46  }
0x245: {  	v44 =	vld [tilespmem:$0x1350];
	v15 =	vmul.f32 $1.442695020e+00, v15;
	v10 =	vadd.f32 v10, v10;
	[tilespmem:$0x1720] =	vst v24  }
0x246: {  	v20 =	vld [tilespmem:$0xFC0];
	[tilespmem:$0x1950] =	vst v58;
	v34 =	vmul.f32 v3, v7;
	(erf) = vrcp.f32 v17  }
0x247: {  	v19 =	vld [tilespmem:$0xDB0];
	[tilespmem:$0x1B20] =	vst v3;
	v3 =	vmul.f32 v45, v42;
	v42 =	vsub.f32 $1.000000000e+00, v10;
	(erf) = vpow2.f32 v15  }
0x248: {  	v41 =	vld [tilespmem:$0x1190];
	[tilespmem:$0x1D20] =	vst v34  }
0x249: {  	v30 =	vld [tilespmem:$0xF80];
	[tilespmem:$0x1780] =	vst v42;
	v8 =	vadd.f32 v54, v53  }
0x24a: {  	v24 =	vld [tilespmem:$0x770];
	v54 =	vmul.f32 v6, v44;
	[tilespmem:$0x1B30] =	vst v11  }
0x24b: {  	v61 =	vld [tilespmem:$0x9E0];
	v27 =	vadd.f32 v12, v12;
	v63 =	vmul.f32 v8, v57;
	[tilespmem:$0x1B10] =	vst v8  }
0x24c: {  	v28 =	vld [tilespmem:$0xD80];
	v3 =	vadd.f32 v54, v3;
	[tilespmem:$0x1D30] =	vst v43  }
0x24d: {  	v4 =	vmul.f32 v35, v32;
	v26 =	vld [tilespmem:$0x1370];
	v8 =	vmul.f32 v2, v33;
	v33 =	vsub.f32 $1.000000000e+00, v27;
	[tilespmem:$0x1D10] =	vst v63  }
0x24e: {  	v2 =	vmax.f32 v30, $-2.000000000e+00;
	v63 =	vld [tilespmem:$0x1170];
	[tilespmem:$0x1B50] =	vst v3  }
0x24f: {  	v51 =	vld [tilespmem:$0x1160];
	v2 =	vmin.f32 v2, $2.000000000e+00;
	v4 =	vadd.f32 v8, v4;
	[tilespmem:$0x1770] =	vst v33;
	v29 =	vpop (erf)  }
0x250: {  	v53 =	vld [tilespmem:$0x1360];
	v9 =	vadd.f32 v61, v61;
	v16 =	vmul.f32 v3, v58;
	[tilespmem:$0x1580] =	vst v2;
	v31 =	vpop (erf)  }
0x251: {  	v12 =	vadd.f32 v2, v28;
	v52 =	vmul.f32 v4, v49;
	[tilespmem:$0x1B40] =	vst v4;
	v49 =	vld [tilespmem:$0xFA0];
	v17 =	vadd.f32 $1.000000000e+00, v31  }
0x252: {  	v36 =	vld [tilespmem:$0x1380];
	v5 =	vadd.f32 v5, v5;
	v9 =	vmul.f32 $1.442695020e+00, v9;
	v38 =	vmul.f32 v33, v26;
	[tilespmem:$0x1D50] =	vst v16  }
0x253: {  	v39 =	vld [tilespmem:$0x780];
	[tilespmem:$0x1980] =	vst v12;
	v35 =	vmul.f32 v24, v63;
	v62 =	vmax.f32 v50, $-2.000000000e+00;
	(erf) = vrcp.f32 v17  }
0x254: {  	v59 =	vld [tilespmem:$0xF70];
	[tilespmem:$0x1D40] =	vst v52;
	v50 =	vsub.f32 $1.000000000e+00, v5;
	v21 =	vmin.f32 v62, $2.000000000e+00;
	(erf) = vpow2.f32 v9  }
0x255: {  	v47 =	vld [tilespmem:$0x9F0];
	v1 =	vadd.f32 v1, v1;
	v3 =	vadd.f32 v38, v35;
	[tilespmem:$0x1560] =	vst v21  }
0x256: {  	v57 =	vld [tilespmem:$0xD70];
	v23 =	vmul.f32 v60, v53;
	v2 =	vmax.f32 v49, $-2.000000000e+00;
	v22 =	vmul.f32 v55, v51;
	[tilespmem:$0x1790] =	vst v50  }
0x257: {  	v34 =	vld [tilespmem:$0x1180];
	v1 =	vsub.f32 $1.000000000e+00, v1;
	v2 =	vmin.f32 v2, $2.000000000e+00;
	[tilespmem:$0x1B70] =	vst v3  }
0x258: {  	v40 =	vld [tilespmem:$0xF90];
	v25 =	vadd.f32 v21, v48;
	[tilespmem:$0x15A0] =	vst v2;
	v6 =	vadd.f32 v23, v22  }
0x259: {  	v45 =	vld [tilespmem:$0x790];
	v37 =	vmax.f32 v59, $-2.000000000e+00;
	[tilespmem:$0x17A0] =	vst v1  }
0x25a: {  	v43 =	vld [tilespmem:$0x1390];
	v32 =	vmul.f32 v6, v25;
	[tilespmem:$0x1B60] =	vst v6;
	v6 =	vmin.f32 v37, $2.000000000e+00  }
0x25b: {  	v56 =	vld [tilespmem:$0x7A0];
	[tilespmem:$0x1960] =	vst v25;
	v13 =	vadd.f32 v6, v57;
	v0 =	vadd.f32 v0, v0  }
0x25c: {  	v59 =	vld [tilespmem:$0xDA0];
	v8 =	vmul.f32 v42, v36;
	[tilespmem:$0x1570] =	vst v6;
	v46 =	vmul.f32 v39, v34;
	v53 =	vpop (erf)  }
0x25d: {  	v11 =	vadd.f32 v47, v47;
	v52 =	vld [tilespmem:$0x13A0];
	[tilespmem:$0x1D60] =	vst v32;
	v44 =	vmul.f32 v3, v13;
	v0 =	vsub.f32 $1.000000000e+00, v0;
	v57 =	vpop (erf)  }
0x25e: {  	v54 =	vmul.f32 v45, v41;
	v21 =	vld [tilespmem:$0x11C0];
	[tilespmem:$0x1970] =	vst v13;
	v3 =	vadd.f32 v8, v46;
	v13 =	vadd.f32 $1.000000000e+00, v57  }
0x25f: {  	v62 =	vmul.f32 $1.442695020e+00, v11;
	v55 =	vmul.f32 v50, v43;
	v22 =	vld [tilespmem:$0x13C0];
	[tilespmem:$0x1D70] =	vst v44  }
0x260: {  	v25 =	vld [tilespmem:$0x7C0];
	[tilespmem:$0x17B0] =	vst v0;
	v8 =	vmul.f32 v3, v12;
	v27 =	vadd.f32 v29, v29;
	(erf) = vrcp.f32 v13  }
0x261: {  	v48 =	vld [tilespmem:$0xD90];
	[tilespmem:$0x1B80] =	vst v3;
	v3 =	vadd.f32 v55, v54;
	(erf) = vpow2.f32 v62  }
0x262: {  	v51 =	vld [tilespmem:$0x11A0];
	[tilespmem:$0x1D80] =	vst v8;
	v30 =	vsub.f32 $1.000000000e+00, v27  }
0x263: {  	v47 =	vld [tilespmem:$0xDE0];
	[tilespmem:$0x1B90] =	vst v3;
	v9 =	vmax.f32 v40, $-2.000000000e+00  }
0x264: {  	v61 =	vld [tilespmem:$0xFB0];
	v17 =	vmul.f32 v1, v52;
	[tilespmem:$0x17C0] =	vst v30;
	v58 =	vmin.f32 v9, $2.000000000e+00;
	v9 =	vadd.f32 v2, v59  }
0x265: {  	v41 =	vld [tilespmem:$0x11E0];
	v1 =	vmul.f32 v25, v21;
	v35 =	vmul.f32 v30, v22;
	v2 =	vmax.f32 v20, $-2.000000000e+00;
	[tilespmem:$0x1590] =	vst v58  }
0x266: {  	v26 =	vld [tilespmem:$0xDC0];
	v60 =	vadd.f32 v58, v48;
	v2 =	vmin.f32 v2, $2.000000000e+00;
	[tilespmem:$0x19A0] =	vst v9  }
0x267: {  	v36 =	vld [tilespmem:$0x7D0];
	v15 =	vmul.f32 v56, v51;
	v1 =	vadd.f32 v35, v1;
	[tilespmem:$0x15C0] =	vst v2  }
0x268: {  	v63 =	vld [tilespmem:$0x11B0];
	[tilespmem:$0x1990] =	vst v60;
	v6 =	vmul.f32 v3, v60  }
0x269: {  	v39 =	vld [tilespmem:$0xFE0];
	v3 =	vadd.f32 v17, v15;
	[tilespmem:$0x1BC0] =	vst v1;
	v28 =	vpop (erf)  }
0x26a: {  	v23 =	vmax.f32 v61, $-2.000000000e+00;
	v29 =	vld [tilespmem:$0xFD0];
	[tilespmem:$0x1D90] =	vst v6;
	v32 =	vpop (erf)  }
0x26b: {  	v49 =	vld [tilespmem:$0xFF0];
	v5 =	vmul.f32 v3, v9;
	[tilespmem:$0x1BA0] =	vst v3;
	v3 =	vmin.f32 v23, $2.000000000e+00;
	v10 =	vadd.f32 $1.000000000e+00, v32  }
0x26c: {  	v18 =	vld [tilespmem:$0x7B0];
	v6 =	vadd.f32 v3, v19;
	[tilespmem:$0x15B0] =	vst v3  }
0x26d: {  	[tilespmem:$0x1DA0] =	vst v5;
	v5 =	vadd.f32 v2, v26;
	v13 =	vld [tilespmem:$0x13B0];
	(erf) = vrcp.f32 v10  }
0x26e: {  	v37 =	vld [tilespmem:$0xDD0];
	v2 =	vmax.f32 v39, $-2.000000000e+00;
	[tilespmem:$0x19B0] =	vst v6  }
0x26f: {  	v31 =	vld [tilespmem:$0x11D0];
	v44 =	vmax.f32 v29, $-2.000000000e+00;
	v2 =	vmin.f32 v2, $2.000000000e+00;
	[tilespmem:$0x19C0] =	vst v5  }
0x270: {  	v59 =	vld [tilespmem:$0xDF0];
	v38 =	vadd.f32 v53, v53;
	v42 =	vmul.f32 v1, v5;
	v1 =	vmin.f32 v44, $2.000000000e+00;
	[tilespmem:$0x15E0] =	vst v2  }
0x271: {  	v34 =	vld [tilespmem:$0x13D0];
	v58 =	vadd.f32 v2, v47;
	[tilespmem:$0x15D0] =	vst v1  }
0x272: {  	v43 =	vld [tilespmem:$0x13E0];
	v4 =	vmul.f32 v18, v63;
	v40 =	vsub.f32 $1.000000000e+00, v38;
	[tilespmem:$0x1DC0] =	vst v42;
	v24 =	vmul.f32 v0, v13  }
0x273: {  	v46 =	vld [tilespmem:$0x7E0];
	v9 =	vadd.f32 v1, v37;
	v1 =	vmax.f32 v49, $-2.000000000e+00;
	[tilespmem:$0x19E0] =	vst v58  }
0x274: {  	v51 =	vld [tilespmem:$0x11F0];
	v1 =	vmin.f32 v1, $2.000000000e+00;
	[tilespmem:$0x17D0] =	vst v40;
	v4 =	vadd.f32 v24, v4;
	v48 =	vadd.f32 v28, v28  }
0x275: {  	v56 =	vld [tilespmem:$0x7F0];
	v45 =	vmul.f32 v36, v31;
	[tilespmem:$0x19D0] =	vst v9;
	v2 =	vadd.f32 v1, v59  }
0x276: {  	v53 =	vld [tilespmem:$0x13F0];
	[tilespmem:$0x15F0] =	vst v1;
	v33 =	vmul.f32 v4, v6;
	v6 =	vmul.f32 v40, v34;
	v50 =	vsub.f32 $1.000000000e+00, v48;
	v57 =	vpop (erf)  }
0x277: {  	[tilespmem:$0x19F0] =	vst v2;
	v7 =	vadd.f32 v57, v57  }
0x278: {  	v54 =	vmul.f32 v46, v41;
	[tilespmem:$0x1BB0] =	vst v4;
	v3 =	vadd.f32 v6, v45;
	v55 =	vmul.f32 v50, v43  }
0x279: {  	[tilespmem:$0x1DB0] =	vst v33;
	v60 =	vsub.f32 $1.000000000e+00, v7  }
0x27a: {  	v52 =	vmul.f32 v3, v9;
	[tilespmem:$0x1BD0] =	vst v3;
	v3 =	vadd.f32 v55, v54  }
0x27b: {  	v61 =	vmul.f32 v56, v51;
	[tilespmem:$0x17E0] =	vst v50;
	v62 =	vmul.f32 v60, v53  }
0x27c: {  	[tilespmem:$0x1DD0] =	vst v52;
	v4 =	vmul.f32 v3, v58  }
0x27d: {  	[tilespmem:$0x1BE0] =	vst v3;
	v3 =	vadd.f32 v62, v61  }
0x27e: {  	[tilespmem:$0x1DE0] =	vst v4  }
0x27f: {  	[tilespmem:$0x17F0] =	vst v60;
	v63 =	vmul.f32 v3, v2  }
0x280: {  	[tilespmem:$0x1BF0] =	vst v3  }
0x281: {  	s15 =	rddreg [dreg:$0x13];
	[tilespmem:$0x1DF0] =	vst v63  }
0x282: {  	[hbm4b:s15+s2] =	stream.linear.scatter [tilespmem:s11], [sflag:$0x2], $0x200, $0x38;
	[tilespmem:$0x1E00] =	vst v63  }
0x283: {  	_ =	swait.ge [sflag:s8], $0x200  }
0x284: {  	[sflag:s8] =	ssyncset.done $0x0  }
0x285: {  	s15 =	rddreg [dreg:$0x14];
	[sflag:s8] =	ssyncadd.s32 $0xFFFFFE00  }
0x286: {  	[hbm4b:s15+s2] =	stream.linear.scatter [tilespmem:s28], [sflag:$0x2], $0x200, $0x38;
	[tilespmem:$0x1E00] =	vst v63  }
0x287: {  	_ =	swait.ge [sflag:s8], $0x200  }
0x288: {  	[sflag:s8] =	ssyncset.done $0x0  }
0x289: {  	s15 =	rddreg [dreg:$0x15];
	[sflag:s8] =	ssyncadd.s32 $0xFFFFFE00  }
0x28a: {  	[hbm4b:s15+s2] =	stream.linear.scatter [tilespmem:s12], [sflag:$0x2], $0x200, $0x38;
	[tilespmem:$0x1E00] =	vst v63  }
0x28b: {  	_ =	swait.ge [sflag:s8], $0x200  }
0x28c: {  	[sflag:s8] =	ssyncset.done $0x0  }
0x28d: {  	s15 =	rddreg [dreg:$0x16];
	[sflag:s8] =	ssyncadd.s32 $0xFFFFFE00  }
0x28e: {  	[hbm4b:s15+s2] =	stream.linear.scatter [tilespmem:s13], [sflag:$0x2], $0x200, $0x38;
	[tilespmem:$0x1E00] =	vst v63  }
0x28f: {  	_ =	swait.ge [sflag:s8], $0x200  }
0x290: {  	[sflag:s8] =	ssyncset.done $0x0  }
0x291: {  	s15 =	rddreg [dreg:$0x17];
	[sflag:s8] =	ssyncadd.s32 $0xFFFFFE00  }
0x292: {  	[hbm4b:s15+s2] =	stream.linear.scatter [tilespmem:s29], [sflag:$0x2], $0x200, $0x38;
	[tilespmem:$0x1E00] =	vst v63  }
0x293: {  	_ =	swait.ge [sflag:s8], $0x200  }
0x294: {  	[sflag:s8] =	ssyncset.done $0x0  }
0x295: {  	s15 =	rddreg [dreg:$0x18];
	[sflag:s8] =	ssyncadd.s32 $0xFFFFFE00  }
0x296: {  	[hbm4b:s15+s2] =	stream.linear.scatter [tilespmem:s30], [sflag:$0x2], $0x200, $0x38;
	[tilespmem:$0x1E00] =	vst v63  }
0x297: {  	_ =	swait.ge [sflag:s8], $0x200  }
0x298: {  	[sflag:s8] =	ssyncset.done $0x0  }
0x299: {  	s15 =	rddreg [dreg:$0x19];
	[sflag:s8] =	ssyncadd.s32 $0xFFFFFE00  }
0x29a: {  	[hbm4b:s15+s2] =	stream.linear.scatter [tilespmem:s31], [sflag:$0x2], $0x200, $0x38;
	[tilespmem:$0x1E00] =	vst v63  }
0x29b: {  	_ =	swait.ge [sflag:s8], $0x200  }
0x29c: {  	p0 =	sne.s32 s7, $0x1;
	[sflag:s8] =	ssyncset.done $0x0  }
.Ltmp0:
0x29d: {  	s15 =	rddreg [dreg:$0x1a];
	[sflag:s8] =	ssyncadd.s32 $0xFFFFFE00;
	(pc) =	sbr.rel @p0 .LBB3_1-.Ltmp0, $4  }
0x29e: {  	[hbm4b:s15+s2] =	stream.linear.scatter [tilespmem:s0], [sflag:$0x2], $0x200, $0x38;
	[tilespmem:$0x1E00] =	vst v63  }
0x29f: {  	_ =	swait.ge [sflag:s8], $0x200  }
0x2a0: {  	[sflag:s8] =	ssyncset.done $0x0  }
0x2a1: {  	s7 =	sadd.s32 $0xFFFFFFFF, s7;
	[sflag:s8] =	ssyncadd.s32 $0xFFFFFE00  }
0x2a2: {  	_ =	sfence.sel $0x180000  }
0x2a3: {  	[bflag:$0x0] =	sbarrier.arrive $0xFFFF  }
0x2a4: {  	_ =	strace $0x90000047  }
0x2a5: {  	s0 =	stileid.u32;
	[bflag:$0x2] =	sbarrier.arrive $0xFFFF  }
0x2a6: {  	p0 =	sne.s32 s0, $0x0;
	s0 =	sld [smem:$0x7FA];
	_ =	sdelay $0x2  }
0x2a7: {  	s0 =	sadd.s32 @!p0 $0x100000, s0  }
0x2a8: {  	[sflag:s0] =	ssyncadd.tile.s32 @!p0 $0x1;
	_ =	shalt  }
.Lfunc_end3:
_tile_overlayer_lowered:
.L_overlay_start_3:
0x2a9: {  	(tag) =	ssettag $0x3  }
0x2aa: {  	s0 =	rddreg [dreg:$0x0];
	s2 =	stileid.u32  }
0x2ab: {  	s1 =	rddreg [dreg:$0x1];
	p0 =	sne.s32 s2, $0x0  }
0x2ac: {  	s3 =	rddreg [dreg:$0x2];
	[bflag:$0x3] =	sbarrier.arrive $0xFFFF;
	s2 =	simm.s32 @!p0 $0x1C02  }
0x2ad: {  	[timem:s3], [sflag:s2] =	dma.local @!p0 [hbm:s0], s1  }
0x2ae: {  	s0 =	simm.s32 @!p0 $0x2  }
0x2af: {  	_ =	swait.ge @!p0 [sflag:s0], s1  }
0x2b0: {  	s1 =	ssub.s32 @!p0 $0x0, s1;
	[sflag:s0] =	ssyncset.done @!p0 $0x0  }
0x2b1: {  	[sflag:s0] =	ssyncadd.s32 @!p0 s1  }
0x2b2: {  	[bflag:$0x3] =	sbarrier.arrive $0xFFFF  }
0x2b3: {  	_ =	shalt  }

</sc_bundles>
